<compile_context>
chip_gen: v7x
topology: tpu7x:2x2x1
jax: 0.10.2.dev20260603
libtpu: 0.0.44.dev20260713+nightly
codegen_flags: <defaults>
</compile_context>

<pallas_src>
import functools

import jax
import jax.numpy as jnp
from jax import lax
from jax.experimental import pallas as pl
from jax.experimental.pallas import tpu as pltpu
from jax.experimental.pallas import tpu_sc as plsc

B, F, D = 16384, 26, 16
FD = F * D
FIELD_DIM = 40000
V = F * FIELD_DIM
K = 13
EPS = 1e-5
BD = B * D

NW = 32
PER_W = B * F // NW
CHUNK = 3328
NCHUNK = PER_W // CHUNK

RB = 2048
GRID = B // RB


TCOLS = 2048
TROWS = TCOLS // 8
NFULL = (V // 8) // TROWS
TAILC = V - NFULL * TCOLS
TAILR = TAILC // 8
NSLOTS = NFULL + 1


TWORDS = TROWS * 128
MAXI = -(-NFULL // NW) + 1


def _sc_transpose(emb_t):
    mesh = plsc.VectorSubcoreMesh(core_axis_name="c", subcore_axis_name="s")

    @functools.partial(
        pl.kernel,
        mesh=mesh,
        compiler_params=pltpu.CompilerParams(needs_layout_passes=False),
        out_type=jax.ShapeDtypeStruct((V * D,), jnp.float32),
        scratch_types=[
            pltpu.VMEM((D, TCOLS), jnp.float32),
            pltpu.VMEM((D, TCOLS), jnp.float32),
            pltpu.VMEM((TWORDS,), jnp.float32),
            pltpu.VMEM((TWORDS,), jnp.float32),
            pltpu.SemaphoreType.DMA,
            pltpu.SemaphoreType.DMA,
            pltpu.SemaphoreType.DMA,
            pltpu.SemaphoreType.DMA,
        ],
    )
    def k(src_hbm, out_hbm, in0, in1, ou0, ou1, si0, si1, so0, so1):
        wid = lax.axis_index("s") * 2 + lax.axis_index("c")
        i16 = lax.broadcasted_iota(jnp.int32, (16,), 0)
        ins, ous = (in0, in1), (ou0, ou1)
        sis, sos = (si0, si1), (so0, so1)

        def in_start(c, p):
            return pltpu.async_copy(src_hbm.at[:, pl.ds(c * TCOLS, TCOLS)],
                                    ins[p], sis[p])

        def transpose_rows(in_p, ou_p, nrows):
            c16 = i16 * 16

            @plsc.parallel_loop(0, nrows // 2, step=1, unroll=2)
            def tr_body(g):
                for d in range(16):
                    vals = in_p[d, pl.ds(g * 16, 16)]
                    plsc.store_scatter(ou_p, [c16 + (g * 256 + d)], vals)

        def step(i, c, p):
            @pl.when(c + NW < NFULL)
            def _():
                in_start(c + NW, 1 - p)

            pltpu.make_async_copy(src_hbm.at[:, pl.ds(c * TCOLS, TCOLS)],
                                  ins[p], sis[p]).wait()

            @pl.when(i >= 2)
            def _():
                pltpu.make_async_copy(ous[p], out_hbm.at[pl.ds(0, TWORDS)],
                                      sos[p]).wait()

            transpose_rows(ins[p], ous[p], TROWS)
            pltpu.async_copy(ous[p], out_hbm.at[pl.ds(c * TWORDS, TWORDS)],
                             sos[p])

        @pl.when(wid < NFULL)
        def _():
            in_start(wid, 0)

        def body(i, carry):
            c = wid + i * NW

            @pl.when(c < NFULL)
            def _():
                @pl.when(i % 2 == 0)
                def _():
                    step(i, c, 0)

                @pl.when(i % 2 == 1)
                def _():
                    step(i, c, 1)

            return carry

        lax.fori_loop(0, MAXI - 1, body, 0)

        for p in range(2):
            pltpu.make_async_copy(ous[p], out_hbm.at[pl.ds(0, TWORDS)],
                                  sos[p]).wait()

        @pl.when(wid == NFULL % NW)
        def _():
            pltpu.sync_copy(src_hbm.at[:, pl.ds(NFULL * TCOLS, TAILC)],
                            in0.at[:, pl.ds(0, TAILC)])
            transpose_rows(in0, ou0, TAILR)
            pltpu.sync_copy(ou0.at[pl.ds(0, TAILR * 128)],
                            out_hbm.at[pl.ds(NFULL * TWORDS, TAILR * 128)])

    return k(emb_t)


def _sc_gather(xo_flat, emb_table, lin_flat):
    mesh = plsc.VectorSubcoreMesh(core_axis_name="c", subcore_axis_name="s")

    @functools.partial(
        pl.kernel,
        mesh=mesh,
        compiler_params=pltpu.CompilerParams(use_tc_tiling_on_sc=False),
        out_type=[
            jax.ShapeDtypeStruct((B * F, D), jnp.float32),
            jax.ShapeDtypeStruct((B * F,), jnp.float32),
        ],
        scratch_types=[
            pltpu.VMEM((CHUNK,), jnp.int32),
            pltpu.VMEM((CHUNK, D), jnp.float32),
            pltpu.VMEM((CHUNK,), jnp.float32),
            pltpu.SemaphoreType.DMA,
            pltpu.SemaphoreType.DMA,
        ],
    )
    def k(xo_hbm, emb_hbm, lin_hbm, out_emb, out_lin, idx_v, rows_v, linv_v,
          sem1, sem2):
        wid = lax.axis_index("s") * 2 + lax.axis_index("c")
        wbase = wid * PER_W

        def body(i, carry):
            base = wbase + i * CHUNK
            pltpu.sync_copy(xo_hbm.at[pl.ds(base, CHUNK)], idx_v)
            cp1 = pltpu.async_copy(emb_hbm.at[idx_v], rows_v, sem1)
            cp2 = pltpu.async_copy(lin_hbm.at[idx_v], linv_v, sem2)
            cp1.wait()
            cp2.wait()
            pltpu.sync_copy(rows_v, out_emb.at[pl.ds(base, CHUNK)])
            pltpu.sync_copy(linv_v, out_lin.at[pl.ds(base, CHUNK)])
            return carry

        lax.fori_loop(0, NCHUNK, body, 0)

    return k(xo_flat, emb_table, lin_flat)


def _stats_body(e_ref, o_ref):
    @pl.when(pl.program_id(0) == 0)
    def _():
        o_ref[...] = jnp.zeros_like(o_ref)

    e = e_ref[...]
    o_ref[0:1, :] += jnp.sum(e, axis=0, keepdims=True)
    o_ref[1:2, :] += jnp.sum(e * e, axis=0, keepdims=True)


def _stats_call(e2d):
    return pl.pallas_call(
        _stats_body,
        grid=(GRID,),
        in_specs=[pl.BlockSpec((RB, FD), lambda i: (i, 0))],
        out_specs=pl.BlockSpec((2, FD), lambda i: (0, 0)),
        out_shape=jax.ShapeDtypeStruct((2, FD), jnp.float32),
    )(e2d)


def _fold_mats():
    r26 = lax.broadcasted_iota(jnp.int32, (F, FD), 0)
    c416 = lax.broadcasted_iota(jnp.int32, (F, FD), 1)
    E = (c416 // D == r26).astype(jnp.float32)
    r416 = lax.broadcasted_iota(jnp.int32, (FD, F), 0)
    c26 = lax.broadcasted_iota(jnp.int32, (FD, F), 1)
    ET = (r416 // D == c26).astype(jnp.float32)
    return E, ET


def _bn1_affine(stats_ref, g1_ref, b1_ref, E, ET):
    s = stats_ref[0:1, :]
    ss = stats_ref[1:2, :]
    mean = jnp.dot(s, ET) / BD
    ex2 = jnp.dot(ss, ET) / BD
    var = ex2 - mean * mean
    a26 = g1_ref[...] / jnp.sqrt(var + EPS)
    b26 = b1_ref[...] - mean * a26
    a416 = jnp.dot(a26, E)
    b416 = jnp.dot(b26, E)
    return a416, b416


def _mm_body(e_ref, stats_ref, wc_ref, bc_ref, g1_ref, b1_ref,
             ht_ref, hstats_ref):
    E, ET = _fold_mats()
    a416, b416 = _bn1_affine(stats_ref, g1_ref, b1_ref, E, ET)
    ebn = a416 * e_ref[...] + b416
    h = lax.dot_general(wc_ref[...], ebn,
                        (((1,), (1,)), ((), ())),
                        preferred_element_type=jnp.float32)
    h = h + bc_ref[...]
    ht_ref[...] = h

    @pl.when(pl.program_id(0) == 0)
    def _():
        hstats_ref[...] = jnp.zeros_like(hstats_ref)

    hstats_ref[:, 0:1] += jnp.sum(h, axis=1, keepdims=True)
    hstats_ref[:, 1:2] += jnp.sum(h * h, axis=1, keepdims=True)


def _mm_call(e2d, stats, Wc, bc_c, g1_r, b1_r):
    return pl.pallas_call(
        _mm_body,
        grid=(GRID,),
        in_specs=[
            pl.BlockSpec((RB, FD), lambda i: (i, 0)),
            pl.BlockSpec((2, FD), lambda i: (0, 0)),
            pl.BlockSpec((F, FD), lambda i: (0, 0)),
            pl.BlockSpec((F, 1), lambda i: (0, 0)),
            pl.BlockSpec((1, F), lambda i: (0, 0)),
            pl.BlockSpec((1, F), lambda i: (0, 0)),
        ],
        out_specs=[
            pl.BlockSpec((F, RB), lambda i: (0, i)),
            pl.BlockSpec((F, 2), lambda i: (0, 0)),
        ],
        out_shape=[
            jax.ShapeDtypeStruct((F, B), jnp.float32),
            jax.ShapeDtypeStruct((F, 2), jnp.float32),
        ],
    )(e2d, stats, Wc, bc_c, g1_r, b1_r)


def _final_body(e_ref, ht_ref, hstats_ref, stats_ref, lin_ref,
                g1_ref, b1_ref, g2_ref, b2_ref, lb_ref, out_ref):
    E, ET = _fold_mats()
    a416, b416 = _bn1_affine(stats_ref, g1_ref, b1_ref, E, ET)

    m2 = hstats_ref[:, 0:1] / B
    v2 = hstats_ref[:, 1:2] / B - m2 * m2
    h = ht_ref[...]
    w = g2_ref[...] * (h - m2) / jnp.sqrt(v2 + EPS) + b2_ref[...]
    w = jnp.maximum(w, 0.0)

    row_id = lax.broadcasted_iota(jnp.int32, (F, RB), 0)
    rank = jnp.zeros(w.shape, jnp.float32)
    for j in range(F):
        wj = w[j:j + 1, :]
        gt = (wj > w).astype(jnp.float32)
        eq = jnp.where((wj == w) & (row_id > j), 1.0, 0.0)
        rank = rank + gt + eq
    sel = rank < K
    wsel = jnp.where(sel, w, 0.0)
    ssum = jnp.sum(wsel, axis=0, keepdims=True)
    maskT = wsel / ssum

    mrep = lax.dot_general(maskT, E, (((0,), (0,)), ((), ())),
                           preferred_element_type=jnp.float32)
    ebn = a416 * e_ref[...] + b416
    em = ebn * mrep
    rS = lax.broadcasted_iota(jnp.int32, (FD, D), 0)
    cS = lax.broadcasted_iota(jnp.int32, (FD, D), 1)
    S = (rS % D == cS).astype(jnp.float32)
    s16 = jnp.dot(em, S, preferred_element_type=jnp.float32)
    fm = 0.5 * (jnp.sum(s16 * s16, axis=1, keepdims=True)
                - jnp.sum(em * em, axis=1, keepdims=True))

    linv = jnp.sum(lin_ref[...], axis=1, keepdims=True) + lb_ref[...]
    out_ref[...] = jax.nn.sigmoid(linv + fm)


def _final_call(e2d, ht, hstats, stats, lin2d, g1_r, b1_r, g2_c, b2_c, lb):
    return pl.pallas_call(
        _final_body,
        grid=(GRID,),
        in_specs=[
            pl.BlockSpec((RB, FD), lambda i: (i, 0)),
            pl.BlockSpec((F, RB), lambda i: (0, i)),
            pl.BlockSpec((F, 2), lambda i: (0, 0)),
            pl.BlockSpec((2, FD), lambda i: (0, 0)),
            pl.BlockSpec((RB, F), lambda i: (i, 0)),
            pl.BlockSpec((1, F), lambda i: (0, 0)),
            pl.BlockSpec((1, F), lambda i: (0, 0)),
            pl.BlockSpec((F, 1), lambda i: (0, 0)),
            pl.BlockSpec((F, 1), lambda i: (0, 0)),
            pl.BlockSpec((1, 1), lambda i: (0, 0)),
        ],
        out_specs=pl.BlockSpec((RB, 1), lambda i: (i, 0)),
        out_shape=jax.ShapeDtypeStruct((B, 1), jnp.float32),
    )(e2d, ht, hstats, stats, lin2d, g1_r, b1_r, g2_c, b2_c, lb)


def kernel(x, emb_table, lin_table, lin_bias, bn1_gamma, bn1_beta, Wc, bc,
           bn2_gamma, bn2_beta):
    offs = jnp.arange(F, dtype=jnp.int32) * FIELD_DIM
    xo = (x + offs[None, :]).reshape(B * F)
    emb_lin = _sc_transpose(emb_table.T).reshape(V, D)
    emb_rows, lin_vals = _sc_gather(xo, emb_lin, lin_table.reshape(V))
    e2d = emb_rows.reshape(B, FD)
    lin2d = lin_vals.reshape(B, F)

    stats = _stats_call(e2d)
    ht, hstats = _mm_call(e2d, stats, Wc,
                          bc.reshape(F, 1),
                          bn1_gamma.reshape(1, F), bn1_beta.reshape(1, F))
    out2d = _final_call(e2d, ht, hstats, stats, lin2d,
                        bn1_gamma.reshape(1, F), bn1_beta.reshape(1, F),
                        bn2_gamma.reshape(F, 1), bn2_beta.reshape(F, 1),
                        lin_bias.reshape(1, 1))
    return out2d.reshape(B)

# --- scband reference (transcript-rebuilt; emitter-appended) ---
"""Pipeline reference for scband-factorization-machine-model-controller-hard-5677946765429 (READ-ONLY COPY).

The authoritative reference and input builder live on the scoring server;
editing this copy changes nothing except your own understanding.
"""

import jax, jax.numpy as jnp
import numpy as np

B, F, D = 16384, 26, 16
FIELD_DIM = 40000
V = F * FIELD_DIM
K = 13
EPS = 1e-5
OFFSETS = jnp.arange(F, dtype=jnp.int32) * FIELD_DIM


def setup_inputs(seed: int = 0):
    key = jax.random.key(seed)
    ks = jax.random.split(key, 6)
    x = jax.random.randint(ks[0], (B, F), 0, FIELD_DIM, dtype=jnp.int32)
    emb_table = jax.random.normal(ks[1], (V, D), dtype=jnp.float32) * 0.01
    lin_table = jax.random.normal(ks[2], (V, 1), dtype=jnp.float32) * 0.01
    lin_bias = jnp.zeros((1,), dtype=jnp.float32)
    bn1_gamma = jnp.ones((F,), dtype=jnp.float32)
    bn1_beta = jnp.zeros((F,), dtype=jnp.float32)
    Wc = jax.random.normal(ks[3], (F, F * D), dtype=jnp.float32) / np.sqrt(F * D)
    bc = jnp.zeros((F,), dtype=jnp.float32)
    bn2_gamma = jnp.ones((F,), dtype=jnp.float32)
    bn2_beta = jnp.zeros((F,), dtype=jnp.float32)
    return {"x": x, "emb_table": emb_table, "lin_table": lin_table, "lin_bias": lin_bias,
            "bn1_gamma": bn1_gamma, "bn1_beta": bn1_beta, "Wc": Wc, "bc": bc,
            "bn2_gamma": bn2_gamma, "bn2_beta": bn2_beta}


def reference(x, emb_table, lin_table, lin_bias, bn1_gamma, bn1_beta, Wc, bc, bn2_gamma, bn2_beta):
    xo = x + OFFSETS[None, :]
    # FeaturesEmbedding: gather rows from big table
    embed_x = jnp.take(emb_table, xo, axis=0)  # (B, F, D)
    # BatchNorm1d(F) on (B, F, D): stats over batch and last dim (training mode, biased var)
    mean1 = jnp.mean(embed_x, axis=(0, 2))
    var1 = jnp.var(embed_x, axis=(0, 2))
    embed_bn = bn1_gamma[None, :, None] * (embed_x - mean1[None, :, None]) / jnp.sqrt(var1[None, :, None] + EPS) + bn1_beta[None, :, None]
    # controller_mlp: flatten -> Linear(F*D, F) -> BatchNorm1d(F) -> ReLU -> Dropout(0)
    flat = embed_bn.reshape(B, F * D)
    h = flat @ Wc.T + bc[None, :]
    mean2 = jnp.mean(h, axis=0)
    var2 = jnp.var(h, axis=0)
    h = bn2_gamma[None, :] * (h - mean2[None, :]) / jnp.sqrt(var2[None, :] + EPS) + bn2_beta[None, :]
    weight = jax.nn.relu(h)  # (B, F)
    # kmax_pooling(weight, dim=1, k): topk indices, sorted ascending, gather values
    _, idx = jax.lax.top_k(weight, K)
    idx_sorted = jnp.sort(idx, axis=1)
    kmax_w = jnp.take_along_axis(weight, idx_sorted, axis=1)
    kmax_w = kmax_w / jnp.sum(kmax_w, axis=1, keepdims=True)
    # scatter normalized weights into zero mask
    rows = jnp.arange(B, dtype=idx_sorted.dtype)[:, None]
    mask = jnp.zeros((B, F), dtype=weight.dtype).at[rows, idx_sorted].set(kmax_w)
    embed_m = embed_bn * mask[:, :, None]
    # FeaturesLinear
    lin = jnp.sum(jnp.take(lin_table, xo, axis=0), axis=1) + lin_bias[None, :]  # (B, 1)
    # FactorizationMachine(reduce_sum=True)
    s = jnp.sum(embed_m, axis=1)
    square_of_sum = s ** 2
    sum_of_square = jnp.sum(embed_m ** 2, axis=1)
    fm = 0.5 * jnp.sum(square_of_sum - sum_of_square, axis=1, keepdims=True)  # (B, 1)
    out = jax.nn.sigmoid(jnp.squeeze(lin + fm, axis=1))
    return out

if __name__ == "__main__":
    import jax
    _d = setup_inputs()
    print(jax.jit(kernel)(*tuple(_d.values())))

</pallas_src>

<mosaic_0001>
#map = affine_map<(d0, d1) -> (0)>
#map1 = affine_map<(d0, d1) -> (0, 0)>
module attributes {stable_mosaic.version = 14 : i64} {
  func.func @k(%arg0: i32, %arg1: i32, %arg2: memref<425984xi32, #tpu.memory_space<hbm>>, %arg3: memref<1040000x16xf32, #tpu.memory_space<hbm>>, %arg4: memref<1040000xf32, #tpu.memory_space<hbm>>, %arg5: memref<425984x16xf32, #tpu.memory_space<hbm>>, %arg6: memref<425984xf32, #tpu.memory_space<hbm>>, %arg7: memref<3328xi32, #tpu.memory_space<vmem>>, %arg8: memref<3328x16xf32, #tpu.memory_space<vmem>>, %arg9: memref<3328xf32, #tpu.memory_space<vmem>>, %arg10: memref<!tpu.dma_semaphore, #tpu.memory_space<semaphore_mem>>, %arg11: memref<!tpu.dma_semaphore, #tpu.memory_space<semaphore_mem>>) attributes {dimension_semantics = [#tpu.dimension_semantics<core_parallel>, #tpu.dimension_semantics<subcore_parallel>], iteration_bounds = array<i64: 2, 16>, scalar_prefetch = 0 : i64, scratch_operands = 5 : i64, tpu.core_type = #tpu.core_type<sc_vector_subcore>, window_params = [{transform_indices = #map}, {transform_indices = #map1}, {transform_indices = #map}, {transform_indices = #map1}, {transform_indices = #map}]} {
    %mul3A = arith.constant 2 : i32
    %mul3A_0 = arith.muli %arg1, %mul3A : i32
    %add3A = arith.addi %mul3A_0, %arg0 : i32
    %mul3A_1 = arith.constant 13312 : i32
    %mul3A_2 = arith.muli %add3A, %mul3A_1 : i32
    %scan3A = arith.constant 0 : i32
    %scan3A_3 = arith.constant 0 : i32
    %scan3A_4 = arith.constant 4 : i32
    %scan3A_5 = arith.addi %scan3A_3, %scan3A_4 : i32
    %scan3A_6 = arith.constant 1 : i32
    scf.for %scan3A_8 = %scan3A_3 to %scan3A_5 step %scan3A_6  : i32 {
      %mul3A_9 = arith.constant 3328 : i32
      %mul3A_10 = arith.muli %scan3A_8, %mul3A_9 : i32
      %add3A_11 = arith.addi %mul3A_2, %mul3A_10 : i32
      "tpu.region"() ({
        %run_scoped3A = tpu.sem_alloc : memref<!tpu.dma_semaphore, #tpu.memory_space<semaphore_mem>>
        %dma_start3A_20 = tpu.memref_slice %arg2[%add3A_11] : memref<425984xi32, #tpu.memory_space<hbm>> -> memref<3328xi32, #tpu.memory_space<hbm>>
        %dma_start3A_21 = tpu.memref_slice %arg2[%add3A_11] : memref<425984xi32, #tpu.memory_space<hbm>> -> memref<3328xi32, #tpu.memory_space<hbm>>
        tpu.enqueue_dma source(%dma_start3A_21 : memref<3328xi32, #tpu.memory_space<hbm>>) target(%arg7 : memref<3328xi32, #tpu.memory_space<vmem>>) target_semaphore(%run_scoped3A : memref<!tpu.dma_semaphore, #tpu.memory_space<semaphore_mem>>)
        %dma_wait3A_22 = tpu.memref_slice %arg2[%add3A_11] : memref<425984xi32, #tpu.memory_space<hbm>> -> memref<3328xi32, #tpu.memory_space<hbm>>
        %dma_wait3A_23 = tpu.memref_slice %arg2[%add3A_11] : memref<425984xi32, #tpu.memory_space<hbm>> -> memref<3328xi32, #tpu.memory_space<hbm>>
        tpu.wait_dma2 semaphore(%run_scoped3A : memref<!tpu.dma_semaphore, #tpu.memory_space<semaphore_mem>>) src(%dma_wait3A_23 : memref<3328xi32, #tpu.memory_space<hbm>>) dst(%arg7 : memref<3328xi32, #tpu.memory_space<vmem>>)
        tpu.yield
      }) : () -> ()
      %dma_start3A = arith.constant 0 : i32
      %dma_start3A_12 = arith.constant 0 : i32
      %dma_start3A_13 = tpu.memref_slice %arg3[%dma_start3A, %dma_start3A_12] : memref<1040000x16xf32, #tpu.memory_space<hbm>> -> memref<1040000x16xf32, #tpu.memory_space<hbm>>
      tpu.enqueue_indirect_dma source(%dma_start3A_13 : memref<1040000x16xf32, #tpu.memory_space<hbm>>) target(%arg8 : memref<3328x16xf32, #tpu.memory_space<vmem>>) offsets(%arg7 : memref<3328xi32, #tpu.memory_space<vmem>>) semaphore(%arg10 : memref<!tpu.dma_semaphore, #tpu.memory_space<semaphore_mem>>)
      %dma_start3A_14 = arith.constant 0 : i32
      %dma_start3A_15 = tpu.memref_slice %arg4[%dma_start3A_14] : memref<1040000xf32, #tpu.memory_space<hbm>> -> memref<1040000xf32, #tpu.memory_space<hbm>>
      tpu.enqueue_indirect_dma source(%dma_start3A_15 : memref<1040000xf32, #tpu.memory_space<hbm>>) target(%arg9 : memref<3328xf32, #tpu.memory_space<vmem>>) offsets(%arg7 : memref<3328xi32, #tpu.memory_space<vmem>>) semaphore(%arg11 : memref<!tpu.dma_semaphore, #tpu.memory_space<semaphore_mem>>)
      %dma_wait3A = arith.constant 0 : i32
      %dma_wait3A_16 = arith.constant 0 : i32
      %dma_wait3A_17 = tpu.memref_slice %arg3[%dma_wait3A, %dma_wait3A_16] : memref<1040000x16xf32, #tpu.memory_space<hbm>> -> memref<1040000x16xf32, #tpu.memory_space<hbm>>
      tpu.wait_indirect_dma semaphore(%arg10 : memref<!tpu.dma_semaphore, #tpu.memory_space<semaphore_mem>>) src(%dma_wait3A_17 : memref<1040000x16xf32, #tpu.memory_space<hbm>>) dst(%arg8 : memref<3328x16xf32, #tpu.memory_space<vmem>>)
      %dma_wait3A_18 = arith.constant 0 : i32
      %dma_wait3A_19 = tpu.memref_slice %arg4[%dma_wait3A_18] : memref<1040000xf32, #tpu.memory_space<hbm>> -> memref<1040000xf32, #tpu.memory_space<hbm>>
      tpu.wait_indirect_dma semaphore(%arg11 : memref<!tpu.dma_semaphore, #tpu.memory_space<semaphore_mem>>) src(%dma_wait3A_19 : memref<1040000xf32, #tpu.memory_space<hbm>>) dst(%arg9 : memref<3328xf32, #tpu.memory_space<vmem>>)
      "tpu.region"() ({
        %run_scoped3A = tpu.sem_alloc : memref<!tpu.dma_semaphore, #tpu.memory_space<semaphore_mem>>
        %dma_start3A_20 = arith.constant 0 : i32
        %dma_start3A_21 = tpu.memref_slice %arg5[%add3A_11, %dma_start3A_20] : memref<425984x16xf32, #tpu.memory_space<hbm>> -> memref<3328x16xf32, #tpu.memory_space<hbm>>
        %dma_start3A_22 = arith.constant 0 : i32
        %dma_start3A_23 = tpu.memref_slice %arg5[%add3A_11, %dma_start3A_22] : memref<425984x16xf32, #tpu.memory_space<hbm>> -> memref<3328x16xf32, #tpu.memory_space<hbm>>
        tpu.enqueue_dma source(%arg8 : memref<3328x16xf32, #tpu.memory_space<vmem>>) target(%dma_start3A_23 : memref<3328x16xf32, #tpu.memory_space<hbm>>) target_semaphore(%run_scoped3A : memref<!tpu.dma_semaphore, #tpu.memory_space<semaphore_mem>>)
        %dma_wait3A_24 = arith.constant 0 : i32
        %dma_wait3A_25 = tpu.memref_slice %arg5[%add3A_11, %dma_wait3A_24] : memref<425984x16xf32, #tpu.memory_space<hbm>> -> memref<3328x16xf32, #tpu.memory_space<hbm>>
        %dma_wait3A_26 = arith.constant 0 : i32
        %dma_wait3A_27 = tpu.memref_slice %arg5[%add3A_11, %dma_wait3A_26] : memref<425984x16xf32, #tpu.memory_space<hbm>> -> memref<3328x16xf32, #tpu.memory_space<hbm>>
        tpu.wait_dma2 semaphore(%run_scoped3A : memref<!tpu.dma_semaphore, #tpu.memory_space<semaphore_mem>>) src(%arg8 : memref<3328x16xf32, #tpu.memory_space<vmem>>) dst(%dma_wait3A_27 : memref<3328x16xf32, #tpu.memory_space<hbm>>)
        tpu.yield
      }) : () -> ()
      "tpu.region"() ({
        %run_scoped3A = tpu.sem_alloc : memref<!tpu.dma_semaphore, #tpu.memory_space<semaphore_mem>>
        %dma_start3A_20 = tpu.memref_slice %arg6[%add3A_11] : memref<425984xf32, #tpu.memory_space<hbm>> -> memref<3328xf32, #tpu.memory_space<hbm>>
        %dma_start3A_21 = tpu.memref_slice %arg6[%add3A_11] : memref<425984xf32, #tpu.memory_space<hbm>> -> memref<3328xf32, #tpu.memory_space<hbm>>
        tpu.enqueue_dma source(%arg9 : memref<3328xf32, #tpu.memory_space<vmem>>) target(%dma_start3A_21 : memref<3328xf32, #tpu.memory_space<hbm>>) target_semaphore(%run_scoped3A : memref<!tpu.dma_semaphore, #tpu.memory_space<semaphore_mem>>)
        %dma_wait3A_22 = tpu.memref_slice %arg6[%add3A_11] : memref<425984xf32, #tpu.memory_space<hbm>> -> memref<3328xf32, #tpu.memory_space<hbm>>
        %dma_wait3A_23 = tpu.memref_slice %arg6[%add3A_11] : memref<425984xf32, #tpu.memory_space<hbm>> -> memref<3328xf32, #tpu.memory_space<hbm>>
        tpu.wait_dma2 semaphore(%run_scoped3A : memref<!tpu.dma_semaphore, #tpu.memory_space<semaphore_mem>>) src(%arg9 : memref<3328xf32, #tpu.memory_space<vmem>>) dst(%dma_wait3A_23 : memref<3328xf32, #tpu.memory_space<hbm>>)
        tpu.yield
      }) : () -> ()
    }
    %scan3A_7 = arith.constant 4 : i32
    return
  }
}

#map = affine_map<(d0, d1) -> (0, 0)>
#map1 = affine_map<(d0, d1) -> (0)>
module attributes {stable_mosaic.version = 14 : i64} {
  func.func @k(%arg0: i32, %arg1: i32, %arg2: memref<16x1040000xf32, #tpu.memory_space<hbm>>, %arg3: memref<16640000xf32, #tpu.memory_space<hbm>>, %arg4: memref<16x2048xf32, #tpu.memory_space<vmem>>, %arg5: memref<16x2048xf32, #tpu.memory_space<vmem>>, %arg6: memref<32768xf32, #tpu.memory_space<vmem>>, %arg7: memref<32768xf32, #tpu.memory_space<vmem>>, %arg8: memref<!tpu.dma_semaphore, #tpu.memory_space<semaphore_mem>>, %arg9: memref<!tpu.dma_semaphore, #tpu.memory_space<semaphore_mem>>, %arg10: memref<!tpu.dma_semaphore, #tpu.memory_space<semaphore_mem>>, %arg11: memref<!tpu.dma_semaphore, #tpu.memory_space<semaphore_mem>>) attributes {dimension_semantics = [#tpu.dimension_semantics<core_parallel>, #tpu.dimension_semantics<subcore_parallel>], iteration_bounds = array<i64: 2, 16>, scalar_prefetch = 0 : i64, scratch_operands = 8 : i64, tpu.core_type = #tpu.core_type<sc_vector_subcore>, window_params = [{transform_indices = #map}, {transform_indices = #map1}]} {
    %mul3A = arith.constant 2 : i32
    %mul3A_0 = arith.muli %arg1, %mul3A : i32
    %add3A = arith.addi %mul3A_0, %arg0 : i32
    %iota3A = tpu.iota {dimensions = array<i32: 0>} : vector<16xi32>
    %lt3A = arith.constant 507 : i32
    %lt3A_1 = arith.cmpi slt, %add3A, %lt3A : i32
    %convert_element_type3A = arith.extui %lt3A_1 : i1 to i32
    %cond3A = arith.constant 0 : i32
    %cond3A_2 = arith.cmpi ne, %convert_element_type3A, %cond3A : i32
    scf.if %cond3A_2 {
      %mul3A_19 = arith.constant 2048 : i32
      %mul3A_20 = arith.muli %add3A, %mul3A_19 : i32
      %dma_start3A = arith.constant 0 : i32
      %dma_start3A_21 = tpu.memref_slice %arg2[%dma_start3A, %mul3A_20] : memref<16x1040000xf32, #tpu.memory_space<hbm>> -> memref<16x2048xf32, #tpu.memory_space<hbm>>
      %dma_start3A_22 = arith.constant 0 : i32
      %dma_start3A_23 = tpu.memref_slice %arg2[%dma_start3A_22, %mul3A_20] : memref<16x1040000xf32, #tpu.memory_space<hbm>> -> memref<16x2048xf32, #tpu.memory_space<hbm>>
      tpu.enqueue_dma source(%dma_start3A_23 : memref<16x2048xf32, #tpu.memory_space<hbm>>) target(%arg4 : memref<16x2048xf32, #tpu.memory_space<vmem>>) target_semaphore(%arg8 : memref<!tpu.dma_semaphore, #tpu.memory_space<semaphore_mem>>)
    } else {
    }
    %scan3A = arith.constant 0 : i32
    %scan3A_3 = arith.constant 0 : i32
    %scan3A_4 = arith.constant 16 : i32
    %scan3A_5 = arith.addi %scan3A_3, %scan3A_4 : i32
    %scan3A_6 = arith.constant 1 : i32
    scf.for %scan3A_19 = %scan3A_3 to %scan3A_5 step %scan3A_6  : i32 {
      %mul3A_20 = arith.constant 32 : i32
      %mul3A_21 = arith.muli %scan3A_19, %mul3A_20 : i32
      %add3A_22 = arith.addi %add3A, %mul3A_21 : i32
      %lt3A_23 = arith.constant 507 : i32
      %lt3A_24 = arith.cmpi slt, %add3A_22, %lt3A_23 : i32
      %convert_element_type3A_25 = arith.extui %lt3A_24 : i1 to i32
      %cond3A_26 = arith.constant 0 : i32
      %cond3A_27 = arith.cmpi ne, %convert_element_type3A_25, %cond3A_26 : i32
      scf.if %cond3A_27 {
        %jit3A = arith.constant 2 : i32
        %eq3A_28 = arith.constant 0 : i32
        %eq3A_29 = arith.cmpi eq, %jit3A, %eq3A_28 : i32
        %jit3A_30 = arith.constant 1 : i32
        %select_n3A = arith.select %eq3A_29, %jit3A_30, %jit3A : i32
        %rem3A = arith.remsi %scan3A_19, %select_n3A : i32
        %ne3A = arith.constant 0 : i32
        %ne3A_31 = arith.cmpi ne, %rem3A, %ne3A : i32
        %lt3A_32 = arith.constant 0 : i32
        %lt3A_33 = arith.cmpi slt, %rem3A, %lt3A_32 : i32
        %lt3A_34 = arith.constant 0 : i32
        %lt3A_35 = arith.cmpi slt, %select_n3A, %lt3A_34 : i32
        %ne3A_36 = arith.xori %lt3A_33, %lt3A_35 : i1
        %and3A = arith.andi %ne3A_36, %ne3A_31 : i1
        %add3A_37 = arith.addi %rem3A, %select_n3A : i32
        %select_n3A_38 = arith.select %and3A, %add3A_37, %rem3A : i32
        %eq3A_39 = arith.constant 0 : i32
        %eq3A_40 = arith.cmpi eq, %select_n3A_38, %eq3A_39 : i32
        %convert_element_type3A_41 = arith.extui %eq3A_40 : i1 to i32
        %cond3A_42 = arith.constant 0 : i32
        %cond3A_43 = arith.cmpi ne, %convert_element_type3A_41, %cond3A_42 : i32
        scf.if %cond3A_43 {
          %add3A_65 = arith.constant 32 : i32
          %add3A_66 = arith.addi %add3A_22, %add3A_65 : i32
          %lt3A_67 = arith.constant 507 : i32
          %lt3A_68 = arith.cmpi slt, %add3A_66, %lt3A_67 : i32
          %convert_element_type3A_69 = arith.extui %lt3A_68 : i1 to i32
          %cond3A_70 = arith.constant 0 : i32
          %cond3A_71 = arith.cmpi ne, %convert_element_type3A_69, %cond3A_70 : i32
          scf.if %cond3A_71 {
            %add3A_90 = arith.constant 32 : i32
            %add3A_91 = arith.addi %add3A_22, %add3A_90 : i32
            %mul3A_92 = arith.constant 2048 : i32
            %mul3A_93 = arith.muli %add3A_91, %mul3A_92 : i32
            %dma_start3A_94 = arith.constant 0 : i32
            %dma_start3A_95 = tpu.memref_slice %arg2[%dma_start3A_94, %mul3A_93] : memref<16x1040000xf32, #tpu.memory_space<hbm>> -> memref<16x2048xf32, #tpu.memory_space<hbm>>
            %dma_start3A_96 = arith.constant 0 : i32
            %dma_start3A_97 = tpu.memref_slice %arg2[%dma_start3A_96, %mul3A_93] : memref<16x1040000xf32, #tpu.memory_space<hbm>> -> memref<16x2048xf32, #tpu.memory_space<hbm>>
            tpu.enqueue_dma source(%dma_start3A_97 : memref<16x2048xf32, #tpu.memory_space<hbm>>) target(%arg5 : memref<16x2048xf32, #tpu.memory_space<vmem>>) target_semaphore(%arg9 : memref<!tpu.dma_semaphore, #tpu.memory_space<semaphore_mem>>)
          } else {
          }
          %mul3A_72 = arith.constant 2048 : i32
          %mul3A_73 = arith.muli %add3A_22, %mul3A_72 : i32
          %dma_wait3A_74 = arith.constant 0 : i32
          %dma_wait3A_75 = tpu.memref_slice %arg2[%dma_wait3A_74, %mul3A_73] : memref<16x1040000xf32, #tpu.memory_space<hbm>> -> memref<16x2048xf32, #tpu.memory_space<hbm>>
          %dma_wait3A_76 = arith.constant 0 : i32
          %dma_wait3A_77 = tpu.memref_slice %arg2[%dma_wait3A_76, %mul3A_73] : memref<16x1040000xf32, #tpu.memory_space<hbm>> -> memref<16x2048xf32, #tpu.memory_space<hbm>>
          tpu.wait_dma2 semaphore(%arg8 : memref<!tpu.dma_semaphore, #tpu.memory_space<semaphore_mem>>) src(%dma_wait3A_77 : memref<16x2048xf32, #tpu.memory_space<hbm>>) dst(%arg4 : memref<16x2048xf32, #tpu.memory_space<vmem>>)
          %ge3A = arith.constant 2 : i32
          %ge3A_78 = arith.cmpi sge, %scan3A_19, %ge3A : i32
          %convert_element_type3A_79 = arith.extui %ge3A_78 : i1 to i32
          %cond3A_80 = arith.constant 0 : i32
          %cond3A_81 = arith.cmpi ne, %convert_element_type3A_79, %cond3A_80 : i32
          scf.if %cond3A_81 {
            %dma_wait3A_90 = arith.constant 0 : i32
            %dma_wait3A_91 = tpu.memref_slice %arg3[%dma_wait3A_90] : memref<16640000xf32, #tpu.memory_space<hbm>> -> memref<32768xf32, #tpu.memory_space<hbm>>
            %dma_wait3A_92 = arith.constant 0 : i32
            %dma_wait3A_93 = tpu.memref_slice %arg3[%dma_wait3A_92] : memref<16640000xf32, #tpu.memory_space<hbm>> -> memref<32768xf32, #tpu.memory_space<hbm>>
            tpu.wait_dma2 semaphore(%arg10 : memref<!tpu.dma_semaphore, #tpu.memory_space<semaphore_mem>>) src(%arg6 : memref<32768xf32, #tpu.memory_space<vmem>>) dst(%dma_wait3A_93 : memref<32768xf32, #tpu.memory_space<hbm>>)
          } else {
          }
          %mul3A_82 = arith.constant 16 : i32
          %mul3A_83 = vector.broadcast %mul3A_82 : i32 to vector<16xi32>
          %mul3A_84 = arith.muli %iota3A, %mul3A_83 : vector<16xi32>
          %parallel_loop3A = arith.constant 0 : i32
          %parallel_loop3A_85 = arith.constant 128 : i32
          %parallel_loop3A_86 = arith.constant 1 : i32
          scf.for %parallel_loop3A_90 = %parallel_loop3A to %parallel_loop3A_85 step %parallel_loop3A_86  : i32 {
            %parallel_loop3A_91 = arith.constant 16 : i32
            %parallel_loop3A_92 = arith.muli %parallel_loop3A_90, %parallel_loop3A_91 : i32
            %parallel_loop3A_93 = arith.constant 0 : i32
            %parallel_loop3A_94 = arith.index_cast %parallel_loop3A_93 : i32 to index
            %parallel_loop3A_95 = arith.index_cast %parallel_loop3A_92 : i32 to index
            %parallel_loop3A_96 = tpu.vector_load %arg4[%parallel_loop3A_94, %parallel_loop3A_95] {strides = array<i32>} : memref<16x2048xf32, #tpu.memory_space<vmem>>, vector<16xf32>,
            %parallel_loop3A_97 = arith.constant 256 : i32
            %parallel_loop3A_98 = arith.muli %parallel_loop3A_90, %parallel_loop3A_97 : i32
            %parallel_loop3A_99 = arith.constant 0 : i32
            %parallel_loop3A_100 = arith.addi %parallel_loop3A_98, %parallel_loop3A_99 : i32
            %parallel_loop3A_101 = vector.broadcast %parallel_loop3A_100 : i32 to vector<16xi32>
            %parallel_loop3A_102 = arith.addi %mul3A_84, %parallel_loop3A_101 : vector<16xi32>
            tpu.vector_store_idx %arg6[%parallel_loop3A_102], %parallel_loop3A_96 : memref<32768xf32, #tpu.memory_space<vmem>>[vector<16xi32>], vector<16xf32>,
            %parallel_loop3A_103 = arith.constant 16 : i32
            %parallel_loop3A_104 = arith.muli %parallel_loop3A_90, %parallel_loop3A_103 : i32
            %parallel_loop3A_105 = arith.constant 1 : i32
            %parallel_loop3A_106 = arith.index_cast %parallel_loop3A_105 : i32 to index
            %parallel_loop3A_107 = arith.index_cast %parallel_loop3A_104 : i32 to index
            %parallel_loop3A_108 = tpu.vector_load %arg4[%parallel_loop3A_106, %parallel_loop3A_107] {strides = array<i32>} : memref<16x2048xf32, #tpu.memory_space<vmem>>, vector<16xf32>,
            %parallel_loop3A_109 = arith.constant 256 : i32
            %parallel_loop3A_110 = arith.muli %parallel_loop3A_90, %parallel_loop3A_109 : i32
            %parallel_loop3A_111 = arith.constant 1 : i32
            %parallel_loop3A_112 = arith.addi %parallel_loop3A_110, %parallel_loop3A_111 : i32
            %parallel_loop3A_113 = vector.broadcast %parallel_loop3A_112 : i32 to vector<16xi32>
            %parallel_loop3A_114 = arith.addi %mul3A_84, %parallel_loop3A_113 : vector<16xi32>
            tpu.vector_store_idx %arg6[%parallel_loop3A_114], %parallel_loop3A_108 : memref<32768xf32, #tpu.memory_space<vmem>>[vector<16xi32>], vector<16xf32>,
            %parallel_loop3A_115 = arith.constant 16 : i32
            %parallel_loop3A_116 = arith.muli %parallel_loop3A_90, %parallel_loop3A_115 : i32
            %parallel_loop3A_117 = arith.constant 2 : i32
            %parallel_loop3A_118 = arith.index_cast %parallel_loop3A_117 : i32 to index
            %parallel_loop3A_119 = arith.index_cast %parallel_loop3A_116 : i32 to index
            %parallel_loop3A_120 = tpu.vector_load %arg4[%parallel_loop3A_118, %parallel_loop3A_119] {strides = array<i32>} : memref<16x2048xf32, #tpu.memory_space<vmem>>, vector<16xf32>,
            %parallel_loop3A_121 = arith.constant 256 : i32
            %parallel_loop3A_122 = arith.muli %parallel_loop3A_90, %parallel_loop3A_121 : i32
            %parallel_loop3A_123 = arith.constant 2 : i32
            %parallel_loop3A_124 = arith.addi %parallel_loop3A_122, %parallel_loop3A_123 : i32
            %parallel_loop3A_125 = vector.broadcast %parallel_loop3A_124 : i32 to vector<16xi32>
            %parallel_loop3A_126 = arith.addi %mul3A_84, %parallel_loop3A_125 : vector<16xi32>
            tpu.vector_store_idx %arg6[%parallel_loop3A_126], %parallel_loop3A_120 : memref<32768xf32, #tpu.memory_space<vmem>>[vector<16xi32>], vector<16xf32>,
            %parallel_loop3A_127 = arith.constant 16 : i32
            %parallel_loop3A_128 = arith.muli %parallel_loop3A_90, %parallel_loop3A_127 : i32
            %parallel_loop3A_129 = arith.constant 3 : i32
            %parallel_loop3A_130 = arith.index_cast %parallel_loop3A_129 : i32 to index
            %parallel_loop3A_131 = arith.index_cast %parallel_loop3A_128 : i32 to index
            %parallel_loop3A_132 = tpu.vector_load %arg4[%parallel_loop3A_130, %parallel_loop3A_131] {strides = array<i32>} : memref<16x2048xf32, #tpu.memory_space<vmem>>, vector<16xf32>,
            %parallel_loop3A_133 = arith.constant 256 : i32
            %parallel_loop3A_134 = arith.muli %parallel_loop3A_90, %parallel_loop3A_133 : i32
            %parallel_loop3A_135 = arith.constant 3 : i32
            %parallel_loop3A_136 = arith.addi %parallel_loop3A_134, %parallel_loop3A_135 : i32
            %parallel_loop3A_137 = vector.broadcast %parallel_loop3A_136 : i32 to vector<16xi32>
            %parallel_loop3A_138 = arith.addi %mul3A_84, %parallel_loop3A_137 : vector<16xi32>
            tpu.vector_store_idx %arg6[%parallel_loop3A_138], %parallel_loop3A_132 : memref<32768xf32, #tpu.memory_space<vmem>>[vector<16xi32>], vector<16xf32>,
            %parallel_loop3A_139 = arith.constant 16 : i32
            %parallel_loop3A_140 = arith.muli %parallel_loop3A_90, %parallel_loop3A_139 : i32
            %parallel_loop3A_141 = arith.constant 4 : i32
            %parallel_loop3A_142 = arith.index_cast %parallel_loop3A_141 : i32 to index
            %parallel_loop3A_143 = arith.index_cast %parallel_loop3A_140 : i32 to index
            %parallel_loop3A_144 = tpu.vector_load %arg4[%parallel_loop3A_142, %parallel_loop3A_143] {strides = array<i32>} : memref<16x2048xf32, #tpu.memory_space<vmem>>, vector<16xf32>,
            %parallel_loop3A_145 = arith.constant 256 : i32
            %parallel_loop3A_146 = arith.muli %parallel_loop3A_90, %parallel_loop3A_145 : i32
            %parallel_loop3A_147 = arith.constant 4 : i32
            %parallel_loop3A_148 = arith.addi %parallel_loop3A_146, %parallel_loop3A_147 : i32
            %parallel_loop3A_149 = vector.broadcast %parallel_loop3A_148 : i32 to vector<16xi32>
            %parallel_loop3A_150 = arith.addi %mul3A_84, %parallel_loop3A_149 : vector<16xi32>
            tpu.vector_store_idx %arg6[%parallel_loop3A_150], %parallel_loop3A_144 : memref<32768xf32, #tpu.memory_space<vmem>>[vector<16xi32>], vector<16xf32>,
            %parallel_loop3A_151 = arith.constant 16 : i32
            %parallel_loop3A_152 = arith.muli %parallel_loop3A_90, %parallel_loop3A_151 : i32
            %parallel_loop3A_153 = arith.constant 5 : i32
            %parallel_loop3A_154 = arith.index_cast %parallel_loop3A_153 : i32 to index
            %parallel_loop3A_155 = arith.index_cast %parallel_loop3A_152 : i32 to index
            %parallel_loop3A_156 = tpu.vector_load %arg4[%parallel_loop3A_154, %parallel_loop3A_155] {strides = array<i32>} : memref<16x2048xf32, #tpu.memory_space<vmem>>, vector<16xf32>,
            %parallel_loop3A_157 = arith.constant 256 : i32
            %parallel_loop3A_158 = arith.muli %parallel_loop3A_90, %parallel_loop3A_157 : i32
            %parallel_loop3A_159 = arith.constant 5 : i32
            %parallel_loop3A_160 = arith.addi %parallel_loop3A_158, %parallel_loop3A_159 : i32
            %parallel_loop3A_161 = vector.broadcast %parallel_loop3A_160 : i32 to vector<16xi32>
            %parallel_loop3A_162 = arith.addi %mul3A_84, %parallel_loop3A_161 : vector<16xi32>
            tpu.vector_store_idx %arg6[%parallel_loop3A_162], %parallel_loop3A_156 : memref<32768xf32, #tpu.memory_space<vmem>>[vector<16xi32>], vector<16xf32>,
            %parallel_loop3A_163 = arith.constant 16 : i32
            %parallel_loop3A_164 = arith.muli %parallel_loop3A_90, %parallel_loop3A_163 : i32
            %parallel_loop3A_165 = arith.constant 6 : i32
            %parallel_loop3A_166 = arith.index_cast %parallel_loop3A_165 : i32 to index
            %parallel_loop3A_167 = arith.index_cast %parallel_loop3A_164 : i32 to index
            %parallel_loop3A_168 = tpu.vector_load %arg4[%parallel_loop3A_166, %parallel_loop3A_167] {strides = array<i32>} : memref<16x2048xf32, #tpu.memory_space<vmem>>, vector<16xf32>,
            %parallel_loop3A_169 = arith.constant 256 : i32
            %parallel_loop3A_170 = arith.muli %parallel_loop3A_90, %parallel_loop3A_169 : i32
            %parallel_loop3A_171 = arith.constant 6 : i32
            %parallel_loop3A_172 = arith.addi %parallel_loop3A_170, %parallel_loop3A_171 : i32
            %parallel_loop3A_173 = vector.broadcast %parallel_loop3A_172 : i32 to vector<16xi32>
            %parallel_loop3A_174 = arith.addi %mul3A_84, %parallel_loop3A_173 : vector<16xi32>
            tpu.vector_store_idx %arg6[%parallel_loop3A_174], %parallel_loop3A_168 : memref<32768xf32, #tpu.memory_space<vmem>>[vector<16xi32>], vector<16xf32>,
            %parallel_loop3A_175 = arith.constant 16 : i32
            %parallel_loop3A_176 = arith.muli %parallel_loop3A_90, %parallel_loop3A_175 : i32
            %parallel_loop3A_177 = arith.constant 7 : i32
            %parallel_loop3A_178 = arith.index_cast %parallel_loop3A_177 : i32 to index
            %parallel_loop3A_179 = arith.index_cast %parallel_loop3A_176 : i32 to index
            %parallel_loop3A_180 = tpu.vector_load %arg4[%parallel_loop3A_178, %parallel_loop3A_179] {strides = array<i32>} : memref<16x2048xf32, #tpu.memory_space<vmem>>, vector<16xf32>,
            %parallel_loop3A_181 = arith.constant 256 : i32
            %parallel_loop3A_182 = arith.muli %parallel_loop3A_90, %parallel_loop3A_181 : i32
            %parallel_loop3A_183 = arith.constant 7 : i32
            %parallel_loop3A_184 = arith.addi %parallel_loop3A_182, %parallel_loop3A_183 : i32
            %parallel_loop3A_185 = vector.broadcast %parallel_loop3A_184 : i32 to vector<16xi32>
            %parallel_loop3A_186 = arith.addi %mul3A_84, %parallel_loop3A_185 : vector<16xi32>
            tpu.vector_store_idx %arg6[%parallel_loop3A_186], %parallel_loop3A_180 : memref<32768xf32, #tpu.memory_space<vmem>>[vector<16xi32>], vector<16xf32>,
            %parallel_loop3A_187 = arith.constant 16 : i32
            %parallel_loop3A_188 = arith.muli %parallel_loop3A_90, %parallel_loop3A_187 : i32
            %parallel_loop3A_189 = arith.constant 8 : i32
            %parallel_loop3A_190 = arith.index_cast %parallel_loop3A_189 : i32 to index
            %parallel_loop3A_191 = arith.index_cast %parallel_loop3A_188 : i32 to index
            %parallel_loop3A_192 = tpu.vector_load %arg4[%parallel_loop3A_190, %parallel_loop3A_191] {strides = array<i32>} : memref<16x2048xf32, #tpu.memory_space<vmem>>, vector<16xf32>,
            %parallel_loop3A_193 = arith.constant 256 : i32
            %parallel_loop3A_194 = arith.muli %parallel_loop3A_90, %parallel_loop3A_193 : i32
            %parallel_loop3A_195 = arith.constant 8 : i32
            %parallel_loop3A_196 = arith.addi %parallel_loop3A_194, %parallel_loop3A_195 : i32
            %parallel_loop3A_197 = vector.broadcast %parallel_loop3A_196 : i32 to vector<16xi32>
            %parallel_loop3A_198 = arith.addi %mul3A_84, %parallel_loop3A_197 : vector<16xi32>
            tpu.vector_store_idx %arg6[%parallel_loop3A_198], %parallel_loop3A_192 : memref<32768xf32, #tpu.memory_space<vmem>>[vector<16xi32>], vector<16xf32>,
            %parallel_loop3A_199 = arith.constant 16 : i32
            %parallel_loop3A_200 = arith.muli %parallel_loop3A_90, %parallel_loop3A_199 : i32
            %parallel_loop3A_201 = arith.constant 9 : i32
            %parallel_loop3A_202 = arith.index_cast %parallel_loop3A_201 : i32 to index
            %parallel_loop3A_203 = arith.index_cast %parallel_loop3A_200 : i32 to index
            %parallel_loop3A_204 = tpu.vector_load %arg4[%parallel_loop3A_202, %parallel_loop3A_203] {strides = array<i32>} : memref<16x2048xf32, #tpu.memory_space<vmem>>, vector<16xf32>,
            %parallel_loop3A_205 = arith.constant 256 : i32
            %parallel_loop3A_206 = arith.muli %parallel_loop3A_90, %parallel_loop3A_205 : i32
            %parallel_loop3A_207 = arith.constant 9 : i32
            %parallel_loop3A_208 = arith.addi %parallel_loop3A_206, %parallel_loop3A_207 : i32
            %parallel_loop3A_209 = vector.broadcast %parallel_loop3A_208 : i32 to vector<16xi32>
            %parallel_loop3A_210 = arith.addi %mul3A_84, %parallel_loop3A_209 : vector<16xi32>
            tpu.vector_store_idx %arg6[%parallel_loop3A_210], %parallel_loop3A_204 : memref<32768xf32, #tpu.memory_space<vmem>>[vector<16xi32>], vector<16xf32>,
            %parallel_loop3A_211 = arith.constant 16 : i32
            %parallel_loop3A_212 = arith.muli %parallel_loop3A_90, %parallel_loop3A_211 : i32
            %parallel_loop3A_213 = arith.constant 10 : i32
            %parallel_loop3A_214 = arith.index_cast %parallel_loop3A_213 : i32 to index
            %parallel_loop3A_215 = arith.index_cast %parallel_loop3A_212 : i32 to index
            %parallel_loop3A_216 = tpu.vector_load %arg4[%parallel_loop3A_214, %parallel_loop3A_215] {strides = array<i32>} : memref<16x2048xf32, #tpu.memory_space<vmem>>, vector<16xf32>,
            %parallel_loop3A_217 = arith.constant 256 : i32
            %parallel_loop3A_218 = arith.muli %parallel_loop3A_90, %parallel_loop3A_217 : i32
            %parallel_loop3A_219 = arith.constant 10 : i32
            %parallel_loop3A_220 = arith.addi %parallel_loop3A_218, %parallel_loop3A_219 : i32
            %parallel_loop3A_221 = vector.broadcast %parallel_loop3A_220 : i32 to vector<16xi32>
            %parallel_loop3A_222 = arith.addi %mul3A_84, %parallel_loop3A_221 : vector<16xi32>
            tpu.vector_store_idx %arg6[%parallel_loop3A_222], %parallel_loop3A_216 : memref<32768xf32, #tpu.memory_space<vmem>>[vector<16xi32>], vector<16xf32>,
            %parallel_loop3A_223 = arith.constant 16 : i32
            %parallel_loop3A_224 = arith.muli %parallel_loop3A_90, %parallel_loop3A_223 : i32
            %parallel_loop3A_225 = arith.constant 11 : i32
            %parallel_loop3A_226 = arith.index_cast %parallel_loop3A_225 : i32 to index
            %parallel_loop3A_227 = arith.index_cast %parallel_loop3A_224 : i32 to index
            %parallel_loop3A_228 = tpu.vector_load %arg4[%parallel_loop3A_226, %parallel_loop3A_227] {strides = array<i32>} : memref<16x2048xf32, #tpu.memory_space<vmem>>, vector<16xf32>,
            %parallel_loop3A_229 = arith.constant 256 : i32
            %parallel_loop3A_230 = arith.muli %parallel_loop3A_90, %parallel_loop3A_229 : i32
            %parallel_loop3A_231 = arith.constant 11 : i32
            %parallel_loop3A_232 = arith.addi %parallel_loop3A_230, %parallel_loop3A_231 : i32
            %parallel_loop3A_233 = vector.broadcast %parallel_loop3A_232 : i32 to vector<16xi32>
            %parallel_loop3A_234 = arith.addi %mul3A_84, %parallel_loop3A_233 : vector<16xi32>
            tpu.vector_store_idx %arg6[%parallel_loop3A_234], %parallel_loop3A_228 : memref<32768xf32, #tpu.memory_space<vmem>>[vector<16xi32>], vector<16xf32>,
            %parallel_loop3A_235 = arith.constant 16 : i32
            %parallel_loop3A_236 = arith.muli %parallel_loop3A_90, %parallel_loop3A_235 : i32
            %parallel_loop3A_237 = arith.constant 12 : i32
            %parallel_loop3A_238 = arith.index_cast %parallel_loop3A_237 : i32 to index
            %parallel_loop3A_239 = arith.index_cast %parallel_loop3A_236 : i32 to index
            %parallel_loop3A_240 = tpu.vector_load %arg4[%parallel_loop3A_238, %parallel_loop3A_239] {strides = array<i32>} : memref<16x2048xf32, #tpu.memory_space<vmem>>, vector<16xf32>,
            %parallel_loop3A_241 = arith.constant 256 : i32
            %parallel_loop3A_242 = arith.muli %parallel_loop3A_90, %parallel_loop3A_241 : i32
            %parallel_loop3A_243 = arith.constant 12 : i32
            %parallel_loop3A_244 = arith.addi %parallel_loop3A_242, %parallel_loop3A_243 : i32
            %parallel_loop3A_245 = vector.broadcast %parallel_loop3A_244 : i32 to vector<16xi32>
            %parallel_loop3A_246 = arith.addi %mul3A_84, %parallel_loop3A_245 : vector<16xi32>
            tpu.vector_store_idx %arg6[%parallel_loop3A_246], %parallel_loop3A_240 : memref<32768xf32, #tpu.memory_space<vmem>>[vector<16xi32>], vector<16xf32>,
            %parallel_loop3A_247 = arith.constant 16 : i32
            %parallel_loop3A_248 = arith.muli %parallel_loop3A_90, %parallel_loop3A_247 : i32
            %parallel_loop3A_249 = arith.constant 13 : i32
            %parallel_loop3A_250 = arith.index_cast %parallel_loop3A_249 : i32 to index
            %parallel_loop3A_251 = arith.index_cast %parallel_loop3A_248 : i32 to index
            %parallel_loop3A_252 = tpu.vector_load %arg4[%parallel_loop3A_250, %parallel_loop3A_251] {strides = array<i32>} : memref<16x2048xf32, #tpu.memory_space<vmem>>, vector<16xf32>,
            %parallel_loop3A_253 = arith.constant 256 : i32
            %parallel_loop3A_254 = arith.muli %parallel_loop3A_90, %parallel_loop3A_253 : i32
            %parallel_loop3A_255 = arith.constant 13 : i32
            %parallel_loop3A_256 = arith.addi %parallel_loop3A_254, %parallel_loop3A_255 : i32
            %parallel_loop3A_257 = vector.broadcast %parallel_loop3A_256 : i32 to vector<16xi32>
            %parallel_loop3A_258 = arith.addi %mul3A_84, %parallel_loop3A_257 : vector<16xi32>
            tpu.vector_store_idx %arg6[%parallel_loop3A_258], %parallel_loop3A_252 : memref<32768xf32, #tpu.memory_space<vmem>>[vector<16xi32>], vector<16xf32>,
            %parallel_loop3A_259 = arith.constant 16 : i32
            %parallel_loop3A_260 = arith.muli %parallel_loop3A_90, %parallel_loop3A_259 : i32
            %parallel_loop3A_261 = arith.constant 14 : i32
            %parallel_loop3A_262 = arith.index_cast %parallel_loop3A_261 : i32 to index
            %parallel_loop3A_263 = arith.index_cast %parallel_loop3A_260 : i32 to index
            %parallel_loop3A_264 = tpu.vector_load %arg4[%parallel_loop3A_262, %parallel_loop3A_263] {strides = array<i32>} : memref<16x2048xf32, #tpu.memory_space<vmem>>, vector<16xf32>,
            %parallel_loop3A_265 = arith.constant 256 : i32
            %parallel_loop3A_266 = arith.muli %parallel_loop3A_90, %parallel_loop3A_265 : i32
            %parallel_loop3A_267 = arith.constant 14 : i32
            %parallel_loop3A_268 = arith.addi %parallel_loop3A_266, %parallel_loop3A_267 : i32
            %parallel_loop3A_269 = vector.broadcast %parallel_loop3A_268 : i32 to vector<16xi32>
            %parallel_loop3A_270 = arith.addi %mul3A_84, %parallel_loop3A_269 : vector<16xi32>
            tpu.vector_store_idx %arg6[%parallel_loop3A_270], %parallel_loop3A_264 : memref<32768xf32, #tpu.memory_space<vmem>>[vector<16xi32>], vector<16xf32>,
            %parallel_loop3A_271 = arith.constant 16 : i32
            %parallel_loop3A_272 = arith.muli %parallel_loop3A_90, %parallel_loop3A_271 : i32
            %parallel_loop3A_273 = arith.constant 15 : i32
            %parallel_loop3A_274 = arith.index_cast %parallel_loop3A_273 : i32 to index
            %parallel_loop3A_275 = arith.index_cast %parallel_loop3A_272 : i32 to index
            %parallel_loop3A_276 = tpu.vector_load %arg4[%parallel_loop3A_274, %parallel_loop3A_275] {strides = array<i32>} : memref<16x2048xf32, #tpu.memory_space<vmem>>, vector<16xf32>,
            %parallel_loop3A_277 = arith.constant 256 : i32
            %parallel_loop3A_278 = arith.muli %parallel_loop3A_90, %parallel_loop3A_277 : i32
            %parallel_loop3A_279 = arith.constant 15 : i32
            %parallel_loop3A_280 = arith.addi %parallel_loop3A_278, %parallel_loop3A_279 : i32
            %parallel_loop3A_281 = vector.broadcast %parallel_loop3A_280 : i32 to vector<16xi32>
            %parallel_loop3A_282 = arith.addi %mul3A_84, %parallel_loop3A_281 : vector<16xi32>
            tpu.vector_store_idx %arg6[%parallel_loop3A_282], %parallel_loop3A_276 : memref<32768xf32, #tpu.memory_space<vmem>>[vector<16xi32>], vector<16xf32>,
          } {sc.loop_unroll_factor = 2 : i64, sc.parallel_access}
          %mul3A_87 = arith.constant 32768 : i32
          %mul3A_88 = arith.muli %add3A_22, %mul3A_87 : i32
          %dma_start3A = tpu.memref_slice %arg3[%mul3A_88] : memref<16640000xf32, #tpu.memory_space<hbm>> -> memref<32768xf32, #tpu.memory_space<hbm>>
          %dma_start3A_89 = tpu.memref_slice %arg3[%mul3A_88] : memref<16640000xf32, #tpu.memory_space<hbm>> -> memref<32768xf32, #tpu.memory_space<hbm>>
          tpu.enqueue_dma source(%arg6 : memref<32768xf32, #tpu.memory_space<vmem>>) target(%dma_start3A_89 : memref<32768xf32, #tpu.memory_space<hbm>>) target_semaphore(%arg10 : memref<!tpu.dma_semaphore, #tpu.memory_space<semaphore_mem>>)
        } else {
        }
        %jit3A_44 = arith.constant 2 : i32
        %eq3A_45 = arith.constant 0 : i32
        %eq3A_46 = arith.cmpi eq, %jit3A_44, %eq3A_45 : i32
        %jit3A_47 = arith.constant 1 : i32
        %select_n3A_48 = arith.select %eq3A_46, %jit3A_47, %jit3A_44 : i32
        %rem3A_49 = arith.remsi %scan3A_19, %select_n3A_48 : i32
        %ne3A_50 = arith.constant 0 : i32
        %ne3A_51 = arith.cmpi ne, %rem3A_49, %ne3A_50 : i32
        %lt3A_52 = arith.constant 0 : i32
        %lt3A_53 = arith.cmpi slt, %rem3A_49, %lt3A_52 : i32
        %lt3A_54 = arith.constant 0 : i32
        %lt3A_55 = arith.cmpi slt, %select_n3A_48, %lt3A_54 : i32
        %ne3A_56 = arith.xori %lt3A_53, %lt3A_55 : i1
        %and3A_57 = arith.andi %ne3A_56, %ne3A_51 : i1
        %add3A_58 = arith.addi %rem3A_49, %select_n3A_48 : i32
        %select_n3A_59 = arith.select %and3A_57, %add3A_58, %rem3A_49 : i32
        %eq3A_60 = arith.constant 1 : i32
        %eq3A_61 = arith.cmpi eq, %select_n3A_59, %eq3A_60 : i32
        %convert_element_type3A_62 = arith.extui %eq3A_61 : i1 to i32
        %cond3A_63 = arith.constant 0 : i32
        %cond3A_64 = arith.cmpi ne, %convert_element_type3A_62, %cond3A_63 : i32
        scf.if %cond3A_64 {
          %add3A_65 = arith.constant 32 : i32
          %add3A_66 = arith.addi %add3A_22, %add3A_65 : i32
          %lt3A_67 = arith.constant 507 : i32
          %lt3A_68 = arith.cmpi slt, %add3A_66, %lt3A_67 : i32
          %convert_element_type3A_69 = arith.extui %lt3A_68 : i1 to i32
          %cond3A_70 = arith.constant 0 : i32
          %cond3A_71 = arith.cmpi ne, %convert_element_type3A_69, %cond3A_70 : i32
          scf.if %cond3A_71 {
            %add3A_90 = arith.constant 32 : i32
            %add3A_91 = arith.addi %add3A_22, %add3A_90 : i32
            %mul3A_92 = arith.constant 2048 : i32
            %mul3A_93 = arith.muli %add3A_91, %mul3A_92 : i32
            %dma_start3A_94 = arith.constant 0 : i32
            %dma_start3A_95 = tpu.memref_slice %arg2[%dma_start3A_94, %mul3A_93] : memref<16x1040000xf32, #tpu.memory_space<hbm>> -> memref<16x2048xf32, #tpu.memory_space<hbm>>
            %dma_start3A_96 = arith.constant 0 : i32
            %dma_start3A_97 = tpu.memref_slice %arg2[%dma_start3A_96, %mul3A_93] : memref<16x1040000xf32, #tpu.memory_space<hbm>> -> memref<16x2048xf32, #tpu.memory_space<hbm>>
            tpu.enqueue_dma source(%dma_start3A_97 : memref<16x2048xf32, #tpu.memory_space<hbm>>) target(%arg4 : memref<16x2048xf32, #tpu.memory_space<vmem>>) target_semaphore(%arg8 : memref<!tpu.dma_semaphore, #tpu.memory_space<semaphore_mem>>)
          } else {
          }
          %mul3A_72 = arith.constant 2048 : i32
          %mul3A_73 = arith.muli %add3A_22, %mul3A_72 : i32
          %dma_wait3A_74 = arith.constant 0 : i32
          %dma_wait3A_75 = tpu.memref_slice %arg2[%dma_wait3A_74, %mul3A_73] : memref<16x1040000xf32, #tpu.memory_space<hbm>> -> memref<16x2048xf32, #tpu.memory_space<hbm>>
          %dma_wait3A_76 = arith.constant 0 : i32
          %dma_wait3A_77 = tpu.memref_slice %arg2[%dma_wait3A_76, %mul3A_73] : memref<16x1040000xf32, #tpu.memory_space<hbm>> -> memref<16x2048xf32, #tpu.memory_space<hbm>>
          tpu.wait_dma2 semaphore(%arg9 : memref<!tpu.dma_semaphore, #tpu.memory_space<semaphore_mem>>) src(%dma_wait3A_77 : memref<16x2048xf32, #tpu.memory_space<hbm>>) dst(%arg5 : memref<16x2048xf32, #tpu.memory_space<vmem>>)
          %ge3A = arith.constant 2 : i32
          %ge3A_78 = arith.cmpi sge, %scan3A_19, %ge3A : i32
          %convert_element_type3A_79 = arith.extui %ge3A_78 : i1 to i32
          %cond3A_80 = arith.constant 0 : i32
          %cond3A_81 = arith.cmpi ne, %convert_element_type3A_79, %cond3A_80 : i32
          scf.if %cond3A_81 {
            %dma_wait3A_90 = arith.constant 0 : i32
            %dma_wait3A_91 = tpu.memref_slice %arg3[%dma_wait3A_90] : memref<16640000xf32, #tpu.memory_space<hbm>> -> memref<32768xf32, #tpu.memory_space<hbm>>
            %dma_wait3A_92 = arith.constant 0 : i32
            %dma_wait3A_93 = tpu.memref_slice %arg3[%dma_wait3A_92] : memref<16640000xf32, #tpu.memory_space<hbm>> -> memref<32768xf32, #tpu.memory_space<hbm>>
            tpu.wait_dma2 semaphore(%arg11 : memref<!tpu.dma_semaphore, #tpu.memory_space<semaphore_mem>>) src(%arg7 : memref<32768xf32, #tpu.memory_space<vmem>>) dst(%dma_wait3A_93 : memref<32768xf32, #tpu.memory_space<hbm>>)
          } else {
          }
          %mul3A_82 = arith.constant 16 : i32
          %mul3A_83 = vector.broadcast %mul3A_82 : i32 to vector<16xi32>
          %mul3A_84 = arith.muli %iota3A, %mul3A_83 : vector<16xi32>
          %parallel_loop3A = arith.constant 0 : i32
          %parallel_loop3A_85 = arith.constant 128 : i32
          %parallel_loop3A_86 = arith.constant 1 : i32
          scf.for %parallel_loop3A_90 = %parallel_loop3A to %parallel_loop3A_85 step %parallel_loop3A_86  : i32 {
            %parallel_loop3A_91 = arith.constant 16 : i32
            %parallel_loop3A_92 = arith.muli %parallel_loop3A_90, %parallel_loop3A_91 : i32
            %parallel_loop3A_93 = arith.constant 0 : i32
            %parallel_loop3A_94 = arith.index_cast %parallel_loop3A_93 : i32 to index
            %parallel_loop3A_95 = arith.index_cast %parallel_loop3A_92 : i32 to index
            %parallel_loop3A_96 = tpu.vector_load %arg5[%parallel_loop3A_94, %parallel_loop3A_95] {strides = array<i32>} : memref<16x2048xf32, #tpu.memory_space<vmem>>, vector<16xf32>,
            %parallel_loop3A_97 = arith.constant 256 : i32
            %parallel_loop3A_98 = arith.muli %parallel_loop3A_90, %parallel_loop3A_97 : i32
            %parallel_loop3A_99 = arith.constant 0 : i32
            %parallel_loop3A_100 = arith.addi %parallel_loop3A_98, %parallel_loop3A_99 : i32
            %parallel_loop3A_101 = vector.broadcast %parallel_loop3A_100 : i32 to vector<16xi32>
            %parallel_loop3A_102 = arith.addi %mul3A_84, %parallel_loop3A_101 : vector<16xi32>
            tpu.vector_store_idx %arg7[%parallel_loop3A_102], %parallel_loop3A_96 : memref<32768xf32, #tpu.memory_space<vmem>>[vector<16xi32>], vector<16xf32>,
            %parallel_loop3A_103 = arith.constant 16 : i32
            %parallel_loop3A_104 = arith.muli %parallel_loop3A_90, %parallel_loop3A_103 : i32
            %parallel_loop3A_105 = arith.constant 1 : i32
            %parallel_loop3A_106 = arith.index_cast %parallel_loop3A_105 : i32 to index
            %parallel_loop3A_107 = arith.index_cast %parallel_loop3A_104 : i32 to index
            %parallel_loop3A_108 = tpu.vector_load %arg5[%parallel_loop3A_106, %parallel_loop3A_107] {strides = array<i32>} : memref<16x2048xf32, #tpu.memory_space<vmem>>, vector<16xf32>,
            %parallel_loop3A_109 = arith.constant 256 : i32
            %parallel_loop3A_110 = arith.muli %parallel_loop3A_90, %parallel_loop3A_109 : i32
            %parallel_loop3A_111 = arith.constant 1 : i32
            %parallel_loop3A_112 = arith.addi %parallel_loop3A_110, %parallel_loop3A_111 : i32
            %parallel_loop3A_113 = vector.broadcast %parallel_loop3A_112 : i32 to vector<16xi32>
            %parallel_loop3A_114 = arith.addi %mul3A_84, %parallel_loop3A_113 : vector<16xi32>
            tpu.vector_store_idx %arg7[%parallel_loop3A_114], %parallel_loop3A_108 : memref<32768xf32, #tpu.memory_space<vmem>>[vector<16xi32>], vector<16xf32>,
            %parallel_loop3A_115 = arith.constant 16 : i32
            %parallel_loop3A_116 = arith.muli %parallel_loop3A_90, %parallel_loop3A_115 : i32
            %parallel_loop3A_117 = arith.constant 2 : i32
            %parallel_loop3A_118 = arith.index_cast %parallel_loop3A_117 : i32 to index
            %parallel_loop3A_119 = arith.index_cast %parallel_loop3A_116 : i32 to index
            %parallel_loop3A_120 = tpu.vector_load %arg5[%parallel_loop3A_118, %parallel_loop3A_119] {strides = array<i32>} : memref<16x2048xf32, #tpu.memory_space<vmem>>, vector<16xf32>,
            %parallel_loop3A_121 = arith.constant 256 : i32
            %parallel_loop3A_122 = arith.muli %parallel_loop3A_90, %parallel_loop3A_121 : i32
            %parallel_loop3A_123 = arith.constant 2 : i32
            %parallel_loop3A_124 = arith.addi %parallel_loop3A_122, %parallel_loop3A_123 : i32
            %parallel_loop3A_125 = vector.broadcast %parallel_loop3A_124 : i32 to vector<16xi32>
            %parallel_loop3A_126 = arith.addi %mul3A_84, %parallel_loop3A_125 : vector<16xi32>
            tpu.vector_store_idx %arg7[%parallel_loop3A_126], %parallel_loop3A_120 : memref<32768xf32, #tpu.memory_space<vmem>>[vector<16xi32>], vector<16xf32>,
            %parallel_loop3A_127 = arith.constant 16 : i32
            %parallel_loop3A_128 = arith.muli %parallel_loop3A_90, %parallel_loop3A_127 : i32
            %parallel_loop3A_129 = arith.constant 3 : i32
            %parallel_loop3A_130 = arith.index_cast %parallel_loop3A_129 : i32 to index
            %parallel_loop3A_131 = arith.index_cast %parallel_loop3A_128 : i32 to index
            %parallel_loop3A_132 = tpu.vector_load %arg5[%parallel_loop3A_130, %parallel_loop3A_131] {strides = array<i32>} : memref<16x2048xf32, #tpu.memory_space<vmem>>, vector<16xf32>,
            %parallel_loop3A_133 = arith.constant 256 : i32
            %parallel_loop3A_134 = arith.muli %parallel_loop3A_90, %parallel_loop3A_133 : i32
            %parallel_loop3A_135 = arith.constant 3 : i32
            %parallel_loop3A_136 = arith.addi %parallel_loop3A_134, %parallel_loop3A_135 : i32
            %parallel_loop3A_137 = vector.broadcast %parallel_loop3A_136 : i32 to vector<16xi32>
            %parallel_loop3A_138 = arith.addi %mul3A_84, %parallel_loop3A_137 : vector<16xi32>
            tpu.vector_store_idx %arg7[%parallel_loop3A_138], %parallel_loop3A_132 : memref<32768xf32, #tpu.memory_space<vmem>>[vector<16xi32>], vector<16xf32>,
            %parallel_loop3A_139 = arith.constant 16 : i32
            %parallel_loop3A_140 = arith.muli %parallel_loop3A_90, %parallel_loop3A_139 : i32
            %parallel_loop3A_141 = arith.constant 4 : i32
            %parallel_loop3A_142 = arith.index_cast %parallel_loop3A_141 : i32 to index
            %parallel_loop3A_143 = arith.index_cast %parallel_loop3A_140 : i32 to index
            %parallel_loop3A_144 = tpu.vector_load %arg5[%parallel_loop3A_142, %parallel_loop3A_143] {strides = array<i32>} : memref<16x2048xf32, #tpu.memory_space<vmem>>, vector<16xf32>,
            %parallel_loop3A_145 = arith.constant 256 : i32
            %parallel_loop3A_146 = arith.muli %parallel_loop3A_90, %parallel_loop3A_145 : i32
            %parallel_loop3A_147 = arith.constant 4 : i32
            %parallel_loop3A_148 = arith.addi %parallel_loop3A_146, %parallel_loop3A_147 : i32
            %parallel_loop3A_149 = vector.broadcast %parallel_loop3A_148 : i32 to vector<16xi32>
            %parallel_loop3A_150 = arith.addi %mul3A_84, %parallel_loop3A_149 : vector<16xi32>
            tpu.vector_store_idx %arg7[%parallel_loop3A_150], %parallel_loop3A_144 : memref<32768xf32, #tpu.memory_space<vmem>>[vector<16xi32>], vector<16xf32>,
            %parallel_loop3A_151 = arith.constant 16 : i32
            %parallel_loop3A_152 = arith.muli %parallel_loop3A_90, %parallel_loop3A_151 : i32
            %parallel_loop3A_153 = arith.constant 5 : i32
            %parallel_loop3A_154 = arith.index_cast %parallel_loop3A_153 : i32 to index
            %parallel_loop3A_155 = arith.index_cast %parallel_loop3A_152 : i32 to index
            %parallel_loop3A_156 = tpu.vector_load %arg5[%parallel_loop3A_154, %parallel_loop3A_155] {strides = array<i32>} : memref<16x2048xf32, #tpu.memory_space<vmem>>, vector<16xf32>,
            %parallel_loop3A_157 = arith.constant 256 : i32
            %parallel_loop3A_158 = arith.muli %parallel_loop3A_90, %parallel_loop3A_157 : i32
            %parallel_loop3A_159 = arith.constant 5 : i32
            %parallel_loop3A_160 = arith.addi %parallel_loop3A_158, %parallel_loop3A_159 : i32
            %parallel_loop3A_161 = vector.broadcast %parallel_loop3A_160 : i32 to vector<16xi32>
            %parallel_loop3A_162 = arith.addi %mul3A_84, %parallel_loop3A_161 : vector<16xi32>
            tpu.vector_store_idx %arg7[%parallel_loop3A_162], %parallel_loop3A_156 : memref<32768xf32, #tpu.memory_space<vmem>>[vector<16xi32>], vector<16xf32>,
            %parallel_loop3A_163 = arith.constant 16 : i32
            %parallel_loop3A_164 = arith.muli %parallel_loop3A_90, %parallel_loop3A_163 : i32
            %parallel_loop3A_165 = arith.constant 6 : i32
            %parallel_loop3A_166 = arith.index_cast %parallel_loop3A_165 : i32 to index
            %parallel_loop3A_167 = arith.index_cast %parallel_loop3A_164 : i32 to index
            %parallel_loop3A_168 = tpu.vector_load %arg5[%parallel_loop3A_166, %parallel_loop3A_167] {strides = array<i32>} : memref<16x2048xf32, #tpu.memory_space<vmem>>, vector<16xf32>,
            %parallel_loop3A_169 = arith.constant 256 : i32
            %parallel_loop3A_170 = arith.muli %parallel_loop3A_90, %parallel_loop3A_169 : i32
            %parallel_loop3A_171 = arith.constant 6 : i32
            %parallel_loop3A_172 = arith.addi %parallel_loop3A_170, %parallel_loop3A_171 : i32
            %parallel_loop3A_173 = vector.broadcast %parallel_loop3A_172 : i32 to vector<16xi32>
            %parallel_loop3A_174 = arith.addi %mul3A_84, %parallel_loop3A_173 : vector<16xi32>
            tpu.vector_store_idx %arg7[%parallel_loop3A_174], %parallel_loop3A_168 : memref<32768xf32, #tpu.memory_space<vmem>>[vector<16xi32>], vector<16xf32>,
            %parallel_loop3A_175 = arith.constant 16 : i32
            %parallel_loop3A_176 = arith.muli %parallel_loop3A_90, %parallel_loop3A_175 : i32
            %parallel_loop3A_177 = arith.constant 7 : i32
            %parallel_loop3A_178 = arith.index_cast %parallel_loop3A_177 : i32 to index
            %parallel_loop3A_179 = arith.index_cast %parallel_loop3A_176 : i32 to index
            %parallel_loop3A_180 = tpu.vector_load %arg5[%parallel_loop3A_178, %parallel_loop3A_179] {strides = array<i32>} : memref<16x2048xf32, #tpu.memory_space<vmem>>, vector<16xf32>,
            %parallel_loop3A_181 = arith.constant 256 : i32
            %parallel_loop3A_182 = arith.muli %parallel_loop3A_90, %parallel_loop3A_181 : i32
            %parallel_loop3A_183 = arith.constant 7 : i32
            %parallel_loop3A_184 = arith.addi %parallel_loop3A_182, %parallel_loop3A_183 : i32
            %parallel_loop3A_185 = vector.broadcast %parallel_loop3A_184 : i32 to vector<16xi32>
            %parallel_loop3A_186 = arith.addi %mul3A_84, %parallel_loop3A_185 : vector<16xi32>
            tpu.vector_store_idx %arg7[%parallel_loop3A_186], %parallel_loop3A_180 : memref<32768xf32, #tpu.memory_space<vmem>>[vector<16xi32>], vector<16xf32>,
            %parallel_loop3A_187 = arith.constant 16 : i32
            %parallel_loop3A_188 = arith.muli %parallel_loop3A_90, %parallel_loop3A_187 : i32
            %parallel_loop3A_189 = arith.constant 8 : i32
            %parallel_loop3A_190 = arith.index_cast %parallel_loop3A_189 : i32 to index
            %parallel_loop3A_191 = arith.index_cast %parallel_loop3A_188 : i32 to index
            %parallel_loop3A_192 = tpu.vector_load %arg5[%parallel_loop3A_190, %parallel_loop3A_191] {strides = array<i32>} : memref<16x2048xf32, #tpu.memory_space<vmem>>, vector<16xf32>,
            %parallel_loop3A_193 = arith.constant 256 : i32
            %parallel_loop3A_194 = arith.muli %parallel_loop3A_90, %parallel_loop3A_193 : i32
            %parallel_loop3A_195 = arith.constant 8 : i32
            %parallel_loop3A_196 = arith.addi %parallel_loop3A_194, %parallel_loop3A_195 : i32
            %parallel_loop3A_197 = vector.broadcast %parallel_loop3A_196 : i32 to vector<16xi32>
            %parallel_loop3A_198 = arith.addi %mul3A_84, %parallel_loop3A_197 : vector<16xi32>
            tpu.vector_store_idx %arg7[%parallel_loop3A_198], %parallel_loop3A_192 : memref<32768xf32, #tpu.memory_space<vmem>>[vector<16xi32>], vector<16xf32>,
            %parallel_loop3A_199 = arith.constant 16 : i32
            %parallel_loop3A_200 = arith.muli %parallel_loop3A_90, %parallel_loop3A_199 : i32
            %parallel_loop3A_201 = arith.constant 9 : i32
            %parallel_loop3A_202 = arith.index_cast %parallel_loop3A_201 : i32 to index
            %parallel_loop3A_203 = arith.index_cast %parallel_loop3A_200 : i32 to index
            %parallel_loop3A_204 = tpu.vector_load %arg5[%parallel_loop3A_202, %parallel_loop3A_203] {strides = array<i32>} : memref<16x2048xf32, #tpu.memory_space<vmem>>, vector<16xf32>,
            %parallel_loop3A_205 = arith.constant 256 : i32
            %parallel_loop3A_206 = arith.muli %parallel_loop3A_90, %parallel_loop3A_205 : i32
            %parallel_loop3A_207 = arith.constant 9 : i32
            %parallel_loop3A_208 = arith.addi %parallel_loop3A_206, %parallel_loop3A_207 : i32
            %parallel_loop3A_209 = vector.broadcast %parallel_loop3A_208 : i32 to vector<16xi32>
            %parallel_loop3A_210 = arith.addi %mul3A_84, %parallel_loop3A_209 : vector<16xi32>
            tpu.vector_store_idx %arg7[%parallel_loop3A_210], %parallel_loop3A_204 : memref<32768xf32, #tpu.memory_space<vmem>>[vector<16xi32>], vector<16xf32>,
            %parallel_loop3A_211 = arith.constant 16 : i32
            %parallel_loop3A_212 = arith.muli %parallel_loop3A_90, %parallel_loop3A_211 : i32
            %parallel_loop3A_213 = arith.constant 10 : i32
            %parallel_loop3A_214 = arith.index_cast %parallel_loop3A_213 : i32 to index
            %parallel_loop3A_215 = arith.index_cast %parallel_loop3A_212 : i32 to index
            %parallel_loop3A_216 = tpu.vector_load %arg5[%parallel_loop3A_214, %parallel_loop3A_215] {strides = array<i32>} : memref<16x2048xf32, #tpu.memory_space<vmem>>, vector<16xf32>,
            %parallel_loop3A_217 = arith.constant 256 : i32
            %parallel_loop3A_218 = arith.muli %parallel_loop3A_90, %parallel_loop3A_217 : i32
            %parallel_loop3A_219 = arith.constant 10 : i32
            %parallel_loop3A_220 = arith.addi %parallel_loop3A_218, %parallel_loop3A_219 : i32
            %parallel_loop3A_221 = vector.broadcast %parallel_loop3A_220 : i32 to vector<16xi32>
            %parallel_loop3A_222 = arith.addi %mul3A_84, %parallel_loop3A_221 : vector<16xi32>
            tpu.vector_store_idx %arg7[%parallel_loop3A_222], %parallel_loop3A_216 : memref<32768xf32, #tpu.memory_space<vmem>>[vector<16xi32>], vector<16xf32>,
            %parallel_loop3A_223 = arith.constant 16 : i32
            %parallel_loop3A_224 = arith.muli %parallel_loop3A_90, %parallel_loop3A_223 : i32
            %parallel_loop3A_225 = arith.constant 11 : i32
            %parallel_loop3A_226 = arith.index_cast %parallel_loop3A_225 : i32 to index
            %parallel_loop3A_227 = arith.index_cast %parallel_loop3A_224 : i32 to index
            %parallel_loop3A_228 = tpu.vector_load %arg5[%parallel_loop3A_226, %parallel_loop3A_227] {strides = array<i32>} : memref<16x2048xf32, #tpu.memory_space<vmem>>, vector<16xf32>,
            %parallel_loop3A_229 = arith.constant 256 : i32
            %parallel_loop3A_230 = arith.muli %parallel_loop3A_90, %parallel_loop3A_229 : i32
            %parallel_loop3A_231 = arith.constant 11 : i32
            %parallel_loop3A_232 = arith.addi %parallel_loop3A_230, %parallel_loop3A_231 : i32
            %parallel_loop3A_233 = vector.broadcast %parallel_loop3A_232 : i32 to vector<16xi32>
            %parallel_loop3A_234 = arith.addi %mul3A_84, %parallel_loop3A_233 : vector<16xi32>
            tpu.vector_store_idx %arg7[%parallel_loop3A_234], %parallel_loop3A_228 : memref<32768xf32, #tpu.memory_space<vmem>>[vector<16xi32>], vector<16xf32>,
            %parallel_loop3A_235 = arith.constant 16 : i32
            %parallel_loop3A_236 = arith.muli %parallel_loop3A_90, %parallel_loop3A_235 : i32
            %parallel_loop3A_237 = arith.constant 12 : i32
            %parallel_loop3A_238 = arith.index_cast %parallel_loop3A_237 : i32 to index
            %parallel_loop3A_239 = arith.index_cast %parallel_loop3A_236 : i32 to index
            %parallel_loop3A_240 = tpu.vector_load %arg5[%parallel_loop3A_238, %parallel_loop3A_239] {strides = array<i32>} : memref<16x2048xf32, #tpu.memory_space<vmem>>, vector<16xf32>,
            %parallel_loop3A_241 = arith.constant 256 : i32
            %parallel_loop3A_242 = arith.muli %parallel_loop3A_90, %parallel_loop3A_241 : i32
            %parallel_loop3A_243 = arith.constant 12 : i32
            %parallel_loop3A_244 = arith.addi %parallel_loop3A_242, %parallel_loop3A_243 : i32
            %parallel_loop3A_245 = vector.broadcast %parallel_loop3A_244 : i32 to vector<16xi32>
            %parallel_loop3A_246 = arith.addi %mul3A_84, %parallel_loop3A_245 : vector<16xi32>
            tpu.vector_store_idx %arg7[%parallel_loop3A_246], %parallel_loop3A_240 : memref<32768xf32, #tpu.memory_space<vmem>>[vector<16xi32>], vector<16xf32>,
            %parallel_loop3A_247 = arith.constant 16 : i32
            %parallel_loop3A_248 = arith.muli %parallel_loop3A_90, %parallel_loop3A_247 : i32
            %parallel_loop3A_249 = arith.constant 13 : i32
            %parallel_loop3A_250 = arith.index_cast %parallel_loop3A_249 : i32 to index
            %parallel_loop3A_251 = arith.index_cast %parallel_loop3A_248 : i32 to index
            %parallel_loop3A_252 = tpu.vector_load %arg5[%parallel_loop3A_250, %parallel_loop3A_251] {strides = array<i32>} : memref<16x2048xf32, #tpu.memory_space<vmem>>, vector<16xf32>,
            %parallel_loop3A_253 = arith.constant 256 : i32
            %parallel_loop3A_254 = arith.muli %parallel_loop3A_90, %parallel_loop3A_253 : i32
            %parallel_loop3A_255 = arith.constant 13 : i32
            %parallel_loop3A_256 = arith.addi %parallel_loop3A_254, %parallel_loop3A_255 : i32
            %parallel_loop3A_257 = vector.broadcast %parallel_loop3A_256 : i32 to vector<16xi32>
            %parallel_loop3A_258 = arith.addi %mul3A_84, %parallel_loop3A_257 : vector<16xi32>
            tpu.vector_store_idx %arg7[%parallel_loop3A_258], %parallel_loop3A_252 : memref<32768xf32, #tpu.memory_space<vmem>>[vector<16xi32>], vector<16xf32>,
            %parallel_loop3A_259 = arith.constant 16 : i32
            %parallel_loop3A_260 = arith.muli %parallel_loop3A_90, %parallel_loop3A_259 : i32
            %parallel_loop3A_261 = arith.constant 14 : i32
            %parallel_loop3A_262 = arith.index_cast %parallel_loop3A_261 : i32 to index
            %parallel_loop3A_263 = arith.index_cast %parallel_loop3A_260 : i32 to index
            %parallel_loop3A_264 = tpu.vector_load %arg5[%parallel_loop3A_262, %parallel_loop3A_263] {strides = array<i32>} : memref<16x2048xf32, #tpu.memory_space<vmem>>, vector<16xf32>,
            %parallel_loop3A_265 = arith.constant 256 : i32
            %parallel_loop3A_266 = arith.muli %parallel_loop3A_90, %parallel_loop3A_265 : i32
            %parallel_loop3A_267 = arith.constant 14 : i32
            %parallel_loop3A_268 = arith.addi %parallel_loop3A_266, %parallel_loop3A_267 : i32
            %parallel_loop3A_269 = vector.broadcast %parallel_loop3A_268 : i32 to vector<16xi32>
            %parallel_loop3A_270 = arith.addi %mul3A_84, %parallel_loop3A_269 : vector<16xi32>
            tpu.vector_store_idx %arg7[%parallel_loop3A_270], %parallel_loop3A_264 : memref<32768xf32, #tpu.memory_space<vmem>>[vector<16xi32>], vector<16xf32>,
            %parallel_loop3A_271 = arith.constant 16 : i32
            %parallel_loop3A_272 = arith.muli %parallel_loop3A_90, %parallel_loop3A_271 : i32
            %parallel_loop3A_273 = arith.constant 15 : i32
            %parallel_loop3A_274 = arith.index_cast %parallel_loop3A_273 : i32 to index
            %parallel_loop3A_275 = arith.index_cast %parallel_loop3A_272 : i32 to index
            %parallel_loop3A_276 = tpu.vector_load %arg5[%parallel_loop3A_274, %parallel_loop3A_275] {strides = array<i32>} : memref<16x2048xf32, #tpu.memory_space<vmem>>, vector<16xf32>,
            %parallel_loop3A_277 = arith.constant 256 : i32
            %parallel_loop3A_278 = arith.muli %parallel_loop3A_90, %parallel_loop3A_277 : i32
            %parallel_loop3A_279 = arith.constant 15 : i32
            %parallel_loop3A_280 = arith.addi %parallel_loop3A_278, %parallel_loop3A_279 : i32
            %parallel_loop3A_281 = vector.broadcast %parallel_loop3A_280 : i32 to vector<16xi32>
            %parallel_loop3A_282 = arith.addi %mul3A_84, %parallel_loop3A_281 : vector<16xi32>
            tpu.vector_store_idx %arg7[%parallel_loop3A_282], %parallel_loop3A_276 : memref<32768xf32, #tpu.memory_space<vmem>>[vector<16xi32>], vector<16xf32>,
          } {sc.loop_unroll_factor = 2 : i64, sc.parallel_access}
          %mul3A_87 = arith.constant 32768 : i32
          %mul3A_88 = arith.muli %add3A_22, %mul3A_87 : i32
          %dma_start3A = tpu.memref_slice %arg3[%mul3A_88] : memref<16640000xf32, #tpu.memory_space<hbm>> -> memref<32768xf32, #tpu.memory_space<hbm>>
          %dma_start3A_89 = tpu.memref_slice %arg3[%mul3A_88] : memref<16640000xf32, #tpu.memory_space<hbm>> -> memref<32768xf32, #tpu.memory_space<hbm>>
          tpu.enqueue_dma source(%arg7 : memref<32768xf32, #tpu.memory_space<vmem>>) target(%dma_start3A_89 : memref<32768xf32, #tpu.memory_space<hbm>>) target_semaphore(%arg11 : memref<!tpu.dma_semaphore, #tpu.memory_space<semaphore_mem>>)
        } else {
        }
      } else {
      }
    }
    %scan3A_7 = arith.constant 16 : i32
    %dma_wait3A = arith.constant 0 : i32
    %dma_wait3A_8 = tpu.memref_slice %arg3[%dma_wait3A] : memref<16640000xf32, #tpu.memory_space<hbm>> -> memref<32768xf32, #tpu.memory_space<hbm>>
    %dma_wait3A_9 = arith.constant 0 : i32
    %dma_wait3A_10 = tpu.memref_slice %arg3[%dma_wait3A_9] : memref<16640000xf32, #tpu.memory_space<hbm>> -> memref<32768xf32, #tpu.memory_space<hbm>>
    tpu.wait_dma2 semaphore(%arg10 : memref<!tpu.dma_semaphore, #tpu.memory_space<semaphore_mem>>) src(%arg6 : memref<32768xf32, #tpu.memory_space<vmem>>) dst(%dma_wait3A_10 : memref<32768xf32, #tpu.memory_space<hbm>>)
    %dma_wait3A_11 = arith.constant 0 : i32
    %dma_wait3A_12 = tpu.memref_slice %arg3[%dma_wait3A_11] : memref<16640000xf32, #tpu.memory_space<hbm>> -> memref<32768xf32, #tpu.memory_space<hbm>>
    %dma_wait3A_13 = arith.constant 0 : i32
    %dma_wait3A_14 = tpu.memref_slice %arg3[%dma_wait3A_13] : memref<16640000xf32, #tpu.memory_space<hbm>> -> memref<32768xf32, #tpu.memory_space<hbm>>
    tpu.wait_dma2 semaphore(%arg11 : memref<!tpu.dma_semaphore, #tpu.memory_space<semaphore_mem>>) src(%arg7 : memref<32768xf32, #tpu.memory_space<vmem>>) dst(%dma_wait3A_14 : memref<32768xf32, #tpu.memory_space<hbm>>)
    %eq3A = arith.constant 27 : i32
    %eq3A_15 = arith.cmpi eq, %add3A, %eq3A : i32
    %convert_element_type3A_16 = arith.extui %eq3A_15 : i1 to i32
    %cond3A_17 = arith.constant 0 : i32
    %cond3A_18 = arith.cmpi ne, %convert_element_type3A_16, %cond3A_17 : i32
    scf.if %cond3A_18 {
      "tpu.region"() ({
        %run_scoped3A = tpu.sem_alloc : memref<!tpu.dma_semaphore, #tpu.memory_space<semaphore_mem>>
        %dma_start3A = arith.constant 0 : i32
        %dma_start3A_24 = arith.constant 0 : i32
        %dma_start3A_25 = tpu.memref_slice %arg4[%dma_start3A, %dma_start3A_24] : memref<16x2048xf32, #tpu.memory_space<vmem>> -> memref<16x1664xf32, #tpu.memory_space<vmem>>
        %dma_start3A_26 = arith.constant 0 : i32
        %dma_start3A_27 = arith.constant 1038336 : i32
        %dma_start3A_28 = tpu.memref_slice %arg2[%dma_start3A_26, %dma_start3A_27] : memref<16x1040000xf32, #tpu.memory_space<hbm>> -> memref<16x1664xf32, #tpu.memory_space<hbm>>
        %dma_start3A_29 = arith.constant 0 : i32
        %dma_start3A_30 = arith.constant 0 : i32
        %dma_start3A_31 = tpu.memref_slice %arg4[%dma_start3A_29, %dma_start3A_30] : memref<16x2048xf32, #tpu.memory_space<vmem>> -> memref<16x1664xf32, #tpu.memory_space<vmem>>
        %dma_start3A_32 = arith.constant 0 : i32
        %dma_start3A_33 = arith.constant 1038336 : i32
        %dma_start3A_34 = tpu.memref_slice %arg2[%dma_start3A_32, %dma_start3A_33] : memref<16x1040000xf32, #tpu.memory_space<hbm>> -> memref<16x1664xf32, #tpu.memory_space<hbm>>
        tpu.enqueue_dma source(%dma_start3A_34 : memref<16x1664xf32, #tpu.memory_space<hbm>>) target(%dma_start3A_31 : memref<16x1664xf32, #tpu.memory_space<vmem>>) target_semaphore(%run_scoped3A : memref<!tpu.dma_semaphore, #tpu.memory_space<semaphore_mem>>)
        %dma_wait3A_35 = arith.constant 0 : i32
        %dma_wait3A_36 = arith.constant 0 : i32
        %dma_wait3A_37 = tpu.memref_slice %arg4[%dma_wait3A_35, %dma_wait3A_36] : memref<16x2048xf32, #tpu.memory_space<vmem>> -> memref<16x1664xf32, #tpu.memory_space<vmem>>
        %dma_wait3A_38 = arith.constant 0 : i32
        %dma_wait3A_39 = arith.constant 1038336 : i32
        %dma_wait3A_40 = tpu.memref_slice %arg2[%dma_wait3A_38, %dma_wait3A_39] : memref<16x1040000xf32, #tpu.memory_space<hbm>> -> memref<16x1664xf32, #tpu.memory_space<hbm>>
        %dma_wait3A_41 = arith.constant 0 : i32
        %dma_wait3A_42 = arith.constant 0 : i32
        %dma_wait3A_43 = tpu.memref_slice %arg4[%dma_wait3A_41, %dma_wait3A_42] : memref<16x2048xf32, #tpu.memory_space<vmem>> -> memref<16x1664xf32, #tpu.memory_space<vmem>>
        %dma_wait3A_44 = arith.constant 0 : i32
        %dma_wait3A_45 = arith.constant 1038336 : i32
        %dma_wait3A_46 = tpu.memref_slice %arg2[%dma_wait3A_44, %dma_wait3A_45] : memref<16x1040000xf32, #tpu.memory_space<hbm>> -> memref<16x1664xf32, #tpu.memory_space<hbm>>
        tpu.wait_dma2 semaphore(%run_scoped3A : memref<!tpu.dma_semaphore, #tpu.memory_space<semaphore_mem>>) src(%dma_wait3A_46 : memref<16x1664xf32, #tpu.memory_space<hbm>>) dst(%dma_wait3A_43 : memref<16x1664xf32, #tpu.memory_space<vmem>>)
        tpu.yield
      }) : () -> ()
      %mul3A_19 = arith.constant 16 : i32
      %mul3A_20 = vector.broadcast %mul3A_19 : i32 to vector<16xi32>
      %mul3A_21 = arith.muli %iota3A, %mul3A_20 : vector<16xi32>
      %parallel_loop3A = arith.constant 0 : i32
      %parallel_loop3A_22 = arith.constant 104 : i32
      %parallel_loop3A_23 = arith.constant 1 : i32
      scf.for %parallel_loop3A_24 = %parallel_loop3A to %parallel_loop3A_22 step %parallel_loop3A_23  : i32 {
        %parallel_loop3A_25 = arith.constant 16 : i32
        %parallel_loop3A_26 = arith.muli %parallel_loop3A_24, %parallel_loop3A_25 : i32
        %parallel_loop3A_27 = arith.constant 0 : i32
        %parallel_loop3A_28 = arith.index_cast %parallel_loop3A_27 : i32 to index
        %parallel_loop3A_29 = arith.index_cast %parallel_loop3A_26 : i32 to index
        %parallel_loop3A_30 = tpu.vector_load %arg4[%parallel_loop3A_28, %parallel_loop3A_29] {strides = array<i32>} : memref<16x2048xf32, #tpu.memory_space<vmem>>, vector<16xf32>,
        %parallel_loop3A_31 = arith.constant 256 : i32
        %parallel_loop3A_32 = arith.muli %parallel_loop3A_24, %parallel_loop3A_31 : i32
        %parallel_loop3A_33 = arith.constant 0 : i32
        %parallel_loop3A_34 = arith.addi %parallel_loop3A_32, %parallel_loop3A_33 : i32
        %parallel_loop3A_35 = vector.broadcast %parallel_loop3A_34 : i32 to vector<16xi32>
        %parallel_loop3A_36 = arith.addi %mul3A_21, %parallel_loop3A_35 : vector<16xi32>
        tpu.vector_store_idx %arg6[%parallel_loop3A_36], %parallel_loop3A_30 : memref<32768xf32, #tpu.memory_space<vmem>>[vector<16xi32>], vector<16xf32>,
        %parallel_loop3A_37 = arith.constant 16 : i32
        %parallel_loop3A_38 = arith.muli %parallel_loop3A_24, %parallel_loop3A_37 : i32
        %parallel_loop3A_39 = arith.constant 1 : i32
        %parallel_loop3A_40 = arith.index_cast %parallel_loop3A_39 : i32 to index
        %parallel_loop3A_41 = arith.index_cast %parallel_loop3A_38 : i32 to index
        %parallel_loop3A_42 = tpu.vector_load %arg4[%parallel_loop3A_40, %parallel_loop3A_41] {strides = array<i32>} : memref<16x2048xf32, #tpu.memory_space<vmem>>, vector<16xf32>,
        %parallel_loop3A_43 = arith.constant 256 : i32
        %parallel_loop3A_44 = arith.muli %parallel_loop3A_24, %parallel_loop3A_43 : i32
        %parallel_loop3A_45 = arith.constant 1 : i32
        %parallel_loop3A_46 = arith.addi %parallel_loop3A_44, %parallel_loop3A_45 : i32
        %parallel_loop3A_47 = vector.broadcast %parallel_loop3A_46 : i32 to vector<16xi32>
        %parallel_loop3A_48 = arith.addi %mul3A_21, %parallel_loop3A_47 : vector<16xi32>
        tpu.vector_store_idx %arg6[%parallel_loop3A_48], %parallel_loop3A_42 : memref<32768xf32, #tpu.memory_space<vmem>>[vector<16xi32>], vector<16xf32>,
        %parallel_loop3A_49 = arith.constant 16 : i32
        %parallel_loop3A_50 = arith.muli %parallel_loop3A_24, %parallel_loop3A_49 : i32
        %parallel_loop3A_51 = arith.constant 2 : i32
        %parallel_loop3A_52 = arith.index_cast %parallel_loop3A_51 : i32 to index
        %parallel_loop3A_53 = arith.index_cast %parallel_loop3A_50 : i32 to index
        %parallel_loop3A_54 = tpu.vector_load %arg4[%parallel_loop3A_52, %parallel_loop3A_53] {strides = array<i32>} : memref<16x2048xf32, #tpu.memory_space<vmem>>, vector<16xf32>,
        %parallel_loop3A_55 = arith.constant 256 : i32
        %parallel_loop3A_56 = arith.muli %parallel_loop3A_24, %parallel_loop3A_55 : i32
        %parallel_loop3A_57 = arith.constant 2 : i32
        %parallel_loop3A_58 = arith.addi %parallel_loop3A_56, %parallel_loop3A_57 : i32
        %parallel_loop3A_59 = vector.broadcast %parallel_loop3A_58 : i32 to vector<16xi32>
        %parallel_loop3A_60 = arith.addi %mul3A_21, %parallel_loop3A_59 : vector<16xi32>
        tpu.vector_store_idx %arg6[%parallel_loop3A_60], %parallel_loop3A_54 : memref<32768xf32, #tpu.memory_space<vmem>>[vector<16xi32>], vector<16xf32>,
        %parallel_loop3A_61 = arith.constant 16 : i32
        %parallel_loop3A_62 = arith.muli %parallel_loop3A_24, %parallel_loop3A_61 : i32
        %parallel_loop3A_63 = arith.constant 3 : i32
        %parallel_loop3A_64 = arith.index_cast %parallel_loop3A_63 : i32 to index
        %parallel_loop3A_65 = arith.index_cast %parallel_loop3A_62 : i32 to index
        %parallel_loop3A_66 = tpu.vector_load %arg4[%parallel_loop3A_64, %parallel_loop3A_65] {strides = array<i32>} : memref<16x2048xf32, #tpu.memory_space<vmem>>, vector<16xf32>,
        %parallel_loop3A_67 = arith.constant 256 : i32
        %parallel_loop3A_68 = arith.muli %parallel_loop3A_24, %parallel_loop3A_67 : i32
        %parallel_loop3A_69 = arith.constant 3 : i32
        %parallel_loop3A_70 = arith.addi %parallel_loop3A_68, %parallel_loop3A_69 : i32
        %parallel_loop3A_71 = vector.broadcast %parallel_loop3A_70 : i32 to vector<16xi32>
        %parallel_loop3A_72 = arith.addi %mul3A_21, %parallel_loop3A_71 : vector<16xi32>
        tpu.vector_store_idx %arg6[%parallel_loop3A_72], %parallel_loop3A_66 : memref<32768xf32, #tpu.memory_space<vmem>>[vector<16xi32>], vector<16xf32>,
        %parallel_loop3A_73 = arith.constant 16 : i32
        %parallel_loop3A_74 = arith.muli %parallel_loop3A_24, %parallel_loop3A_73 : i32
        %parallel_loop3A_75 = arith.constant 4 : i32
        %parallel_loop3A_76 = arith.index_cast %parallel_loop3A_75 : i32 to index
        %parallel_loop3A_77 = arith.index_cast %parallel_loop3A_74 : i32 to index
        %parallel_loop3A_78 = tpu.vector_load %arg4[%parallel_loop3A_76, %parallel_loop3A_77] {strides = array<i32>} : memref<16x2048xf32, #tpu.memory_space<vmem>>, vector<16xf32>,
        %parallel_loop3A_79 = arith.constant 256 : i32
        %parallel_loop3A_80 = arith.muli %parallel_loop3A_24, %parallel_loop3A_79 : i32
        %parallel_loop3A_81 = arith.constant 4 : i32
        %parallel_loop3A_82 = arith.addi %parallel_loop3A_80, %parallel_loop3A_81 : i32
        %parallel_loop3A_83 = vector.broadcast %parallel_loop3A_82 : i32 to vector<16xi32>
        %parallel_loop3A_84 = arith.addi %mul3A_21, %parallel_loop3A_83 : vector<16xi32>
        tpu.vector_store_idx %arg6[%parallel_loop3A_84], %parallel_loop3A_78 : memref<32768xf32, #tpu.memory_space<vmem>>[vector<16xi32>], vector<16xf32>,
        %parallel_loop3A_85 = arith.constant 16 : i32
        %parallel_loop3A_86 = arith.muli %parallel_loop3A_24, %parallel_loop3A_85 : i32
        %parallel_loop3A_87 = arith.constant 5 : i32
        %parallel_loop3A_88 = arith.index_cast %parallel_loop3A_87 : i32 to index
        %parallel_loop3A_89 = arith.index_cast %parallel_loop3A_86 : i32 to index
        %parallel_loop3A_90 = tpu.vector_load %arg4[%parallel_loop3A_88, %parallel_loop3A_89] {strides = array<i32>} : memref<16x2048xf32, #tpu.memory_space<vmem>>, vector<16xf32>,
        %parallel_loop3A_91 = arith.constant 256 : i32
        %parallel_loop3A_92 = arith.muli %parallel_loop3A_24, %parallel_loop3A_91 : i32
        %parallel_loop3A_93 = arith.constant 5 : i32
        %parallel_loop3A_94 = arith.addi %parallel_loop3A_92, %parallel_loop3A_93 : i32
        %parallel_loop3A_95 = vector.broadcast %parallel_loop3A_94 : i32 to vector<16xi32>
        %parallel_loop3A_96 = arith.addi %mul3A_21, %parallel_loop3A_95 : vector<16xi32>
        tpu.vector_store_idx %arg6[%parallel_loop3A_96], %parallel_loop3A_90 : memref<32768xf32, #tpu.memory_space<vmem>>[vector<16xi32>], vector<16xf32>,
        %parallel_loop3A_97 = arith.constant 16 : i32
        %parallel_loop3A_98 = arith.muli %parallel_loop3A_24, %parallel_loop3A_97 : i32
        %parallel_loop3A_99 = arith.constant 6 : i32
        %parallel_loop3A_100 = arith.index_cast %parallel_loop3A_99 : i32 to index
        %parallel_loop3A_101 = arith.index_cast %parallel_loop3A_98 : i32 to index
        %parallel_loop3A_102 = tpu.vector_load %arg4[%parallel_loop3A_100, %parallel_loop3A_101] {strides = array<i32>} : memref<16x2048xf32, #tpu.memory_space<vmem>>, vector<16xf32>,
        %parallel_loop3A_103 = arith.constant 256 : i32
        %parallel_loop3A_104 = arith.muli %parallel_loop3A_24, %parallel_loop3A_103 : i32
        %parallel_loop3A_105 = arith.constant 6 : i32
        %parallel_loop3A_106 = arith.addi %parallel_loop3A_104, %parallel_loop3A_105 : i32
        %parallel_loop3A_107 = vector.broadcast %parallel_loop3A_106 : i32 to vector<16xi32>
        %parallel_loop3A_108 = arith.addi %mul3A_21, %parallel_loop3A_107 : vector<16xi32>
        tpu.vector_store_idx %arg6[%parallel_loop3A_108], %parallel_loop3A_102 : memref<32768xf32, #tpu.memory_space<vmem>>[vector<16xi32>], vector<16xf32>,
        %parallel_loop3A_109 = arith.constant 16 : i32
        %parallel_loop3A_110 = arith.muli %parallel_loop3A_24, %parallel_loop3A_109 : i32
        %parallel_loop3A_111 = arith.constant 7 : i32
        %parallel_loop3A_112 = arith.index_cast %parallel_loop3A_111 : i32 to index
        %parallel_loop3A_113 = arith.index_cast %parallel_loop3A_110 : i32 to index
        %parallel_loop3A_114 = tpu.vector_load %arg4[%parallel_loop3A_112, %parallel_loop3A_113] {strides = array<i32>} : memref<16x2048xf32, #tpu.memory_space<vmem>>, vector<16xf32>,
        %parallel_loop3A_115 = arith.constant 256 : i32
        %parallel_loop3A_116 = arith.muli %parallel_loop3A_24, %parallel_loop3A_115 : i32
        %parallel_loop3A_117 = arith.constant 7 : i32
        %parallel_loop3A_118 = arith.addi %parallel_loop3A_116, %parallel_loop3A_117 : i32
        %parallel_loop3A_119 = vector.broadcast %parallel_loop3A_118 : i32 to vector<16xi32>
        %parallel_loop3A_120 = arith.addi %mul3A_21, %parallel_loop3A_119 : vector<16xi32>
        tpu.vector_store_idx %arg6[%parallel_loop3A_120], %parallel_loop3A_114 : memref<32768xf32, #tpu.memory_space<vmem>>[vector<16xi32>], vector<16xf32>,
        %parallel_loop3A_121 = arith.constant 16 : i32
        %parallel_loop3A_122 = arith.muli %parallel_loop3A_24, %parallel_loop3A_121 : i32
        %parallel_loop3A_123 = arith.constant 8 : i32
        %parallel_loop3A_124 = arith.index_cast %parallel_loop3A_123 : i32 to index
        %parallel_loop3A_125 = arith.index_cast %parallel_loop3A_122 : i32 to index
        %parallel_loop3A_126 = tpu.vector_load %arg4[%parallel_loop3A_124, %parallel_loop3A_125] {strides = array<i32>} : memref<16x2048xf32, #tpu.memory_space<vmem>>, vector<16xf32>,
        %parallel_loop3A_127 = arith.constant 256 : i32
        %parallel_loop3A_128 = arith.muli %parallel_loop3A_24, %parallel_loop3A_127 : i32
        %parallel_loop3A_129 = arith.constant 8 : i32
        %parallel_loop3A_130 = arith.addi %parallel_loop3A_128, %parallel_loop3A_129 : i32
        %parallel_loop3A_131 = vector.broadcast %parallel_loop3A_130 : i32 to vector<16xi32>
        %parallel_loop3A_132 = arith.addi %mul3A_21, %parallel_loop3A_131 : vector<16xi32>
        tpu.vector_store_idx %arg6[%parallel_loop3A_132], %parallel_loop3A_126 : memref<32768xf32, #tpu.memory_space<vmem>>[vector<16xi32>], vector<16xf32>,
        %parallel_loop3A_133 = arith.constant 16 : i32
        %parallel_loop3A_134 = arith.muli %parallel_loop3A_24, %parallel_loop3A_133 : i32
        %parallel_loop3A_135 = arith.constant 9 : i32
        %parallel_loop3A_136 = arith.index_cast %parallel_loop3A_135 : i32 to index
        %parallel_loop3A_137 = arith.index_cast %parallel_loop3A_134 : i32 to index
        %parallel_loop3A_138 = tpu.vector_load %arg4[%parallel_loop3A_136, %parallel_loop3A_137] {strides = array<i32>} : memref<16x2048xf32, #tpu.memory_space<vmem>>, vector<16xf32>,
        %parallel_loop3A_139 = arith.constant 256 : i32
        %parallel_loop3A_140 = arith.muli %parallel_loop3A_24, %parallel_loop3A_139 : i32
        %parallel_loop3A_141 = arith.constant 9 : i32
        %parallel_loop3A_142 = arith.addi %parallel_loop3A_140, %parallel_loop3A_141 : i32
        %parallel_loop3A_143 = vector.broadcast %parallel_loop3A_142 : i32 to vector<16xi32>
        %parallel_loop3A_144 = arith.addi %mul3A_21, %parallel_loop3A_143 : vector<16xi32>
        tpu.vector_store_idx %arg6[%parallel_loop3A_144], %parallel_loop3A_138 : memref<32768xf32, #tpu.memory_space<vmem>>[vector<16xi32>], vector<16xf32>,
        %parallel_loop3A_145 = arith.constant 16 : i32
        %parallel_loop3A_146 = arith.muli %parallel_loop3A_24, %parallel_loop3A_145 : i32
        %parallel_loop3A_147 = arith.constant 10 : i32
        %parallel_loop3A_148 = arith.index_cast %parallel_loop3A_147 : i32 to index
        %parallel_loop3A_149 = arith.index_cast %parallel_loop3A_146 : i32 to index
        %parallel_loop3A_150 = tpu.vector_load %arg4[%parallel_loop3A_148, %parallel_loop3A_149] {strides = array<i32>} : memref<16x2048xf32, #tpu.memory_space<vmem>>, vector<16xf32>,
        %parallel_loop3A_151 = arith.constant 256 : i32
        %parallel_loop3A_152 = arith.muli %parallel_loop3A_24, %parallel_loop3A_151 : i32
        %parallel_loop3A_153 = arith.constant 10 : i32
        %parallel_loop3A_154 = arith.addi %parallel_loop3A_152, %parallel_loop3A_153 : i32
        %parallel_loop3A_155 = vector.broadcast %parallel_loop3A_154 : i32 to vector<16xi32>
        %parallel_loop3A_156 = arith.addi %mul3A_21, %parallel_loop3A_155 : vector<16xi32>
        tpu.vector_store_idx %arg6[%parallel_loop3A_156], %parallel_loop3A_150 : memref<32768xf32, #tpu.memory_space<vmem>>[vector<16xi32>], vector<16xf32>,
        %parallel_loop3A_157 = arith.constant 16 : i32
        %parallel_loop3A_158 = arith.muli %parallel_loop3A_24, %parallel_loop3A_157 : i32
        %parallel_loop3A_159 = arith.constant 11 : i32
        %parallel_loop3A_160 = arith.index_cast %parallel_loop3A_159 : i32 to index
        %parallel_loop3A_161 = arith.index_cast %parallel_loop3A_158 : i32 to index
        %parallel_loop3A_162 = tpu.vector_load %arg4[%parallel_loop3A_160, %parallel_loop3A_161] {strides = array<i32>} : memref<16x2048xf32, #tpu.memory_space<vmem>>, vector<16xf32>,
        %parallel_loop3A_163 = arith.constant 256 : i32
        %parallel_loop3A_164 = arith.muli %parallel_loop3A_24, %parallel_loop3A_163 : i32
        %parallel_loop3A_165 = arith.constant 11 : i32
        %parallel_loop3A_166 = arith.addi %parallel_loop3A_164, %parallel_loop3A_165 : i32
        %parallel_loop3A_167 = vector.broadcast %parallel_loop3A_166 : i32 to vector<16xi32>
        %parallel_loop3A_168 = arith.addi %mul3A_21, %parallel_loop3A_167 : vector<16xi32>
        tpu.vector_store_idx %arg6[%parallel_loop3A_168], %parallel_loop3A_162 : memref<32768xf32, #tpu.memory_space<vmem>>[vector<16xi32>], vector<16xf32>,
        %parallel_loop3A_169 = arith.constant 16 : i32
        %parallel_loop3A_170 = arith.muli %parallel_loop3A_24, %parallel_loop3A_169 : i32
        %parallel_loop3A_171 = arith.constant 12 : i32
        %parallel_loop3A_172 = arith.index_cast %parallel_loop3A_171 : i32 to index
        %parallel_loop3A_173 = arith.index_cast %parallel_loop3A_170 : i32 to index
        %parallel_loop3A_174 = tpu.vector_load %arg4[%parallel_loop3A_172, %parallel_loop3A_173] {strides = array<i32>} : memref<16x2048xf32, #tpu.memory_space<vmem>>, vector<16xf32>,
        %parallel_loop3A_175 = arith.constant 256 : i32
        %parallel_loop3A_176 = arith.muli %parallel_loop3A_24, %parallel_loop3A_175 : i32
        %parallel_loop3A_177 = arith.constant 12 : i32
        %parallel_loop3A_178 = arith.addi %parallel_loop3A_176, %parallel_loop3A_177 : i32
        %parallel_loop3A_179 = vector.broadcast %parallel_loop3A_178 : i32 to vector<16xi32>
        %parallel_loop3A_180 = arith.addi %mul3A_21, %parallel_loop3A_179 : vector<16xi32>
        tpu.vector_store_idx %arg6[%parallel_loop3A_180], %parallel_loop3A_174 : memref<32768xf32, #tpu.memory_space<vmem>>[vector<16xi32>], vector<16xf32>,
        %parallel_loop3A_181 = arith.constant 16 : i32
        %parallel_loop3A_182 = arith.muli %parallel_loop3A_24, %parallel_loop3A_181 : i32
        %parallel_loop3A_183 = arith.constant 13 : i32
        %parallel_loop3A_184 = arith.index_cast %parallel_loop3A_183 : i32 to index
        %parallel_loop3A_185 = arith.index_cast %parallel_loop3A_182 : i32 to index
        %parallel_loop3A_186 = tpu.vector_load %arg4[%parallel_loop3A_184, %parallel_loop3A_185] {strides = array<i32>} : memref<16x2048xf32, #tpu.memory_space<vmem>>, vector<16xf32>,
        %parallel_loop3A_187 = arith.constant 256 : i32
        %parallel_loop3A_188 = arith.muli %parallel_loop3A_24, %parallel_loop3A_187 : i32
        %parallel_loop3A_189 = arith.constant 13 : i32
        %parallel_loop3A_190 = arith.addi %parallel_loop3A_188, %parallel_loop3A_189 : i32
        %parallel_loop3A_191 = vector.broadcast %parallel_loop3A_190 : i32 to vector<16xi32>
        %parallel_loop3A_192 = arith.addi %mul3A_21, %parallel_loop3A_191 : vector<16xi32>
        tpu.vector_store_idx %arg6[%parallel_loop3A_192], %parallel_loop3A_186 : memref<32768xf32, #tpu.memory_space<vmem>>[vector<16xi32>], vector<16xf32>,
        %parallel_loop3A_193 = arith.constant 16 : i32
        %parallel_loop3A_194 = arith.muli %parallel_loop3A_24, %parallel_loop3A_193 : i32
        %parallel_loop3A_195 = arith.constant 14 : i32
        %parallel_loop3A_196 = arith.index_cast %parallel_loop3A_195 : i32 to index
        %parallel_loop3A_197 = arith.index_cast %parallel_loop3A_194 : i32 to index
        %parallel_loop3A_198 = tpu.vector_load %arg4[%parallel_loop3A_196, %parallel_loop3A_197] {strides = array<i32>} : memref<16x2048xf32, #tpu.memory_space<vmem>>, vector<16xf32>,
        %parallel_loop3A_199 = arith.constant 256 : i32
        %parallel_loop3A_200 = arith.muli %parallel_loop3A_24, %parallel_loop3A_199 : i32
        %parallel_loop3A_201 = arith.constant 14 : i32
        %parallel_loop3A_202 = arith.addi %parallel_loop3A_200, %parallel_loop3A_201 : i32
        %parallel_loop3A_203 = vector.broadcast %parallel_loop3A_202 : i32 to vector<16xi32>
        %parallel_loop3A_204 = arith.addi %mul3A_21, %parallel_loop3A_203 : vector<16xi32>
        tpu.vector_store_idx %arg6[%parallel_loop3A_204], %parallel_loop3A_198 : memref<32768xf32, #tpu.memory_space<vmem>>[vector<16xi32>], vector<16xf32>,
        %parallel_loop3A_205 = arith.constant 16 : i32
        %parallel_loop3A_206 = arith.muli %parallel_loop3A_24, %parallel_loop3A_205 : i32
        %parallel_loop3A_207 = arith.constant 15 : i32
        %parallel_loop3A_208 = arith.index_cast %parallel_loop3A_207 : i32 to index
        %parallel_loop3A_209 = arith.index_cast %parallel_loop3A_206 : i32 to index
        %parallel_loop3A_210 = tpu.vector_load %arg4[%parallel_loop3A_208, %parallel_loop3A_209] {strides = array<i32>} : memref<16x2048xf32, #tpu.memory_space<vmem>>, vector<16xf32>,
        %parallel_loop3A_211 = arith.constant 256 : i32
        %parallel_loop3A_212 = arith.muli %parallel_loop3A_24, %parallel_loop3A_211 : i32
        %parallel_loop3A_213 = arith.constant 15 : i32
        %parallel_loop3A_214 = arith.addi %parallel_loop3A_212, %parallel_loop3A_213 : i32
        %parallel_loop3A_215 = vector.broadcast %parallel_loop3A_214 : i32 to vector<16xi32>
        %parallel_loop3A_216 = arith.addi %mul3A_21, %parallel_loop3A_215 : vector<16xi32>
        tpu.vector_store_idx %arg6[%parallel_loop3A_216], %parallel_loop3A_210 : memref<32768xf32, #tpu.memory_space<vmem>>[vector<16xi32>], vector<16xf32>,
      } {sc.loop_unroll_factor = 2 : i64, sc.parallel_access}
      "tpu.region"() ({
        %run_scoped3A = tpu.sem_alloc : memref<!tpu.dma_semaphore, #tpu.memory_space<semaphore_mem>>
        %dma_start3A = arith.constant 0 : i32
        %dma_start3A_24 = tpu.memref_slice %arg6[%dma_start3A] : memref<32768xf32, #tpu.memory_space<vmem>> -> memref<26624xf32, #tpu.memory_space<vmem>>
        %dma_start3A_25 = arith.constant 16613376 : i32
        %dma_start3A_26 = tpu.memref_slice %arg3[%dma_start3A_25] : memref<16640000xf32, #tpu.memory_space<hbm>> -> memref<26624xf32, #tpu.memory_space<hbm>>
        %dma_start3A_27 = arith.constant 16613376 : i32
        %dma_start3A_28 = tpu.memref_slice %arg3[%dma_start3A_27] : memref<16640000xf32, #tpu.memory_space<hbm>> -> memref<26624xf32, #tpu.memory_space<hbm>>
        %dma_start3A_29 = arith.constant 0 : i32
        %dma_start3A_30 = tpu.memref_slice %arg6[%dma_start3A_29] : memref<32768xf32, #tpu.memory_space<vmem>> -> memref<26624xf32, #tpu.memory_space<vmem>>
        tpu.enqueue_dma source(%dma_start3A_30 : memref<26624xf32, #tpu.memory_space<vmem>>) target(%dma_start3A_28 : memref<26624xf32, #tpu.memory_space<hbm>>) target_semaphore(%run_scoped3A : memref<!tpu.dma_semaphore, #tpu.memory_space<semaphore_mem>>)
        %dma_wait3A_31 = arith.constant 0 : i32
        %dma_wait3A_32 = tpu.memref_slice %arg6[%dma_wait3A_31] : memref<32768xf32, #tpu.memory_space<vmem>> -> memref<26624xf32, #tpu.memory_space<vmem>>
        %dma_wait3A_33 = arith.constant 16613376 : i32
        %dma_wait3A_34 = tpu.memref_slice %arg3[%dma_wait3A_33] : memref<16640000xf32, #tpu.memory_space<hbm>> -> memref<26624xf32, #tpu.memory_space<hbm>>
        %dma_wait3A_35 = arith.constant 16613376 : i32
        %dma_wait3A_36 = tpu.memref_slice %arg3[%dma_wait3A_35] : memref<16640000xf32, #tpu.memory_space<hbm>> -> memref<26624xf32, #tpu.memory_space<hbm>>
        %dma_wait3A_37 = arith.constant 0 : i32
        %dma_wait3A_38 = tpu.memref_slice %arg6[%dma_wait3A_37] : memref<32768xf32, #tpu.memory_space<vmem>> -> memref<26624xf32, #tpu.memory_space<vmem>>
        tpu.wait_dma2 semaphore(%run_scoped3A : memref<!tpu.dma_semaphore, #tpu.memory_space<semaphore_mem>>) src(%dma_wait3A_38 : memref<26624xf32, #tpu.memory_space<vmem>>) dst(%dma_wait3A_36 : memref<26624xf32, #tpu.memory_space<hbm>>)
        tpu.yield
      }) : () -> ()
    } else {
    }
    return
  }
}

module attributes {stable_mosaic.version = 14 : i64} {
  func.func @_stats_body(%arg0: i32, %arg1: memref<2048x416xf32, #tpu.memory_space<vmem>>, %arg2: memref<2x416xf32, #tpu.memory_space<vmem>>) attributes {dimension_semantics = [#tpu.dimension_semantics<arbitrary>], iteration_bounds = array<i64: 8>, scalar_prefetch = 0 : i64, scratch_operands = 0 : i64, tpu.core_type = #tpu.core_type<tc>, window_params = [{transform_indices = @transform_0, window_bounds = array<i64: 2048, 416>}, {pipeline_mode = #tpu.pipeline_mode<synchronous>, transform_indices = @transform_1, window_bounds = array<i64: 2, 416>}]} {
    %eq3A = arith.constant 0 : i32
    %eq3A_0 = arith.cmpi eq, %arg0, %eq3A : i32
    %convert_element_type3A = arith.extui %eq3A_0 : i1 to i32
    %cond3A = arith.constant 0 : i32
    %cond3A_1 = arith.cmpi ne, %convert_element_type3A, %cond3A : i32
    scf.if %cond3A_1 {
      %broadcast_in_dim3A_20 = arith.constant 0.000000e+00 : f32
      %broadcast_in_dim3A_21 = vector.broadcast %broadcast_in_dim3A_20 : f32 to vector<2x416xf32>
      %swap3A_22 = arith.constant 0 : index
      %swap3A_23 = arith.constant 0 : index
      %swap3A_24 = vector.load %arg2[%swap3A_22, %swap3A_23] : memref<2x416xf32, #tpu.memory_space<vmem>>, vector<2x416xf32>
      tpu.vector_store %arg2[%swap3A_22, %swap3A_23], %broadcast_in_dim3A_21 {strides = array<i32>} : memref<2x416xf32, #tpu.memory_space<vmem>>, vector<2x416xf32>,
    } else {
    }
    %get3A = arith.constant 0 : index
    %get3A_2 = arith.constant 0 : index
    %get3A_3 = vector.load %arg1[%get3A, %get3A_2] : memref<2048x416xf32, #tpu.memory_space<vmem>>, vector<2048x416xf32>
    %get3A_4 = arith.constant 0 : index
    %get3A_5 = arith.constant 0 : index
    %get3A_6 = vector.load %arg2[%get3A_4, %get3A_5] : memref<2x416xf32, #tpu.memory_space<vmem>>, vector<1x416xf32>
    %reduce_sum3A = arith.constant dense<0.000000e+00> : vector<416xf32>
    %reduce_sum3A_7 = vector.multi_reduction <add>, %get3A_3, %reduce_sum3A [0] : vector<2048x416xf32> to vector<416xf32>
    %broadcast_in_dim3A = vector.shape_cast %reduce_sum3A_7 : vector<416xf32> to vector<1x416xf32>
    %add3A = arith.addf %get3A_6, %broadcast_in_dim3A : vector<1x416xf32>
    %swap3A = arith.constant 0 : index
    %swap3A_8 = arith.constant 0 : index
    %swap3A_9 = vector.load %arg2[%swap3A, %swap3A_8] : memref<2x416xf32, #tpu.memory_space<vmem>>, vector<1x416xf32>
    tpu.vector_store %arg2[%swap3A, %swap3A_8], %add3A {strides = array<i32>} : memref<2x416xf32, #tpu.memory_space<vmem>>, vector<1x416xf32>,
    %get3A_10 = arith.constant 1 : index
    %get3A_11 = arith.constant 0 : index
    %get3A_12 = vector.load %arg2[%get3A_10, %get3A_11] : memref<2x416xf32, #tpu.memory_space<vmem>>, vector<1x416xf32>
    %mul3A = arith.mulf %get3A_3, %get3A_3 : vector<2048x416xf32>
    %reduce_sum3A_13 = arith.constant dense<0.000000e+00> : vector<416xf32>
    %reduce_sum3A_14 = vector.multi_reduction <add>, %mul3A, %reduce_sum3A_13 [0] : vector<2048x416xf32> to vector<416xf32>
    %broadcast_in_dim3A_15 = vector.shape_cast %reduce_sum3A_14 : vector<416xf32> to vector<1x416xf32>
    %add3A_16 = arith.addf %get3A_12, %broadcast_in_dim3A_15 : vector<1x416xf32>
    %swap3A_17 = arith.constant 1 : index
    %swap3A_18 = arith.constant 0 : index
    %swap3A_19 = vector.load %arg2[%swap3A_17, %swap3A_18] : memref<2x416xf32, #tpu.memory_space<vmem>>, vector<1x416xf32>
    tpu.vector_store %arg2[%swap3A_17, %swap3A_18], %add3A_16 {strides = array<i32>} : memref<2x416xf32, #tpu.memory_space<vmem>>, vector<1x416xf32>,
    return
  }
  func.func @transform_0(%arg0: i32) -> (i32, i32) {
    %c0_i32 = arith.constant 0 : i32
    %c0_i32_0 = arith.constant 0 : i32
    return %arg0, %c0_i32 : i32, i32
  }
  func.func @transform_1(%arg0: i32) -> (i32, i32) {
    %c0_i32 = arith.constant 0 : i32
    %c0_i32_0 = arith.constant 0 : i32
    %c0_i32_1 = arith.constant 0 : i32
    return %c0_i32, %c0_i32_0 : i32, i32
  }
}

module attributes {stable_mosaic.version = 14 : i64} {
  func.func @_mm_body(%arg0: i32, %arg1: memref<2048x416xf32, #tpu.memory_space<vmem>>, %arg2: memref<2x416xf32, #tpu.memory_space<vmem>>, %arg3: memref<26x416xf32, #tpu.memory_space<vmem>>, %arg4: memref<26x1xf32, #tpu.memory_space<vmem>>, %arg5: memref<1x26xf32, #tpu.memory_space<vmem>>, %arg6: memref<1x26xf32, #tpu.memory_space<vmem>>, %arg7: memref<26x2048xf32, #tpu.memory_space<vmem>>, %arg8: memref<26x2xf32, #tpu.memory_space<vmem>>) attributes {dimension_semantics = [#tpu.dimension_semantics<arbitrary>], iteration_bounds = array<i64: 8>, scalar_prefetch = 0 : i64, scratch_operands = 0 : i64, tpu.core_type = #tpu.core_type<tc>, window_params = [{transform_indices = @transform_0, window_bounds = array<i64: 2048, 416>}, {pipeline_mode = #tpu.pipeline_mode<synchronous>, transform_indices = @transform_1, window_bounds = array<i64: 2, 416>}, {pipeline_mode = #tpu.pipeline_mode<synchronous>, transform_indices = @transform_2, window_bounds = array<i64: 26, 416>}, {pipeline_mode = #tpu.pipeline_mode<synchronous>, transform_indices = @transform_3, window_bounds = array<i64: 26, 1>}, {pipeline_mode = #tpu.pipeline_mode<synchronous>, transform_indices = @transform_4, window_bounds = array<i64: 1, 26>}, {pipeline_mode = #tpu.pipeline_mode<synchronous>, transform_indices = @transform_5, window_bounds = array<i64: 1, 26>}, {transform_indices = @transform_6, window_bounds = array<i64: 26, 2048>}, {pipeline_mode = #tpu.pipeline_mode<synchronous>, transform_indices = @transform_7, window_bounds = array<i64: 26, 2>}]} {
    %iota3A = tpu.iota {dimensions = array<i32: 0>} : vector<26x416xi32>
    %iota3A_0 = tpu.iota {dimensions = array<i32: 1>} : vector<26x416xi32>
    %jit3A = arith.constant 16 : i32
    %div3A = vector.broadcast %jit3A : i32 to vector<26x416xi32>
    %div3A_1 = arith.divsi %iota3A_0, %div3A : vector<26x416xi32>
    %sign3A = arith.constant 0 : i32
    %sign3A_2 = vector.broadcast %sign3A : i32 to vector<26x416xi32>
    %sign3A_3 = arith.cmpi sgt, %iota3A_0, %sign3A_2 : vector<26x416xi32>
    %sign3A_4 = arith.extui %sign3A_3 : vector<26x416xi1> to vector<26x416xi32>
    %sign3A_5 = arith.constant 0 : i32
    %sign3A_6 = vector.broadcast %sign3A_5 : i32 to vector<26x416xi32>
    %sign3A_7 = arith.cmpi slt, %iota3A_0, %sign3A_6 : vector<26x416xi32>
    %sign3A_8 = arith.extui %sign3A_7 : vector<26x416xi1> to vector<26x416xi32>
    %sign3A_9 = arith.subi %sign3A_4, %sign3A_8 : vector<26x416xi32>
    %sign3A_10 = arith.constant 0 : i32
    %sign3A_11 = arith.cmpi sgt, %jit3A, %sign3A_10 : i32
    %sign3A_12 = arith.extui %sign3A_11 : i1 to i32
    %sign3A_13 = arith.constant 0 : i32
    %sign3A_14 = arith.cmpi slt, %jit3A, %sign3A_13 : i32
    %sign3A_15 = arith.extui %sign3A_14 : i1 to i32
    %sign3A_16 = arith.subi %sign3A_12, %sign3A_15 : i32
    %ne3A = vector.broadcast %sign3A_16 : i32 to vector<26x416xi32>
    %ne3A_17 = arith.cmpi ne, %sign3A_9, %ne3A : vector<26x416xi32>
    %rem3A = vector.broadcast %jit3A : i32 to vector<26x416xi32>
    %rem3A_18 = arith.remsi %iota3A_0, %rem3A : vector<26x416xi32>
    %ne3A_19 = arith.constant 0 : i32
    %ne3A_20 = vector.broadcast %ne3A_19 : i32 to vector<26x416xi32>
    %ne3A_21 = arith.cmpi ne, %rem3A_18, %ne3A_20 : vector<26x416xi32>
    %and3A = arith.andi %ne3A_17, %ne3A_21 : vector<26x416xi1>
    %sub3A = arith.constant 1 : i32
    %sub3A_22 = vector.broadcast %sub3A : i32 to vector<26x416xi32>
    %sub3A_23 = arith.subi %div3A_1, %sub3A_22 : vector<26x416xi32>
    %select_n3A = arith.select %and3A, %sub3A_23, %div3A_1 : vector<26x416xi1>, vector<26x416xi32>
    %eq3A = arith.cmpi eq, %select_n3A, %iota3A : vector<26x416xi32>
    %convert_element_type3A = arith.extui %eq3A : vector<26x416xi1> to vector<26x416xi32>
    %convert_element_type3A_24 = arith.sitofp %convert_element_type3A : vector<26x416xi32> to vector<26x416xf32>
    %iota3A_25 = tpu.iota {dimensions = array<i32: 0>} : vector<416x26xi32>
    %iota3A_26 = tpu.iota {dimensions = array<i32: 1>} : vector<416x26xi32>
    %jit3A_27 = arith.constant 16 : i32
    %div3A_28 = vector.broadcast %jit3A_27 : i32 to vector<416x26xi32>
    %div3A_29 = arith.divsi %iota3A_25, %div3A_28 : vector<416x26xi32>
    %sign3A_30 = arith.constant 0 : i32
    %sign3A_31 = vector.broadcast %sign3A_30 : i32 to vector<416x26xi32>
    %sign3A_32 = arith.cmpi sgt, %iota3A_25, %sign3A_31 : vector<416x26xi32>
    %sign3A_33 = arith.extui %sign3A_32 : vector<416x26xi1> to vector<416x26xi32>
    %sign3A_34 = arith.constant 0 : i32
    %sign3A_35 = vector.broadcast %sign3A_34 : i32 to vector<416x26xi32>
    %sign3A_36 = arith.cmpi slt, %iota3A_25, %sign3A_35 : vector<416x26xi32>
    %sign3A_37 = arith.extui %sign3A_36 : vector<416x26xi1> to vector<416x26xi32>
    %sign3A_38 = arith.subi %sign3A_33, %sign3A_37 : vector<416x26xi32>
    %sign3A_39 = arith.constant 0 : i32
    %sign3A_40 = arith.cmpi sgt, %jit3A_27, %sign3A_39 : i32
    %sign3A_41 = arith.extui %sign3A_40 : i1 to i32
    %sign3A_42 = arith.constant 0 : i32
    %sign3A_43 = arith.cmpi slt, %jit3A_27, %sign3A_42 : i32
    %sign3A_44 = arith.extui %sign3A_43 : i1 to i32
    %sign3A_45 = arith.subi %sign3A_41, %sign3A_44 : i32
    %ne3A_46 = vector.broadcast %sign3A_45 : i32 to vector<416x26xi32>
    %ne3A_47 = arith.cmpi ne, %sign3A_38, %ne3A_46 : vector<416x26xi32>
    %rem3A_48 = vector.broadcast %jit3A_27 : i32 to vector<416x26xi32>
    %rem3A_49 = arith.remsi %iota3A_25, %rem3A_48 : vector<416x26xi32>
    %ne3A_50 = arith.constant 0 : i32
    %ne3A_51 = vector.broadcast %ne3A_50 : i32 to vector<416x26xi32>
    %ne3A_52 = arith.cmpi ne, %rem3A_49, %ne3A_51 : vector<416x26xi32>
    %and3A_53 = arith.andi %ne3A_47, %ne3A_52 : vector<416x26xi1>
    %sub3A_54 = arith.constant 1 : i32
    %sub3A_55 = vector.broadcast %sub3A_54 : i32 to vector<416x26xi32>
    %sub3A_56 = arith.subi %div3A_29, %sub3A_55 : vector<416x26xi32>
    %select_n3A_57 = arith.select %and3A_53, %sub3A_56, %div3A_29 : vector<416x26xi1>, vector<416x26xi32>
    %eq3A_58 = arith.cmpi eq, %select_n3A_57, %iota3A_26 : vector<416x26xi32>
    %convert_element_type3A_59 = arith.extui %eq3A_58 : vector<416x26xi1> to vector<416x26xi32>
    %convert_element_type3A_60 = arith.sitofp %convert_element_type3A_59 : vector<416x26xi32> to vector<416x26xf32>
    %get3A = arith.constant 0 : index
    %get3A_61 = arith.constant 0 : index
    %get3A_62 = vector.load %arg2[%get3A, %get3A_61] : memref<2x416xf32, #tpu.memory_space<vmem>>, vector<1x416xf32>
    %get3A_63 = arith.constant 1 : index
    %get3A_64 = arith.constant 0 : index
    %get3A_65 = vector.load %arg2[%get3A_63, %get3A_64] : memref<2x416xf32, #tpu.memory_space<vmem>>, vector<1x416xf32>
    %dot_general3A = arith.constant dense<0.000000e+00> : vector<1x26xf32>
    %dot_general3A_66 = tpu.matmul %get3A_62, %convert_element_type3A_60, %dot_general3A {dimension_numbers = #tpu.dot_dimension_numbers<[1], [0], [0], [1], [0, 0, 1, 1], [], []>, transpose_lhs_hint = false} : vector<1x416xf32>, vector<416x26xf32>, vector<1x26xf32> -> vector<1x26xf32>
    %div3A_67 = arith.constant 2.621440e+05 : f32
    %div3A_68 = vector.broadcast %div3A_67 : f32 to vector<1x26xf32>
    %div3A_69 = arith.divf %dot_general3A_66, %div3A_68 : vector<1x26xf32>
    %dot_general3A_70 = arith.constant dense<0.000000e+00> : vector<1x26xf32>
    %dot_general3A_71 = tpu.matmul %get3A_65, %convert_element_type3A_60, %dot_general3A_70 {dimension_numbers = #tpu.dot_dimension_numbers<[1], [0], [0], [1], [0, 0, 1, 1], [], []>, transpose_lhs_hint = false} : vector<1x416xf32>, vector<416x26xf32>, vector<1x26xf32> -> vector<1x26xf32>
    %div3A_72 = arith.constant 2.621440e+05 : f32
    %div3A_73 = vector.broadcast %div3A_72 : f32 to vector<1x26xf32>
    %div3A_74 = arith.divf %dot_general3A_71, %div3A_73 : vector<1x26xf32>
    %mul3A = arith.mulf %div3A_69, %div3A_69 : vector<1x26xf32>
    %sub3A_75 = arith.subf %div3A_74, %mul3A : vector<1x26xf32>
    %get3A_76 = arith.constant 0 : index
    %get3A_77 = arith.constant 0 : index
    %get3A_78 = vector.load %arg5[%get3A_76, %get3A_77] : memref<1x26xf32, #tpu.memory_space<vmem>>, vector<1x26xf32>
    %add3A = arith.constant 9.99999974E-6 : f32
    %add3A_79 = vector.broadcast %add3A : f32 to vector<1x26xf32>
    %add3A_80 = arith.addf %sub3A_75, %add3A_79 : vector<1x26xf32>
    %sqrt3A = math.sqrt %add3A_80 : vector<1x26xf32>
    %div3A_81 = arith.divf %get3A_78, %sqrt3A : vector<1x26xf32>
    %get3A_82 = arith.constant 0 : index
    %get3A_83 = arith.constant 0 : index
    %get3A_84 = vector.load %arg6[%get3A_82, %get3A_83] : memref<1x26xf32, #tpu.memory_space<vmem>>, vector<1x26xf32>
    %mul3A_85 = arith.mulf %div3A_69, %div3A_81 : vector<1x26xf32>
    %sub3A_86 = arith.subf %get3A_84, %mul3A_85 : vector<1x26xf32>
    %dot_general3A_87 = arith.constant dense<0.000000e+00> : vector<1x416xf32>
    %dot_general3A_88 = tpu.matmul %div3A_81, %convert_element_type3A_24, %dot_general3A_87 {dimension_numbers = #tpu.dot_dimension_numbers<[1], [0], [0], [1], [0, 0, 1, 1], [], []>, transpose_lhs_hint = false} : vector<1x26xf32>, vector<26x416xf32>, vector<1x416xf32> -> vector<1x416xf32>
    %dot_general3A_89 = arith.constant dense<0.000000e+00> : vector<1x416xf32>
    %dot_general3A_90 = tpu.matmul %sub3A_86, %convert_element_type3A_24, %dot_general3A_89 {dimension_numbers = #tpu.dot_dimension_numbers<[1], [0], [0], [1], [0, 0, 1, 1], [], []>, transpose_lhs_hint = false} : vector<1x26xf32>, vector<26x416xf32>, vector<1x416xf32> -> vector<1x416xf32>
    %get3A_91 = arith.constant 0 : index
    %get3A_92 = arith.constant 0 : index
    %get3A_93 = vector.load %arg1[%get3A_91, %get3A_92] : memref<2048x416xf32, #tpu.memory_space<vmem>>, vector<2048x416xf32>
    %mul3A_94 = vector.broadcast %dot_general3A_88 : vector<1x416xf32> to vector<2048x416xf32>
    %mul3A_95 = arith.mulf %mul3A_94, %get3A_93 : vector<2048x416xf32>
    %add3A_96 = vector.broadcast %dot_general3A_90 : vector<1x416xf32> to vector<2048x416xf32>
    %add3A_97 = arith.addf %mul3A_95, %add3A_96 : vector<2048x416xf32>
    %get3A_98 = arith.constant 0 : index
    %get3A_99 = arith.constant 0 : index
    %get3A_100 = vector.load %arg3[%get3A_98, %get3A_99] : memref<26x416xf32, #tpu.memory_space<vmem>>, vector<26x416xf32>
    %dot_general3A_101 = arith.constant dense<0.000000e+00> : vector<26x2048xf32>
    %dot_general3A_102 = tpu.matmul %get3A_100, %add3A_97, %dot_general3A_101 {dimension_numbers = #tpu.dot_dimension_numbers<[1], [1], [0], [0], [0, 0, 1, 0], [], []>, transpose_lhs_hint = false} : vector<26x416xf32>, vector<2048x416xf32>, vector<26x2048xf32> -> vector<26x2048xf32>
    %get3A_103 = arith.constant 0 : index
    %get3A_104 = arith.constant 0 : index
    %get3A_105 = vector.load %arg4[%get3A_103, %get3A_104] : memref<26x1xf32, #tpu.memory_space<vmem>>, vector<26x1xf32>
    %add3A_106 = vector.broadcast %get3A_105 : vector<26x1xf32> to vector<26x2048xf32>
    %add3A_107 = arith.addf %dot_general3A_102, %add3A_106 : vector<26x2048xf32>
    %swap3A = arith.constant 0 : index
    %swap3A_108 = arith.constant 0 : index
    %swap3A_109 = vector.load %arg7[%swap3A, %swap3A_108] : memref<26x2048xf32, #tpu.memory_space<vmem>>, vector<26x2048xf32>
    tpu.vector_store %arg7[%swap3A, %swap3A_108], %add3A_107 {strides = array<i32>} : memref<26x2048xf32, #tpu.memory_space<vmem>>, vector<26x2048xf32>,
    %eq3A_110 = arith.constant 0 : i32
    %eq3A_111 = arith.cmpi eq, %arg0, %eq3A_110 : i32
    %convert_element_type3A_112 = arith.extui %eq3A_111 : i1 to i32
    %cond3A = arith.constant 0 : i32
    %cond3A_113 = arith.cmpi ne, %convert_element_type3A_112, %cond3A : i32
    scf.if %cond3A_113 {
      %broadcast_in_dim3A_133 = arith.constant 0.000000e+00 : f32
      %broadcast_in_dim3A_134 = vector.broadcast %broadcast_in_dim3A_133 : f32 to vector<26x2xf32>
      %swap3A_135 = arith.constant 0 : index
      %swap3A_136 = arith.constant 0 : index
      %swap3A_137 = vector.load %arg8[%swap3A_135, %swap3A_136] : memref<26x2xf32, #tpu.memory_space<vmem>>, vector<26x2xf32>
      tpu.vector_store %arg8[%swap3A_135, %swap3A_136], %broadcast_in_dim3A_134 {strides = array<i32>} : memref<26x2xf32, #tpu.memory_space<vmem>>, vector<26x2xf32>,
    } else {
    }
    %get3A_114 = arith.constant 0 : index
    %get3A_115 = arith.constant 0 : index
    %get3A_116 = vector.load %arg8[%get3A_114, %get3A_115] : memref<26x2xf32, #tpu.memory_space<vmem>>, vector<26x1xf32>
    %reduce_sum3A = arith.constant dense<0.000000e+00> : vector<26xf32>
    %reduce_sum3A_117 = vector.multi_reduction <add>, %add3A_107, %reduce_sum3A [1] : vector<26x2048xf32> to vector<26xf32>
    %broadcast_in_dim3A = vector.shape_cast %reduce_sum3A_117 : vector<26xf32> to vector<26x1xf32>
    %add3A_118 = arith.addf %get3A_116, %broadcast_in_dim3A : vector<26x1xf32>
    %swap3A_119 = arith.constant 0 : index
    %swap3A_120 = arith.constant 0 : index
    %swap3A_121 = vector.load %arg8[%swap3A_119, %swap3A_120] : memref<26x2xf32, #tpu.memory_space<vmem>>, vector<26x1xf32>
    tpu.vector_store %arg8[%swap3A_119, %swap3A_120], %add3A_118 {strides = array<i32>} : memref<26x2xf32, #tpu.memory_space<vmem>>, vector<26x1xf32>,
    %get3A_122 = arith.constant 0 : index
    %get3A_123 = arith.constant 1 : index
    %get3A_124 = vector.load %arg8[%get3A_122, %get3A_123] : memref<26x2xf32, #tpu.memory_space<vmem>>, vector<26x1xf32>
    %mul3A_125 = arith.mulf %add3A_107, %add3A_107 : vector<26x2048xf32>
    %reduce_sum3A_126 = arith.constant dense<0.000000e+00> : vector<26xf32>
    %reduce_sum3A_127 = vector.multi_reduction <add>, %mul3A_125, %reduce_sum3A_126 [1] : vector<26x2048xf32> to vector<26xf32>
    %broadcast_in_dim3A_128 = vector.shape_cast %reduce_sum3A_127 : vector<26xf32> to vector<26x1xf32>
    %add3A_129 = arith.addf %get3A_124, %broadcast_in_dim3A_128 : vector<26x1xf32>
    %swap3A_130 = arith.constant 0 : index
    %swap3A_131 = arith.constant 1 : index
    %swap3A_132 = vector.load %arg8[%swap3A_130, %swap3A_131] : memref<26x2xf32, #tpu.memory_space<vmem>>, vector<26x1xf32>
    tpu.vector_store %arg8[%swap3A_130, %swap3A_131], %add3A_129 {strides = array<i32>} : memref<26x2xf32, #tpu.memory_space<vmem>>, vector<26x1xf32>,
    return
  }
  func.func @transform_0(%arg0: i32) -> (i32, i32) {
    %c0_i32 = arith.constant 0 : i32
    %c0_i32_0 = arith.constant 0 : i32
    return %arg0, %c0_i32 : i32, i32
  }
  func.func @transform_1(%arg0: i32) -> (i32, i32) {
    %c0_i32 = arith.constant 0 : i32
    %c0_i32_0 = arith.constant 0 : i32
    %c0_i32_1 = arith.constant 0 : i32
    return %c0_i32, %c0_i32_0 : i32, i32
  }
  func.func @transform_2(%arg0: i32) -> (i32, i32) {
    %c0_i32 = arith.constant 0 : i32
    %c0_i32_0 = arith.constant 0 : i32
    %c0_i32_1 = arith.constant 0 : i32
    return %c0_i32, %c0_i32_0 : i32, i32
  }
  func.func @transform_3(%arg0: i32) -> (i32, i32) {
    %c0_i32 = arith.constant 0 : i32
    %c0_i32_0 = arith.constant 0 : i32
    %c0_i32_1 = arith.constant 0 : i32
    return %c0_i32, %c0_i32_0 : i32, i32
  }
  func.func @transform_4(%arg0: i32) -> (i32, i32) {
    %c0_i32 = arith.constant 0 : i32
    %c0_i32_0 = arith.constant 0 : i32
    %c0_i32_1 = arith.constant 0 : i32
    return %c0_i32, %c0_i32_0 : i32, i32
  }
  func.func @transform_5(%arg0: i32) -> (i32, i32) {
    %c0_i32 = arith.constant 0 : i32
    %c0_i32_0 = arith.constant 0 : i32
    %c0_i32_1 = arith.constant 0 : i32
    return %c0_i32, %c0_i32_0 : i32, i32
  }
  func.func @transform_6(%arg0: i32) -> (i32, i32) {
    %c0_i32 = arith.constant 0 : i32
    %c0_i32_0 = arith.constant 0 : i32
    return %c0_i32, %arg0 : i32, i32
  }
  func.func @transform_7(%arg0: i32) -> (i32, i32) {
    %c0_i32 = arith.constant 0 : i32
    %c0_i32_0 = arith.constant 0 : i32
    %c0_i32_1 = arith.constant 0 : i32
    return %c0_i32, %c0_i32_0 : i32, i32
  }
}

module attributes {stable_mosaic.version = 14 : i64} {
  func.func @_final_body(%arg0: i32, %arg1: memref<2048x416xf32, #tpu.memory_space<vmem>>, %arg2: memref<26x2048xf32, #tpu.memory_space<vmem>>, %arg3: memref<26x2xf32, #tpu.memory_space<vmem>>, %arg4: memref<2x416xf32, #tpu.memory_space<vmem>>, %arg5: memref<2048x26xf32, #tpu.memory_space<vmem>>, %arg6: memref<1x26xf32, #tpu.memory_space<vmem>>, %arg7: memref<1x26xf32, #tpu.memory_space<vmem>>, %arg8: memref<26x1xf32, #tpu.memory_space<vmem>>, %arg9: memref<26x1xf32, #tpu.memory_space<vmem>>, %arg10: memref<1x1xf32, #tpu.memory_space<vmem>>, %arg11: memref<2048x1xf32, #tpu.memory_space<vmem>>) attributes {dimension_semantics = [#tpu.dimension_semantics<arbitrary>], iteration_bounds = array<i64: 8>, scalar_prefetch = 0 : i64, scratch_operands = 0 : i64, tpu.core_type = #tpu.core_type<tc>, window_params = [{transform_indices = @transform_0, window_bounds = array<i64: 2048, 416>}, {transform_indices = @transform_1, window_bounds = array<i64: 26, 2048>}, {pipeline_mode = #tpu.pipeline_mode<synchronous>, transform_indices = @transform_2, window_bounds = array<i64: 26, 2>}, {pipeline_mode = #tpu.pipeline_mode<synchronous>, transform_indices = @transform_3, window_bounds = array<i64: 2, 416>}, {transform_indices = @transform_4, window_bounds = array<i64: 2048, 26>}, {pipeline_mode = #tpu.pipeline_mode<synchronous>, transform_indices = @transform_5, window_bounds = array<i64: 1, 26>}, {pipeline_mode = #tpu.pipeline_mode<synchronous>, transform_indices = @transform_6, window_bounds = array<i64: 1, 26>}, {pipeline_mode = #tpu.pipeline_mode<synchronous>, transform_indices = @transform_7, window_bounds = array<i64: 26, 1>}, {pipeline_mode = #tpu.pipeline_mode<synchronous>, transform_indices = @transform_8, window_bounds = array<i64: 26, 1>}, {pipeline_mode = #tpu.pipeline_mode<synchronous>, transform_indices = @transform_9, window_bounds = array<i64: 1, 1>}, {transform_indices = @transform_10, window_bounds = array<i64: 2048, 1>}]} {
    %iota3A = tpu.iota {dimensions = array<i32: 0>} : vector<26x416xi32>
    %iota3A_0 = tpu.iota {dimensions = array<i32: 1>} : vector<26x416xi32>
    %jit3A = arith.constant 16 : i32
    %div3A = vector.broadcast %jit3A : i32 to vector<26x416xi32>
    %div3A_1 = arith.divsi %iota3A_0, %div3A : vector<26x416xi32>
    %sign3A = arith.constant 0 : i32
    %sign3A_2 = vector.broadcast %sign3A : i32 to vector<26x416xi32>
    %sign3A_3 = arith.cmpi sgt, %iota3A_0, %sign3A_2 : vector<26x416xi32>
    %sign3A_4 = arith.extui %sign3A_3 : vector<26x416xi1> to vector<26x416xi32>
    %sign3A_5 = arith.constant 0 : i32
    %sign3A_6 = vector.broadcast %sign3A_5 : i32 to vector<26x416xi32>
    %sign3A_7 = arith.cmpi slt, %iota3A_0, %sign3A_6 : vector<26x416xi32>
    %sign3A_8 = arith.extui %sign3A_7 : vector<26x416xi1> to vector<26x416xi32>
    %sign3A_9 = arith.subi %sign3A_4, %sign3A_8 : vector<26x416xi32>
    %sign3A_10 = arith.constant 0 : i32
    %sign3A_11 = arith.cmpi sgt, %jit3A, %sign3A_10 : i32
    %sign3A_12 = arith.extui %sign3A_11 : i1 to i32
    %sign3A_13 = arith.constant 0 : i32
    %sign3A_14 = arith.cmpi slt, %jit3A, %sign3A_13 : i32
    %sign3A_15 = arith.extui %sign3A_14 : i1 to i32
    %sign3A_16 = arith.subi %sign3A_12, %sign3A_15 : i32
    %ne3A = vector.broadcast %sign3A_16 : i32 to vector<26x416xi32>
    %ne3A_17 = arith.cmpi ne, %sign3A_9, %ne3A : vector<26x416xi32>
    %rem3A = vector.broadcast %jit3A : i32 to vector<26x416xi32>
    %rem3A_18 = arith.remsi %iota3A_0, %rem3A : vector<26x416xi32>
    %ne3A_19 = arith.constant 0 : i32
    %ne3A_20 = vector.broadcast %ne3A_19 : i32 to vector<26x416xi32>
    %ne3A_21 = arith.cmpi ne, %rem3A_18, %ne3A_20 : vector<26x416xi32>
    %and3A = arith.andi %ne3A_17, %ne3A_21 : vector<26x416xi1>
    %sub3A = arith.constant 1 : i32
    %sub3A_22 = vector.broadcast %sub3A : i32 to vector<26x416xi32>
    %sub3A_23 = arith.subi %div3A_1, %sub3A_22 : vector<26x416xi32>
    %select_n3A = arith.select %and3A, %sub3A_23, %div3A_1 : vector<26x416xi1>, vector<26x416xi32>
    %eq3A = arith.cmpi eq, %select_n3A, %iota3A : vector<26x416xi32>
    %convert_element_type3A = arith.extui %eq3A : vector<26x416xi1> to vector<26x416xi32>
    %convert_element_type3A_24 = arith.sitofp %convert_element_type3A : vector<26x416xi32> to vector<26x416xf32>
    %iota3A_25 = tpu.iota {dimensions = array<i32: 0>} : vector<416x26xi32>
    %iota3A_26 = tpu.iota {dimensions = array<i32: 1>} : vector<416x26xi32>
    %jit3A_27 = arith.constant 16 : i32
    %div3A_28 = vector.broadcast %jit3A_27 : i32 to vector<416x26xi32>
    %div3A_29 = arith.divsi %iota3A_25, %div3A_28 : vector<416x26xi32>
    %sign3A_30 = arith.constant 0 : i32
    %sign3A_31 = vector.broadcast %sign3A_30 : i32 to vector<416x26xi32>
    %sign3A_32 = arith.cmpi sgt, %iota3A_25, %sign3A_31 : vector<416x26xi32>
    %sign3A_33 = arith.extui %sign3A_32 : vector<416x26xi1> to vector<416x26xi32>
    %sign3A_34 = arith.constant 0 : i32
    %sign3A_35 = vector.broadcast %sign3A_34 : i32 to vector<416x26xi32>
    %sign3A_36 = arith.cmpi slt, %iota3A_25, %sign3A_35 : vector<416x26xi32>
    %sign3A_37 = arith.extui %sign3A_36 : vector<416x26xi1> to vector<416x26xi32>
    %sign3A_38 = arith.subi %sign3A_33, %sign3A_37 : vector<416x26xi32>
    %sign3A_39 = arith.constant 0 : i32
    %sign3A_40 = arith.cmpi sgt, %jit3A_27, %sign3A_39 : i32
    %sign3A_41 = arith.extui %sign3A_40 : i1 to i32
    %sign3A_42 = arith.constant 0 : i32
    %sign3A_43 = arith.cmpi slt, %jit3A_27, %sign3A_42 : i32
    %sign3A_44 = arith.extui %sign3A_43 : i1 to i32
    %sign3A_45 = arith.subi %sign3A_41, %sign3A_44 : i32
    %ne3A_46 = vector.broadcast %sign3A_45 : i32 to vector<416x26xi32>
    %ne3A_47 = arith.cmpi ne, %sign3A_38, %ne3A_46 : vector<416x26xi32>
    %rem3A_48 = vector.broadcast %jit3A_27 : i32 to vector<416x26xi32>
    %rem3A_49 = arith.remsi %iota3A_25, %rem3A_48 : vector<416x26xi32>
    %ne3A_50 = arith.constant 0 : i32
    %ne3A_51 = vector.broadcast %ne3A_50 : i32 to vector<416x26xi32>
    %ne3A_52 = arith.cmpi ne, %rem3A_49, %ne3A_51 : vector<416x26xi32>
    %and3A_53 = arith.andi %ne3A_47, %ne3A_52 : vector<416x26xi1>
    %sub3A_54 = arith.constant 1 : i32
    %sub3A_55 = vector.broadcast %sub3A_54 : i32 to vector<416x26xi32>
    %sub3A_56 = arith.subi %div3A_29, %sub3A_55 : vector<416x26xi32>
    %select_n3A_57 = arith.select %and3A_53, %sub3A_56, %div3A_29 : vector<416x26xi1>, vector<416x26xi32>
    %eq3A_58 = arith.cmpi eq, %select_n3A_57, %iota3A_26 : vector<416x26xi32>
    %convert_element_type3A_59 = arith.extui %eq3A_58 : vector<416x26xi1> to vector<416x26xi32>
    %convert_element_type3A_60 = arith.sitofp %convert_element_type3A_59 : vector<416x26xi32> to vector<416x26xf32>
    %get3A = arith.constant 0 : index
    %get3A_61 = arith.constant 0 : index
    %get3A_62 = vector.load %arg4[%get3A, %get3A_61] : memref<2x416xf32, #tpu.memory_space<vmem>>, vector<1x416xf32>
    %get3A_63 = arith.constant 1 : index
    %get3A_64 = arith.constant 0 : index
    %get3A_65 = vector.load %arg4[%get3A_63, %get3A_64] : memref<2x416xf32, #tpu.memory_space<vmem>>, vector<1x416xf32>
    %dot_general3A = arith.constant dense<0.000000e+00> : vector<1x26xf32>
    %dot_general3A_66 = tpu.matmul %get3A_62, %convert_element_type3A_60, %dot_general3A {dimension_numbers = #tpu.dot_dimension_numbers<[1], [0], [0], [1], [0, 0, 1, 1], [], []>, transpose_lhs_hint = false} : vector<1x416xf32>, vector<416x26xf32>, vector<1x26xf32> -> vector<1x26xf32>
    %div3A_67 = arith.constant 2.621440e+05 : f32
    %div3A_68 = vector.broadcast %div3A_67 : f32 to vector<1x26xf32>
    %div3A_69 = arith.divf %dot_general3A_66, %div3A_68 : vector<1x26xf32>
    %dot_general3A_70 = arith.constant dense<0.000000e+00> : vector<1x26xf32>
    %dot_general3A_71 = tpu.matmul %get3A_65, %convert_element_type3A_60, %dot_general3A_70 {dimension_numbers = #tpu.dot_dimension_numbers<[1], [0], [0], [1], [0, 0, 1, 1], [], []>, transpose_lhs_hint = false} : vector<1x416xf32>, vector<416x26xf32>, vector<1x26xf32> -> vector<1x26xf32>
    %div3A_72 = arith.constant 2.621440e+05 : f32
    %div3A_73 = vector.broadcast %div3A_72 : f32 to vector<1x26xf32>
    %div3A_74 = arith.divf %dot_general3A_71, %div3A_73 : vector<1x26xf32>
    %mul3A = arith.mulf %div3A_69, %div3A_69 : vector<1x26xf32>
    %sub3A_75 = arith.subf %div3A_74, %mul3A : vector<1x26xf32>
    %get3A_76 = arith.constant 0 : index
    %get3A_77 = arith.constant 0 : index
    %get3A_78 = vector.load %arg6[%get3A_76, %get3A_77] : memref<1x26xf32, #tpu.memory_space<vmem>>, vector<1x26xf32>
    %add3A = arith.constant 9.99999974E-6 : f32
    %add3A_79 = vector.broadcast %add3A : f32 to vector<1x26xf32>
    %add3A_80 = arith.addf %sub3A_75, %add3A_79 : vector<1x26xf32>
    %sqrt3A = math.sqrt %add3A_80 : vector<1x26xf32>
    %div3A_81 = arith.divf %get3A_78, %sqrt3A : vector<1x26xf32>
    %get3A_82 = arith.constant 0 : index
    %get3A_83 = arith.constant 0 : index
    %get3A_84 = vector.load %arg7[%get3A_82, %get3A_83] : memref<1x26xf32, #tpu.memory_space<vmem>>, vector<1x26xf32>
    %mul3A_85 = arith.mulf %div3A_69, %div3A_81 : vector<1x26xf32>
    %sub3A_86 = arith.subf %get3A_84, %mul3A_85 : vector<1x26xf32>
    %dot_general3A_87 = arith.constant dense<0.000000e+00> : vector<1x416xf32>
    %dot_general3A_88 = tpu.matmul %div3A_81, %convert_element_type3A_24, %dot_general3A_87 {dimension_numbers = #tpu.dot_dimension_numbers<[1], [0], [0], [1], [0, 0, 1, 1], [], []>, transpose_lhs_hint = false} : vector<1x26xf32>, vector<26x416xf32>, vector<1x416xf32> -> vector<1x416xf32>
    %dot_general3A_89 = arith.constant dense<0.000000e+00> : vector<1x416xf32>
    %dot_general3A_90 = tpu.matmul %sub3A_86, %convert_element_type3A_24, %dot_general3A_89 {dimension_numbers = #tpu.dot_dimension_numbers<[1], [0], [0], [1], [0, 0, 1, 1], [], []>, transpose_lhs_hint = false} : vector<1x26xf32>, vector<26x416xf32>, vector<1x416xf32> -> vector<1x416xf32>
    %get3A_91 = arith.constant 0 : index
    %get3A_92 = arith.constant 0 : index
    %get3A_93 = vector.load %arg3[%get3A_91, %get3A_92] : memref<26x2xf32, #tpu.memory_space<vmem>>, vector<26x1xf32>
    %div3A_94 = arith.constant 1.638400e+04 : f32
    %div3A_95 = vector.broadcast %div3A_94 : f32 to vector<26x1xf32>
    %div3A_96 = arith.divf %get3A_93, %div3A_95 : vector<26x1xf32>
    %get3A_97 = arith.constant 0 : index
    %get3A_98 = arith.constant 1 : index
    %get3A_99 = vector.load %arg3[%get3A_97, %get3A_98] : memref<26x2xf32, #tpu.memory_space<vmem>>, vector<26x1xf32>
    %div3A_100 = arith.constant 1.638400e+04 : f32
    %div3A_101 = vector.broadcast %div3A_100 : f32 to vector<26x1xf32>
    %div3A_102 = arith.divf %get3A_99, %div3A_101 : vector<26x1xf32>
    %mul3A_103 = arith.mulf %div3A_96, %div3A_96 : vector<26x1xf32>
    %sub3A_104 = arith.subf %div3A_102, %mul3A_103 : vector<26x1xf32>
    %get3A_105 = arith.constant 0 : index
    %get3A_106 = arith.constant 0 : index
    %get3A_107 = vector.load %arg2[%get3A_105, %get3A_106] : memref<26x2048xf32, #tpu.memory_space<vmem>>, vector<26x2048xf32>
    %get3A_108 = arith.constant 0 : index
    %get3A_109 = arith.constant 0 : index
    %get3A_110 = vector.load %arg8[%get3A_108, %get3A_109] : memref<26x1xf32, #tpu.memory_space<vmem>>, vector<26x1xf32>
    %sub3A_111 = vector.broadcast %div3A_96 : vector<26x1xf32> to vector<26x2048xf32>
    %sub3A_112 = arith.subf %get3A_107, %sub3A_111 : vector<26x2048xf32>
    %mul3A_113 = vector.broadcast %get3A_110 : vector<26x1xf32> to vector<26x2048xf32>
    %mul3A_114 = arith.mulf %mul3A_113, %sub3A_112 : vector<26x2048xf32>
    %add3A_115 = arith.constant 9.99999974E-6 : f32
    %add3A_116 = vector.broadcast %add3A_115 : f32 to vector<26x1xf32>
    %add3A_117 = arith.addf %sub3A_104, %add3A_116 : vector<26x1xf32>
    %sqrt3A_118 = math.sqrt %add3A_117 : vector<26x1xf32>
    %div3A_119 = vector.broadcast %sqrt3A_118 : vector<26x1xf32> to vector<26x2048xf32>
    %div3A_120 = arith.divf %mul3A_114, %div3A_119 : vector<26x2048xf32>
    %get3A_121 = arith.constant 0 : index
    %get3A_122 = arith.constant 0 : index
    %get3A_123 = vector.load %arg9[%get3A_121, %get3A_122] : memref<26x1xf32, #tpu.memory_space<vmem>>, vector<26x1xf32>
    %add3A_124 = vector.broadcast %get3A_123 : vector<26x1xf32> to vector<26x2048xf32>
    %add3A_125 = arith.addf %div3A_120, %add3A_124 : vector<26x2048xf32>
    %max3A = arith.constant 0.000000e+00 : f32
    %max3A_126 = vector.broadcast %max3A : f32 to vector<26x2048xf32>
    %max3A_127 = arith.maximumf %add3A_125, %max3A_126 : vector<26x2048xf32>
    %iota3A_128 = tpu.iota {dimensions = array<i32: 0>} : vector<26x2048xi32>
    %broadcast_in_dim3A = arith.constant 0.000000e+00 : f32
    %broadcast_in_dim3A_129 = vector.broadcast %broadcast_in_dim3A : f32 to vector<26x2048xf32>
    %slice3A = vector.extract_strided_slice %max3A_127 {offsets = [0, 0], sizes = [1, 2048], strides = [1, 1]} : vector<26x2048xf32> to vector<1x2048xf32>
    %gt3A = vector.broadcast %slice3A : vector<1x2048xf32> to vector<26x2048xf32>
    %gt3A_130 = arith.cmpf ogt, %gt3A, %max3A_127 : vector<26x2048xf32>
    %convert_element_type3A_131 = arith.extui %gt3A_130 : vector<26x2048xi1> to vector<26x2048xi32>
    %convert_element_type3A_132 = arith.sitofp %convert_element_type3A_131 : vector<26x2048xi32> to vector<26x2048xf32>
    %eq3A_133 = vector.broadcast %slice3A : vector<1x2048xf32> to vector<26x2048xf32>
    %eq3A_134 = arith.cmpf oeq, %eq3A_133, %max3A_127 : vector<26x2048xf32>
    %gt3A_135 = arith.constant 0 : i32
    %gt3A_136 = vector.broadcast %gt3A_135 : i32 to vector<26x2048xi32>
    %gt3A_137 = arith.cmpi sgt, %iota3A_128, %gt3A_136 : vector<26x2048xi32>
    %and3A_138 = arith.andi %eq3A_134, %gt3A_137 : vector<26x2048xi1>
    %jit3A_139 = arith.constant 1.000000e+00 : f32
    %jit3A_140 = arith.constant 0.000000e+00 : f32
    %broadcast_in_dim3A_141 = vector.broadcast %jit3A_139 : f32 to vector<26x2048xf32>
    %broadcast_in_dim3A_142 = vector.broadcast %jit3A_140 : f32 to vector<26x2048xf32>
    %select_n3A_143 = arith.select %and3A_138, %broadcast_in_dim3A_141, %broadcast_in_dim3A_142 : vector<26x2048xi1>, vector<26x2048xf32>
    %add3A_144 = arith.addf %broadcast_in_dim3A_129, %convert_element_type3A_132 : vector<26x2048xf32>
    %add3A_145 = arith.addf %add3A_144, %select_n3A_143 : vector<26x2048xf32>
    %slice3A_146 = vector.extract_strided_slice %max3A_127 {offsets = [1, 0], sizes = [1, 2048], strides = [1, 1]} : vector<26x2048xf32> to vector<1x2048xf32>
    %gt3A_147 = vector.broadcast %slice3A_146 : vector<1x2048xf32> to vector<26x2048xf32>
    %gt3A_148 = arith.cmpf ogt, %gt3A_147, %max3A_127 : vector<26x2048xf32>
    %convert_element_type3A_149 = arith.extui %gt3A_148 : vector<26x2048xi1> to vector<26x2048xi32>
    %convert_element_type3A_150 = arith.sitofp %convert_element_type3A_149 : vector<26x2048xi32> to vector<26x2048xf32>
    %eq3A_151 = vector.broadcast %slice3A_146 : vector<1x2048xf32> to vector<26x2048xf32>
    %eq3A_152 = arith.cmpf oeq, %eq3A_151, %max3A_127 : vector<26x2048xf32>
    %gt3A_153 = arith.constant 1 : i32
    %gt3A_154 = vector.broadcast %gt3A_153 : i32 to vector<26x2048xi32>
    %gt3A_155 = arith.cmpi sgt, %iota3A_128, %gt3A_154 : vector<26x2048xi32>
    %and3A_156 = arith.andi %eq3A_152, %gt3A_155 : vector<26x2048xi1>
    %jit3A_157 = arith.constant 1.000000e+00 : f32
    %jit3A_158 = arith.constant 0.000000e+00 : f32
    %broadcast_in_dim3A_159 = vector.broadcast %jit3A_157 : f32 to vector<26x2048xf32>
    %broadcast_in_dim3A_160 = vector.broadcast %jit3A_158 : f32 to vector<26x2048xf32>
    %select_n3A_161 = arith.select %and3A_156, %broadcast_in_dim3A_159, %broadcast_in_dim3A_160 : vector<26x2048xi1>, vector<26x2048xf32>
    %add3A_162 = arith.addf %add3A_145, %convert_element_type3A_150 : vector<26x2048xf32>
    %add3A_163 = arith.addf %add3A_162, %select_n3A_161 : vector<26x2048xf32>
    %slice3A_164 = vector.extract_strided_slice %max3A_127 {offsets = [2, 0], sizes = [1, 2048], strides = [1, 1]} : vector<26x2048xf32> to vector<1x2048xf32>
    %gt3A_165 = vector.broadcast %slice3A_164 : vector<1x2048xf32> to vector<26x2048xf32>
    %gt3A_166 = arith.cmpf ogt, %gt3A_165, %max3A_127 : vector<26x2048xf32>
    %convert_element_type3A_167 = arith.extui %gt3A_166 : vector<26x2048xi1> to vector<26x2048xi32>
    %convert_element_type3A_168 = arith.sitofp %convert_element_type3A_167 : vector<26x2048xi32> to vector<26x2048xf32>
    %eq3A_169 = vector.broadcast %slice3A_164 : vector<1x2048xf32> to vector<26x2048xf32>
    %eq3A_170 = arith.cmpf oeq, %eq3A_169, %max3A_127 : vector<26x2048xf32>
    %gt3A_171 = arith.constant 2 : i32
    %gt3A_172 = vector.broadcast %gt3A_171 : i32 to vector<26x2048xi32>
    %gt3A_173 = arith.cmpi sgt, %iota3A_128, %gt3A_172 : vector<26x2048xi32>
    %and3A_174 = arith.andi %eq3A_170, %gt3A_173 : vector<26x2048xi1>
    %jit3A_175 = arith.constant 1.000000e+00 : f32
    %jit3A_176 = arith.constant 0.000000e+00 : f32
    %broadcast_in_dim3A_177 = vector.broadcast %jit3A_175 : f32 to vector<26x2048xf32>
    %broadcast_in_dim3A_178 = vector.broadcast %jit3A_176 : f32 to vector<26x2048xf32>
    %select_n3A_179 = arith.select %and3A_174, %broadcast_in_dim3A_177, %broadcast_in_dim3A_178 : vector<26x2048xi1>, vector<26x2048xf32>
    %add3A_180 = arith.addf %add3A_163, %convert_element_type3A_168 : vector<26x2048xf32>
    %add3A_181 = arith.addf %add3A_180, %select_n3A_179 : vector<26x2048xf32>
    %slice3A_182 = vector.extract_strided_slice %max3A_127 {offsets = [3, 0], sizes = [1, 2048], strides = [1, 1]} : vector<26x2048xf32> to vector<1x2048xf32>
    %gt3A_183 = vector.broadcast %slice3A_182 : vector<1x2048xf32> to vector<26x2048xf32>
    %gt3A_184 = arith.cmpf ogt, %gt3A_183, %max3A_127 : vector<26x2048xf32>
    %convert_element_type3A_185 = arith.extui %gt3A_184 : vector<26x2048xi1> to vector<26x2048xi32>
    %convert_element_type3A_186 = arith.sitofp %convert_element_type3A_185 : vector<26x2048xi32> to vector<26x2048xf32>
    %eq3A_187 = vector.broadcast %slice3A_182 : vector<1x2048xf32> to vector<26x2048xf32>
    %eq3A_188 = arith.cmpf oeq, %eq3A_187, %max3A_127 : vector<26x2048xf32>
    %gt3A_189 = arith.constant 3 : i32
    %gt3A_190 = vector.broadcast %gt3A_189 : i32 to vector<26x2048xi32>
    %gt3A_191 = arith.cmpi sgt, %iota3A_128, %gt3A_190 : vector<26x2048xi32>
    %and3A_192 = arith.andi %eq3A_188, %gt3A_191 : vector<26x2048xi1>
    %jit3A_193 = arith.constant 1.000000e+00 : f32
    %jit3A_194 = arith.constant 0.000000e+00 : f32
    %broadcast_in_dim3A_195 = vector.broadcast %jit3A_193 : f32 to vector<26x2048xf32>
    %broadcast_in_dim3A_196 = vector.broadcast %jit3A_194 : f32 to vector<26x2048xf32>
    %select_n3A_197 = arith.select %and3A_192, %broadcast_in_dim3A_195, %broadcast_in_dim3A_196 : vector<26x2048xi1>, vector<26x2048xf32>
    %add3A_198 = arith.addf %add3A_181, %convert_element_type3A_186 : vector<26x2048xf32>
    %add3A_199 = arith.addf %add3A_198, %select_n3A_197 : vector<26x2048xf32>
    %slice3A_200 = vector.extract_strided_slice %max3A_127 {offsets = [4, 0], sizes = [1, 2048], strides = [1, 1]} : vector<26x2048xf32> to vector<1x2048xf32>
    %gt3A_201 = vector.broadcast %slice3A_200 : vector<1x2048xf32> to vector<26x2048xf32>
    %gt3A_202 = arith.cmpf ogt, %gt3A_201, %max3A_127 : vector<26x2048xf32>
    %convert_element_type3A_203 = arith.extui %gt3A_202 : vector<26x2048xi1> to vector<26x2048xi32>
    %convert_element_type3A_204 = arith.sitofp %convert_element_type3A_203 : vector<26x2048xi32> to vector<26x2048xf32>
    %eq3A_205 = vector.broadcast %slice3A_200 : vector<1x2048xf32> to vector<26x2048xf32>
    %eq3A_206 = arith.cmpf oeq, %eq3A_205, %max3A_127 : vector<26x2048xf32>
    %gt3A_207 = arith.constant 4 : i32
    %gt3A_208 = vector.broadcast %gt3A_207 : i32 to vector<26x2048xi32>
    %gt3A_209 = arith.cmpi sgt, %iota3A_128, %gt3A_208 : vector<26x2048xi32>
    %and3A_210 = arith.andi %eq3A_206, %gt3A_209 : vector<26x2048xi1>
    %jit3A_211 = arith.constant 1.000000e+00 : f32
    %jit3A_212 = arith.constant 0.000000e+00 : f32
    %broadcast_in_dim3A_213 = vector.broadcast %jit3A_211 : f32 to vector<26x2048xf32>
    %broadcast_in_dim3A_214 = vector.broadcast %jit3A_212 : f32 to vector<26x2048xf32>
    %select_n3A_215 = arith.select %and3A_210, %broadcast_in_dim3A_213, %broadcast_in_dim3A_214 : vector<26x2048xi1>, vector<26x2048xf32>
    %add3A_216 = arith.addf %add3A_199, %convert_element_type3A_204 : vector<26x2048xf32>
    %add3A_217 = arith.addf %add3A_216, %select_n3A_215 : vector<26x2048xf32>
    %slice3A_218 = vector.extract_strided_slice %max3A_127 {offsets = [5, 0], sizes = [1, 2048], strides = [1, 1]} : vector<26x2048xf32> to vector<1x2048xf32>
    %gt3A_219 = vector.broadcast %slice3A_218 : vector<1x2048xf32> to vector<26x2048xf32>
    %gt3A_220 = arith.cmpf ogt, %gt3A_219, %max3A_127 : vector<26x2048xf32>
    %convert_element_type3A_221 = arith.extui %gt3A_220 : vector<26x2048xi1> to vector<26x2048xi32>
    %convert_element_type3A_222 = arith.sitofp %convert_element_type3A_221 : vector<26x2048xi32> to vector<26x2048xf32>
    %eq3A_223 = vector.broadcast %slice3A_218 : vector<1x2048xf32> to vector<26x2048xf32>
    %eq3A_224 = arith.cmpf oeq, %eq3A_223, %max3A_127 : vector<26x2048xf32>
    %gt3A_225 = arith.constant 5 : i32
    %gt3A_226 = vector.broadcast %gt3A_225 : i32 to vector<26x2048xi32>
    %gt3A_227 = arith.cmpi sgt, %iota3A_128, %gt3A_226 : vector<26x2048xi32>
    %and3A_228 = arith.andi %eq3A_224, %gt3A_227 : vector<26x2048xi1>
    %jit3A_229 = arith.constant 1.000000e+00 : f32
    %jit3A_230 = arith.constant 0.000000e+00 : f32
    %broadcast_in_dim3A_231 = vector.broadcast %jit3A_229 : f32 to vector<26x2048xf32>
    %broadcast_in_dim3A_232 = vector.broadcast %jit3A_230 : f32 to vector<26x2048xf32>
    %select_n3A_233 = arith.select %and3A_228, %broadcast_in_dim3A_231, %broadcast_in_dim3A_232 : vector<26x2048xi1>, vector<26x2048xf32>
    %add3A_234 = arith.addf %add3A_217, %convert_element_type3A_222 : vector<26x2048xf32>
    %add3A_235 = arith.addf %add3A_234, %select_n3A_233 : vector<26x2048xf32>
    %slice3A_236 = vector.extract_strided_slice %max3A_127 {offsets = [6, 0], sizes = [1, 2048], strides = [1, 1]} : vector<26x2048xf32> to vector<1x2048xf32>
    %gt3A_237 = vector.broadcast %slice3A_236 : vector<1x2048xf32> to vector<26x2048xf32>
    %gt3A_238 = arith.cmpf ogt, %gt3A_237, %max3A_127 : vector<26x2048xf32>
    %convert_element_type3A_239 = arith.extui %gt3A_238 : vector<26x2048xi1> to vector<26x2048xi32>
    %convert_element_type3A_240 = arith.sitofp %convert_element_type3A_239 : vector<26x2048xi32> to vector<26x2048xf32>
    %eq3A_241 = vector.broadcast %slice3A_236 : vector<1x2048xf32> to vector<26x2048xf32>
    %eq3A_242 = arith.cmpf oeq, %eq3A_241, %max3A_127 : vector<26x2048xf32>
    %gt3A_243 = arith.constant 6 : i32
    %gt3A_244 = vector.broadcast %gt3A_243 : i32 to vector<26x2048xi32>
    %gt3A_245 = arith.cmpi sgt, %iota3A_128, %gt3A_244 : vector<26x2048xi32>
    %and3A_246 = arith.andi %eq3A_242, %gt3A_245 : vector<26x2048xi1>
    %jit3A_247 = arith.constant 1.000000e+00 : f32
    %jit3A_248 = arith.constant 0.000000e+00 : f32
    %broadcast_in_dim3A_249 = vector.broadcast %jit3A_247 : f32 to vector<26x2048xf32>
    %broadcast_in_dim3A_250 = vector.broadcast %jit3A_248 : f32 to vector<26x2048xf32>
    %select_n3A_251 = arith.select %and3A_246, %broadcast_in_dim3A_249, %broadcast_in_dim3A_250 : vector<26x2048xi1>, vector<26x2048xf32>
    %add3A_252 = arith.addf %add3A_235, %convert_element_type3A_240 : vector<26x2048xf32>
    %add3A_253 = arith.addf %add3A_252, %select_n3A_251 : vector<26x2048xf32>
    %slice3A_254 = vector.extract_strided_slice %max3A_127 {offsets = [7, 0], sizes = [1, 2048], strides = [1, 1]} : vector<26x2048xf32> to vector<1x2048xf32>
    %gt3A_255 = vector.broadcast %slice3A_254 : vector<1x2048xf32> to vector<26x2048xf32>
    %gt3A_256 = arith.cmpf ogt, %gt3A_255, %max3A_127 : vector<26x2048xf32>
    %convert_element_type3A_257 = arith.extui %gt3A_256 : vector<26x2048xi1> to vector<26x2048xi32>
    %convert_element_type3A_258 = arith.sitofp %convert_element_type3A_257 : vector<26x2048xi32> to vector<26x2048xf32>
    %eq3A_259 = vector.broadcast %slice3A_254 : vector<1x2048xf32> to vector<26x2048xf32>
    %eq3A_260 = arith.cmpf oeq, %eq3A_259, %max3A_127 : vector<26x2048xf32>
    %gt3A_261 = arith.constant 7 : i32
    %gt3A_262 = vector.broadcast %gt3A_261 : i32 to vector<26x2048xi32>
    %gt3A_263 = arith.cmpi sgt, %iota3A_128, %gt3A_262 : vector<26x2048xi32>
    %and3A_264 = arith.andi %eq3A_260, %gt3A_263 : vector<26x2048xi1>
    %jit3A_265 = arith.constant 1.000000e+00 : f32
    %jit3A_266 = arith.constant 0.000000e+00 : f32
    %broadcast_in_dim3A_267 = vector.broadcast %jit3A_265 : f32 to vector<26x2048xf32>
    %broadcast_in_dim3A_268 = vector.broadcast %jit3A_266 : f32 to vector<26x2048xf32>
    %select_n3A_269 = arith.select %and3A_264, %broadcast_in_dim3A_267, %broadcast_in_dim3A_268 : vector<26x2048xi1>, vector<26x2048xf32>
    %add3A_270 = arith.addf %add3A_253, %convert_element_type3A_258 : vector<26x2048xf32>
    %add3A_271 = arith.addf %add3A_270, %select_n3A_269 : vector<26x2048xf32>
    %slice3A_272 = vector.extract_strided_slice %max3A_127 {offsets = [8, 0], sizes = [1, 2048], strides = [1, 1]} : vector<26x2048xf32> to vector<1x2048xf32>
    %gt3A_273 = vector.broadcast %slice3A_272 : vector<1x2048xf32> to vector<26x2048xf32>
    %gt3A_274 = arith.cmpf ogt, %gt3A_273, %max3A_127 : vector<26x2048xf32>
    %convert_element_type3A_275 = arith.extui %gt3A_274 : vector<26x2048xi1> to vector<26x2048xi32>
    %convert_element_type3A_276 = arith.sitofp %convert_element_type3A_275 : vector<26x2048xi32> to vector<26x2048xf32>
    %eq3A_277 = vector.broadcast %slice3A_272 : vector<1x2048xf32> to vector<26x2048xf32>
    %eq3A_278 = arith.cmpf oeq, %eq3A_277, %max3A_127 : vector<26x2048xf32>
    %gt3A_279 = arith.constant 8 : i32
    %gt3A_280 = vector.broadcast %gt3A_279 : i32 to vector<26x2048xi32>
    %gt3A_281 = arith.cmpi sgt, %iota3A_128, %gt3A_280 : vector<26x2048xi32>
    %and3A_282 = arith.andi %eq3A_278, %gt3A_281 : vector<26x2048xi1>
    %jit3A_283 = arith.constant 1.000000e+00 : f32
    %jit3A_284 = arith.constant 0.000000e+00 : f32
    %broadcast_in_dim3A_285 = vector.broadcast %jit3A_283 : f32 to vector<26x2048xf32>
    %broadcast_in_dim3A_286 = vector.broadcast %jit3A_284 : f32 to vector<26x2048xf32>
    %select_n3A_287 = arith.select %and3A_282, %broadcast_in_dim3A_285, %broadcast_in_dim3A_286 : vector<26x2048xi1>, vector<26x2048xf32>
    %add3A_288 = arith.addf %add3A_271, %convert_element_type3A_276 : vector<26x2048xf32>
    %add3A_289 = arith.addf %add3A_288, %select_n3A_287 : vector<26x2048xf32>
    %slice3A_290 = vector.extract_strided_slice %max3A_127 {offsets = [9, 0], sizes = [1, 2048], strides = [1, 1]} : vector<26x2048xf32> to vector<1x2048xf32>
    %gt3A_291 = vector.broadcast %slice3A_290 : vector<1x2048xf32> to vector<26x2048xf32>
    %gt3A_292 = arith.cmpf ogt, %gt3A_291, %max3A_127 : vector<26x2048xf32>
    %convert_element_type3A_293 = arith.extui %gt3A_292 : vector<26x2048xi1> to vector<26x2048xi32>
    %convert_element_type3A_294 = arith.sitofp %convert_element_type3A_293 : vector<26x2048xi32> to vector<26x2048xf32>
    %eq3A_295 = vector.broadcast %slice3A_290 : vector<1x2048xf32> to vector<26x2048xf32>
    %eq3A_296 = arith.cmpf oeq, %eq3A_295, %max3A_127 : vector<26x2048xf32>
    %gt3A_297 = arith.constant 9 : i32
    %gt3A_298 = vector.broadcast %gt3A_297 : i32 to vector<26x2048xi32>
    %gt3A_299 = arith.cmpi sgt, %iota3A_128, %gt3A_298 : vector<26x2048xi32>
    %and3A_300 = arith.andi %eq3A_296, %gt3A_299 : vector<26x2048xi1>
    %jit3A_301 = arith.constant 1.000000e+00 : f32
    %jit3A_302 = arith.constant 0.000000e+00 : f32
    %broadcast_in_dim3A_303 = vector.broadcast %jit3A_301 : f32 to vector<26x2048xf32>
    %broadcast_in_dim3A_304 = vector.broadcast %jit3A_302 : f32 to vector<26x2048xf32>
    %select_n3A_305 = arith.select %and3A_300, %broadcast_in_dim3A_303, %broadcast_in_dim3A_304 : vector<26x2048xi1>, vector<26x2048xf32>
    %add3A_306 = arith.addf %add3A_289, %convert_element_type3A_294 : vector<26x2048xf32>
    %add3A_307 = arith.addf %add3A_306, %select_n3A_305 : vector<26x2048xf32>
    %slice3A_308 = vector.extract_strided_slice %max3A_127 {offsets = [10, 0], sizes = [1, 2048], strides = [1, 1]} : vector<26x2048xf32> to vector<1x2048xf32>
    %gt3A_309 = vector.broadcast %slice3A_308 : vector<1x2048xf32> to vector<26x2048xf32>
    %gt3A_310 = arith.cmpf ogt, %gt3A_309, %max3A_127 : vector<26x2048xf32>
    %convert_element_type3A_311 = arith.extui %gt3A_310 : vector<26x2048xi1> to vector<26x2048xi32>
    %convert_element_type3A_312 = arith.sitofp %convert_element_type3A_311 : vector<26x2048xi32> to vector<26x2048xf32>
    %eq3A_313 = vector.broadcast %slice3A_308 : vector<1x2048xf32> to vector<26x2048xf32>
    %eq3A_314 = arith.cmpf oeq, %eq3A_313, %max3A_127 : vector<26x2048xf32>
    %gt3A_315 = arith.constant 10 : i32
    %gt3A_316 = vector.broadcast %gt3A_315 : i32 to vector<26x2048xi32>
    %gt3A_317 = arith.cmpi sgt, %iota3A_128, %gt3A_316 : vector<26x2048xi32>
    %and3A_318 = arith.andi %eq3A_314, %gt3A_317 : vector<26x2048xi1>
    %jit3A_319 = arith.constant 1.000000e+00 : f32
    %jit3A_320 = arith.constant 0.000000e+00 : f32
    %broadcast_in_dim3A_321 = vector.broadcast %jit3A_319 : f32 to vector<26x2048xf32>
    %broadcast_in_dim3A_322 = vector.broadcast %jit3A_320 : f32 to vector<26x2048xf32>
    %select_n3A_323 = arith.select %and3A_318, %broadcast_in_dim3A_321, %broadcast_in_dim3A_322 : vector<26x2048xi1>, vector<26x2048xf32>
    %add3A_324 = arith.addf %add3A_307, %convert_element_type3A_312 : vector<26x2048xf32>
    %add3A_325 = arith.addf %add3A_324, %select_n3A_323 : vector<26x2048xf32>
    %slice3A_326 = vector.extract_strided_slice %max3A_127 {offsets = [11, 0], sizes = [1, 2048], strides = [1, 1]} : vector<26x2048xf32> to vector<1x2048xf32>
    %gt3A_327 = vector.broadcast %slice3A_326 : vector<1x2048xf32> to vector<26x2048xf32>
    %gt3A_328 = arith.cmpf ogt, %gt3A_327, %max3A_127 : vector<26x2048xf32>
    %convert_element_type3A_329 = arith.extui %gt3A_328 : vector<26x2048xi1> to vector<26x2048xi32>
    %convert_element_type3A_330 = arith.sitofp %convert_element_type3A_329 : vector<26x2048xi32> to vector<26x2048xf32>
    %eq3A_331 = vector.broadcast %slice3A_326 : vector<1x2048xf32> to vector<26x2048xf32>
    %eq3A_332 = arith.cmpf oeq, %eq3A_331, %max3A_127 : vector<26x2048xf32>
    %gt3A_333 = arith.constant 11 : i32
    %gt3A_334 = vector.broadcast %gt3A_333 : i32 to vector<26x2048xi32>
    %gt3A_335 = arith.cmpi sgt, %iota3A_128, %gt3A_334 : vector<26x2048xi32>
    %and3A_336 = arith.andi %eq3A_332, %gt3A_335 : vector<26x2048xi1>
    %jit3A_337 = arith.constant 1.000000e+00 : f32
    %jit3A_338 = arith.constant 0.000000e+00 : f32
    %broadcast_in_dim3A_339 = vector.broadcast %jit3A_337 : f32 to vector<26x2048xf32>
    %broadcast_in_dim3A_340 = vector.broadcast %jit3A_338 : f32 to vector<26x2048xf32>
    %select_n3A_341 = arith.select %and3A_336, %broadcast_in_dim3A_339, %broadcast_in_dim3A_340 : vector<26x2048xi1>, vector<26x2048xf32>
    %add3A_342 = arith.addf %add3A_325, %convert_element_type3A_330 : vector<26x2048xf32>
    %add3A_343 = arith.addf %add3A_342, %select_n3A_341 : vector<26x2048xf32>
    %slice3A_344 = vector.extract_strided_slice %max3A_127 {offsets = [12, 0], sizes = [1, 2048], strides = [1, 1]} : vector<26x2048xf32> to vector<1x2048xf32>
    %gt3A_345 = vector.broadcast %slice3A_344 : vector<1x2048xf32> to vector<26x2048xf32>
    %gt3A_346 = arith.cmpf ogt, %gt3A_345, %max3A_127 : vector<26x2048xf32>
    %convert_element_type3A_347 = arith.extui %gt3A_346 : vector<26x2048xi1> to vector<26x2048xi32>
    %convert_element_type3A_348 = arith.sitofp %convert_element_type3A_347 : vector<26x2048xi32> to vector<26x2048xf32>
    %eq3A_349 = vector.broadcast %slice3A_344 : vector<1x2048xf32> to vector<26x2048xf32>
    %eq3A_350 = arith.cmpf oeq, %eq3A_349, %max3A_127 : vector<26x2048xf32>
    %gt3A_351 = arith.constant 12 : i32
    %gt3A_352 = vector.broadcast %gt3A_351 : i32 to vector<26x2048xi32>
    %gt3A_353 = arith.cmpi sgt, %iota3A_128, %gt3A_352 : vector<26x2048xi32>
    %and3A_354 = arith.andi %eq3A_350, %gt3A_353 : vector<26x2048xi1>
    %jit3A_355 = arith.constant 1.000000e+00 : f32
    %jit3A_356 = arith.constant 0.000000e+00 : f32
    %broadcast_in_dim3A_357 = vector.broadcast %jit3A_355 : f32 to vector<26x2048xf32>
    %broadcast_in_dim3A_358 = vector.broadcast %jit3A_356 : f32 to vector<26x2048xf32>
    %select_n3A_359 = arith.select %and3A_354, %broadcast_in_dim3A_357, %broadcast_in_dim3A_358 : vector<26x2048xi1>, vector<26x2048xf32>
    %add3A_360 = arith.addf %add3A_343, %convert_element_type3A_348 : vector<26x2048xf32>
    %add3A_361 = arith.addf %add3A_360, %select_n3A_359 : vector<26x2048xf32>
    %slice3A_362 = vector.extract_strided_slice %max3A_127 {offsets = [13, 0], sizes = [1, 2048], strides = [1, 1]} : vector<26x2048xf32> to vector<1x2048xf32>
    %gt3A_363 = vector.broadcast %slice3A_362 : vector<1x2048xf32> to vector<26x2048xf32>
    %gt3A_364 = arith.cmpf ogt, %gt3A_363, %max3A_127 : vector<26x2048xf32>
    %convert_element_type3A_365 = arith.extui %gt3A_364 : vector<26x2048xi1> to vector<26x2048xi32>
    %convert_element_type3A_366 = arith.sitofp %convert_element_type3A_365 : vector<26x2048xi32> to vector<26x2048xf32>
    %eq3A_367 = vector.broadcast %slice3A_362 : vector<1x2048xf32> to vector<26x2048xf32>
    %eq3A_368 = arith.cmpf oeq, %eq3A_367, %max3A_127 : vector<26x2048xf32>
    %gt3A_369 = arith.constant 13 : i32
    %gt3A_370 = vector.broadcast %gt3A_369 : i32 to vector<26x2048xi32>
    %gt3A_371 = arith.cmpi sgt, %iota3A_128, %gt3A_370 : vector<26x2048xi32>
    %and3A_372 = arith.andi %eq3A_368, %gt3A_371 : vector<26x2048xi1>
    %jit3A_373 = arith.constant 1.000000e+00 : f32
    %jit3A_374 = arith.constant 0.000000e+00 : f32
    %broadcast_in_dim3A_375 = vector.broadcast %jit3A_373 : f32 to vector<26x2048xf32>
    %broadcast_in_dim3A_376 = vector.broadcast %jit3A_374 : f32 to vector<26x2048xf32>
    %select_n3A_377 = arith.select %and3A_372, %broadcast_in_dim3A_375, %broadcast_in_dim3A_376 : vector<26x2048xi1>, vector<26x2048xf32>
    %add3A_378 = arith.addf %add3A_361, %convert_element_type3A_366 : vector<26x2048xf32>
    %add3A_379 = arith.addf %add3A_378, %select_n3A_377 : vector<26x2048xf32>
    %slice3A_380 = vector.extract_strided_slice %max3A_127 {offsets = [14, 0], sizes = [1, 2048], strides = [1, 1]} : vector<26x2048xf32> to vector<1x2048xf32>
    %gt3A_381 = vector.broadcast %slice3A_380 : vector<1x2048xf32> to vector<26x2048xf32>
    %gt3A_382 = arith.cmpf ogt, %gt3A_381, %max3A_127 : vector<26x2048xf32>
    %convert_element_type3A_383 = arith.extui %gt3A_382 : vector<26x2048xi1> to vector<26x2048xi32>
    %convert_element_type3A_384 = arith.sitofp %convert_element_type3A_383 : vector<26x2048xi32> to vector<26x2048xf32>
    %eq3A_385 = vector.broadcast %slice3A_380 : vector<1x2048xf32> to vector<26x2048xf32>
    %eq3A_386 = arith.cmpf oeq, %eq3A_385, %max3A_127 : vector<26x2048xf32>
    %gt3A_387 = arith.constant 14 : i32
    %gt3A_388 = vector.broadcast %gt3A_387 : i32 to vector<26x2048xi32>
    %gt3A_389 = arith.cmpi sgt, %iota3A_128, %gt3A_388 : vector<26x2048xi32>
    %and3A_390 = arith.andi %eq3A_386, %gt3A_389 : vector<26x2048xi1>
    %jit3A_391 = arith.constant 1.000000e+00 : f32
    %jit3A_392 = arith.constant 0.000000e+00 : f32
    %broadcast_in_dim3A_393 = vector.broadcast %jit3A_391 : f32 to vector<26x2048xf32>
    %broadcast_in_dim3A_394 = vector.broadcast %jit3A_392 : f32 to vector<26x2048xf32>
    %select_n3A_395 = arith.select %and3A_390, %broadcast_in_dim3A_393, %broadcast_in_dim3A_394 : vector<26x2048xi1>, vector<26x2048xf32>
    %add3A_396 = arith.addf %add3A_379, %convert_element_type3A_384 : vector<26x2048xf32>
    %add3A_397 = arith.addf %add3A_396, %select_n3A_395 : vector<26x2048xf32>
    %slice3A_398 = vector.extract_strided_slice %max3A_127 {offsets = [15, 0], sizes = [1, 2048], strides = [1, 1]} : vector<26x2048xf32> to vector<1x2048xf32>
    %gt3A_399 = vector.broadcast %slice3A_398 : vector<1x2048xf32> to vector<26x2048xf32>
    %gt3A_400 = arith.cmpf ogt, %gt3A_399, %max3A_127 : vector<26x2048xf32>
    %convert_element_type3A_401 = arith.extui %gt3A_400 : vector<26x2048xi1> to vector<26x2048xi32>
    %convert_element_type3A_402 = arith.sitofp %convert_element_type3A_401 : vector<26x2048xi32> to vector<26x2048xf32>
    %eq3A_403 = vector.broadcast %slice3A_398 : vector<1x2048xf32> to vector<26x2048xf32>
    %eq3A_404 = arith.cmpf oeq, %eq3A_403, %max3A_127 : vector<26x2048xf32>
    %gt3A_405 = arith.constant 15 : i32
    %gt3A_406 = vector.broadcast %gt3A_405 : i32 to vector<26x2048xi32>
    %gt3A_407 = arith.cmpi sgt, %iota3A_128, %gt3A_406 : vector<26x2048xi32>
    %and3A_408 = arith.andi %eq3A_404, %gt3A_407 : vector<26x2048xi1>
    %jit3A_409 = arith.constant 1.000000e+00 : f32
    %jit3A_410 = arith.constant 0.000000e+00 : f32
    %broadcast_in_dim3A_411 = vector.broadcast %jit3A_409 : f32 to vector<26x2048xf32>
    %broadcast_in_dim3A_412 = vector.broadcast %jit3A_410 : f32 to vector<26x2048xf32>
    %select_n3A_413 = arith.select %and3A_408, %broadcast_in_dim3A_411, %broadcast_in_dim3A_412 : vector<26x2048xi1>, vector<26x2048xf32>
    %add3A_414 = arith.addf %add3A_397, %convert_element_type3A_402 : vector<26x2048xf32>
    %add3A_415 = arith.addf %add3A_414, %select_n3A_413 : vector<26x2048xf32>
    %slice3A_416 = vector.extract_strided_slice %max3A_127 {offsets = [16, 0], sizes = [1, 2048], strides = [1, 1]} : vector<26x2048xf32> to vector<1x2048xf32>
    %gt3A_417 = vector.broadcast %slice3A_416 : vector<1x2048xf32> to vector<26x2048xf32>
    %gt3A_418 = arith.cmpf ogt, %gt3A_417, %max3A_127 : vector<26x2048xf32>
    %convert_element_type3A_419 = arith.extui %gt3A_418 : vector<26x2048xi1> to vector<26x2048xi32>
    %convert_element_type3A_420 = arith.sitofp %convert_element_type3A_419 : vector<26x2048xi32> to vector<26x2048xf32>
    %eq3A_421 = vector.broadcast %slice3A_416 : vector<1x2048xf32> to vector<26x2048xf32>
    %eq3A_422 = arith.cmpf oeq, %eq3A_421, %max3A_127 : vector<26x2048xf32>
    %gt3A_423 = arith.constant 16 : i32
    %gt3A_424 = vector.broadcast %gt3A_423 : i32 to vector<26x2048xi32>
    %gt3A_425 = arith.cmpi sgt, %iota3A_128, %gt3A_424 : vector<26x2048xi32>
    %and3A_426 = arith.andi %eq3A_422, %gt3A_425 : vector<26x2048xi1>
    %jit3A_427 = arith.constant 1.000000e+00 : f32
    %jit3A_428 = arith.constant 0.000000e+00 : f32
    %broadcast_in_dim3A_429 = vector.broadcast %jit3A_427 : f32 to vector<26x2048xf32>
    %broadcast_in_dim3A_430 = vector.broadcast %jit3A_428 : f32 to vector<26x2048xf32>
    %select_n3A_431 = arith.select %and3A_426, %broadcast_in_dim3A_429, %broadcast_in_dim3A_430 : vector<26x2048xi1>, vector<26x2048xf32>
    %add3A_432 = arith.addf %add3A_415, %convert_element_type3A_420 : vector<26x2048xf32>
    %add3A_433 = arith.addf %add3A_432, %select_n3A_431 : vector<26x2048xf32>
    %slice3A_434 = vector.extract_strided_slice %max3A_127 {offsets = [17, 0], sizes = [1, 2048], strides = [1, 1]} : vector<26x2048xf32> to vector<1x2048xf32>
    %gt3A_435 = vector.broadcast %slice3A_434 : vector<1x2048xf32> to vector<26x2048xf32>
    %gt3A_436 = arith.cmpf ogt, %gt3A_435, %max3A_127 : vector<26x2048xf32>
    %convert_element_type3A_437 = arith.extui %gt3A_436 : vector<26x2048xi1> to vector<26x2048xi32>
    %convert_element_type3A_438 = arith.sitofp %convert_element_type3A_437 : vector<26x2048xi32> to vector<26x2048xf32>
    %eq3A_439 = vector.broadcast %slice3A_434 : vector<1x2048xf32> to vector<26x2048xf32>
    %eq3A_440 = arith.cmpf oeq, %eq3A_439, %max3A_127 : vector<26x2048xf32>
    %gt3A_441 = arith.constant 17 : i32
    %gt3A_442 = vector.broadcast %gt3A_441 : i32 to vector<26x2048xi32>
    %gt3A_443 = arith.cmpi sgt, %iota3A_128, %gt3A_442 : vector<26x2048xi32>
    %and3A_444 = arith.andi %eq3A_440, %gt3A_443 : vector<26x2048xi1>
    %jit3A_445 = arith.constant 1.000000e+00 : f32
    %jit3A_446 = arith.constant 0.000000e+00 : f32
    %broadcast_in_dim3A_447 = vector.broadcast %jit3A_445 : f32 to vector<26x2048xf32>
    %broadcast_in_dim3A_448 = vector.broadcast %jit3A_446 : f32 to vector<26x2048xf32>
    %select_n3A_449 = arith.select %and3A_444, %broadcast_in_dim3A_447, %broadcast_in_dim3A_448 : vector<26x2048xi1>, vector<26x2048xf32>
    %add3A_450 = arith.addf %add3A_433, %convert_element_type3A_438 : vector<26x2048xf32>
    %add3A_451 = arith.addf %add3A_450, %select_n3A_449 : vector<26x2048xf32>
    %slice3A_452 = vector.extract_strided_slice %max3A_127 {offsets = [18, 0], sizes = [1, 2048], strides = [1, 1]} : vector<26x2048xf32> to vector<1x2048xf32>
    %gt3A_453 = vector.broadcast %slice3A_452 : vector<1x2048xf32> to vector<26x2048xf32>
    %gt3A_454 = arith.cmpf ogt, %gt3A_453, %max3A_127 : vector<26x2048xf32>
    %convert_element_type3A_455 = arith.extui %gt3A_454 : vector<26x2048xi1> to vector<26x2048xi32>
    %convert_element_type3A_456 = arith.sitofp %convert_element_type3A_455 : vector<26x2048xi32> to vector<26x2048xf32>
    %eq3A_457 = vector.broadcast %slice3A_452 : vector<1x2048xf32> to vector<26x2048xf32>
    %eq3A_458 = arith.cmpf oeq, %eq3A_457, %max3A_127 : vector<26x2048xf32>
    %gt3A_459 = arith.constant 18 : i32
    %gt3A_460 = vector.broadcast %gt3A_459 : i32 to vector<26x2048xi32>
    %gt3A_461 = arith.cmpi sgt, %iota3A_128, %gt3A_460 : vector<26x2048xi32>
    %and3A_462 = arith.andi %eq3A_458, %gt3A_461 : vector<26x2048xi1>
    %jit3A_463 = arith.constant 1.000000e+00 : f32
    %jit3A_464 = arith.constant 0.000000e+00 : f32
    %broadcast_in_dim3A_465 = vector.broadcast %jit3A_463 : f32 to vector<26x2048xf32>
    %broadcast_in_dim3A_466 = vector.broadcast %jit3A_464 : f32 to vector<26x2048xf32>
    %select_n3A_467 = arith.select %and3A_462, %broadcast_in_dim3A_465, %broadcast_in_dim3A_466 : vector<26x2048xi1>, vector<26x2048xf32>
    %add3A_468 = arith.addf %add3A_451, %convert_element_type3A_456 : vector<26x2048xf32>
    %add3A_469 = arith.addf %add3A_468, %select_n3A_467 : vector<26x2048xf32>
    %slice3A_470 = vector.extract_strided_slice %max3A_127 {offsets = [19, 0], sizes = [1, 2048], strides = [1, 1]} : vector<26x2048xf32> to vector<1x2048xf32>
    %gt3A_471 = vector.broadcast %slice3A_470 : vector<1x2048xf32> to vector<26x2048xf32>
    %gt3A_472 = arith.cmpf ogt, %gt3A_471, %max3A_127 : vector<26x2048xf32>
    %convert_element_type3A_473 = arith.extui %gt3A_472 : vector<26x2048xi1> to vector<26x2048xi32>
    %convert_element_type3A_474 = arith.sitofp %convert_element_type3A_473 : vector<26x2048xi32> to vector<26x2048xf32>
    %eq3A_475 = vector.broadcast %slice3A_470 : vector<1x2048xf32> to vector<26x2048xf32>
    %eq3A_476 = arith.cmpf oeq, %eq3A_475, %max3A_127 : vector<26x2048xf32>
    %gt3A_477 = arith.constant 19 : i32
    %gt3A_478 = vector.broadcast %gt3A_477 : i32 to vector<26x2048xi32>
    %gt3A_479 = arith.cmpi sgt, %iota3A_128, %gt3A_478 : vector<26x2048xi32>
    %and3A_480 = arith.andi %eq3A_476, %gt3A_479 : vector<26x2048xi1>
    %jit3A_481 = arith.constant 1.000000e+00 : f32
    %jit3A_482 = arith.constant 0.000000e+00 : f32
    %broadcast_in_dim3A_483 = vector.broadcast %jit3A_481 : f32 to vector<26x2048xf32>
    %broadcast_in_dim3A_484 = vector.broadcast %jit3A_482 : f32 to vector<26x2048xf32>
    %select_n3A_485 = arith.select %and3A_480, %broadcast_in_dim3A_483, %broadcast_in_dim3A_484 : vector<26x2048xi1>, vector<26x2048xf32>
    %add3A_486 = arith.addf %add3A_469, %convert_element_type3A_474 : vector<26x2048xf32>
    %add3A_487 = arith.addf %add3A_486, %select_n3A_485 : vector<26x2048xf32>
    %slice3A_488 = vector.extract_strided_slice %max3A_127 {offsets = [20, 0], sizes = [1, 2048], strides = [1, 1]} : vector<26x2048xf32> to vector<1x2048xf32>
    %gt3A_489 = vector.broadcast %slice3A_488 : vector<1x2048xf32> to vector<26x2048xf32>
    %gt3A_490 = arith.cmpf ogt, %gt3A_489, %max3A_127 : vector<26x2048xf32>
    %convert_element_type3A_491 = arith.extui %gt3A_490 : vector<26x2048xi1> to vector<26x2048xi32>
    %convert_element_type3A_492 = arith.sitofp %convert_element_type3A_491 : vector<26x2048xi32> to vector<26x2048xf32>
    %eq3A_493 = vector.broadcast %slice3A_488 : vector<1x2048xf32> to vector<26x2048xf32>
    %eq3A_494 = arith.cmpf oeq, %eq3A_493, %max3A_127 : vector<26x2048xf32>
    %gt3A_495 = arith.constant 20 : i32
    %gt3A_496 = vector.broadcast %gt3A_495 : i32 to vector<26x2048xi32>
    %gt3A_497 = arith.cmpi sgt, %iota3A_128, %gt3A_496 : vector<26x2048xi32>
    %and3A_498 = arith.andi %eq3A_494, %gt3A_497 : vector<26x2048xi1>
    %jit3A_499 = arith.constant 1.000000e+00 : f32
    %jit3A_500 = arith.constant 0.000000e+00 : f32
    %broadcast_in_dim3A_501 = vector.broadcast %jit3A_499 : f32 to vector<26x2048xf32>
    %broadcast_in_dim3A_502 = vector.broadcast %jit3A_500 : f32 to vector<26x2048xf32>
    %select_n3A_503 = arith.select %and3A_498, %broadcast_in_dim3A_501, %broadcast_in_dim3A_502 : vector<26x2048xi1>, vector<26x2048xf32>
    %add3A_504 = arith.addf %add3A_487, %convert_element_type3A_492 : vector<26x2048xf32>
    %add3A_505 = arith.addf %add3A_504, %select_n3A_503 : vector<26x2048xf32>
    %slice3A_506 = vector.extract_strided_slice %max3A_127 {offsets = [21, 0], sizes = [1, 2048], strides = [1, 1]} : vector<26x2048xf32> to vector<1x2048xf32>
    %gt3A_507 = vector.broadcast %slice3A_506 : vector<1x2048xf32> to vector<26x2048xf32>
    %gt3A_508 = arith.cmpf ogt, %gt3A_507, %max3A_127 : vector<26x2048xf32>
    %convert_element_type3A_509 = arith.extui %gt3A_508 : vector<26x2048xi1> to vector<26x2048xi32>
    %convert_element_type3A_510 = arith.sitofp %convert_element_type3A_509 : vector<26x2048xi32> to vector<26x2048xf32>
    %eq3A_511 = vector.broadcast %slice3A_506 : vector<1x2048xf32> to vector<26x2048xf32>
    %eq3A_512 = arith.cmpf oeq, %eq3A_511, %max3A_127 : vector<26x2048xf32>
    %gt3A_513 = arith.constant 21 : i32
    %gt3A_514 = vector.broadcast %gt3A_513 : i32 to vector<26x2048xi32>
    %gt3A_515 = arith.cmpi sgt, %iota3A_128, %gt3A_514 : vector<26x2048xi32>
    %and3A_516 = arith.andi %eq3A_512, %gt3A_515 : vector<26x2048xi1>
    %jit3A_517 = arith.constant 1.000000e+00 : f32
    %jit3A_518 = arith.constant 0.000000e+00 : f32
    %broadcast_in_dim3A_519 = vector.broadcast %jit3A_517 : f32 to vector<26x2048xf32>
    %broadcast_in_dim3A_520 = vector.broadcast %jit3A_518 : f32 to vector<26x2048xf32>
    %select_n3A_521 = arith.select %and3A_516, %broadcast_in_dim3A_519, %broadcast_in_dim3A_520 : vector<26x2048xi1>, vector<26x2048xf32>
    %add3A_522 = arith.addf %add3A_505, %convert_element_type3A_510 : vector<26x2048xf32>
    %add3A_523 = arith.addf %add3A_522, %select_n3A_521 : vector<26x2048xf32>
    %slice3A_524 = vector.extract_strided_slice %max3A_127 {offsets = [22, 0], sizes = [1, 2048], strides = [1, 1]} : vector<26x2048xf32> to vector<1x2048xf32>
    %gt3A_525 = vector.broadcast %slice3A_524 : vector<1x2048xf32> to vector<26x2048xf32>
    %gt3A_526 = arith.cmpf ogt, %gt3A_525, %max3A_127 : vector<26x2048xf32>
    %convert_element_type3A_527 = arith.extui %gt3A_526 : vector<26x2048xi1> to vector<26x2048xi32>
    %convert_element_type3A_528 = arith.sitofp %convert_element_type3A_527 : vector<26x2048xi32> to vector<26x2048xf32>
    %eq3A_529 = vector.broadcast %slice3A_524 : vector<1x2048xf32> to vector<26x2048xf32>
    %eq3A_530 = arith.cmpf oeq, %eq3A_529, %max3A_127 : vector<26x2048xf32>
    %gt3A_531 = arith.constant 22 : i32
    %gt3A_532 = vector.broadcast %gt3A_531 : i32 to vector<26x2048xi32>
    %gt3A_533 = arith.cmpi sgt, %iota3A_128, %gt3A_532 : vector<26x2048xi32>
    %and3A_534 = arith.andi %eq3A_530, %gt3A_533 : vector<26x2048xi1>
    %jit3A_535 = arith.constant 1.000000e+00 : f32
    %jit3A_536 = arith.constant 0.000000e+00 : f32
    %broadcast_in_dim3A_537 = vector.broadcast %jit3A_535 : f32 to vector<26x2048xf32>
    %broadcast_in_dim3A_538 = vector.broadcast %jit3A_536 : f32 to vector<26x2048xf32>
    %select_n3A_539 = arith.select %and3A_534, %broadcast_in_dim3A_537, %broadcast_in_dim3A_538 : vector<26x2048xi1>, vector<26x2048xf32>
    %add3A_540 = arith.addf %add3A_523, %convert_element_type3A_528 : vector<26x2048xf32>
    %add3A_541 = arith.addf %add3A_540, %select_n3A_539 : vector<26x2048xf32>
    %slice3A_542 = vector.extract_strided_slice %max3A_127 {offsets = [23, 0], sizes = [1, 2048], strides = [1, 1]} : vector<26x2048xf32> to vector<1x2048xf32>
    %gt3A_543 = vector.broadcast %slice3A_542 : vector<1x2048xf32> to vector<26x2048xf32>
    %gt3A_544 = arith.cmpf ogt, %gt3A_543, %max3A_127 : vector<26x2048xf32>
    %convert_element_type3A_545 = arith.extui %gt3A_544 : vector<26x2048xi1> to vector<26x2048xi32>
    %convert_element_type3A_546 = arith.sitofp %convert_element_type3A_545 : vector<26x2048xi32> to vector<26x2048xf32>
    %eq3A_547 = vector.broadcast %slice3A_542 : vector<1x2048xf32> to vector<26x2048xf32>
    %eq3A_548 = arith.cmpf oeq, %eq3A_547, %max3A_127 : vector<26x2048xf32>
    %gt3A_549 = arith.constant 23 : i32
    %gt3A_550 = vector.broadcast %gt3A_549 : i32 to vector<26x2048xi32>
    %gt3A_551 = arith.cmpi sgt, %iota3A_128, %gt3A_550 : vector<26x2048xi32>
    %and3A_552 = arith.andi %eq3A_548, %gt3A_551 : vector<26x2048xi1>
    %jit3A_553 = arith.constant 1.000000e+00 : f32
    %jit3A_554 = arith.constant 0.000000e+00 : f32
    %broadcast_in_dim3A_555 = vector.broadcast %jit3A_553 : f32 to vector<26x2048xf32>
    %broadcast_in_dim3A_556 = vector.broadcast %jit3A_554 : f32 to vector<26x2048xf32>
    %select_n3A_557 = arith.select %and3A_552, %broadcast_in_dim3A_555, %broadcast_in_dim3A_556 : vector<26x2048xi1>, vector<26x2048xf32>
    %add3A_558 = arith.addf %add3A_541, %convert_element_type3A_546 : vector<26x2048xf32>
    %add3A_559 = arith.addf %add3A_558, %select_n3A_557 : vector<26x2048xf32>
    %slice3A_560 = vector.extract_strided_slice %max3A_127 {offsets = [24, 0], sizes = [1, 2048], strides = [1, 1]} : vector<26x2048xf32> to vector<1x2048xf32>
    %gt3A_561 = vector.broadcast %slice3A_560 : vector<1x2048xf32> to vector<26x2048xf32>
    %gt3A_562 = arith.cmpf ogt, %gt3A_561, %max3A_127 : vector<26x2048xf32>
    %convert_element_type3A_563 = arith.extui %gt3A_562 : vector<26x2048xi1> to vector<26x2048xi32>
    %convert_element_type3A_564 = arith.sitofp %convert_element_type3A_563 : vector<26x2048xi32> to vector<26x2048xf32>
    %eq3A_565 = vector.broadcast %slice3A_560 : vector<1x2048xf32> to vector<26x2048xf32>
    %eq3A_566 = arith.cmpf oeq, %eq3A_565, %max3A_127 : vector<26x2048xf32>
    %gt3A_567 = arith.constant 24 : i32
    %gt3A_568 = vector.broadcast %gt3A_567 : i32 to vector<26x2048xi32>
    %gt3A_569 = arith.cmpi sgt, %iota3A_128, %gt3A_568 : vector<26x2048xi32>
    %and3A_570 = arith.andi %eq3A_566, %gt3A_569 : vector<26x2048xi1>
    %jit3A_571 = arith.constant 1.000000e+00 : f32
    %jit3A_572 = arith.constant 0.000000e+00 : f32
    %broadcast_in_dim3A_573 = vector.broadcast %jit3A_571 : f32 to vector<26x2048xf32>
    %broadcast_in_dim3A_574 = vector.broadcast %jit3A_572 : f32 to vector<26x2048xf32>
    %select_n3A_575 = arith.select %and3A_570, %broadcast_in_dim3A_573, %broadcast_in_dim3A_574 : vector<26x2048xi1>, vector<26x2048xf32>
    %add3A_576 = arith.addf %add3A_559, %convert_element_type3A_564 : vector<26x2048xf32>
    %add3A_577 = arith.addf %add3A_576, %select_n3A_575 : vector<26x2048xf32>
    %slice3A_578 = vector.extract_strided_slice %max3A_127 {offsets = [25, 0], sizes = [1, 2048], strides = [1, 1]} : vector<26x2048xf32> to vector<1x2048xf32>
    %gt3A_579 = vector.broadcast %slice3A_578 : vector<1x2048xf32> to vector<26x2048xf32>
    %gt3A_580 = arith.cmpf ogt, %gt3A_579, %max3A_127 : vector<26x2048xf32>
    %convert_element_type3A_581 = arith.extui %gt3A_580 : vector<26x2048xi1> to vector<26x2048xi32>
    %convert_element_type3A_582 = arith.sitofp %convert_element_type3A_581 : vector<26x2048xi32> to vector<26x2048xf32>
    %eq3A_583 = vector.broadcast %slice3A_578 : vector<1x2048xf32> to vector<26x2048xf32>
    %eq3A_584 = arith.cmpf oeq, %eq3A_583, %max3A_127 : vector<26x2048xf32>
    %gt3A_585 = arith.constant 25 : i32
    %gt3A_586 = vector.broadcast %gt3A_585 : i32 to vector<26x2048xi32>
    %gt3A_587 = arith.cmpi sgt, %iota3A_128, %gt3A_586 : vector<26x2048xi32>
    %and3A_588 = arith.andi %eq3A_584, %gt3A_587 : vector<26x2048xi1>
    %jit3A_589 = arith.constant 1.000000e+00 : f32
    %jit3A_590 = arith.constant 0.000000e+00 : f32
    %broadcast_in_dim3A_591 = vector.broadcast %jit3A_589 : f32 to vector<26x2048xf32>
    %broadcast_in_dim3A_592 = vector.broadcast %jit3A_590 : f32 to vector<26x2048xf32>
    %select_n3A_593 = arith.select %and3A_588, %broadcast_in_dim3A_591, %broadcast_in_dim3A_592 : vector<26x2048xi1>, vector<26x2048xf32>
    %add3A_594 = arith.addf %add3A_577, %convert_element_type3A_582 : vector<26x2048xf32>
    %add3A_595 = arith.addf %add3A_594, %select_n3A_593 : vector<26x2048xf32>
    %lt3A = arith.constant 1.300000e+01 : f32
    %lt3A_596 = vector.broadcast %lt3A : f32 to vector<26x2048xf32>
    %lt3A_597 = arith.cmpf olt, %add3A_595, %lt3A_596 : vector<26x2048xf32>
    %jit3A_598 = arith.constant 0.000000e+00 : f32
    %broadcast_in_dim3A_599 = vector.broadcast %jit3A_598 : f32 to vector<26x2048xf32>
    %select_n3A_600 = arith.select %lt3A_597, %max3A_127, %broadcast_in_dim3A_599 : vector<26x2048xi1>, vector<26x2048xf32>
    %reduce_sum3A = arith.constant dense<0.000000e+00> : vector<2048xf32>
    %reduce_sum3A_601 = vector.multi_reduction <add>, %select_n3A_600, %reduce_sum3A [0] : vector<26x2048xf32> to vector<2048xf32>
    %broadcast_in_dim3A_602 = vector.shape_cast %reduce_sum3A_601 : vector<2048xf32> to vector<1x2048xf32>
    %div3A_603 = vector.broadcast %broadcast_in_dim3A_602 : vector<1x2048xf32> to vector<26x2048xf32>
    %div3A_604 = arith.divf %select_n3A_600, %div3A_603 : vector<26x2048xf32>
    %dot_general3A_605 = arith.constant dense<0.000000e+00> : vector<2048x416xf32>
    %dot_general3A_606 = tpu.matmul %div3A_604, %convert_element_type3A_24, %dot_general3A_605 {dimension_numbers = #tpu.dot_dimension_numbers<[0], [0], [1], [1], [0, 1, 1, 1], [], []>, transpose_lhs_hint = false} : vector<26x2048xf32>, vector<26x416xf32>, vector<2048x416xf32> -> vector<2048x416xf32>
    %get3A_607 = arith.constant 0 : index
    %get3A_608 = arith.constant 0 : index
    %get3A_609 = vector.load %arg1[%get3A_607, %get3A_608] : memref<2048x416xf32, #tpu.memory_space<vmem>>, vector<2048x416xf32>
    %mul3A_610 = vector.broadcast %dot_general3A_88 : vector<1x416xf32> to vector<2048x416xf32>
    %mul3A_611 = arith.mulf %mul3A_610, %get3A_609 : vector<2048x416xf32>
    %add3A_612 = vector.broadcast %dot_general3A_90 : vector<1x416xf32> to vector<2048x416xf32>
    %add3A_613 = arith.addf %mul3A_611, %add3A_612 : vector<2048x416xf32>
    %mul3A_614 = arith.mulf %add3A_613, %dot_general3A_606 : vector<2048x416xf32>
    %iota3A_615 = tpu.iota {dimensions = array<i32: 0>} : vector<416x16xi32>
    %iota3A_616 = tpu.iota {dimensions = array<i32: 1>} : vector<416x16xi32>
    %jit3A_617 = arith.constant 16 : i32
    %eq3A_618 = arith.constant 0 : i32
    %eq3A_619 = arith.cmpi eq, %jit3A_617, %eq3A_618 : i32
    %jit3A_620 = arith.constant 1 : i32
    %select_n3A_621 = arith.select %eq3A_619, %jit3A_620, %jit3A_617 : i32
    %rem3A_622 = vector.broadcast %select_n3A_621 : i32 to vector<416x16xi32>
    %rem3A_623 = arith.remsi %iota3A_615, %rem3A_622 : vector<416x16xi32>
    %ne3A_624 = arith.constant 0 : i32
    %ne3A_625 = vector.broadcast %ne3A_624 : i32 to vector<416x16xi32>
    %ne3A_626 = arith.cmpi ne, %rem3A_623, %ne3A_625 : vector<416x16xi32>
    %lt3A_627 = arith.constant 0 : i32
    %lt3A_628 = vector.broadcast %lt3A_627 : i32 to vector<416x16xi32>
    %lt3A_629 = arith.cmpi slt, %rem3A_623, %lt3A_628 : vector<416x16xi32>
    %lt3A_630 = arith.constant 0 : i32
    %lt3A_631 = arith.cmpi slt, %select_n3A_621, %lt3A_630 : i32
    %ne3A_632 = vector.broadcast %lt3A_631 : i1 to vector<416x16xi1>
    %ne3A_633 = vector.broadcast %ne3A_632 : vector<416x16xi1> to vector<416x16xi1>
    %ne3A_634 = arith.xori %lt3A_629, %ne3A_633 : vector<416x16xi1>
    %and3A_635 = arith.andi %ne3A_634, %ne3A_626 : vector<416x16xi1>
    %add3A_636 = vector.broadcast %select_n3A_621 : i32 to vector<416x16xi32>
    %add3A_637 = arith.addi %rem3A_623, %add3A_636 : vector<416x16xi32>
    %select_n3A_638 = arith.select %and3A_635, %add3A_637, %rem3A_623 : vector<416x16xi1>, vector<416x16xi32>
    %eq3A_639 = arith.cmpi eq, %select_n3A_638, %iota3A_616 : vector<416x16xi32>
    %convert_element_type3A_640 = arith.extui %eq3A_639 : vector<416x16xi1> to vector<416x16xi32>
    %convert_element_type3A_641 = arith.sitofp %convert_element_type3A_640 : vector<416x16xi32> to vector<416x16xf32>
    %dot_general3A_642 = arith.constant dense<0.000000e+00> : vector<2048x16xf32>
    %dot_general3A_643 = tpu.matmul %mul3A_614, %convert_element_type3A_641, %dot_general3A_642 {dimension_numbers = #tpu.dot_dimension_numbers<[1], [0], [0], [1], [0, 0, 1, 1], [], []>, transpose_lhs_hint = false} : vector<2048x416xf32>, vector<416x16xf32>, vector<2048x16xf32> -> vector<2048x16xf32>
    %mul3A_644 = arith.mulf %dot_general3A_643, %dot_general3A_643 : vector<2048x16xf32>
    %reduce_sum3A_645 = arith.constant dense<0.000000e+00> : vector<2048xf32>
    %reduce_sum3A_646 = vector.multi_reduction <add>, %mul3A_644, %reduce_sum3A_645 [1] : vector<2048x16xf32> to vector<2048xf32>
    %broadcast_in_dim3A_647 = vector.shape_cast %reduce_sum3A_646 : vector<2048xf32> to vector<2048x1xf32>
    %mul3A_648 = arith.mulf %mul3A_614, %mul3A_614 : vector<2048x416xf32>
    %reduce_sum3A_649 = arith.constant dense<0.000000e+00> : vector<2048xf32>
    %reduce_sum3A_650 = vector.multi_reduction <add>, %mul3A_648, %reduce_sum3A_649 [1] : vector<2048x416xf32> to vector<2048xf32>
    %broadcast_in_dim3A_651 = vector.shape_cast %reduce_sum3A_650 : vector<2048xf32> to vector<2048x1xf32>
    %sub3A_652 = arith.subf %broadcast_in_dim3A_647, %broadcast_in_dim3A_651 : vector<2048x1xf32>
    %mul3A_653 = arith.constant 5.000000e-01 : f32
    %mul3A_654 = vector.broadcast %mul3A_653 : f32 to vector<2048x1xf32>
    %mul3A_655 = arith.mulf %mul3A_654, %sub3A_652 : vector<2048x1xf32>
    %get3A_656 = arith.constant 0 : index
    %get3A_657 = arith.constant 0 : index
    %get3A_658 = vector.load %arg5[%get3A_656, %get3A_657] : memref<2048x26xf32, #tpu.memory_space<vmem>>, vector<2048x26xf32>
    %reduce_sum3A_659 = arith.constant dense<0.000000e+00> : vector<2048xf32>
    %reduce_sum3A_660 = vector.multi_reduction <add>, %get3A_658, %reduce_sum3A_659 [1] : vector<2048x26xf32> to vector<2048xf32>
    %broadcast_in_dim3A_661 = vector.shape_cast %reduce_sum3A_660 : vector<2048xf32> to vector<2048x1xf32>
    %get3A_662 = arith.constant 0 : index
    %get3A_663 = arith.constant 0 : index
    %get3A_664 = vector.load %arg10[%get3A_662, %get3A_663] : memref<1x1xf32, #tpu.memory_space<vmem>>, vector<1x1xf32>
    %add3A_665 = vector.broadcast %get3A_664 : vector<1x1xf32> to vector<2048x1xf32>
    %add3A_666 = arith.addf %broadcast_in_dim3A_661, %add3A_665 : vector<2048x1xf32>
    %add3A_667 = arith.addf %add3A_666, %mul3A_655 : vector<2048x1xf32>
    %logistic3A = arith.negf %add3A_667 : vector<2048x1xf32>
    %logistic3A_668 = math.exp %logistic3A : vector<2048x1xf32>
    %logistic3A_669 = arith.constant 1.000000e+00 : f32
    %logistic3A_670 = vector.broadcast %logistic3A_669 : f32 to vector<2048x1xf32>
    %logistic3A_671 = arith.addf %logistic3A_670, %logistic3A_668 : vector<2048x1xf32>
    %logistic3A_672 = arith.divf %logistic3A_670, %logistic3A_671 : vector<2048x1xf32>
    %swap3A = arith.constant 0 : index
    %swap3A_673 = arith.constant 0 : index
    %swap3A_674 = vector.load %arg11[%swap3A, %swap3A_673] : memref<2048x1xf32, #tpu.memory_space<vmem>>, vector<2048x1xf32>
    tpu.vector_store %arg11[%swap3A, %swap3A_673], %logistic3A_672 {strides = array<i32>} : memref<2048x1xf32, #tpu.memory_space<vmem>>, vector<2048x1xf32>,
    return
  }
  func.func @transform_0(%arg0: i32) -> (i32, i32) {
    %c0_i32 = arith.constant 0 : i32
    %c0_i32_0 = arith.constant 0 : i32
    return %arg0, %c0_i32 : i32, i32
  }
  func.func @transform_1(%arg0: i32) -> (i32, i32) {
    %c0_i32 = arith.constant 0 : i32
    %c0_i32_0 = arith.constant 0 : i32
    return %c0_i32, %arg0 : i32, i32
  }
  func.func @transform_2(%arg0: i32) -> (i32, i32) {
    %c0_i32 = arith.constant 0 : i32
    %c0_i32_0 = arith.constant 0 : i32
    %c0_i32_1 = arith.constant 0 : i32
    return %c0_i32, %c0_i32_0 : i32, i32
  }
  func.func @transform_3(%arg0: i32) -> (i32, i32) {
    %c0_i32 = arith.constant 0 : i32
    %c0_i32_0 = arith.constant 0 : i32
    %c0_i32_1 = arith.constant 0 : i32
    return %c0_i32, %c0_i32_0 : i32, i32
  }
  func.func @transform_4(%arg0: i32) -> (i32, i32) {
    %c0_i32 = arith.constant 0 : i32
    %c0_i32_0 = arith.constant 0 : i32
    return %arg0, %c0_i32 : i32, i32
  }
  func.func @transform_5(%arg0: i32) -> (i32, i32) {
    %c0_i32 = arith.constant 0 : i32
    %c0_i32_0 = arith.constant 0 : i32
    %c0_i32_1 = arith.constant 0 : i32
    return %c0_i32, %c0_i32_0 : i32, i32
  }
  func.func @transform_6(%arg0: i32) -> (i32, i32) {
    %c0_i32 = arith.constant 0 : i32
    %c0_i32_0 = arith.constant 0 : i32
    %c0_i32_1 = arith.constant 0 : i32
    return %c0_i32, %c0_i32_0 : i32, i32
  }
  func.func @transform_7(%arg0: i32) -> (i32, i32) {
    %c0_i32 = arith.constant 0 : i32
    %c0_i32_0 = arith.constant 0 : i32
    %c0_i32_1 = arith.constant 0 : i32
    return %c0_i32, %c0_i32_0 : i32, i32
  }
  func.func @transform_8(%arg0: i32) -> (i32, i32) {
    %c0_i32 = arith.constant 0 : i32
    %c0_i32_0 = arith.constant 0 : i32
    %c0_i32_1 = arith.constant 0 : i32
    return %c0_i32, %c0_i32_0 : i32, i32
  }
  func.func @transform_9(%arg0: i32) -> (i32, i32) {
    %c0_i32 = arith.constant 0 : i32
    %c0_i32_0 = arith.constant 0 : i32
    %c0_i32_1 = arith.constant 0 : i32
    return %c0_i32, %c0_i32_0 : i32, i32
  }
  func.func @transform_10(%arg0: i32) -> (i32, i32) {
    %c0_i32 = arith.constant 0 : i32
    %c0_i32_0 = arith.constant 0 : i32
    return %arg0, %c0_i32 : i32, i32
  }
}

</mosaic_0001>

<sc_bundles>
// kernel: kernel.10.cloned.1.call-start
scs
__scs_entry_jumppad:
0x0: {  	(pc) =	sbr.rel $0x88, $3  }
0x1: {  	(tag) =	ssettag $0x0;
	lr =	simm.s32 $0x1  }
0x2: {  	[smem:$0x3F97] =	sst lr;
	_ =	strace $0xD0000000  }
0x3: {  	_ = 	snop  }
0x4: {  	_ = 	snop  }
0x5: {  	_ = 	snop  }
0x6: {  	_ = 	snop  }
0x7: {  	_ = 	snop  }
__scs_overlays_trampoline_lowered:
0x8: {  	[smem:$0x3FA6] =	sst s0  }
0x9: {  	[smem:$0x3FA7] =	sst s1  }
0xa: {  	[smem:$0x3FA8] =	sst s2  }
0xb: {  	[smem:$0x3FA9] =	sst s3  }
0xc: {  	[smem:$0x3FAA] =	sst s4  }
0xd: {  	[smem:$0x3FAB] =	sst s5  }
0xe: {  	[smem:$0x3FAC] =	sst s6  }
0xf: {  	[smem:$0x3FAD] =	sst s7  }
0x10: {  	[smem:$0x3FAE] =	sst s8  }
0x11: {  	[smem:$0x3FAF] =	sst s9;
	s0 =	simm.s32 @!p0 $0x0  }
0x12: {  	s1 =	sld [smem:$0x3F95];
	s0 =	simm.s32 @p0 $0x1  }
0x13: {  	[smem:$0x3FB0] =	sst s0;
	s0 =	simm.s32 @!p1 $0x0  }
0x14: {  	s2 =	sld [smem:$0x3F94];
	s0 =	simm.s32 @p1 $0x1  }
0x15: {  	[smem:$0x3FB1] =	sst s0;
	s0 =	simm.s32 @!p2 $0x0  }
0x16: {  	s3 =	sld [smem:$0x3FDB];
	s0 =	simm.s32 @p2 $0x1  }
0x17: {  	s4 =	simm.s32 $0x1BF5;
	[smem:$0x3FB3] =	sst s0  }
0x18: {  	s0 =	sld [smem:$0x3F96];
	_ =	swait.ge [sflag:s4], $0x0  }
0x19: {  	s7 =	sld [smem:$0x3F97]  }
0x1a: {  	s8 =	sadd.s32 $0xFFFFE003, lr  }
0x1b: {  	s9 =	sadd.s32 $0xFFFFFEF7, lr;
	s5 =	simm.s32 $0xFFFFFFFF;
	p2 =	slt.u32 s8, $0xFFFFF086  }
0x1c: {  	p1 =	slt.u32 s9, $0xF7A;
	s5 =	simm.s32 @!p2 $0x0  }
0x1d: {  	s5 =	simm.s32 @p1 $0x1;
	p0 =	seq.s32 s7, s2  }
0x1e: {  	s7 =	smul.u32 @!p0 $0xF7A, s2;
	p2 =	seq.s32 @!p0 s5, $0x0  }
0x1f: {  	s9 =	smul.u32 $0xF7A, s1;
	s8 =	simm.s32 @!p0 $0x1BF5;
	p2 =	por !p2, p0  }
0x20: {  	[sflag:s8] =	ssyncset.s32 @!p0 $0xFFFFF086;
	s6 =	sadd.s32 @!p0 s3, s7;
	s7 =	simm.s32 @!p0 $0x108  }
0x21: {  	s3 =	sadd.s32 s3, s9;
	s6 =	sadd.s32 @!p0 $0x88, s6;
	s7 =	simm.s32 @p2 $0x1082  }
0x22: {  	[simem:s7], [sflag:s8] =	dma.local @!p0 [hbm:s6], $0xF7A  }
0x23: {  	s9 =	sor.u32 $0xD0000000, s2;
	s6 =	simm.s32 $0x108;
	_ =	swait.ge @!p0 [sflag:s8], $0x0  }
0x24: {  	s3 =	sadd.s32 $0x88, s3;
	s6 =	simm.s32 @!p1 $0x1082;
	[sflag:s4] =	ssyncset.s32 $0xFFFFF086  }
0x25: {  	[simem:s6], [sflag:s4] =	dma.local [hbm:s3], $0xF7A  }
0x26: {  	[smem:$0x3F97] =	sst s1;
	(tag) =	ssettag s2;
	_ =	strace s9  }
0x27: {  	s1 =	sld [smem:$0x3FA7]  }
0x28: {  	s2 =	sld [smem:$0x3FA8]  }
0x29: {  	s4 =	sld [smem:$0x3FAA]  }
0x2a: {  	p0 =	seq.s32 s5, $0x0;
	s5 =	sld [smem:$0x3FAB]  }
0x2b: {  	s6 =	sld [smem:$0x3FAC]  }
0x2c: {  	s7 =	sld [smem:$0x3FAD]  }
0x2d: {  	s3 =	simm.s32 $0x108;
	s8 =	sld [smem:$0x3FAE]  }
0x2e: {  	s3 =	simm.s32 @!p0 $0x1082;
	s9 =	sld [smem:$0x3FAF]  }
0x2f: {  	lr =	sadd.s32 s0, s3;
	s0 =	sld [smem:$0x3FA6]  }
0x30: {  	s3 =	sld [smem:$0x3FA9]  }
0x31: {  	[smem:$0x3FB2] =	sst s10  }
0x32: {  	s10 =	sld [smem:$0x3FB0];
	_ =	sdelay $0x3  }
0x33: {  	p0 =	seq.s32 s10, $0x1;
	s10 =	sld [smem:$0x3FB2];
	_ =	sdelay $0x3  }
0x34: {  	[smem:$0x3FB2] =	sst s10  }
0x35: {  	s10 =	sld [smem:$0x3FB1];
	_ =	sdelay $0x3  }
0x36: {  	p1 =	seq.s32 s10, $0x1;
	s10 =	sld [smem:$0x3FB2];
	_ =	sdelay $0x3  }
0x37: {  	[smem:$0x3FB2] =	sst s10  }
0x38: {  	s10 =	sld [smem:$0x3FB3]  }
0x39: {  	_ = 	snop;
	(pc) =	sbr.ind lr, $3  }
0x3a: {  	_ = 	snop  }
0x3b: {  	_ = 	snop  }
0x3c: {  	p2 =	seq.s32 s10, $0x1;
	s10 =	sld [smem:$0x3FB2]  }
0x3d: {  	_ =	shalt  }
0x3e: {  	_ =	shalt  }
0x3f: {  	_ =	shalt  }
0x40: {  	_ =	shalt  }
0x41: {  	_ =	shalt  }
0x42: {  	_ =	shalt  }
0x43: {  	_ =	shalt  }
0x44: {  	_ =	shalt  }
0x45: {  	_ =	shalt  }
0x46: {  	_ =	shalt  }
0x47: {  	_ =	shalt  }
0x48: {  	_ =	shalt  }
0x49: {  	_ =	shalt  }
0x4a: {  	_ =	shalt  }
0x4b: {  	_ =	shalt  }
0x4c: {  	_ =	shalt  }
0x4d: {  	_ =	shalt  }
0x4e: {  	_ =	shalt  }
0x4f: {  	_ =	shalt  }
0x50: {  	_ =	shalt  }
0x51: {  	_ =	shalt  }
0x52: {  	_ =	shalt  }
0x53: {  	_ =	shalt  }
0x54: {  	_ =	shalt  }
0x55: {  	_ =	shalt  }
0x56: {  	_ =	shalt  }
0x57: {  	_ =	shalt  }
0x58: {  	_ =	shalt  }
0x59: {  	_ =	shalt  }
0x5a: {  	_ =	shalt  }
0x5b: {  	_ =	shalt  }
0x5c: {  	_ =	shalt  }
0x5d: {  	_ =	shalt  }
0x5e: {  	_ =	shalt  }
0x5f: {  	_ =	shalt  }
0x60: {  	_ =	shalt  }
0x61: {  	_ =	shalt  }
0x62: {  	_ =	shalt  }
0x63: {  	_ =	shalt  }
0x64: {  	_ =	shalt  }
0x65: {  	_ =	shalt  }
0x66: {  	_ =	shalt  }
0x67: {  	_ =	shalt  }
0x68: {  	_ =	shalt  }
0x69: {  	_ =	shalt  }
0x6a: {  	_ =	shalt  }
0x6b: {  	_ =	shalt  }
0x6c: {  	_ =	shalt  }
0x6d: {  	_ =	shalt  }
0x6e: {  	_ =	shalt  }
0x6f: {  	_ =	shalt  }
0x70: {  	_ =	shalt  }
0x71: {  	_ =	shalt  }
0x72: {  	_ =	shalt  }
0x73: {  	_ =	shalt  }
0x74: {  	_ =	shalt  }
0x75: {  	_ =	shalt  }
0x76: {  	_ =	shalt  }
0x77: {  	_ =	shalt  }
0x78: {  	_ =	shalt  }
0x79: {  	_ =	shalt  }
0x7a: {  	_ =	shalt  }
0x7b: {  	_ =	shalt  }
0x7c: {  	_ =	shalt  }
0x7d: {  	_ =	shalt  }
0x7e: {  	_ =	shalt  }
0x7f: {  	_ =	shalt  }
0x80: {  	_ =	shalt  }
0x81: {  	_ =	shalt  }
0x82: {  	_ =	shalt  }
0x83: {  	_ =	shalt  }
0x84: {  	_ =	shalt  }
0x85: {  	_ =	shalt  }
0x86: {  	_ =	shalt  }
0x87: {  	_ =	shalt  }
.Lfunc_end0:
.L_simem_size_0:
called_computation.1_lowered:
.L_overlay_start_0:
0x88: {  	s2 =	sld [smem:$0x3FD9]  }
0x89: {  	s3 =	sld [smem:$0x3FFE];
	_ =	sdelay $0x1  }
0x8a: {  	s1 =	srdreg.scid  }
0x8b: {  	s0 =	sand.u32 $0x1, s1  }
0x8c: {  	s16 =	sshll.u32 s0, $0xA;
	s2 =	sadd.s32 s3, s2  }
0x8d: {  	s2 =	sadd.s32 s2, s16  }
0x8e: {  	[smem:$0x3FBE] =	sst s2  }
0x8f: {  	_ = 	snop  }
0x90: {  	(tm) =	ssettm $0x1  }
0x91: {  	s17 =	sld [smem:$0x3FFB];
	_ =	sdelay $0x3  }
0x92: {  	_ =	strace s17  }
0x93: {  	s2 =	sld [smem:$0x3FFC];
	_ =	sdelay $0x3  }
0x94: {  	_ =	strace s2  }
0x95: {  	s2 =	sld [smem:$0x3FFD];
	_ =	sdelay $0x3  }
0x96: {  	_ =	strace s2  }
0x97: {  	_ =	strace $0x8FFFFFFF  }
0x98: {  	s18 =	sld [smem:$0x3FDB];
	_ =	sdelay $0x1  }
0x99: {  	s19 =	simm.s32 $_scs_section_size  }
0x9a: {  	s4 =	simm.s32 $_size__tile_overlayer_lowered;
	s5 =	simm.s32 $_tile_overlayer_lowered  }
0x9b: {  	s22 =	simm.s32 $0x1BFF;
	s21 =	sshll.u32 s5, $0x1;
	s2 =	sadd.s32 s19, s18  }
0x9c: {  	s6 =	simm.s32 $0x0;
	s20 =	sshll.u32 s4, $0x1;
	s4 =	sadd.s32 s21, s2  }
0x9d: {  	[timem:s6], [sflag:s22] =	dma.local [hbm:s4], s20  }
0x9e: {  	_ =	swait.ge [sflag:s22], s20  }
0x9f: {  	s3 =	ssub.s32 $0x0, s20;
	[sflag:s22] =	ssyncset.done $0x0  }
0xa0: {  	[sflag:s22] =	ssyncadd.s32 s3;
	_ =	sdelay $0x1  }
0xa1: {  	s23 =	simm.s32 $0x1B8B  }
0xa2: {  	_ =	swait.ge [sflag:s23], $0x1  }
0xa3: {  	[sflag:s23] =	ssyncset.done $0x0  }
0xa4: {  	s25 =	simm.s32 $0x1B8E;
	s24 =	sld [smem:$0x3FFE];
	[sflag:s23] =	ssyncadd.s32 $0xFFFFFFFF  }
0xa5: {  	s26 =	simm.s32 $execute0_lowered;
	[smem:$0x3FD2] =	sst s25  }
0xa6: {  	s4 =	sshll.u32 s26, $0x1;
	_ =	strace $0x80000049;
	[dreg:$0x1] =	wrdreg $0xFFFFFFFF  }
0xa7: {  	s28 =	simm.s32 $_size_execute0_lowered;
	s2 =	sadd.s32 s2, s4;
	[dreg:$0x0] =	wrdreg $0x0  }
0xa8: {  	s4 =	sshll.u32 s28, $0x1;
	[dreg:$0x2] =	wrdreg s2  }
0xa9: {  	[dreg:$0x3] =	wrdreg s4  }
0xaa: {  	[dreg:$0x4] =	wrdreg $0xC0  }
0xab: {  	_ =	task [dreg:s6], $0x5FFFF  }
0xac: {  	[dreg:$0x1] =	wrdreg $0xFFFFFFFF  }
0xad: {  	[dreg:$0x0] =	wrdreg $0x60  }
0xae: {  	[dreg:$0x2] =	wrdreg s24  }
0xaf: {  	[dreg:$0x3] =	wrdreg $0x9  }
0xb0: {  	_ =	task.clear_ibuf [dreg:s6], $0x4FFFF;
	_ =	strace $0x90000049  }
0xb1: {  	s29 =	simm.s32 $0x9;
	_ =	strace $0x8000004B  }
0xb2: {  	_ =	swait.ge [sflag:s29], $0x1  }
0xb3: {  	[sflag:s29] =	ssyncadd.s32 $0xFFFFFFFF  }
0xb4: {  	_ =	strace $0x9000004B  }
0xb5: {  	_ =	sfence  }
0xb6: {  	s30 =	sld [smem:$0x0];
	_ =	sdelay $0x2  }
0xb7: {  	s31 =	sshll.u32 s1, $0xD;
	s1 =	sshrl.u32 s1, $0x2  }
0xb8: {  	s3 =	sand.u32 $0x4000, s31;
	s1 =	sadd.s32 s1, s30  }
0xb9: {  	s0 =	sor.u32 s3, s0;
	s1 =	sshll.u32 s1, $0x11  }
0xba: {  	s0 =	sor.u32 s1, s0  }
0xbb: {  	s0 =	sadd.s32 $0x8F2B, s0  }
0xbc: {  	[sflag:s0] =	ssyncadd.remote.s32 $0x1  }
0xbd: {  	_ =	sfence.sel $0xFFFF  }
0xbe: {  	[dreg:$0x0] =	wrdreg $0xFFFFFFFF;
	(pc) =	sbr.abs _section_cstart, $3  }
0xbf: {  	[dreg:$0x1] =	wrdreg $0xFFFFFFFF  }
0xc0: {  	_ =	task.clear_ibuf [dreg:s6], $0x2FFFF;
	_ =	strace $0x9FFFFFFF  }
0xc1: {  	(tm) =	ssettm $0x7FFFFFFF  }
tec
execute0_lowered:
.L_overlay_start_1:
0x0: {  	(tag) =	ssettag $0x1  }
0x1: {  	s1 =	srdreg.scid;
	s0 =	stileid.u32  }
0x2: {  	s20 =	sand.u32 $0x1, s1;
	s28 =	sshll.u32 s0, $0x1  }
0x3: {  	s11 =	sor.u32 s20, s28  }
0x4: {  	s21 =	smul.u32 $0x3400, s11  }
0x5: {  	s12 =	rddreg [dreg:$0x0];
	s2 =	simm.s32 $0x0;
	s3 =	simm.s32 $0x3  }
0x6: {  	[smem:$0x7FF] =	sst s2;
	s19 =	sadd.s32 $0x1FD400, s12;
	s13 =	sshrl.u32 s21, $0x3  }
0x7: {  	s1 =	rddreg [dreg:$0x1];
	_ =	strace $0x8000004A;
	s4 =	sadd.s32 s19, s13  }
0x8: {  	[tilespmem:s2], [sflag:$0x3] =	stream.linear.gather [hbm4b:s4+s2], $0xD00, $0x38;
	[tilespmem:$0xEA00] =	vst v63  }
0x9: {  	_ =	swait.ge [sflag:s3], $0xD00  }
0xa: {  	[sflag:s3] =	ssyncset.done $0x0  }
0xb: {  	s6 =	simm.s32 $0xD00;
	s5 =	sadd.s32 $0x1600, s12;
	[sflag:s3] =	ssyncadd.s32 $0xFFFFF300  }
0xc: {  	[tilespmem:s6], [sflag:$0x1] =	stream.indirect.gather [hbm4b:s5+s6], $0x10, s2, s6, $0xb8;
	[tilespmem:$0xEA00] =	vst v63  }
0xd: {  	s8 =	simm.s32 $0xDD00;
	s9 =	simm.s32 $0x1;
	s7 =	sadd.s32 $0x20A400, s12  }
0xe: {  	[tilespmem:s8], [sflag:$0x2] =	stream.indirect.gather [hbm4b:s7+s6], $0x1, s2, s6, $0xb8;
	[tilespmem:$0xEA00] =	vst v63  }
0xf: {  	_ =	swait.ge [sflag:s9], $0xD000  }
0x10: {  	[sflag:s9] =	ssyncset.done $0x0  }
0x11: {  	s10 =	simm.s32 $0x2;
	[sflag:s9] =	ssyncadd.s32 $0xFFFF3000  }
0x12: {  	s11 =	smul.u32 $0x6800, s11;
	_ =	swait.ge [sflag:s10], $0xD00  }
0x13: {  	s23 =	sadd.s32 $0x22A000, s12;
	[sflag:s10] =	ssyncset.done $0x0  }
0x14: {  	s11 =	sadd.s32 s23, s11;
	[sflag:s10] =	ssyncadd.s32 $0xFFFFF300  }
0x15: {  	[hbm4b:s11+s2] =	stream.linear.scatter [tilespmem:s6], [sflag:$0x3], $0xD000, $0x38;
	[tilespmem:$0xEA00] =	vst v63  }
0x16: {  	_ =	swait.ge [sflag:s3], $0xD000  }
0x17: {  	s22 =	sadd.s32 $0x2FA000, s12;
	[sflag:s3] =	ssyncset.done $0x0  }
0x18: {  	s12 =	sadd.s32 s22, s13;
	[sflag:s3] =	ssyncadd.s32 $0xFFFF3000  }
0x19: {  	[hbm4b:s12+s2] =	stream.linear.scatter [tilespmem:s8], [sflag:$0x3], $0xD00, $0x38;
	[tilespmem:$0xEA00] =	vst v63  }
0x1a: {  	s14 =	sadd.s32 $0xD00, s21;
	_ =	swait.ge [sflag:s3], $0xD00  }
0x1b: {  	s15 =	sshrl.u32 s14, $0x3;
	[sflag:s3] =	ssyncset.done $0x0  }
0x1c: {  	s13 =	sadd.s32 s19, s15;
	[sflag:s3] =	ssyncadd.s32 $0xFFFFF300  }
0x1d: {  	[tilespmem:s2], [sflag:$0x3] =	stream.linear.gather [hbm4b:s13+s2], $0xD00, $0x38;
	[tilespmem:$0xEA00] =	vst v63  }
0x1e: {  	_ =	swait.ge [sflag:s3], $0xD00  }
0x1f: {  	[sflag:s3] =	ssyncset.done $0x0  }
0x20: {  	[sflag:s3] =	ssyncadd.s32 $0xFFFFF300  }
0x21: {  	[tilespmem:s6], [sflag:$0x1] =	stream.indirect.gather [hbm4b:s5+s6], $0x10, s2, s6, $0xb8;
	[tilespmem:$0xEA00] =	vst v63  }
0x22: {  	_ = 	snop  }
0x23: {  	[tilespmem:s8], [sflag:$0x2] =	stream.indirect.gather [hbm4b:s7+s6], $0x1, s2, s6, $0xb8;
	[tilespmem:$0xEA00] =	vst v63  }
0x24: {  	_ =	swait.ge [sflag:s9], $0xD000  }
0x25: {  	[sflag:s9] =	ssyncset.done $0x0  }
0x26: {  	[sflag:s9] =	ssyncadd.s32 $0xFFFF3000  }
0x27: {  	_ =	swait.ge [sflag:s10], $0xD00  }
0x28: {  	s14 =	sshll.u32 s14, $0x1;
	[sflag:s10] =	ssyncset.done $0x0  }
0x29: {  	s14 =	sadd.s32 s23, s14;
	[sflag:s10] =	ssyncadd.s32 $0xFFFFF300  }
0x2a: {  	[hbm4b:s14+s2] =	stream.linear.scatter [tilespmem:s6], [sflag:$0x3], $0xD000, $0x38;
	[tilespmem:$0xEA00] =	vst v63  }
0x2b: {  	_ =	swait.ge [sflag:s3], $0xD000  }
0x2c: {  	[sflag:s3] =	ssyncset.done $0x0  }
0x2d: {  	s15 =	sadd.s32 s22, s15;
	[sflag:s3] =	ssyncadd.s32 $0xFFFF3000  }
0x2e: {  	[hbm4b:s15+s2] =	stream.linear.scatter [tilespmem:s8], [sflag:$0x3], $0xD00, $0x38;
	[tilespmem:$0xEA00] =	vst v63  }
0x2f: {  	s17 =	sadd.s32 $0x1A00, s21;
	_ =	swait.ge [sflag:s3], $0xD00  }
0x30: {  	s18 =	sshrl.u32 s17, $0x3;
	[sflag:s3] =	ssyncset.done $0x0  }
0x31: {  	s16 =	sadd.s32 s19, s18;
	[sflag:s3] =	ssyncadd.s32 $0xFFFFF300  }
0x32: {  	[tilespmem:s2], [sflag:$0x3] =	stream.linear.gather [hbm4b:s16+s2], $0xD00, $0x38;
	[tilespmem:$0xEA00] =	vst v63  }
0x33: {  	_ =	swait.ge [sflag:s3], $0xD00  }
0x34: {  	[sflag:s3] =	ssyncset.done $0x0  }
0x35: {  	[sflag:s3] =	ssyncadd.s32 $0xFFFFF300  }
0x36: {  	[tilespmem:s6], [sflag:$0x1] =	stream.indirect.gather [hbm4b:s5+s6], $0x10, s2, s6, $0xb8;
	[tilespmem:$0xEA00] =	vst v63  }
0x37: {  	_ = 	snop  }
0x38: {  	[tilespmem:s8], [sflag:$0x2] =	stream.indirect.gather [hbm4b:s7+s6], $0x1, s2, s6, $0xb8;
	[tilespmem:$0xEA00] =	vst v63  }
0x39: {  	_ =	swait.ge [sflag:s9], $0xD000  }
0x3a: {  	[sflag:s9] =	ssyncset.done $0x0  }
0x3b: {  	[sflag:s9] =	ssyncadd.s32 $0xFFFF3000  }
0x3c: {  	_ =	swait.ge [sflag:s10], $0xD00  }
0x3d: {  	s17 =	sshll.u32 s17, $0x1;
	[sflag:s10] =	ssyncset.done $0x0  }
0x3e: {  	s17 =	sadd.s32 s23, s17;
	[sflag:s10] =	ssyncadd.s32 $0xFFFFF300  }
0x3f: {  	[hbm4b:s17+s2] =	stream.linear.scatter [tilespmem:s6], [sflag:$0x3], $0xD000, $0x38;
	[tilespmem:$0xEA00] =	vst v63  }
0x40: {  	_ =	swait.ge [sflag:s3], $0xD000  }
0x41: {  	[sflag:s3] =	ssyncset.done $0x0  }
0x42: {  	s18 =	sadd.s32 s22, s18;
	[sflag:s3] =	ssyncadd.s32 $0xFFFF3000  }
0x43: {  	[hbm4b:s18+s2] =	stream.linear.scatter [tilespmem:s8], [sflag:$0x3], $0xD00, $0x38;
	[tilespmem:$0xEA00] =	vst v63  }
0x44: {  	s21 =	sadd.s32 $0x2700, s21;
	_ =	swait.ge [sflag:s3], $0xD00  }
0x45: {  	s24 =	sshrl.u32 s21, $0x3;
	[sflag:s3] =	ssyncset.done $0x0  }
0x46: {  	s19 =	sadd.s32 s19, s24;
	[sflag:s3] =	ssyncadd.s32 $0xFFFFF300  }
0x47: {  	[tilespmem:s2], [sflag:$0x3] =	stream.linear.gather [hbm4b:s19+s2], $0xD00, $0x38;
	[tilespmem:$0xEA00] =	vst v63  }
0x48: {  	_ =	swait.ge [sflag:s3], $0xD00  }
0x49: {  	[sflag:s3] =	ssyncset.done $0x0  }
0x4a: {  	[sflag:s3] =	ssyncadd.s32 $0xFFFFF300  }
0x4b: {  	[tilespmem:s6], [sflag:$0x1] =	stream.indirect.gather [hbm4b:s5+s6], $0x10, s2, s6, $0xb8;
	[tilespmem:$0xEA00] =	vst v63  }
0x4c: {  	_ = 	snop  }
0x4d: {  	[tilespmem:s8], [sflag:$0x2] =	stream.indirect.gather [hbm4b:s7+s6], $0x1, s2, s6, $0xb8;
	[tilespmem:$0xEA00] =	vst v63  }
0x4e: {  	_ =	swait.ge [sflag:s9], $0xD000  }
0x4f: {  	[sflag:s9] =	ssyncset.done $0x0  }
0x50: {  	s25 =	ssub.s32 $0x2, s20;
	[sflag:s9] =	ssyncadd.s32 $0xFFFF3000  }
0x51: {  	s29 =	sshrl.u32 s25, $0x1;
	_ =	swait.ge [sflag:s10], $0xD00  }
0x52: {  	s30 =	ssub.s32 s25, s29;
	s21 =	sshll.u32 s21, $0x1;
	[sflag:s10] =	ssyncset.done $0x0  }
0x53: {  	s31 =	smax.u32 s30, $0x1;
	s20 =	sadd.s32 s23, s21;
	[sflag:s10] =	ssyncadd.s32 $0xFFFFF300  }
0x54: {  	[hbm4b:s20+s2] =	stream.linear.scatter [tilespmem:s6], [sflag:$0x3], $0xD000, $0x38;
	[tilespmem:$0xEA00] =	vst v63  }
0x55: {  	p0 =	sne.s32 s31, $0x1;
	_ =	swait.ge [sflag:s3], $0xD000  }
.Ltmp0:
0x56: {  	[sflag:s3] =	ssyncset.done $0x0;
	(pc) =	sbr.rel @!p0 .LBB2_2-.Ltmp0, $4  }
0x57: {  	s21 =	sadd.s32 s22, s24;
	[sflag:s3] =	ssyncadd.s32 $0xFFFF3000  }
0x58: {  	[hbm4b:s21+s2] =	stream.linear.scatter [tilespmem:s8], [sflag:$0x3], $0xD00, $0x38;
	[tilespmem:$0xEA00] =	vst v63  }
0x59: {  	_ =	swait.ge [sflag:s3], $0xD00  }
0x5a: {  	s22 =	sadd.s32 $0xFFFFFFFF, s31;
	[sflag:s3] =	ssyncset.done $0x0  }
.LBB2_1:
0x5b: {  	p0 =	sne.s32 s22, $0x1;
	s22 =	sadd.s32 $0xFFFFFFFF, s22;
	[sflag:s3] =	ssyncadd.s32 $0xFFFFF300  }
0x5c: {  	[tilespmem:s2], [sflag:$0x3] =	stream.linear.gather [hbm4b:s4+s2], $0xD00, $0x38;
	[tilespmem:$0xEA00] =	vst v63  }
0x5d: {  	_ =	swait.ge [sflag:s3], $0xD00  }
0x5e: {  	[sflag:s3] =	ssyncset.done $0x0  }
0x5f: {  	[sflag:s3] =	ssyncadd.s32 $0xFFFFF300  }
0x60: {  	[tilespmem:s6], [sflag:$0x1] =	stream.indirect.gather [hbm4b:s5+s6], $0x10, s2, s6, $0xb8;
	[tilespmem:$0xEA00] =	vst v63  }
0x61: {  	_ = 	snop  }
0x62: {  	[tilespmem:s8], [sflag:$0x2] =	stream.indirect.gather [hbm4b:s7+s6], $0x1, s2, s6, $0xb8;
	[tilespmem:$0xEA00] =	vst v63  }
0x63: {  	_ =	swait.ge [sflag:s9], $0xD000  }
0x64: {  	[sflag:s9] =	ssyncset.done $0x0  }
0x65: {  	[sflag:s9] =	ssyncadd.s32 $0xFFFF3000  }
0x66: {  	_ =	swait.ge [sflag:s10], $0xD00  }
0x67: {  	[sflag:s10] =	ssyncset.done $0x0  }
0x68: {  	[sflag:s10] =	ssyncadd.s32 $0xFFFFF300  }
0x69: {  	[hbm4b:s11+s2] =	stream.linear.scatter [tilespmem:s6], [sflag:$0x3], $0xD000, $0x38;
	[tilespmem:$0xEA00] =	vst v63  }
0x6a: {  	_ =	swait.ge [sflag:s3], $0xD000  }
0x6b: {  	[sflag:s3] =	ssyncset.done $0x0  }
0x6c: {  	[sflag:s3] =	ssyncadd.s32 $0xFFFF3000  }
0x6d: {  	[hbm4b:s12+s2] =	stream.linear.scatter [tilespmem:s8], [sflag:$0x3], $0xD00, $0x38;
	[tilespmem:$0xEA00] =	vst v63  }
0x6e: {  	_ =	swait.ge [sflag:s3], $0xD00  }
0x6f: {  	[sflag:s3] =	ssyncset.done $0x0  }
0x70: {  	[sflag:s3] =	ssyncadd.s32 $0xFFFFF300  }
0x71: {  	[tilespmem:s2], [sflag:$0x3] =	stream.linear.gather [hbm4b:s13+s2], $0xD00, $0x38;
	[tilespmem:$0xEA00] =	vst v63  }
0x72: {  	_ =	swait.ge [sflag:s3], $0xD00  }
0x73: {  	[sflag:s3] =	ssyncset.done $0x0  }
0x74: {  	[sflag:s3] =	ssyncadd.s32 $0xFFFFF300  }
0x75: {  	[tilespmem:s6], [sflag:$0x1] =	stream.indirect.gather [hbm4b:s5+s6], $0x10, s2, s6, $0xb8;
	[tilespmem:$0xEA00] =	vst v63  }
0x76: {  	_ = 	snop  }
0x77: {  	[tilespmem:s8], [sflag:$0x2] =	stream.indirect.gather [hbm4b:s7+s6], $0x1, s2, s6, $0xb8;
	[tilespmem:$0xEA00] =	vst v63  }
0x78: {  	_ =	swait.ge [sflag:s9], $0xD000  }
0x79: {  	[sflag:s9] =	ssyncset.done $0x0  }
0x7a: {  	[sflag:s9] =	ssyncadd.s32 $0xFFFF3000  }
0x7b: {  	_ =	swait.ge [sflag:s10], $0xD00  }
0x7c: {  	[sflag:s10] =	ssyncset.done $0x0  }
0x7d: {  	[sflag:s10] =	ssyncadd.s32 $0xFFFFF300  }
0x7e: {  	[hbm4b:s14+s2] =	stream.linear.scatter [tilespmem:s6], [sflag:$0x3], $0xD000, $0x38;
	[tilespmem:$0xEA00] =	vst v63  }
0x7f: {  	_ =	swait.ge [sflag:s3], $0xD000  }
0x80: {  	[sflag:s3] =	ssyncset.done $0x0  }
0x81: {  	[sflag:s3] =	ssyncadd.s32 $0xFFFF3000  }
0x82: {  	[hbm4b:s15+s2] =	stream.linear.scatter [tilespmem:s8], [sflag:$0x3], $0xD00, $0x38;
	[tilespmem:$0xEA00] =	vst v63  }
0x83: {  	_ =	swait.ge [sflag:s3], $0xD00  }
0x84: {  	[sflag:s3] =	ssyncset.done $0x0  }
0x85: {  	[sflag:s3] =	ssyncadd.s32 $0xFFFFF300  }
0x86: {  	[tilespmem:s2], [sflag:$0x3] =	stream.linear.gather [hbm4b:s16+s2], $0xD00, $0x38;
	[tilespmem:$0xEA00] =	vst v63  }
0x87: {  	_ =	swait.ge [sflag:s3], $0xD00  }
0x88: {  	[sflag:s3] =	ssyncset.done $0x0  }
0x89: {  	[sflag:s3] =	ssyncadd.s32 $0xFFFFF300  }
0x8a: {  	[tilespmem:s6], [sflag:$0x1] =	stream.indirect.gather [hbm4b:s5+s6], $0x10, s2, s6, $0xb8;
	[tilespmem:$0xEA00] =	vst v63  }
0x8b: {  	_ = 	snop  }
0x8c: {  	[tilespmem:s8], [sflag:$0x2] =	stream.indirect.gather [hbm4b:s7+s6], $0x1, s2, s6, $0xb8;
	[tilespmem:$0xEA00] =	vst v63  }
0x8d: {  	_ =	swait.ge [sflag:s9], $0xD000  }
0x8e: {  	[sflag:s9] =	ssyncset.done $0x0  }
0x8f: {  	[sflag:s9] =	ssyncadd.s32 $0xFFFF3000  }
0x90: {  	_ =	swait.ge [sflag:s10], $0xD00  }
0x91: {  	[sflag:s10] =	ssyncset.done $0x0  }
0x92: {  	[sflag:s10] =	ssyncadd.s32 $0xFFFFF300  }
0x93: {  	[hbm4b:s17+s2] =	stream.linear.scatter [tilespmem:s6], [sflag:$0x3], $0xD000, $0x38;
	[tilespmem:$0xEA00] =	vst v63  }
0x94: {  	_ =	swait.ge [sflag:s3], $0xD000  }
0x95: {  	[sflag:s3] =	ssyncset.done $0x0  }
0x96: {  	[sflag:s3] =	ssyncadd.s32 $0xFFFF3000  }
0x97: {  	[hbm4b:s18+s2] =	stream.linear.scatter [tilespmem:s8], [sflag:$0x3], $0xD00, $0x38;
	[tilespmem:$0xEA00] =	vst v63  }
0x98: {  	_ =	swait.ge [sflag:s3], $0xD00  }
0x99: {  	[sflag:s3] =	ssyncset.done $0x0  }
0x9a: {  	[sflag:s3] =	ssyncadd.s32 $0xFFFFF300  }
0x9b: {  	[tilespmem:s2], [sflag:$0x3] =	stream.linear.gather [hbm4b:s19+s2], $0xD00, $0x38;
	[tilespmem:$0xEA00] =	vst v63  }
0x9c: {  	_ =	swait.ge [sflag:s3], $0xD00  }
0x9d: {  	[sflag:s3] =	ssyncset.done $0x0  }
0x9e: {  	[sflag:s3] =	ssyncadd.s32 $0xFFFFF300  }
0x9f: {  	[tilespmem:s6], [sflag:$0x1] =	stream.indirect.gather [hbm4b:s5+s6], $0x10, s2, s6, $0xb8;
	[tilespmem:$0xEA00] =	vst v63  }
0xa0: {  	_ = 	snop  }
0xa1: {  	[tilespmem:s8], [sflag:$0x2] =	stream.indirect.gather [hbm4b:s7+s6], $0x1, s2, s6, $0xb8;
	[tilespmem:$0xEA00] =	vst v63  }
0xa2: {  	_ =	swait.ge [sflag:s9], $0xD000  }
0xa3: {  	[sflag:s9] =	ssyncset.done $0x0  }
0xa4: {  	[sflag:s9] =	ssyncadd.s32 $0xFFFF3000  }
0xa5: {  	_ =	swait.ge [sflag:s10], $0xD00  }
0xa6: {  	[sflag:s10] =	ssyncset.done $0x0  }
0xa7: {  	[sflag:s10] =	ssyncadd.s32 $0xFFFFF300  }
0xa8: {  	[hbm4b:s20+s2] =	stream.linear.scatter [tilespmem:s6], [sflag:$0x3], $0xD000, $0x38;
	[tilespmem:$0xEA00] =	vst v63  }
0xa9: {  	_ =	swait.ge [sflag:s3], $0xD000  }
.Ltmp1:
0xaa: {  	[sflag:s3] =	ssyncset.done $0x0;
	(pc) =	sbr.rel @p0 .LBB2_1-.Ltmp1, $4  }
0xab: {  	[sflag:s3] =	ssyncadd.s32 $0xFFFF3000  }
0xac: {  	[hbm4b:s21+s2] =	stream.linear.scatter [tilespmem:s8], [sflag:$0x3], $0xD00, $0x38;
	[tilespmem:$0xEA00] =	vst v63  }
0xad: {  	_ =	swait.ge [sflag:s3], $0xD00  }
0xae: {  	[sflag:s3] =	ssyncset.done $0x0  }
.LBB2_2:
0xaf: {  	[sflag:s3] =	ssyncadd.s32 $0xFFFFF300  }
0xb0: {  	_ =	sfence.sel $0x180000  }
0xb1: {  	[bflag:$0x0] =	sbarrier.arrive $0xFFFF  }
0xb2: {  	p0 =	sne.s32 s0, $0x0;
	_ =	strace $0x9000004A  }
0xb3: {  	s0 =	sadd.s32 @!p0 $0x100000, s1;
	[bflag:$0x2] =	sbarrier.arrive $0xFFFF  }
0xb4: {  	[sflag:s0] =	ssyncadd.tile.s32 @!p0 $0x1;
	_ =	shalt  }
.Lfunc_end2:
_tile_overlayer_lowered:
.L_overlay_start_2:
0xb5: {  	(tag) =	ssettag $0x2  }
0xb6: {  	s0 =	rddreg [dreg:$0x0];
	s2 =	stileid.u32  }
0xb7: {  	s1 =	rddreg [dreg:$0x1];
	p0 =	sne.s32 s2, $0x0  }
0xb8: {  	s3 =	rddreg [dreg:$0x2];
	[bflag:$0x3] =	sbarrier.arrive $0xFFFF;
	s2 =	simm.s32 @!p0 $0x1C03  }
0xb9: {  	[timem:s3], [sflag:s2] =	dma.local @!p0 [hbm:s0], s1  }
0xba: {  	s0 =	simm.s32 @!p0 $0x3  }
0xbb: {  	_ =	swait.ge @!p0 [sflag:s0], s1  }
0xbc: {  	s1 =	ssub.s32 @!p0 $0x0, s1;
	[sflag:s0] =	ssyncset.done @!p0 $0x0  }
0xbd: {  	[sflag:s0] =	ssyncadd.s32 @!p0 s1  }
0xbe: {  	[bflag:$0x3] =	sbarrier.arrive $0xFFFF  }
0xbf: {  	_ =	shalt  }

// kernel: kernel.7.cloned.1.call-start
scs
__scs_entry_jumppad:
0x0: {  	(pc) =	sbr.rel $0x88, $3  }
0x1: {  	(tag) =	ssettag $0x0;
	lr =	simm.s32 $0x1  }
0x2: {  	[smem:$0x3F97] =	sst lr;
	_ =	strace $0xD0000000  }
0x3: {  	_ = 	snop  }
0x4: {  	_ = 	snop  }
0x5: {  	_ = 	snop  }
0x6: {  	_ = 	snop  }
0x7: {  	_ = 	snop  }
__scs_overlays_trampoline_lowered:
0x8: {  	[smem:$0x3FA6] =	sst s0  }
0x9: {  	[smem:$0x3FA7] =	sst s1  }
0xa: {  	[smem:$0x3FA8] =	sst s2  }
0xb: {  	[smem:$0x3FA9] =	sst s3  }
0xc: {  	[smem:$0x3FAA] =	sst s4  }
0xd: {  	[smem:$0x3FAB] =	sst s5  }
0xe: {  	[smem:$0x3FAC] =	sst s6  }
0xf: {  	[smem:$0x3FAD] =	sst s7  }
0x10: {  	[smem:$0x3FAE] =	sst s8  }
0x11: {  	[smem:$0x3FAF] =	sst s9;
	s0 =	simm.s32 @!p0 $0x0  }
0x12: {  	s1 =	sld [smem:$0x3F95];
	s0 =	simm.s32 @p0 $0x1  }
0x13: {  	[smem:$0x3FB0] =	sst s0;
	s0 =	simm.s32 @!p1 $0x0  }
0x14: {  	s2 =	sld [smem:$0x3F94];
	s0 =	simm.s32 @p1 $0x1  }
0x15: {  	[smem:$0x3FB1] =	sst s0;
	s0 =	simm.s32 @!p2 $0x0  }
0x16: {  	s3 =	sld [smem:$0x3FDB];
	s0 =	simm.s32 @p2 $0x1  }
0x17: {  	s4 =	simm.s32 $0x1BF5;
	[smem:$0x3FB3] =	sst s0  }
0x18: {  	s0 =	sld [smem:$0x3F96];
	_ =	swait.ge [sflag:s4], $0x0  }
0x19: {  	s7 =	sld [smem:$0x3F97]  }
0x1a: {  	s8 =	sadd.s32 $0xFFFFE003, lr  }
0x1b: {  	s9 =	sadd.s32 $0xFFFFFEF7, lr;
	s5 =	simm.s32 $0xFFFFFFFF;
	p2 =	slt.u32 s8, $0xFFFFF086  }
0x1c: {  	p1 =	slt.u32 s9, $0xF7A;
	s5 =	simm.s32 @!p2 $0x0  }
0x1d: {  	s5 =	simm.s32 @p1 $0x1;
	p0 =	seq.s32 s7, s2  }
0x1e: {  	s7 =	smul.u32 @!p0 $0xF7A, s2;
	p2 =	seq.s32 @!p0 s5, $0x0  }
0x1f: {  	s9 =	smul.u32 $0xF7A, s1;
	s8 =	simm.s32 @!p0 $0x1BF5;
	p2 =	por !p2, p0  }
0x20: {  	[sflag:s8] =	ssyncset.s32 @!p0 $0xFFFFF086;
	s6 =	sadd.s32 @!p0 s3, s7;
	s7 =	simm.s32 @!p0 $0x108  }
0x21: {  	s3 =	sadd.s32 s3, s9;
	s6 =	sadd.s32 @!p0 $0x88, s6;
	s7 =	simm.s32 @p2 $0x1082  }
0x22: {  	[simem:s7], [sflag:s8] =	dma.local @!p0 [hbm:s6], $0xF7A  }
0x23: {  	s9 =	sor.u32 $0xD0000000, s2;
	s6 =	simm.s32 $0x108;
	_ =	swait.ge @!p0 [sflag:s8], $0x0  }
0x24: {  	s3 =	sadd.s32 $0x88, s3;
	s6 =	simm.s32 @!p1 $0x1082;
	[sflag:s4] =	ssyncset.s32 $0xFFFFF086  }
0x25: {  	[simem:s6], [sflag:s4] =	dma.local [hbm:s3], $0xF7A  }
0x26: {  	[smem:$0x3F97] =	sst s1;
	(tag) =	ssettag s2;
	_ =	strace s9  }
0x27: {  	s1 =	sld [smem:$0x3FA7]  }
0x28: {  	s2 =	sld [smem:$0x3FA8]  }
0x29: {  	s4 =	sld [smem:$0x3FAA]  }
0x2a: {  	p0 =	seq.s32 s5, $0x0;
	s5 =	sld [smem:$0x3FAB]  }
0x2b: {  	s6 =	sld [smem:$0x3FAC]  }
0x2c: {  	s7 =	sld [smem:$0x3FAD]  }
0x2d: {  	s3 =	simm.s32 $0x108;
	s8 =	sld [smem:$0x3FAE]  }
0x2e: {  	s3 =	simm.s32 @!p0 $0x1082;
	s9 =	sld [smem:$0x3FAF]  }
0x2f: {  	lr =	sadd.s32 s0, s3;
	s0 =	sld [smem:$0x3FA6]  }
0x30: {  	s3 =	sld [smem:$0x3FA9]  }
0x31: {  	[smem:$0x3FB2] =	sst s10  }
0x32: {  	s10 =	sld [smem:$0x3FB0];
	_ =	sdelay $0x3  }
0x33: {  	p0 =	seq.s32 s10, $0x1;
	s10 =	sld [smem:$0x3FB2];
	_ =	sdelay $0x3  }
0x34: {  	[smem:$0x3FB2] =	sst s10  }
0x35: {  	s10 =	sld [smem:$0x3FB1];
	_ =	sdelay $0x3  }
0x36: {  	p1 =	seq.s32 s10, $0x1;
	s10 =	sld [smem:$0x3FB2];
	_ =	sdelay $0x3  }
0x37: {  	[smem:$0x3FB2] =	sst s10  }
0x38: {  	s10 =	sld [smem:$0x3FB3]  }
0x39: {  	_ = 	snop;
	(pc) =	sbr.ind lr, $3  }
0x3a: {  	_ = 	snop  }
0x3b: {  	_ = 	snop  }
0x3c: {  	p2 =	seq.s32 s10, $0x1;
	s10 =	sld [smem:$0x3FB2]  }
0x3d: {  	_ =	shalt  }
0x3e: {  	_ =	shalt  }
0x3f: {  	_ =	shalt  }
0x40: {  	_ =	shalt  }
0x41: {  	_ =	shalt  }
0x42: {  	_ =	shalt  }
0x43: {  	_ =	shalt  }
0x44: {  	_ =	shalt  }
0x45: {  	_ =	shalt  }
0x46: {  	_ =	shalt  }
0x47: {  	_ =	shalt  }
0x48: {  	_ =	shalt  }
0x49: {  	_ =	shalt  }
0x4a: {  	_ =	shalt  }
0x4b: {  	_ =	shalt  }
0x4c: {  	_ =	shalt  }
0x4d: {  	_ =	shalt  }
0x4e: {  	_ =	shalt  }
0x4f: {  	_ =	shalt  }
0x50: {  	_ =	shalt  }
0x51: {  	_ =	shalt  }
0x52: {  	_ =	shalt  }
0x53: {  	_ =	shalt  }
0x54: {  	_ =	shalt  }
0x55: {  	_ =	shalt  }
0x56: {  	_ =	shalt  }
0x57: {  	_ =	shalt  }
0x58: {  	_ =	shalt  }
0x59: {  	_ =	shalt  }
0x5a: {  	_ =	shalt  }
0x5b: {  	_ =	shalt  }
0x5c: {  	_ =	shalt  }
0x5d: {  	_ =	shalt  }
0x5e: {  	_ =	shalt  }
0x5f: {  	_ =	shalt  }
0x60: {  	_ =	shalt  }
0x61: {  	_ =	shalt  }
0x62: {  	_ =	shalt  }
0x63: {  	_ =	shalt  }
0x64: {  	_ =	shalt  }
0x65: {  	_ =	shalt  }
0x66: {  	_ =	shalt  }
0x67: {  	_ =	shalt  }
0x68: {  	_ =	shalt  }
0x69: {  	_ =	shalt  }
0x6a: {  	_ =	shalt  }
0x6b: {  	_ =	shalt  }
0x6c: {  	_ =	shalt  }
0x6d: {  	_ =	shalt  }
0x6e: {  	_ =	shalt  }
0x6f: {  	_ =	shalt  }
0x70: {  	_ =	shalt  }
0x71: {  	_ =	shalt  }
0x72: {  	_ =	shalt  }
0x73: {  	_ =	shalt  }
0x74: {  	_ =	shalt  }
0x75: {  	_ =	shalt  }
0x76: {  	_ =	shalt  }
0x77: {  	_ =	shalt  }
0x78: {  	_ =	shalt  }
0x79: {  	_ =	shalt  }
0x7a: {  	_ =	shalt  }
0x7b: {  	_ =	shalt  }
0x7c: {  	_ =	shalt  }
0x7d: {  	_ =	shalt  }
0x7e: {  	_ =	shalt  }
0x7f: {  	_ =	shalt  }
0x80: {  	_ =	shalt  }
0x81: {  	_ =	shalt  }
0x82: {  	_ =	shalt  }
0x83: {  	_ =	shalt  }
0x84: {  	_ =	shalt  }
0x85: {  	_ =	shalt  }
0x86: {  	_ =	shalt  }
0x87: {  	_ =	shalt  }
.Lfunc_end0:
.L_simem_size_0:
called_computation_lowered:
.L_overlay_start_0:
0x88: {  	s2 =	sld [smem:$0x3FD9]  }
0x89: {  	s3 =	sld [smem:$0x3FFE];
	_ =	sdelay $0x1  }
0x8a: {  	s1 =	srdreg.scid  }
0x8b: {  	s0 =	sand.u32 $0x1, s1  }
0x8c: {  	s17 =	sshll.u32 s0, $0xA;
	s2 =	sadd.s32 s3, s2  }
0x8d: {  	s2 =	sadd.s32 s2, s17  }
0x8e: {  	[smem:$0x3FBE] =	sst s2  }
0x8f: {  	_ = 	snop  }
0x90: {  	s2 =	sld [smem:$0x3FC8];
	(tm) =	ssettm $0x1  }
0x91: {  	s18 =	sld [smem:$0x3FFB];
	_ =	sdelay $0x3  }
0x92: {  	_ =	strace s18  }
0x93: {  	s3 =	sld [smem:$0x3FFC];
	_ =	sdelay $0x3  }
0x94: {  	_ =	strace s3  }
0x95: {  	s3 =	sld [smem:$0x3FFD];
	_ =	sdelay $0x3  }
0x96: {  	_ =	strace s3  }
0x97: {  	_ =	strace $0x8FFFFFFF  }
0x98: {  	s19 =	sld [smem:$0x3FDB];
	_ =	sdelay $0x1  }
0x99: {  	s4 =	simm.s32 $_scs_section_size  }
0x9a: {  	s5 =	simm.s32 $_size__tile_overlayer_lowered;
	s6 =	simm.s32 $_tile_overlayer_lowered  }
0x9b: {  	s22 =	simm.s32 $0x1BFF;
	s21 =	sshll.u32 s6, $0x1;
	s3 =	sadd.s32 s4, s19  }
0x9c: {  	s7 =	simm.s32 $0x0;
	s20 =	sshll.u32 s5, $0x1;
	s5 =	sadd.s32 s21, s3  }
0x9d: {  	[timem:s7], [sflag:s22] =	dma.local [hbm:s5], s20  }
0x9e: {  	_ =	swait.ge [sflag:s22], s20  }
0x9f: {  	s4 =	ssub.s32 $0x0, s20;
	[sflag:s22] =	ssyncset.done $0x0  }
0xa0: {  	[sflag:s22] =	ssyncadd.s32 s4;
	_ =	sdelay $0x1  }
0xa1: {  	s23 =	simm.s32 $0x1B8B  }
0xa2: {  	_ =	swait.ge [sflag:s23], $0x1  }
0xa3: {  	[sflag:s23] =	ssyncset.done $0x0  }
0xa4: {  	s25 =	simm.s32 $0x1B8E;
	s24 =	sld [smem:$0x3FFE];
	[sflag:s23] =	ssyncadd.s32 $0xFFFFFFFF  }
0xa5: {  	s26 =	simm.s32 $execute0_lowered;
	[smem:$0x3FD2] =	sst s25  }
0xa6: {  	s5 =	sshll.u32 s26, $0x1;
	_ =	strace $0x80000046;
	[dreg:$0x1] =	wrdreg $0xFFFFFFFF  }
0xa7: {  	s28 =	simm.s32 $_size_execute0_lowered;
	s3 =	sadd.s32 s3, s5;
	[dreg:$0x0] =	wrdreg $0x0  }
0xa8: {  	s5 =	sshll.u32 s28, $0x1;
	[dreg:$0x2] =	wrdreg s3  }
0xa9: {  	[dreg:$0x3] =	wrdreg s5  }
0xaa: {  	[dreg:$0x4] =	wrdreg $0xC0  }
0xab: {  	_ =	task [dreg:s7], $0x5FFFF  }
0xac: {  	[dreg:$0x1] =	wrdreg $0xFFFFFFFF  }
0xad: {  	[dreg:$0x0] =	wrdreg $0x60  }
0xae: {  	[dreg:$0x2] =	wrdreg s2  }
0xaf: {  	[dreg:$0x3] =	wrdreg s24  }
0xb0: {  	[dreg:$0x4] =	wrdreg $0x9  }
0xb1: {  	_ =	task.clear_ibuf [dreg:s7], $0x5FFFF;
	_ =	strace $0x90000046  }
0xb2: {  	s29 =	simm.s32 $0x9;
	_ =	strace $0x80000048  }
0xb3: {  	_ =	swait.ge [sflag:s29], $0x1  }
0xb4: {  	[sflag:s29] =	ssyncadd.s32 $0xFFFFFFFF  }
0xb5: {  	_ =	strace $0x90000048  }
0xb6: {  	_ =	sfence  }
0xb7: {  	s30 =	sld [smem:$0x0];
	_ =	sdelay $0x2  }
0xb8: {  	s31 =	sshll.u32 s1, $0xD;
	s1 =	sshrl.u32 s1, $0x2  }
0xb9: {  	s3 =	sand.u32 $0x4000, s31;
	s1 =	sadd.s32 s1, s30  }
0xba: {  	s0 =	sor.u32 s3, s0;
	s1 =	sshll.u32 s1, $0x11  }
0xbb: {  	s0 =	sor.u32 s1, s0  }
0xbc: {  	s0 =	sadd.s32 $0x8F2B, s0  }
0xbd: {  	[sflag:s0] =	ssyncadd.remote.s32 $0x1  }
0xbe: {  	_ =	sfence.sel $0xFFFF  }
0xbf: {  	[dreg:$0x0] =	wrdreg $0xFFFFFFFF;
	(pc) =	sbr.abs _section_cstart, $3  }
0xc0: {  	[dreg:$0x1] =	wrdreg $0xFFFFFFFF  }
0xc1: {  	_ =	task.clear_ibuf [dreg:s7], $0x2FFFF;
	_ =	strace $0x9FFFFFFF  }
0xc2: {  	(tm) =	ssettm $0x7FFFFFFF  }
0xc3: {  	_ =	shalt  }
tec
execute0_lowered:
.L_overlay_start_1:
0x0: {  	(tag) =	ssettag $0x1  }
0x1: {  	s0 =	rddreg [dreg:$0x0]  }
0x2: {  	s1 =	rddreg [dreg:$0x1]  }
0x3: {  	s2 =	srdreg.scid;
	s3 =	stileid.u32;
	s4 =	simm.s32 $0x0  }
0x4: {  	s23 =	simm.s32 $0x18000;
	s2 =	sand.u32 $0x1, s2;
	s3 =	sshll.u32 s3, $0x1  }
0x5: {  	[smem:$0x7FF] =	sst s4;
	s5 =	sadd.s32 $0x1600, s1;
	s29 =	sadd.s32 $0x10000, s0  }
0x6: {  	s30 =	sadd.s32 $0x1FC600, s1;
	_ =	strace $0x80000047;
	[dreg:$0x8] =	wrdreg s5  }
0x7: {  	s26 =	ssub.s32 $0x2, s2;
	s6 =	sor.u32 s2, s3;
	[dreg:$0xa] =	wrdreg s29  }
.Ltmp0:
0x8: {  	[dreg:$0xc] =	wrdreg s30;
	s3 =	sshll.u32 s6, $0xB;
	(pc) =	sbr.rel .LBB2_1-.Ltmp0, $4  }
0x9: {  	s28 =	sshrl.u32 s26, $0x1;
	[dreg:$0x7] =	wrdreg s6;
	s3 =	sadd.s32 s0, s3  }
0xa: {  	s2 =	ssub.s32 s26, s28;
	s0 =	sadd.s32 $0xFD800, s0;
	[dreg:$0x9] =	wrdreg s3  }
0xb: {  	v0 =	vlaneseq.u32;
	s15 =	simm.s32 $0x10000;
	[dreg:$0xb] =	wrdreg s0;
	s31 =	smax.u32 s2, $0x1  }
0xc: {  	v0 =	vmul.u32 $0x10, v0;
	s1 =	simm.s32 $0x0;
	p0 =	sne.s32 s6, $0x1B;
	[dreg:$0xd] =	wrdreg s31  }
.LBB2_14:
0xd: {  	_ =	sdelay $0x3  }
0xe: {  	[tilespmem:v30+s15+$0x0] =	vst.idx.msk $0xffff, v28;
	s1 =	sadd.s32 $0xFFFFFEF6, s28  }
0xf: {  	v28 =	vld [tilespmem:s7+$0x280];
	v58 =	vor.u32 s1, v0  }
0x10: {  	s11 =	sadd.s32 $0x1, s8;
	[tilespmem:v21+s15+$0x0] =	vst.idx.msk $0xffff, v29  }
0x11: {  	s1 =	sand.u32 $0x3, s11;
	v21 =	vld [tilespmem:s16+$0x280]  }
0x12: {  	s1 =	sshll.u32 s1, $0x5  }
0x13: {  	s1 =	sadd.s32 s1, s19  }
0x14: {  	s13 =	sadd.s32 $0xFFFFFEF7, s28;
	s6 =	sor.u32 $0x300, s1;
	[tilespmem:v58+s15+$0x0] =	vst.idx.msk $0xffff, v28  }
0x15: {  	v59 =	vor.u32 s13, v0;
	v28 =	vld [tilespmem:s6+$0x0]  }
0x16: {  	[tilespmem:v19+s15+$0x0] =	vst.idx.msk $0xffff, v21  }
0x17: {  	v19 =	vld [tilespmem:s4+$0x0];
	_ =	sdelay $0x2  }
0x18: {  	s14 =	sadd.s32 $0xFFFFFEF8, s28;
	s1 =	sor.u32 $0x380, s1;
	[tilespmem:v59+s15+$0x0] =	vst.idx.msk $0xffff, v28  }
0x19: {  	v61 =	vor.u32 s14, v0;
	v60 =	vld [tilespmem:s1+$0x0]  }
0x1a: {  	s16 =	sor.u32 $0x380, s12;
	[tilespmem:v18+s15+$0x0] =	vst.idx.msk $0xffff, v19  }
0x1b: {  	v18 =	vld [tilespmem:s16+$0x0];
	_ =	sdelay $0x2  }
0x1c: {  	s17 =	sor.u32 $0x4000, s25;
	s7 =	smov.u32 s25;
	[tilespmem:v61+s15+$0x0] =	vst.idx.msk $0xffff, v60  }
0x1d: {  	s18 =	sor.u32 s23, s17;
	s19 =	sadd.s32 $0xFFFFFEF9, s28;
	s25 =	rddreg [dreg:$0x5]  }
0x1e: {  	v28 =	vor.u32 s19, v0;
	v62 =	vld [tilespmem:s18+$0x0];
	[tilespmem:v17+s15+$0x0] =	vst.idx.msk $0xffff, v18;
	s1 =	sor.u32 s25, s17  }
0x1f: {  	v17 =	vld [tilespmem:s1+$0x0];
	_ =	sdelay $0x2  }
0x20: {  	s24 =	sor.u32 $0x4080, s7  }
0x21: {  	s30 =	sadd.s32 $0xFFFFFEFA, s28;
	s29 =	sor.u32 s23, s24;
	[tilespmem:v28+s15+$0x0] =	vst.idx.msk $0xffff, v62  }
0x22: {  	v30 =	vor.u32 s30, v0;
	s1 =	sor.u32 s25, s24;
	v29 =	vld [tilespmem:s29+$0x0];
	[tilespmem:v16+s15+$0x0] =	vst.idx.msk $0xffff, v17  }
0x23: {  	v16 =	vld [tilespmem:s1+$0x0];
	_ =	sdelay $0x2  }
0x24: {  	s31 =	sor.u32 $0x4100, s7;
	[tilespmem:v11+s15+$0x0] =	vst.idx.msk $0xffff, v25  }
0x25: {  	s9 =	sadd.s32 $0xFFFFFEFB, s28;
	s8 =	sor.u32 s23, s31;
	v33 =	vld [tilespmem:s3+$0x0];
	[tilespmem:v30+s15+$0x0] =	vst.idx.msk $0xffff, v29  }
0x26: {  	v32 =	vor.u32 s9, v0;
	s1 =	sor.u32 s25, s31;
	v31 =	vld [tilespmem:s8+$0x0];
	[tilespmem:v22+s15+$0x0] =	vst.idx.msk $0xffff, v16  }
0x27: {  	v16 =	vld [tilespmem:s1+$0x0]  }
0x28: {  	s10 =	sor.u32 $0x4180, s22  }
0x29: {  	s11 =	sor.u32 s20, s10;
	s12 =	sadd.s32 $0xFFFFFEFC, s26;
	[tilespmem:v27+s15+$0x0] =	vst.idx.msk $0xffff, v26  }
0x2a: {  	v35 =	vor.u32 s12, v0;
	s13 =	sor.u32 $0x4180, s7;
	v34 =	vld [tilespmem:s11+$0x0];
	s3 =	sor.u32 s21, s10;
	[tilespmem:v10+s15+$0x0] =	vst.idx.msk $0xffff, v33  }
0x2b: {  	s14 =	sor.u32 s23, s13;
	s16 =	sadd.s32 $0xFFFFFEFC, s28;
	v38 =	vld [tilespmem:s3+$0x0];
	[tilespmem:v32+s15+$0x0] =	vst.idx.msk $0xffff, v31  }
0x2c: {  	v37 =	vor.u32 s16, v0;
	s1 =	sor.u32 s25, s13;
	v36 =	vld [tilespmem:s14+$0x0];
	[tilespmem:v20+s15+$0x0] =	vst.idx.msk $0xffff, v16  }
0x2d: {  	v16 =	vld [tilespmem:s1+$0x0]  }
0x2e: {  	s17 =	sor.u32 $0x4200, s22  }
0x2f: {  	s19 =	sadd.s32 $0xFFFFFEFD, s26;
	s18 =	sor.u32 s20, s17;
	[tilespmem:v35+s15+$0x0] =	vst.idx.msk $0xffff, v34  }
0x30: {  	v40 =	vor.u32 s19, v0;
	s24 =	sor.u32 $0x4200, s7;
	v39 =	vld [tilespmem:s18+$0x0];
	s3 =	sor.u32 s21, s17;
	[tilespmem:v9+s15+$0x0] =	vst.idx.msk $0xffff, v38  }
0x31: {  	s30 =	sadd.s32 $0xFFFFFEFD, s28;
	s29 =	sor.u32 s23, s24;
	v43 =	vld [tilespmem:s3+$0x0];
	[tilespmem:v37+s15+$0x0] =	vst.idx.msk $0xffff, v36  }
0x32: {  	v42 =	vor.u32 s30, v0;
	s1 =	sor.u32 s25, s24;
	v41 =	vld [tilespmem:s29+$0x0];
	[tilespmem:v14+s15+$0x0] =	vst.idx.msk $0xffff, v16  }
0x33: {  	v14 =	vld [tilespmem:s1+$0x0]  }
0x34: {  	s31 =	sor.u32 $0x4280, s22  }
0x35: {  	s6 =	sadd.s32 $0xFFFFFEFE, s26;
	s4 =	sor.u32 s20, s31;
	[tilespmem:v40+s15+$0x0] =	vst.idx.msk $0xffff, v39  }
0x36: {  	v45 =	vor.u32 s6, v0;
	s8 =	sor.u32 $0x4280, s7;
	v44 =	vld [tilespmem:s4+$0x0];
	s3 =	sor.u32 s21, s31;
	[tilespmem:v6+s15+$0x0] =	vst.idx.msk $0xffff, v43  }
0x37: {  	s10 =	sadd.s32 $0xFFFFFEFE, s28;
	s9 =	sor.u32 s23, s8;
	v48 =	vld [tilespmem:s3+$0x0];
	[tilespmem:v42+s15+$0x0] =	vst.idx.msk $0xffff, v41  }
0x38: {  	v47 =	vor.u32 s10, v0;
	s1 =	sor.u32 s25, s8;
	v46 =	vld [tilespmem:s9+$0x0];
	[tilespmem:v13+s15+$0x0] =	vst.idx.msk $0xffff, v14  }
0x39: {  	v49 =	vld [tilespmem:s1+$0x0]  }
0x3a: {  	s11 =	sor.u32 $0x4300, s22  }
0x3b: {  	v52 =	vld [tilespmem:s2+$0x0];
	s12 =	sor.u32 s20, s11;
	s13 =	sadd.s32 $0xFFFFFEFF, s26;
	[tilespmem:v45+s15+$0x0] =	vst.idx.msk $0xffff, v44  }
0x3c: {  	v51 =	vor.u32 s13, v0;
	s14 =	sor.u32 $0x4300, s7;
	v50 =	vld [tilespmem:s12+$0x0];
	s3 =	sor.u32 s21, s11;
	[tilespmem:v5+s15+$0x0] =	vst.idx.msk $0xffff, v48  }
0x3d: {  	s17 =	sadd.s32 $0xFFFFFEFF, s28;
	s16 =	sor.u32 s23, s14;
	v55 =	vld [tilespmem:s3+$0x0];
	[tilespmem:v47+s15+$0x0] =	vst.idx.msk $0xffff, v46  }
0x3e: {  	v54 =	vor.u32 s17, v0;
	s1 =	sor.u32 s25, s14;
	v53 =	vld [tilespmem:s16+$0x0];
	[tilespmem:v12+s15+$0x0] =	vst.idx.msk $0xffff, v49  }
0x3f: {  	[tilespmem:v24+s15+$0x0] =	vst.idx.msk $0xffff, v23;
	v56 =	vld [tilespmem:s1+$0x0]  }
0x40: {  	v57 =	vld [tilespmem:s5+$0x0];
	[tilespmem:v3+s15+$0x0] =	vst.idx.msk $0xffff, v52;
	s18 =	sor.u32 $0x4380, s22  }
0x41: {  	v59 =	vld [tilespmem:s0+$0x0];
	s19 =	sor.u32 s20, s18;
	s20 =	sadd.s32 $0xFFFFFF00, s26;
	[tilespmem:v51+s15+$0x0] =	vst.idx.msk $0xffff, v50  }
0x42: {  	s22 =	sor.u32 $0x4380, s7;
	s2 =	sor.u32 s21, s18;
	v58 =	vor.u32 s20, v0;
	v3 =	vld [tilespmem:s19+$0x0];
	[tilespmem:v4+s15+$0x0] =	vst.idx.msk $0xffff, v55  }
0x43: {  	s26 =	sadd.s32 $0xFFFFFF00, s28;
	s24 =	sor.u32 s23, s22;
	v62 =	vld [tilespmem:s2+$0x0];
	[tilespmem:v54+s15+$0x0] =	vst.idx.msk $0xffff, v53  }
0x44: {  	s28 =	sor.u32 s25, s22;
	v61 =	vor.u32 s26, v0;
	v60 =	vld [tilespmem:s24+$0x0];
	[tilespmem:v15+s15+$0x0] =	vst.idx.msk $0xffff, v56  }
0x45: {  	[tilespmem:v1+s15+$0x0] =	vst.idx.msk $0xffff, v57;
	v1 =	vld [tilespmem:s28+$0x0]  }
0x46: {  	[tilespmem:v2+s15+$0x0] =	vst.idx.msk $0xffff, v59  }
0x47: {  	[tilespmem:v58+s15+$0x0] =	vst.idx.msk $0xffff, v3  }
0x48: {  	[tilespmem:v7+s15+$0x0] =	vst.idx.msk $0xffff, v62  }
0x49: {  	[tilespmem:v61+s15+$0x0] =	vst.idx.msk $0xffff, v60  }
0x4a: {  	[tilespmem:v8+s15+$0x0] =	vst.idx.msk $0xffff, v1  }
0x4b: {  	s31 =	simm.s32 $0x5;
	s29 =	simm.s32 $0x0;
	s30 =	rddreg [dreg:$0xc]  }
0x4c: {  	[hbm4b:s30+s29] =	stream.linear.scatter [tilespmem:s15], [sflag:$0x5], $0x6800, $0x38;
	v63 =	vld [tilespmem:$0x0]  }
0x4d: {  	_ =	swait.ge [sflag:s31], $0x6800  }
0x4e: {  	[sflag:s31] =	ssyncset.done $0x0;
	s6 =	rddreg [dreg:$0x7]  }
0x4f: {  	s23 =	simm.s32 $0x18000;
	s1 =	rddreg [dreg:$0xe];
	[sflag:s31] =	ssyncadd.s32 $0xFFFF9800  }
.LBB2_15:
0x50: {  	s1 =	sadd.s32 $0x1, s1;
	s0 =	rddreg [dreg:$0xd]  }
0x51: {  	p1 =	sne.s32 s1, s0  }
.Ltmp1:
0x52: {  	_ = 	snop;
	(pc) =	sbr.rel @!p1 .LBB2_16-.Ltmp1, $1  }
0x53: {  	_ =	sdelay $0x3  }
.LBB2_1:
.Ltmp2:
0x54: {  	(pc) =	sbr.rel .LBB2_2-.Ltmp2, $4  }
0x55: {  	[dreg:$0xe] =	wrdreg s1  }
0x56: {  	s0 =	simm.s32 $0x0;
	s31 =	rddreg [dreg:$0x9]  }
0x57: {  	s2 =	simm.s32 $0x4000;
	s3 =	simm.s32 $0x7EF400;
	s4 =	simm.s32 $0x0  }
0x58: {  	[tilespmem:s0], [sflag:$0x1] =	stream.strided.gather [hbm4b:s31+s2], $0x8000, s3, s2, $0x38;
	v63 =	vld [tilespmem:$0x0]  }
.LBB2_10:
0x59: {  	s4 =	sadd.s32 $0x1, s4  }
0x5a: {  	p1 =	sne.s32 s4, $0x10  }
.Ltmp3:
0x5b: {  	_ = 	snop;
	(pc) =	sbr.rel @!p1 .LBB2_11-.Ltmp3, $1  }
0x5c: {  	_ =	sdelay $0x3  }
.LBB2_2:
0x5d: {  	s0 =	sshll.u32 s4, $0x5  }
0x5e: {  	s2 =	sor.u32 s6, s0  }
0x5f: {  	p1 =	sgt.u32 s2, $0x1FA  }
.Ltmp4:
0x60: {  	_ = 	snop;
	(pc) =	sbr.rel @p1 .LBB2_10-.Ltmp4, $1  }
0x61: {  	_ =	sdelay $0x3  }
0x62: {  	s0 =	sand.u32 $0x1, s4  }
0x63: {  	p1 =	seq.s32 s0, $0x1  }
.Ltmp5:
0x64: {  	_ = 	snop;
	(pc) =	sbr.rel @p1 .LBB2_7-.Ltmp5, $3  }
0x65: {  	_ =	sdelay $0x1  }
0x66: {  	[dreg:$0xf] =	wrdreg s4  }
0x67: {  	[dreg:$0x10] =	wrdreg s2  }
0x68: {  	[dreg:$0x11] =	wrdreg s0  }
0x69: {  	p1 =	sgt.u32 s2, $0x1DA;
	s1 =	rddreg [dreg:$0xa]  }
0x6a: {  	s24 =	simm.s32 $0x1;
	s0 =	sshll.u32 @!p1 s2, $0xB;
	s2 =	simm.s32 @!p1 $0x7EF400  }
0x6b: {  	s3 =	simm.s32 @!p1 $0x8000;
	s0 =	sadd.s32 @!p1 s0, s1;
	s1 =	simm.s32 @!p1 $0x4000  }
0x6c: {  	[tilespmem:s3], [sflag:$0x2] =	stream.strided.gather @!p1 [hbm4b:s0+s1], $0x8000, s2, s1, $0x38;
	v63 =	vld [tilespmem:$0x0]  }
0x6d: {  	_ =	swait.ge [sflag:s24], $0x8000  }
0x6e: {  	p1 =	slt.u32 s4, $0x2;
	[sflag:s24] =	ssyncset.done $0x0  }
0x6f: {  	s0 =	simm.s32 @!p1 $0x3;
	[sflag:s24] =	ssyncadd.s32 $0xFFFF8000  }
0x70: {  	s25 =	simm.s32 $0x0;
	s3 =	simm.s32 $0x0;
	_ =	swait.ge @!p1 [sflag:s0], $0x8000  }
0x71: {  	s5 =	sand.u32 $0x60, s25;
	s7 =	sand.u32 $0x3C00, s3;
	[sflag:s0] =	ssyncset.done @!p1 $0x0  }
0x72: {  	s26 =	simm.s32 $0x0;
	s28 =	sor.u32 s5, s7;
	[sflag:s0] =	ssyncadd.s32 @!p1 $0xFFFF8000  }
0x73: {  	v2 =	vor.u32 s26, v0;
	v1 =	vld [tilespmem:s28+$0x0];
	_ =	sdelay $0x4  }
0x74: {  	s9 =	simm.s32 $0x1;
	[tilespmem:v2+s15+$0x0] =	vst.idx.msk $0xffff, v1  }
0x75: {  	s10 =	simm.s32 $0x10;
	v2 =	vor.u32 s9, v0;
	v1 =	vld [tilespmem:s28+$0x80]  }
0x76: {  	s1 =	sand.u32 $0x70, s10  }
0x77: {  	s11 =	simm.s32 $0x100;
	s6 =	sor.u32 s1, s7  }
0x78: {  	v3 =	vor.u32 s11, v0;
	v4 =	vld [tilespmem:s6+$0x0];
	_ =	sdelay $0x1  }
0x79: {  	s12 =	simm.s32 $0x2;
	[tilespmem:v2+s15+$0x0] =	vst.idx.msk $0xffff, v1  }
0x7a: {  	v2 =	vor.u32 s12, v0;
	v1 =	vld [tilespmem:s28+$0x100];
	_ =	sdelay $0x1  }
0x7b: {  	s13 =	simm.s32 $0x101;
	[tilespmem:v3+s15+$0x0] =	vst.idx.msk $0xffff, v4  }
0x7c: {  	v3 =	vor.u32 s13, v0;
	v4 =	vld [tilespmem:s6+$0x80];
	_ =	sdelay $0x1  }
0x7d: {  	s14 =	simm.s32 $0x3;
	[tilespmem:v2+s15+$0x0] =	vst.idx.msk $0xffff, v1  }
0x7e: {  	v2 =	vor.u32 s14, v0;
	v1 =	vld [tilespmem:s28+$0x180];
	_ =	sdelay $0x1  }
0x7f: {  	s16 =	simm.s32 $0x102;
	[tilespmem:v3+s15+$0x0] =	vst.idx.msk $0xffff, v4  }
0x80: {  	v3 =	vor.u32 s16, v0;
	v4 =	vld [tilespmem:s6+$0x100];
	_ =	sdelay $0x1  }
0x81: {  	s17 =	simm.s32 $0x4;
	[tilespmem:v2+s15+$0x0] =	vst.idx.msk $0xffff, v1  }
0x82: {  	v2 =	vor.u32 s17, v0;
	v1 =	vld [tilespmem:s28+$0x200];
	_ =	sdelay $0x1  }
0x83: {  	s18 =	simm.s32 $0x103;
	s19 =	simm.s32 $0x100;
	s8 =	simm.s32 $0x20;
	[tilespmem:v3+s15+$0x0] =	vst.idx.msk $0xffff, v4  }
0x84: {  	s11 =	sand.u32 $0x3C00, s19;
	s0 =	sand.u32 $0x60, s8;
	v3 =	vor.u32 s18, v0;
	v4 =	vld [tilespmem:s6+$0x180]  }
0x85: {  	s20 =	simm.s32 $0x200;
	s2 =	sor.u32 s0, s11  }
0x86: {  	v6 =	vor.u32 s20, v0;
	v5 =	vld [tilespmem:s2+$0x0];
	s9 =	simm.s32 $0x5;
	[tilespmem:v2+s15+$0x0] =	vst.idx.msk $0xffff, v1  }
0x87: {  	v2 =	vor.u32 s9, v0;
	v1 =	vld [tilespmem:s28+$0x280];
	_ =	sdelay $0x1  }
0x88: {  	s22 =	simm.s32 $0x104;
	s21 =	sand.u32 $0x3, s3;
	[tilespmem:v3+s15+$0x0] =	vst.idx.msk $0xffff, v4  }
0x89: {  	s4 =	sshll.u32 s21, $0x5;
	v3 =	vor.u32 s22, v0;
	v4 =	vld [tilespmem:s6+$0x200]  }
0x8a: {  	s25 =	simm.s32 $0x201;
	s10 =	sadd.s32 $0x0, s4;
	[tilespmem:v6+s15+$0x0] =	vst.idx.msk $0xffff, v5  }
0x8b: {  	s23 =	simm.s32 $0x6;
	s24 =	simm.s32 $0x30;
	s4 =	sor.u32 $0x300, s10;
	v6 =	vor.u32 s25, v0;
	v5 =	vld [tilespmem:s2+$0x80];
	[tilespmem:v2+s15+$0x0] =	vst.idx.msk $0xffff, v1  }
0x8c: {  	s9 =	sand.u32 $0x70, s24;
	v2 =	vor.u32 s23, v0;
	v1 =	vld [tilespmem:s4+$0x0]  }
0x8d: {  	s26 =	simm.s32 $0x300;
	s4 =	sor.u32 s9, s11  }
0x8e: {  	v7 =	vor.u32 s26, v0;
	[tilespmem:v3+s15+$0x0] =	vst.idx.msk $0xffff, v4;
	s28 =	simm.s32 $0x105;
	v8 =	vld [tilespmem:s4+$0x0]  }
0x8f: {  	v4 =	vld [tilespmem:s6+$0x280];
	v3 =	vor.u32 s28, v0  }
0x90: {  	[tilespmem:v6+s15+$0x0] =	vst.idx.msk $0xffff, v5;
	s14 =	simm.s32 $0x202  }
0x91: {  	s3 =	sand.u32 $0x7, s3;
	s13 =	simm.s32 $0x7;
	s12 =	sor.u32 $0x380, s10;
	v5 =	vld [tilespmem:s2+$0x100];
	v6 =	vor.u32 s14, v0;
	[tilespmem:v2+s15+$0x0] =	vst.idx.msk $0xffff, v1  }
0x92: {  	s3 =	sshll.u32 s3, $0x4;
	v2 =	vor.u32 s13, v0;
	v1 =	vld [tilespmem:s12+$0x0]  }
0x93: {  	s3 =	sadd.s32 $0x10, s3;
	s16 =	simm.s32 $0x301;
	[tilespmem:v7+s15+$0x0] =	vst.idx.msk $0xffff, v8  }
0x94: {  	s18 =	sor.u32 $0x300, s3;
	s17 =	simm.s32 $0x106;
	[tilespmem:v3+s15+$0x0] =	vst.idx.msk $0xffff, v4;
	v7 =	vor.u32 s16, v0;
	v8 =	vld [tilespmem:s4+$0x80]  }
0x95: {  	v3 =	vor.u32 s17, v0;
	v4 =	vld [tilespmem:s18+$0x0]  }
0x96: {  	s19 =	sor.u32 $0x4000, s7;
	[tilespmem:v6+s15+$0x0] =	vst.idx.msk $0xffff, v5;
	s22 =	simm.s32 $0x203  }
0x97: {  	s21 =	simm.s32 $0x8;
	s20 =	sor.u32 s5, s19;
	v5 =	vld [tilespmem:s2+$0x180];
	v6 =	vor.u32 s22, v0;
	[tilespmem:v2+s15+$0x0] =	vst.idx.msk $0xffff, v1  }
0x98: {  	v2 =	vor.u32 s21, v0;
	v1 =	vld [tilespmem:s20+$0x0]  }
0x99: {  	s23 =	simm.s32 $0x302;
	[tilespmem:v7+s15+$0x0] =	vst.idx.msk $0xffff, v8  }
0x9a: {  	s3 =	sor.u32 $0x380, s3;
	s24 =	simm.s32 $0x107;
	[tilespmem:v3+s15+$0x0] =	vst.idx.msk $0xffff, v4;
	v7 =	vor.u32 s23, v0;
	v8 =	vld [tilespmem:s4+$0x100]  }
0x9b: {  	v3 =	vor.u32 s24, v0;
	v4 =	vld [tilespmem:s3+$0x0]  }
0x9c: {  	s25 =	sor.u32 $0x4080, s7;
	[tilespmem:v6+s15+$0x0] =	vst.idx.msk $0xffff, v5;
	s6 =	simm.s32 $0x204  }
0x9d: {  	s26 =	sor.u32 s5, s25;
	v5 =	vld [tilespmem:s2+$0x200];
	s28 =	simm.s32 $0x9;
	v6 =	vor.u32 s6, v0;
	[tilespmem:v2+s15+$0x0] =	vst.idx.msk $0xffff, v1  }
0x9e: {  	v2 =	vor.u32 s28, v0;
	v1 =	vld [tilespmem:s26+$0x0]  }
0x9f: {  	s12 =	simm.s32 $0x303;
	[tilespmem:v7+s15+$0x0] =	vst.idx.msk $0xffff, v8  }
0xa0: {  	s14 =	sor.u32 s1, s19;
	s13 =	simm.s32 $0x108;
	[tilespmem:v3+s15+$0x0] =	vst.idx.msk $0xffff, v4;
	v7 =	vor.u32 s12, v0;
	v8 =	vld [tilespmem:s4+$0x180]  }
0xa1: {  	v3 =	vor.u32 s13, v0;
	v4 =	vld [tilespmem:s14+$0x0]  }
0xa2: {  	s10 =	sor.u32 $0x4100, s7;
	s19 =	sor.u32 s1, s25;
	[tilespmem:v6+s15+$0x0] =	vst.idx.msk $0xffff, v5;
	s18 =	simm.s32 $0x205  }
0xa3: {  	s17 =	simm.s32 $0xA;
	v5 =	vld [tilespmem:s2+$0x280];
	v6 =	vor.u32 s18, v0;
	s16 =	sor.u32 s5, s10;
	s21 =	simm.s32 $0x1;
	[tilespmem:v2+s15+$0x0] =	vst.idx.msk $0xffff, v1  }
0xa4: {  	s22 =	simm.s32 $0x400;
	s20 =	simm.s32 $0x200;
	s2 =	sand.u32 $0x3, s21;
	v2 =	vor.u32 s17, v0;
	v1 =	vld [tilespmem:s16+$0x0]  }
0xa5: {  	s14 =	simm.s32 $0x109;
	s12 =	simm.s32 $0x304;
	s16 =	simm.s32 $0x40;
	[tilespmem:v7+s15+$0x0] =	vst.idx.msk $0xffff, v8  }
0xa6: {  	s25 =	sand.u32 $0x3C00, s20;
	s2 =	sshll.u32 s2, $0x5;
	[tilespmem:v3+s15+$0x0] =	vst.idx.msk $0xffff, v4;
	v7 =	vor.u32 s12, v0;
	s23 =	sand.u32 $0x60, s16;
	v8 =	vld [tilespmem:s4+$0x200]  }
0xa7: {  	s24 =	simm.s32 $0x50;
	v9 =	vor.u32 s14, v0;
	s14 =	sadd.s32 $0x100, s2;
	v10 =	vld [tilespmem:s19+$0x0];
	s12 =	sor.u32 s23, s25  }
0xa8: {  	s3 =	sor.u32 $0x4180, s7;
	[tilespmem:v6+s15+$0x0] =	vst.idx.msk $0xffff, v5;
	s13 =	sor.u32 $0x300, s14;
	v4 =	vor.u32 s22, v0;
	s16 =	simm.s32 $0x206;
	v3 =	vld [tilespmem:s12+$0x0]  }
0xa9: {  	s24 =	sand.u32 $0x70, s24;
	v5 =	vld [tilespmem:s13+$0x0];
	s28 =	simm.s32 $0xB;
	s26 =	sor.u32 s5, s3;
	v6 =	vor.u32 s16, v0;
	[tilespmem:v2+s15+$0x0] =	vst.idx.msk $0xffff, v1  }
0xaa: {  	s2 =	sor.u32 s24, s25;
	s17 =	simm.s32 $0x500;
	v2 =	vor.u32 s28, v0;
	v1 =	vld [tilespmem:s26+$0x0]  }
0xab: {  	s18 =	simm.s32 $0x305;
	[tilespmem:v7+s15+$0x0] =	vst.idx.msk $0xffff, v8;
	v7 =	vor.u32 s17, v0;
	v8 =	vld [tilespmem:s2+$0x0]  }
0xac: {  	v11 =	vor.u32 s18, v0;
	s10 =	sor.u32 s1, s10;
	s19 =	simm.s32 $0x10A;
	[tilespmem:v9+s15+$0x0] =	vst.idx.msk $0xffff, v10;
	v12 =	vld [tilespmem:s4+$0x280]  }
0xad: {  	s21 =	simm.s32 $0x2;
	s20 =	simm.s32 $0x401;
	s13 =	simm.s32 $0x207;
	v9 =	vor.u32 s19, v0;
	v10 =	vld [tilespmem:s10+$0x0];
	[tilespmem:v4+s15+$0x0] =	vst.idx.msk $0xffff, v3  }
0xae: {  	s22 =	sand.u32 $0x7, s21;
	s10 =	sor.u32 $0x380, s14;
	s16 =	sor.u32 $0x4200, s7;
	[tilespmem:v6+s15+$0x0] =	vst.idx.msk $0xffff, v5;
	v4 =	vor.u32 s20, v0;
	v3 =	vld [tilespmem:s12+$0x80]  }
0xaf: {  	s28 =	simm.s32 $0xC;
	s26 =	sor.u32 s5, s16;
	s4 =	sshll.u32 s22, $0x4;
	v6 =	vor.u32 s13, v0;
	v5 =	vld [tilespmem:s10+$0x0];
	[tilespmem:v2+s15+$0x0] =	vst.idx.msk $0xffff, v1  }
0xb0: {  	s14 =	simm.s32 $0x501;
	s4 =	sadd.s32 $0x110, s4;
	v2 =	vor.u32 s28, v0;
	[tilespmem:v7+s15+$0x0] =	vst.idx.msk $0xffff, v8;
	v1 =	vld [tilespmem:s26+$0x0]  }
0xb1: {  	s17 =	simm.s32 $0x306;
	s18 =	sor.u32 $0x300, s4;
	v7 =	vor.u32 s14, v0;
	[tilespmem:v11+s15+$0x0] =	vst.idx.msk $0xffff, v12;
	v8 =	vld [tilespmem:s2+$0x80]  }
0xb2: {  	s3 =	sor.u32 s1, s3;
	[tilespmem:v9+s15+$0x0] =	vst.idx.msk $0xffff, v10;
	s20 =	simm.s32 $0x10B;
	v11 =	vor.u32 s17, v0;
	v12 =	vld [tilespmem:s18+$0x0]  }
0xb3: {  	s19 =	simm.s32 $0x402;
	v10 =	vld [tilespmem:s3+$0x0];
	s10 =	sor.u32 $0x4000, s11;
	v9 =	vor.u32 s20, v0;
	[tilespmem:v4+s15+$0x0] =	vst.idx.msk $0xffff, v3  }
0xb4: {  	s6 =	sor.u32 $0x4280, s7;
	s28 =	simm.s32 $0x208;
	s26 =	sor.u32 s0, s10;
	[tilespmem:v6+s15+$0x0] =	vst.idx.msk $0xffff, v5;
	v4 =	vor.u32 s19, v0;
	v3 =	vld [tilespmem:s12+$0x100]  }
0xb5: {  	s21 =	sor.u32 s5, s6;
	s22 =	simm.s32 $0xD;
	v6 =	vor.u32 s28, v0;
	v5 =	vld [tilespmem:s26+$0x0];
	[tilespmem:v2+s15+$0x0] =	vst.idx.msk $0xffff, v1  }
0xb6: {  	s13 =	simm.s32 $0x502;
	v2 =	vor.u32 s22, v0;
	[tilespmem:v7+s15+$0x0] =	vst.idx.msk $0xffff, v8;
	v1 =	vld [tilespmem:s21+$0x0]  }
0xb7: {  	s4 =	sor.u32 $0x380, s4;
	s17 =	simm.s32 $0x307;
	v7 =	vor.u32 s13, v0;
	[tilespmem:v11+s15+$0x0] =	vst.idx.msk $0xffff, v12;
	v8 =	vld [tilespmem:s2+$0x100]  }
0xb8: {  	s20 =	sor.u32 s1, s16;
	s19 =	simm.s32 $0x10C;
	[tilespmem:v9+s15+$0x0] =	vst.idx.msk $0xffff, v10;
	v11 =	vor.u32 s17, v0;
	v12 =	vld [tilespmem:s4+$0x0]  }
0xb9: {  	s8 =	sor.u32 $0x4080, s11;
	s18 =	simm.s32 $0x403;
	v9 =	vor.u32 s19, v0;
	v10 =	vld [tilespmem:s20+$0x0];
	[tilespmem:v4+s15+$0x0] =	vst.idx.msk $0xffff, v3  }
0xba: {  	s16 =	sor.u32 $0x4300, s7;
	s26 =	sor.u32 s0, s8;
	s17 =	simm.s32 $0x209;
	[tilespmem:v6+s15+$0x0] =	vst.idx.msk $0xffff, v5;
	v4 =	vor.u32 s18, v0;
	v3 =	vld [tilespmem:s12+$0x180]  }
0xbb: {  	s22 =	simm.s32 $0xE;
	s21 =	sor.u32 s5, s16;
	v6 =	vor.u32 s17, v0;
	v5 =	vld [tilespmem:s26+$0x0];
	[tilespmem:v2+s15+$0x0] =	vst.idx.msk $0xffff, v1  }
0xbc: {  	s18 =	simm.s32 $0x503;
	v2 =	vor.u32 s22, v0;
	[tilespmem:v7+s15+$0x0] =	vst.idx.msk $0xffff, v8;
	v1 =	vld [tilespmem:s21+$0x0]  }
0xbd: {  	s10 =	sor.u32 s9, s10;
	s4 =	simm.s32 $0x308;
	v7 =	vor.u32 s18, v0;
	[tilespmem:v11+s15+$0x0] =	vst.idx.msk $0xffff, v12;
	v8 =	vld [tilespmem:s2+$0x180]  }
0xbe: {  	s29 =	simm.s32 $0x504;
	s6 =	sor.u32 s1, s6;
	s19 =	simm.s32 $0x10D;
	[tilespmem:v9+s15+$0x0] =	vst.idx.msk $0xffff, v10;
	v11 =	vor.u32 s4, v0;
	v12 =	vld [tilespmem:s10+$0x0]  }
0xbf: {  	s30 =	simm.s32 $0x405;
	s17 =	simm.s32 $0x404;
	v9 =	vor.u32 s19, v0;
	v10 =	vld [tilespmem:s6+$0x0];
	s22 =	sor.u32 $0x4100, s11;
	[tilespmem:v4+s15+$0x0] =	vst.idx.msk $0xffff, v3  }
0xc0: {  	s7 =	sor.u32 $0x4380, s7;
	s21 =	sor.u32 s0, s22;
	s4 =	simm.s32 $0x20A;
	[tilespmem:v6+s15+$0x0] =	vst.idx.msk $0xffff, v5;
	v4 =	vor.u32 s17, v0;
	v3 =	vld [tilespmem:s12+$0x200]  }
0xc1: {  	s31 =	sor.u32 $0x4180, s11;
	s5 =	sor.u32 s5, s7;
	s18 =	simm.s32 $0xF;
	v6 =	vor.u32 s4, v0;
	v5 =	vld [tilespmem:s21+$0x0];
	[tilespmem:v2+s15+$0x0] =	vst.idx.msk $0xffff, v1  }
0xc2: {  	s3 =	simm.s32 $0x30A;
	s14 =	simm.s32 $0x10F;
	s28 =	simm.s32 $0x10E;
	v2 =	vor.u32 s18, v0;
	[tilespmem:v7+s15+$0x0] =	vst.idx.msk $0xffff, v8;
	v1 =	vld [tilespmem:s5+$0x0]  }
0xc3: {  	s8 =	sor.u32 s9, s8;
	s20 =	simm.s32 $0x30B;
	s26 =	simm.s32 $0x309;
	v7 =	vor.u32 s29, v0;
	[tilespmem:v11+s15+$0x0] =	vst.idx.msk $0xffff, v12;
	v8 =	vld [tilespmem:s2+$0x200]  }
0xc4: {  	s13 =	simm.s32 $0x30F;
	s16 =	sor.u32 s1, s16;
	s10 =	simm.s32 $0x300;
	[tilespmem:v9+s15+$0x0] =	vst.idx.msk $0xffff, v10;
	v11 =	vor.u32 s26, v0;
	v12 =	vld [tilespmem:s8+$0x0]  }
0xc5: {  	s19 =	simm.s32 $0x30D;
	s6 =	simm.s32 $0x60;
	s4 =	sand.u32 $0x3C00, s10;
	v10 =	vld [tilespmem:s16+$0x0];
	[tilespmem:v4+s15+$0x0] =	vst.idx.msk $0xffff, v3  }
0xc6: {  	s21 =	simm.s32 $0x20B;
	s16 =	simm.s32 $0x600;
	s18 =	sor.u32 s0, s31;
	[tilespmem:v6+s15+$0x0] =	vst.idx.msk $0xffff, v5;
	v4 =	vor.u32 s30, v0;
	v3 =	vld [tilespmem:s12+$0x280]  }
0xc7: {  	v9 =	vor.u32 s28, v0;
	s5 =	sor.u32 s1, s7;
	s1 =	simm.s32 $0x70;
	s26 =	sand.u32 $0x60, s6;
	[tilespmem:v2+s15+$0x0] =	vst.idx.msk $0xffff, v1  }
0xc8: {  	s6 =	simm.s32 $0x505;
	s8 =	simm.s32 $0x2;
	s7 =	sor.u32 s26, s4;
	v6 =	vor.u32 s21, v0;
	v5 =	vld [tilespmem:s18+$0x0];
	[tilespmem:v7+s15+$0x0] =	vst.idx.msk $0xffff, v8  }
0xc9: {  	s29 =	sand.u32 $0x70, s1;
	s30 =	simm.s32 $0x700;
	s12 =	sand.u32 $0x3, s8;
	v1 =	vld [tilespmem:s7+$0x0];
	v2 =	vor.u32 s16, v0;
	[tilespmem:v11+s15+$0x0] =	vst.idx.msk $0xffff, v12  }
0xca: {  	s12 =	sshll.u32 s12, $0x5;
	v7 =	vor.u32 s6, v0;
	s16 =	sor.u32 s29, s4;
	v8 =	vld [tilespmem:s2+$0x280];
	[dreg:$0x4] =	wrdreg s4  }
0xcb: {  	v31 =	vor.u32 s19, v0;
	s19 =	simm.s32 $0x50E;
	s22 =	sor.u32 s9, s22;
	s2 =	sadd.s32 $0x200, s12;
	v11 =	vor.u32 s30, v0;
	v12 =	vld [tilespmem:s16+$0x0];
	[tilespmem:v4+s15+$0x0] =	vst.idx.msk $0xffff, v3  }
0xcc: {  	s21 =	simm.s32 $0x406;
	s18 =	simm.s32 $0x4;
	s30 =	sor.u32 $0x300, s2;
	[tilespmem:v9+s15+$0x0] =	vst.idx.msk $0xffff, v10;
	v9 =	vor.u32 s3, v0;
	v10 =	vld [tilespmem:s22+$0x0]  }
0xcd: {  	s17 =	simm.s32 $0x30E;
	s12 =	sand.u32 $0x7, s18;
	v4 =	vor.u32 s21, v0;
	s21 =	sor.u32 $0x4200, s11;
	[tilespmem:v6+s15+$0x0] =	vst.idx.msk $0xffff, v5;
	v3 =	vld [tilespmem:s30+$0x0]  }
0xce: {  	s18 =	simm.s32 $0x20C;
	s28 =	sshll.u32 s12, $0x4;
	s6 =	sor.u32 s0, s21;
	[tilespmem:v2+s15+$0x0] =	vst.idx.msk $0xffff, v1  }
0xcf: {  	s4 =	simm.s32 $0x601;
	s2 =	sor.u32 $0x380, s2;
	s3 =	sadd.s32 $0x210, s28;
	v6 =	vor.u32 s18, v0;
	v5 =	vld [tilespmem:s6+$0x0];
	[tilespmem:v7+s15+$0x0] =	vst.idx.msk $0xffff, v8  }
0xd0: {  	v13 =	vor.u32 s4, v0;
	s28 =	sor.u32 s9, s31;
	s18 =	simm.s32 $0x506;
	s31 =	sor.u32 $0x300, s3;
	v14 =	vld [tilespmem:s7+$0x80];
	[tilespmem:v11+s15+$0x0] =	vst.idx.msk $0xffff, v12  }
0xd1: {  	s12 =	simm.s32 $0x50D;
	s22 =	simm.s32 $0x507;
	v7 =	vor.u32 s18, v0;
	v8 =	vld [tilespmem:s31+$0x0];
	s31 =	simm.s32 $0x701;
	[tilespmem:v9+s15+$0x0] =	vst.idx.msk $0xffff, v10  }
0xd2: {  	s4 =	simm.s32 $0x509;
	v11 =	vor.u32 s31, v0;
	s31 =	simm.s32 $0x407;
	v9 =	vor.u32 s20, v0;
	s20 =	simm.s32 $0x30C;
	v12 =	vld [tilespmem:s16+$0x80];
	[tilespmem:v4+s15+$0x0] =	vst.idx.msk $0xffff, v3  }
0xd3: {  	s30 =	simm.s32 $0x50F;
	s3 =	sor.u32 $0x380, s3;
	v15 =	vor.u32 s31, v0;
	v16 =	vor.u32 s20, v0;
	s20 =	sor.u32 $0x4280, s11;
	v4 =	vld [tilespmem:s2+$0x0]  }
0xd4: {  	v1 =	vor.u32 s14, v0;
	s14 =	simm.s32 $0x508;
	v2 =	vor.u32 s13, v0;
	v17 =	vld [tilespmem:s28+$0x0];
	s31 =	simm.s32 $0x20D;
	[tilespmem:v6+s15+$0x0] =	vst.idx.msk $0xffff, v5;
	s13 =	sor.u32 s0, s20  }
0xd5: {  	s6 =	simm.s32 $0x50B;
	s18 =	simm.s32 $0x50C;
	s28 =	simm.s32 $0x602;
	v19 =	vor.u32 s31, v0;
	[tilespmem:v13+s15+$0x0] =	vst.idx.msk $0xffff, v14;
	v18 =	vld [tilespmem:s13+$0x0]  }
0xd6: {  	v3 =	vor.u32 s17, v0;
	s17 =	simm.s32 $0x6;
	s2 =	simm.s32 $0x50A;
	s31 =	simm.s32 $0x70F;
	v13 =	vor.u32 s28, v0;
	v14 =	vld [tilespmem:s7+$0x100];
	[tilespmem:v7+s15+$0x0] =	vst.idx.msk $0xffff, v8  }
0xd7: {  	v6 =	vor.u32 s18, v0;
	v7 =	vor.u32 s22, v0;
	s22 =	simm.s32 $0x702;
	v20 =	vld [tilespmem:s3+$0x0];
	s3 =	sor.u32 s9, s21;
	s21 =	sor.u32 $0x4000, s25;
	[tilespmem:v11+s15+$0x0] =	vst.idx.msk $0xffff, v12  }
0xd8: {  	s18 =	sor.u32 $0x4300, s11;
	v5 =	vor.u32 s12, v0;
	s13 =	simm.s32 $0x408;
	v12 =	vor.u32 s22, v0;
	s28 =	sor.u32 s23, s21;
	v22 =	vld [tilespmem:s16+$0x100];
	[tilespmem:v15+s15+$0x0] =	vst.idx.msk $0xffff, v4  }
0xd9: {  	s12 =	simm.s32 $0x708;
	s11 =	sor.u32 $0x4380, s11;
	v10 =	vor.u32 s2, v0;
	s2 =	simm.s32 $0x704;
	v23 =	vor.u32 s13, v0;
	[tilespmem:v9+s15+$0x0] =	vst.idx.msk $0xffff, v17;
	v15 =	vld [tilespmem:s28+$0x0]  }
0xda: {  	v8 =	vor.u32 s14, v0;
	s14 =	simm.s32 $0x705;
	s13 =	simm.s32 $0x20E;
	v21 =	vor.u32 s2, v0;
	v24 =	vld [tilespmem:s3+$0x0];
	[tilespmem:v19+s15+$0x0] =	vst.idx.msk $0xffff, v18;
	s28 =	sor.u32 s0, s18  }
0xdb: {  	s2 =	sor.u32 s9, s18;
	v26 =	vor.u32 s13, v0;
	v11 =	vor.u32 s4, v0;
	s3 =	sor.u32 s24, s21;
	s21 =	simm.s32 $0x603;
	[tilespmem:v13+s15+$0x0] =	vst.idx.msk $0xffff, v14;
	v25 =	vld [tilespmem:s28+$0x0]  }
0xdc: {  	s13 =	simm.s32 $0x409;
	s4 =	simm.s32 $0x703;
	s22 =	simm.s32 $0x706;
	v9 =	vor.u32 s6, v0;
	v13 =	vor.u32 s21, v0;
	v14 =	vld [tilespmem:s7+$0x180];
	[tilespmem:v7+s15+$0x0] =	vst.idx.msk $0xffff, v20  }
0xdd: {  	s6 =	simm.s32 $0x707;
	v33 =	vor.u32 s13, v0;
	v4 =	vor.u32 s19, v0;
	v29 =	vld [tilespmem:s3+$0x0];
	s3 =	sor.u32 s9, s20;
	s20 =	sor.u32 $0x4080, s25;
	[tilespmem:v12+s15+$0x0] =	vst.idx.msk $0xffff, v22  }
0xde: {  	s19 =	simm.s32 $0x709;
	v27 =	vor.u32 s4, v0;
	s4 =	simm.s32 $0x70B;
	v17 =	vor.u32 s6, v0;
	s28 =	sor.u32 s23, s20;
	v30 =	vld [tilespmem:s16+$0x180];
	[tilespmem:v23+s15+$0x0] =	vst.idx.msk $0xffff, v15  }
0xdf: {  	s6 =	simm.s32 $0x70D;
	v19 =	vor.u32 s14, v0;
	v18 =	vor.u32 s22, v0;
	s14 =	simm.s32 $0x70C;
	s21 =	simm.s32 $0x70A;
	[tilespmem:v16+s15+$0x0] =	vst.idx.msk $0xffff, v24;
	v32 =	vld [tilespmem:s28+$0x0]  }
0xe0: {  	s22 =	simm.s32 $0x70E;
	s18 =	simm.s32 $0x6;
	v20 =	vor.u32 s21, v0;
	v16 =	vor.u32 s12, v0;
	s12 =	sor.u32 s0, s11;
	v34 =	vld [tilespmem:s3+$0x0];
	[tilespmem:v26+s15+$0x0] =	vst.idx.msk $0xffff, v25  }
0xe1: {  	s13 =	sand.u32 $0x7, s18;
	v7 =	vor.u32 s30, v0;
	s21 =	sor.u32 $0x4100, s25;
	v22 =	vor.u32 s19, v0;
	s0 =	sor.u32 s9, s11;
	[tilespmem:v13+s15+$0x0] =	vst.idx.msk $0xffff, v14;
	v23 =	vld [tilespmem:s12+$0x0]  }
0xe2: {  	v12 =	vor.u32 s6, v0;
	s9 =	simm.s32 $0x310;
	s28 =	sor.u32 s24, s20;
	v13 =	vor.u32 s14, v0;
	s14 =	simm.s32 $0x604;
	v28 =	vld [tilespmem:s7+$0x200];
	[tilespmem:v8+s15+$0x0] =	vst.idx.msk $0xffff, v29  }
0xe3: {  	s11 =	simm.s32 $0x90F;
	s3 =	sshll.u32 s13, $0x4;
	v15 =	vor.u32 s22, v0;
	s20 =	simm.s32 $0x20F;
	v25 =	vld [tilespmem:s28+$0x0];
	[tilespmem:v27+s15+$0x0] =	vst.idx.msk $0xffff, v30;
	v30 =	vor.u32 s14, v0  }
0xe4: {  	s22 =	sor.u32 s23, s21;
	v14 =	vor.u32 s4, v0;
	s12 =	sadd.s32 $0x310, s3;
	v24 =	vor.u32 s20, v0;
	s28 =	simm.s32 $0x40A;
	v29 =	vld [tilespmem:s16+$0x200];
	[tilespmem:v33+s15+$0x0] =	vst.idx.msk $0xffff, v32  }
0xe5: {  	s19 =	simm.s32 $0x300;
	s3 =	sor.u32 s24, s21;
	v8 =	vor.u32 s31, v0;
	s4 =	sor.u32 $0x300, s12;
	v27 =	vor.u32 s28, v0;
	[tilespmem:v31+s15+$0x0] =	vst.idx.msk $0xffff, v34;
	v26 =	vld [tilespmem:s22+$0x0]  }
.LBB2_5:
0xe6: {  	_ = 	snop  }
0xe7: {  	s1 =	sadd.s32 $0x20, s1  }
0xe8: {  	s10 =	sadd.s32 $0x100, s10;
	s22 =	sadd.s32 $0xFFFFFFF0, s1;
	[tilespmem:v30+s15+$0x0] =	vst.idx.msk $0xffff, v28;
	v28 =	vld [tilespmem:s2+$0x0]  }
0xe9: {  	s6 =	sadd.s32 $0xFFFFFEF6, s31;
	s14 =	sand.u32 $0x60, s22;
	s2 =	sand.u32 $0x3C00, s10;
	[tilespmem:v24+s15+$0x0] =	vst.idx.msk $0xffff, v23;
	v23 =	vld [tilespmem:s5+$0x0]  }
0xea: {  	s20 =	sadd.s32 $0xFFFFFEF1, s11;
	v30 =	vor.u32 s6, v0;
	v24 =	vld [tilespmem:s7+$0x280];
	[tilespmem:v11+s15+$0x0] =	vst.idx.msk $0xffff, v25;
	s7 =	sor.u32 s14, s2  }
0xeb: {  	s8 =	sadd.s32 $0x1, s8;
	s6 =	sor.u32 $0x4180, s25;
	v11 =	vmov v22;
	v25 =	vor.u32 s20, v0;
	[tilespmem:v21+s15+$0x0] =	vst.idx.msk $0xffff, v29;
	v22 =	vld [tilespmem:s7+$0x0]  }
0xec: {  	s21 =	sadd.s32 $0xFFFFFEFC, s30;
	s28 =	sand.u32 $0x3, s8;
	s13 =	sor.u32 s23, s6;
	[tilespmem:v27+s15+$0x0] =	vst.idx.msk $0xffff, v26;
	v21 =	vld [tilespmem:s3+$0x0]  }
0xed: {  	s22 =	sadd.s32 $0xFFFFFFF1, s11;
	s5 =	sand.u32 $0x70, s1;
	v27 =	vor.u32 s21, v0;
	s3 =	sshll.u32 s28, $0x5;
	v26 =	vld [tilespmem:s13+$0x0];
	[tilespmem:v3+s15+$0x0] =	vst.idx.msk $0xffff, v28  }
0xee: {  	s13 =	sadd.s32 $0xFFFFFFF3, s11;
	s3 =	sadd.s32 s3, s19;
	v28 =	vld [tilespmem:s16+$0x280];
	s16 =	sor.u32 s5, s2;
	[tilespmem:v1+s15+$0x0] =	vst.idx.msk $0xffff, v23  }
0xef: {  	v3 =	vmovc v4;
	v4 =	vmov v15;
	v15 =	vor.u32 s22, v0;
	s20 =	sor.u32 $0x300, s3;
	v23 =	vld [tilespmem:s16+$0x0];
	[tilespmem:v30+s15+$0x0] =	vst.idx.msk $0xffff, v24;
	v24 =	vor.u32 s13, v0;
	s13 =	simm.s32 $0x10000  }
0xf0: {  	v31 =	vor.u32 s11, v0;
	s21 =	sadd.s32 $0xFFFFFEF7, s31;
	v30 =	vld [tilespmem:s20+$0x0];
	[tilespmem:v25+s13+$0x0] =	vst.idx.msk $0xffff, v22  }
0xf1: {  	v1 =	vmovc v2;
	v2 =	vmovc v7;
	v7 =	vmov v8;
	v8 =	vmov v31;
	v31 =	vor.u32 s21, v0;
	[tilespmem:v10+s13+$0x0] =	vst.idx.msk $0xffff, v21  }
0xf2: {  	s28 =	sadd.s32 $0xFFFFFFF2, s11;
	s19 =	sor.u32 $0x4200, s25;
	s21 =	sadd.s32 $0xFFFFFEF2, s11;
	v32 =	vld [tilespmem:s7+$0x80];
	[tilespmem:v27+s13+$0x0] =	vst.idx.msk $0xffff, v26  }
0xf3: {  	v29 =	vor.u32 s28, v0;
	s22 =	sadd.s32 $0xFFFFFFF4, s11;
	v33 =	vor.u32 s21, v0;
	s21 =	sadd.s32 $0xFFFFFEFD, s30;
	s20 =	sor.u32 s23, s19;
	[tilespmem:v19+s13+$0x0] =	vst.idx.msk $0xffff, v28  }
0xf4: {  	s28 =	sadd.s32 $0xFFFFFFF6, s11;
	s3 =	sor.u32 $0x380, s3;
	v25 =	vor.u32 s22, v0;
	s22 =	sadd.s32 $0xFFFFFFF7, s11;
	v27 =	vld [tilespmem:s20+$0x0];
	v28 =	vor.u32 s21, v0;
	[tilespmem:v15+s13+$0x0] =	vst.idx.msk $0xffff, v23  }
0xf5: {  	s15 =	sadd.s32 $0xFFFFFFF5, s11;
	v10 =	vmov v20;
	v20 =	vor.u32 s28, v0;
	v34 =	vor.u32 s22, v0;
	s28 =	sadd.s32 $0xFFFFFFF8, s11;
	s22 =	sadd.s32 $0xFFFFFFFA, s11;
	v23 =	vld [tilespmem:s4+$0x0]  }
0xf6: {  	v21 =	vor.u32 s15, v0;
	s15 =	sadd.s32 $0xFFFFFFF9, s11;
	v22 =	vor.u32 s22, v0;
	s22 =	sor.u32 s24, s19;
	s19 =	sadd.s32 $0xFFFFFEF8, s31;
	v36 =	vld [tilespmem:s16+$0x80];
	[tilespmem:v31+s13+$0x0] =	vst.idx.msk $0xffff, v30  }
0xf7: {  	v26 =	vor.u32 s28, v0;
	s28 =	sadd.s32 $0xFFFFFFFB, s11;
	v35 =	vor.u32 s15, v0;
	s20 =	sadd.s32 $0xFFFFFFFE, s11;
	v38 =	vor.u32 s19, v0;
	s4 =	sor.u32 s24, s6;
	v31 =	vld [tilespmem:s3+$0x0]  }
0xf8: {  	s15 =	sadd.s32 $0xFFFFFFFD, s11;
	v19 =	vmov v20;
	s21 =	sadd.s32 $0xFFFFFFFC, s11;
	v20 =	vor.u32 s28, v0;
	s28 =	sadd.s32 $0xFFFFFEF3, s11;
	v57 =	vor.u32 s20, v0;
	[tilespmem:v33+s13+$0x0] =	vst.idx.msk $0xffff, v32;
	v58 =	vld [tilespmem:s4+$0x0]  }
0xf9: {  	s20 =	rddreg [dreg:$0x4];
	v37 =	vor.u32 s21, v0;
	s21 =	sadd.s32 $0xFFFFFFFF, s11;
	v30 =	vor.u32 s15, v0;
	s15 =	sor.u32 $0x4280, s25;
	v39 =	vld [tilespmem:s7+$0x100];
	[tilespmem:v28+s13+$0x0] =	vst.idx.msk $0xffff, v27  }
0xfa: {  	v40 =	vor.u32 s28, v0;
	s28 =	sadd.s32 $0xFFFFFEFE, s30;
	v15 =	vor.u32 s21, v0;
	s6 =	smov.u32 s20;
	s21 =	sor.u32 s23, s15;
	[tilespmem:v18+s13+$0x0] =	vst.idx.msk $0xffff, v23  }
0xfb: {  	s12 =	sor.u32 $0x380, s12;
	s20 =	sor.u32 $0x4000, s6;
	v27 =	vor.u32 s28, v0;
	v23 =	vld [tilespmem:s21+$0x0];
	[tilespmem:v29+s13+$0x0] =	vst.idx.msk $0xffff, v36  }
0xfc: {  	s3 =	sor.u32 s24, s15;
	s28 =	sadd.s32 $0xFFFFFEF9, s31;
	s21 =	sor.u32 s26, s20;
	[tilespmem:v38+s13+$0x0] =	vst.idx.msk $0xffff, v31;
	v28 =	vld [tilespmem:s12+$0x0]  }
0xfd: {  	s15 =	smov.u32 s2;
	s4 =	smov.u32 s24;
	s24 =	smov.u32 s29;
	v59 =	vor.u32 s28, v0;
	v31 =	vld [tilespmem:s21+$0x0]  }
0xfe: {  	s29 =	smov.u32 s5;
	s5 =	smov.u32 s0;
	s0 =	smov.u32 s30;
	v29 =	vld [tilespmem:s16+$0x100];
	[tilespmem:v9+s13+$0x0] =	vst.idx.msk $0xffff, v58  }
0xff: {  	[dreg:$0x4] =	wrdreg s15;
	s15 =	sor.u32 s24, s20;
	s20 =	sadd.s32 $0xFFFFFEF4, s11;
	[tilespmem:v40+s13+$0x0] =	vst.idx.msk $0xffff, v39  }
0x100: {  	s30 =	smov.u32 s31;
	s28 =	sadd.s32 $0xFFFFFEFF, s0;
	v61 =	vor.u32 s20, v0;
	s21 =	sor.u32 $0x4300, s25;
	v60 =	vld [tilespmem:s7+$0x180];
	[tilespmem:v27+s13+$0x0] =	vst.idx.msk $0xffff, v23  }
0x101: {  	v33 =	vld [tilespmem:s22+$0x0];
	s22 =	sor.u32 s23, s21;
	s2 =	sor.u32 s4, s21;
	s21 =	sor.u32 $0x4080, s6;
	[tilespmem:v17+s13+$0x0] =	vst.idx.msk $0xffff, v28  }
0x102: {  	v27 =	vor.u32 s28, v0;
	s28 =	sadd.s32 $0xFFFFFEFA, s30;
	v23 =	vld [tilespmem:s22+$0x0];
	s22 =	sor.u32 s26, s21;
	[tilespmem:v59+s13+$0x0] =	vst.idx.msk $0xffff, v31  }
0x103: {  	v62 =	vor.u32 s28, v0;
	[tilespmem:v24+s13+$0x0] =	vst.idx.msk $0xffff, v29;
	v31 =	vld [tilespmem:s22+$0x0]  }
0x104: {  	s17 =	sadd.s32 $0x2, s17;
	s18 =	sadd.s32 $0x2, s18;
	v24 =	vld [tilespmem:s15+$0x0]  }
0x105: {  	s9 =	sadd.s32 $0x100, s9;
	p1 =	slt.u32 s17, $0x7E;
	s19 =	smov.u32 s10;
	v17 =	vmov v26;
	[tilespmem:v61+s13+$0x0] =	vst.idx.msk $0xffff, v60;
	v26 =	vld [tilespmem:s16+$0x180]  }
0x106: {  	s31 =	smov.u32 s11;
	s20 =	sadd.s32 $0xFFFFFEF5, s11;
	s22 =	sor.u32 $0x4380, s25;
	[tilespmem:v6+s13+$0x0] =	vst.idx.msk $0xffff, v33;
	v28 =	vld [tilespmem:s7+$0x200]  }
0x107: {  	s28 =	sadd.s32 $0xFFFFFF00, s0;
	s25 =	sor.u32 s23, s22;
	s0 =	sor.u32 s4, s22;
	v33 =	vld [tilespmem:s3+$0x0];
	[tilespmem:v27+s13+$0x0] =	vst.idx.msk $0xffff, v23  }
.Ltmp6:
0x108: {  	s23 =	smov.u32 s26;
	s22 =	sor.u32 $0x4100, s6;
	v23 =	vld [tilespmem:s25+$0x0];
	[tilespmem:v62+s13+$0x0] =	vst.idx.msk $0xffff, v31;
	(pc) =	sbr.rel @p1 .LBB2_5-.Ltmp6, $4  }
0x109: {  	s11 =	sadd.s32 $0x200, s11;
	s12 =	sand.u32 $0x7, s18;
	s25 =	sor.u32 s23, s22;
	[tilespmem:v16+s13+$0x0] =	vst.idx.msk $0xffff, v24  }
0x10a: {  	s21 =	sor.u32 s24, s21;
	v6 =	vmov v13;
	v13 =	vmov v30;
	v30 =	vor.u32 s20, v0;
	s20 =	sshll.u32 s12, $0x4;
	s26 =	smov.u32 s14;
	[tilespmem:v25+s13+$0x0] =	vst.idx.msk $0xffff, v26;
	v26 =	vld [tilespmem:s25+$0x0]  }
0x10b: {  	v18 =	vmov v34;
	v9 =	vmov v14;
	s15 =	simm.s32 $0x10000;
	s12 =	sadd.s32 s20, s9;
	v24 =	vor.u32 s28, v0;
	s28 =	sadd.s32 $0xFFFFFEFB, s30;
	v25 =	vld [tilespmem:s21+$0x0]  }
0x10c: {  	v14 =	vmovc v37;
	s3 =	sor.u32 s24, s22;
	s4 =	sor.u32 $0x300, s12;
	v16 =	vmovc v35;
	v27 =	vor.u32 s28, v0;
	s25 =	smov.u32 s6;
	v29 =	vld [tilespmem:s16+$0x200];
	[tilespmem:v5+s15+$0x0] =	vst.idx.msk $0xffff, v33;
	v5 =	vmov v12;
	v12 =	vmov v57  }
0x10d: {  	_ =	sdelay $0x3  }
0x10e: {  	[tilespmem:v30+s15+$0x0] =	vst.idx.msk $0xffff, v28;
	s1 =	sadd.s32 $0xFFFFFEF6, s31  }
0x10f: {  	v28 =	vld [tilespmem:s7+$0x280];
	v58 =	vor.u32 s1, v0;
	[tilespmem:v21+s15+$0x0] =	vst.idx.msk $0xffff, v29  }
0x110: {  	s11 =	sadd.s32 $0x1, s8;
	v21 =	vld [tilespmem:s16+$0x280]  }
0x111: {  	s1 =	sand.u32 $0x3, s11  }
0x112: {  	s1 =	sshll.u32 s1, $0x5  }
0x113: {  	s1 =	sadd.s32 s1, s19  }
0x114: {  	s13 =	sadd.s32 $0xFFFFFEF7, s31;
	s6 =	sor.u32 $0x300, s1;
	[tilespmem:v58+s15+$0x0] =	vst.idx.msk $0xffff, v28  }
0x115: {  	v59 =	vor.u32 s13, v0;
	v28 =	vld [tilespmem:s6+$0x0];
	[tilespmem:v19+s15+$0x0] =	vst.idx.msk $0xffff, v21  }
0x116: {  	v19 =	vld [tilespmem:s4+$0x0];
	_ =	sdelay $0x3  }
0x117: {  	s14 =	sadd.s32 $0xFFFFFEF8, s31;
	s1 =	sor.u32 $0x380, s1;
	[tilespmem:v59+s15+$0x0] =	vst.idx.msk $0xffff, v28  }
0x118: {  	v61 =	vor.u32 s14, v0;
	s16 =	sor.u32 $0x380, s12;
	v60 =	vld [tilespmem:s1+$0x0];
	[tilespmem:v18+s15+$0x0] =	vst.idx.msk $0xffff, v19  }
0x119: {  	v18 =	vld [tilespmem:s16+$0x0];
	_ =	sdelay $0x1  }
0x11a: {  	s7 =	rddreg [dreg:$0x4]  }
0x11b: {  	s17 =	sor.u32 $0x4000, s7  }
0x11c: {  	s19 =	sadd.s32 $0xFFFFFEF9, s31;
	[tilespmem:v61+s15+$0x0] =	vst.idx.msk $0xffff, v60;
	s18 =	sor.u32 s26, s17  }
0x11d: {  	v28 =	vor.u32 s19, v0;
	s1 =	sor.u32 s29, s17;
	v62 =	vld [tilespmem:s18+$0x0];
	[tilespmem:v17+s15+$0x0] =	vst.idx.msk $0xffff, v18  }
0x11e: {  	v17 =	vld [tilespmem:s1+$0x0];
	_ =	sdelay $0x2  }
0x11f: {  	s20 =	sor.u32 $0x4080, s7  }
0x120: {  	s22 =	sadd.s32 $0xFFFFFEFA, s31;
	s21 =	sor.u32 s26, s20;
	[tilespmem:v28+s15+$0x0] =	vst.idx.msk $0xffff, v62  }
0x121: {  	v30 =	vor.u32 s22, v0;
	s1 =	sor.u32 s29, s20;
	v29 =	vld [tilespmem:s21+$0x0];
	[tilespmem:v16+s15+$0x0] =	vst.idx.msk $0xffff, v17  }
0x122: {  	v16 =	vld [tilespmem:s1+$0x0];
	_ =	sdelay $0x2  }
0x123: {  	[tilespmem:v11+s15+$0x0] =	vst.idx.msk $0xffff, v25;
	s28 =	sor.u32 $0x4100, s7  }
0x124: {  	s9 =	sadd.s32 $0xFFFFFEFB, s31;
	v33 =	vld [tilespmem:s3+$0x0];
	s8 =	sor.u32 s26, s28;
	[tilespmem:v30+s15+$0x0] =	vst.idx.msk $0xffff, v29  }
0x125: {  	v32 =	vor.u32 s9, v0;
	s1 =	sor.u32 s29, s28;
	v31 =	vld [tilespmem:s8+$0x0];
	[tilespmem:v22+s15+$0x0] =	vst.idx.msk $0xffff, v16  }
0x126: {  	v16 =	vld [tilespmem:s1+$0x0]  }
0x127: {  	s10 =	sor.u32 $0x4180, s25  }
0x128: {  	s11 =	sor.u32 s23, s10;
	s12 =	sadd.s32 $0xFFFFFEFC, s30;
	[tilespmem:v27+s15+$0x0] =	vst.idx.msk $0xffff, v26  }
0x129: {  	v35 =	vor.u32 s12, v0;
	v34 =	vld [tilespmem:s11+$0x0];
	s13 =	sor.u32 $0x4180, s7;
	s3 =	sor.u32 s24, s10;
	[tilespmem:v10+s15+$0x0] =	vst.idx.msk $0xffff, v33  }
0x12a: {  	s16 =	sadd.s32 $0xFFFFFEFC, s31;
	s14 =	sor.u32 s26, s13;
	v38 =	vld [tilespmem:s3+$0x0];
	[tilespmem:v32+s15+$0x0] =	vst.idx.msk $0xffff, v31  }
0x12b: {  	v37 =	vor.u32 s16, v0;
	s1 =	sor.u32 s29, s13;
	v36 =	vld [tilespmem:s14+$0x0];
	[tilespmem:v20+s15+$0x0] =	vst.idx.msk $0xffff, v16  }
0x12c: {  	v16 =	vld [tilespmem:s1+$0x0]  }
0x12d: {  	s17 =	sor.u32 $0x4200, s25  }
0x12e: {  	s19 =	sadd.s32 $0xFFFFFEFD, s30;
	s18 =	sor.u32 s23, s17;
	[tilespmem:v35+s15+$0x0] =	vst.idx.msk $0xffff, v34  }
0x12f: {  	v40 =	vor.u32 s19, v0;
	s20 =	sor.u32 $0x4200, s7;
	v39 =	vld [tilespmem:s18+$0x0];
	s3 =	sor.u32 s24, s17;
	[tilespmem:v9+s15+$0x0] =	vst.idx.msk $0xffff, v38  }
0x130: {  	s22 =	sadd.s32 $0xFFFFFEFD, s31;
	s21 =	sor.u32 s26, s20;
	v43 =	vld [tilespmem:s3+$0x0];
	[tilespmem:v37+s15+$0x0] =	vst.idx.msk $0xffff, v36  }
0x131: {  	v42 =	vor.u32 s22, v0;
	s1 =	sor.u32 s29, s20;
	v41 =	vld [tilespmem:s21+$0x0];
	[tilespmem:v14+s15+$0x0] =	vst.idx.msk $0xffff, v16  }
0x132: {  	v14 =	vld [tilespmem:s1+$0x0]  }
0x133: {  	s28 =	sor.u32 $0x4280, s25  }
0x134: {  	[tilespmem:v40+s15+$0x0] =	vst.idx.msk $0xffff, v39;
	s6 =	sor.u32 s23, s28;
	s8 =	sadd.s32 $0xFFFFFEFE, s30  }
0x135: {  	s9 =	sor.u32 $0x4280, s7;
	s3 =	sor.u32 s24, s28;
	v44 =	vld [tilespmem:s6+$0x0];
	v45 =	vor.u32 s8, v0;
	[tilespmem:v6+s15+$0x0] =	vst.idx.msk $0xffff, v43  }
0x136: {  	s11 =	sadd.s32 $0xFFFFFEFE, s31;
	s10 =	sor.u32 s26, s9;
	v48 =	vld [tilespmem:s3+$0x0];
	[tilespmem:v42+s15+$0x0] =	vst.idx.msk $0xffff, v41  }
0x137: {  	v47 =	vor.u32 s11, v0;
	s1 =	sor.u32 s29, s9;
	v46 =	vld [tilespmem:s10+$0x0];
	[tilespmem:v13+s15+$0x0] =	vst.idx.msk $0xffff, v14  }
0x138: {  	v49 =	vld [tilespmem:s1+$0x0]  }
0x139: {  	s12 =	sor.u32 $0x4300, s25  }
0x13a: {  	v52 =	vld [tilespmem:s2+$0x0];
	s13 =	sor.u32 s23, s12;
	[tilespmem:v45+s15+$0x0] =	vst.idx.msk $0xffff, v44;
	s14 =	sadd.s32 $0xFFFFFEFF, s30  }
0x13b: {  	s16 =	sor.u32 $0x4300, s7;
	s3 =	sor.u32 s24, s12;
	v50 =	vld [tilespmem:s13+$0x0];
	v51 =	vor.u32 s14, v0;
	[tilespmem:v5+s15+$0x0] =	vst.idx.msk $0xffff, v48  }
0x13c: {  	s17 =	sor.u32 s26, s16;
	s18 =	sadd.s32 $0xFFFFFEFF, s31;
	v55 =	vld [tilespmem:s3+$0x0];
	[tilespmem:v47+s15+$0x0] =	vst.idx.msk $0xffff, v46  }
0x13d: {  	v54 =	vor.u32 s18, v0;
	s1 =	sor.u32 s29, s16;
	v53 =	vld [tilespmem:s17+$0x0];
	[tilespmem:v12+s15+$0x0] =	vst.idx.msk $0xffff, v49  }
0x13e: {  	[tilespmem:v24+s15+$0x0] =	vst.idx.msk $0xffff, v23;
	v56 =	vld [tilespmem:s1+$0x0]  }
0x13f: {  	v57 =	vld [tilespmem:s5+$0x0];
	s19 =	sor.u32 $0x4380, s25;
	[tilespmem:v3+s15+$0x0] =	vst.idx.msk $0xffff, v52  }
0x140: {  	v59 =	vld [tilespmem:s0+$0x0];
	s20 =	sor.u32 s23, s19;
	[tilespmem:v51+s15+$0x0] =	vst.idx.msk $0xffff, v50;
	s21 =	sadd.s32 $0xFFFFFF00, s30  }
0x141: {  	s2 =	sor.u32 s24, s19;
	s22 =	sor.u32 $0x4380, s7;
	v3 =	vld [tilespmem:s20+$0x0];
	v58 =	vor.u32 s21, v0;
	[tilespmem:v4+s15+$0x0] =	vst.idx.msk $0xffff, v55  }
0x142: {  	s25 =	sadd.s32 $0xFFFFFF00, s31;
	s23 =	sor.u32 s26, s22;
	v62 =	vld [tilespmem:s2+$0x0];
	[tilespmem:v54+s15+$0x0] =	vst.idx.msk $0xffff, v53  }
0x143: {  	v61 =	vor.u32 s25, v0;
	s26 =	sor.u32 s29, s22;
	v60 =	vld [tilespmem:s23+$0x0];
	[tilespmem:v15+s15+$0x0] =	vst.idx.msk $0xffff, v56  }
0x144: {  	[tilespmem:v1+s15+$0x0] =	vst.idx.msk $0xffff, v57;
	v1 =	vld [tilespmem:s26+$0x0]  }
0x145: {  	[tilespmem:v2+s15+$0x0] =	vst.idx.msk $0xffff, v59  }
0x146: {  	[tilespmem:v58+s15+$0x0] =	vst.idx.msk $0xffff, v3  }
0x147: {  	[tilespmem:v7+s15+$0x0] =	vst.idx.msk $0xffff, v62  }
0x148: {  	[tilespmem:v61+s15+$0x0] =	vst.idx.msk $0xffff, v60  }
0x149: {  	s2 =	rddreg [dreg:$0x10];
	[tilespmem:v8+s15+$0x0] =	vst.idx.msk $0xffff, v1  }
0x14a: {  	s31 =	rddreg [dreg:$0x11]  }
0x14b: {  	p1 =	seq.s32 s31, $0x0  }
.Ltmp7:
0x14c: {  	_ = 	snop;
	(pc) =	sbr.rel @p1 .LBB2_10-.Ltmp7, $4  }
0x14d: {  	s29 =	rddreg [dreg:$0x8]  }
0x14e: {  	s30 =	simm.s32 $0x0;
	s28 =	sshll.u32 s2, $0xC;
	s4 =	rddreg [dreg:$0xf]  }
0x14f: {  	s23 =	simm.s32 $0x18000;
	s6 =	rddreg [dreg:$0x7];
	s0 =	sadd.s32 s29, s28  }
0x150: {  	[hbm4b:s0+s30] =	stream.linear.scatter [tilespmem:s15], [sflag:$0x3], $0x8000, $0x38;
	v63 =	vld [tilespmem:$0x0]  }
.LBB2_7:
0x151: {  	p1 =	sgt.u32 s2, $0x1DA;
	s1 =	rddreg [dreg:$0xa]  }
0x152: {  	s21 =	simm.s32 $0x2;
	s0 =	sshll.u32 @!p1 s2, $0xB;
	s2 =	simm.s32 @!p1 $0x7EF400  }
0x153: {  	s3 =	simm.s32 @!p1 $0x0;
	s0 =	sadd.s32 @!p1 s0, s1;
	s1 =	simm.s32 @!p1 $0x4000  }
0x154: {  	[tilespmem:s3], [sflag:$0x1] =	stream.strided.gather @!p1 [hbm4b:s0+s1], $0x8000, s2, s1, $0x38;
	v63 =	vld [tilespmem:$0x0]  }
0x155: {  	_ =	swait.ge [sflag:s21], $0x8000  }
0x156: {  	p1 =	slt.u32 s4, $0x2;
	[sflag:s21] =	ssyncset.done $0x0  }
0x157: {  	s3 =	simm.s32 $0x0;
	s0 =	simm.s32 @!p1 $0x4;
	[sflag:s21] =	ssyncadd.s32 $0xFFFF8000  }
0x158: {  	s22 =	simm.s32 $0x10;
	s5 =	sand.u32 $0x3C00, s3;
	_ =	swait.ge @!p1 [sflag:s0], $0x8000  }
0x159: {  	s1 =	sand.u32 $0x70, s22;
	s24 =	sor.u32 $0x8000, s5;
	[sflag:s0] =	ssyncset.done @!p1 $0x0  }
0x15a: {  	s25 =	simm.s32 $0x100;
	s26 =	sor.u32 s1, s24;
	[sflag:s0] =	ssyncadd.s32 @!p1 $0xFFFF8000  }
0x15b: {  	v2 =	vor.u32 s25, v0;
	v1 =	vld [tilespmem:s26+$0x0];
	_ =	sdelay $0x4  }
0x15c: {  	s8 =	simm.s32 $0x101;
	[tilespmem:v2+s23+$0x0] =	vst.idx.msk $0xffff, v1  }
0x15d: {  	v2 =	vor.u32 s8, v0;
	v1 =	vld [tilespmem:s26+$0x80];
	_ =	sdelay $0x1  }
0x15e: {  	s9 =	simm.s32 $0x0  }
0x15f: {  	s7 =	sand.u32 $0x60, s9  }
0x160: {  	s10 =	simm.s32 $0x0;
	s6 =	sor.u32 s7, s24  }
0x161: {  	s11 =	simm.s32 $0x102;
	v3 =	vor.u32 s10, v0;
	v4 =	vld [tilespmem:s6+$0x0];
	[tilespmem:v2+s23+$0x0] =	vst.idx.msk $0xffff, v1  }
0x162: {  	v2 =	vor.u32 s11, v0;
	v1 =	vld [tilespmem:s26+$0x100];
	_ =	sdelay $0x3  }
0x163: {  	s12 =	simm.s32 $0x1;
	[tilespmem:v3+s23+$0x0] =	vst.idx.msk $0xffff, v4  }
0x164: {  	s13 =	simm.s32 $0x103;
	v3 =	vor.u32 s12, v0;
	v4 =	vld [tilespmem:s6+$0x80];
	[tilespmem:v2+s23+$0x0] =	vst.idx.msk $0xffff, v1  }
0x165: {  	v2 =	vor.u32 s13, v0;
	v1 =	vld [tilespmem:s26+$0x180];
	_ =	sdelay $0x3  }
0x166: {  	s14 =	simm.s32 $0x2;
	[tilespmem:v3+s23+$0x0] =	vst.idx.msk $0xffff, v4  }
0x167: {  	s15 =	simm.s32 $0x104;
	v3 =	vor.u32 s14, v0;
	v4 =	vld [tilespmem:s6+$0x100];
	[tilespmem:v2+s23+$0x0] =	vst.idx.msk $0xffff, v1  }
0x168: {  	v2 =	vor.u32 s15, v0;
	v1 =	vld [tilespmem:s26+$0x200];
	_ =	sdelay $0x2  }
0x169: {  	s16 =	simm.s32 $0x100  }
0x16a: {  	s17 =	simm.s32 $0x3;
	s30 =	sand.u32 $0x3C00, s16;
	s8 =	simm.s32 $0x30;
	[tilespmem:v3+s23+$0x0] =	vst.idx.msk $0xffff, v4  }
0x16b: {  	s18 =	simm.s32 $0x105;
	s9 =	sor.u32 $0x8000, s30;
	s31 =	sand.u32 $0x70, s8;
	v3 =	vor.u32 s17, v0;
	v4 =	vld [tilespmem:s6+$0x180];
	[tilespmem:v2+s23+$0x0] =	vst.idx.msk $0xffff, v1  }
0x16c: {  	s19 =	simm.s32 $0x300;
	s2 =	sor.u32 s31, s9;
	v2 =	vor.u32 s18, v0;
	v1 =	vld [tilespmem:s26+$0x280]  }
0x16d: {  	v6 =	vor.u32 s19, v0;
	v5 =	vld [tilespmem:s2+$0x0]  }
0x16e: {  	s20 =	sand.u32 $0x7, s3  }
0x16f: {  	s0 =	sshll.u32 s20, $0x4  }
0x170: {  	s21 =	simm.s32 $0x4;
	s22 =	sadd.s32 $0x10, s0;
	[tilespmem:v3+s23+$0x0] =	vst.idx.msk $0xffff, v4  }
0x171: {  	s24 =	simm.s32 $0x106;
	s0 =	sor.u32 $0x300, s22;
	v3 =	vor.u32 s21, v0;
	v4 =	vld [tilespmem:s6+$0x200];
	[tilespmem:v2+s23+$0x0] =	vst.idx.msk $0xffff, v1  }
0x172: {  	s10 =	simm.s32 $0x20;
	s25 =	simm.s32 $0x301;
	[tilespmem:v6+s23+$0x0] =	vst.idx.msk $0xffff, v5;
	v2 =	vor.u32 s24, v0;
	v1 =	vld [tilespmem:s0+$0x8000]  }
0x173: {  	v6 =	vor.u32 s25, v0;
	v5 =	vld [tilespmem:s2+$0x80];
	s0 =	sand.u32 $0x60, s10  }
0x174: {  	s26 =	simm.s32 $0x200;
	s4 =	sor.u32 s0, s9  }
0x175: {  	v7 =	vor.u32 s26, v0;
	v8 =	vld [tilespmem:s4+$0x0]  }
0x176: {  	s11 =	simm.s32 $0x5;
	[tilespmem:v3+s23+$0x0] =	vst.idx.msk $0xffff, v4  }
0x177: {  	s12 =	sor.u32 $0x380, s22;
	s13 =	simm.s32 $0x107;
	v3 =	vor.u32 s11, v0;
	v4 =	vld [tilespmem:s6+$0x280];
	[tilespmem:v2+s23+$0x0] =	vst.idx.msk $0xffff, v1  }
0x178: {  	s14 =	simm.s32 $0x302;
	[tilespmem:v6+s23+$0x0] =	vst.idx.msk $0xffff, v5;
	v2 =	vor.u32 s13, v0;
	v1 =	vld [tilespmem:s12+$0x8000]  }
0x179: {  	s3 =	sand.u32 $0x3, s3;
	v6 =	vor.u32 s14, v0;
	v5 =	vld [tilespmem:s2+$0x100]  }
0x17a: {  	s3 =	sshll.u32 s3, $0x5;
	s15 =	simm.s32 $0x201;
	[tilespmem:v7+s23+$0x0] =	vst.idx.msk $0xffff, v8  }
0x17b: {  	s3 =	sadd.s32 $0x0, s3;
	v7 =	vor.u32 s15, v0;
	v8 =	vld [tilespmem:s4+$0x80]  }
0x17c: {  	s16 =	simm.s32 $0x6;
	s17 =	sor.u32 $0x300, s3;
	s18 =	sor.u32 $0xC000, s5;
	[tilespmem:v3+s23+$0x0] =	vst.idx.msk $0xffff, v4  }
0x17d: {  	s20 =	simm.s32 $0x108;
	s19 =	sor.u32 s1, s18;
	v3 =	vor.u32 s16, v0;
	v4 =	vld [tilespmem:s17+$0x8000];
	[tilespmem:v2+s23+$0x0] =	vst.idx.msk $0xffff, v1  }
0x17e: {  	s21 =	simm.s32 $0x303;
	[tilespmem:v6+s23+$0x0] =	vst.idx.msk $0xffff, v5;
	v2 =	vor.u32 s20, v0;
	v1 =	vld [tilespmem:s19+$0x0]  }
0x17f: {  	v6 =	vor.u32 s21, v0;
	v5 =	vld [tilespmem:s2+$0x180]  }
0x180: {  	s22 =	simm.s32 $0x202;
	[tilespmem:v7+s23+$0x0] =	vst.idx.msk $0xffff, v8  }
0x181: {  	v7 =	vor.u32 s22, v0;
	v8 =	vld [tilespmem:s4+$0x100]  }
0x182: {  	s25 =	sor.u32 $0xC080, s5;
	s3 =	sor.u32 $0x380, s3;
	s24 =	simm.s32 $0x7;
	[tilespmem:v3+s23+$0x0] =	vst.idx.msk $0xffff, v4  }
0x183: {  	s6 =	sor.u32 s1, s25;
	s10 =	simm.s32 $0x109;
	v3 =	vor.u32 s24, v0;
	v4 =	vld [tilespmem:s3+$0x8000];
	[tilespmem:v2+s23+$0x0] =	vst.idx.msk $0xffff, v1  }
0x184: {  	s11 =	simm.s32 $0x304;
	[tilespmem:v6+s23+$0x0] =	vst.idx.msk $0xffff, v5;
	v2 =	vor.u32 s10, v0;
	v1 =	vld [tilespmem:s6+$0x0]  }
0x185: {  	v6 =	vor.u32 s11, v0;
	v5 =	vld [tilespmem:s2+$0x200]  }
0x186: {  	s12 =	simm.s32 $0x203;
	[tilespmem:v7+s23+$0x0] =	vst.idx.msk $0xffff, v8  }
0x187: {  	v7 =	vor.u32 s12, v0;
	v8 =	vld [tilespmem:s4+$0x180]  }
0x188: {  	s14 =	sor.u32 s7, s18;
	s13 =	simm.s32 $0x8;
	[tilespmem:v3+s23+$0x0] =	vst.idx.msk $0xffff, v4;
	s10 =	sor.u32 $0xC100, s5  }
0x189: {  	s8 =	sor.u32 s7, s25;
	s16 =	simm.s32 $0x10A;
	v3 =	vor.u32 s13, v0;
	v4 =	vld [tilespmem:s14+$0x0];
	s15 =	sor.u32 s1, s10;
	[tilespmem:v2+s23+$0x0] =	vst.idx.msk $0xffff, v1  }
0x18a: {  	s18 =	simm.s32 $0x200;
	s17 =	simm.s32 $0x204;
	[tilespmem:v6+s23+$0x0] =	vst.idx.msk $0xffff, v5;
	s19 =	simm.s32 $0x305;
	v2 =	vor.u32 s16, v0;
	v1 =	vld [tilespmem:s15+$0x0]  }
0x18b: {  	v5 =	vld [tilespmem:s2+$0x280];
	s3 =	sor.u32 $0xC180, s5;
	s22 =	sand.u32 $0x3C00, s18;
	v6 =	vor.u32 s19, v0;
	s12 =	simm.s32 $0x50  }
0x18c: {  	s14 =	simm.s32 $0x2;
	s21 =	sor.u32 $0x8000, s22;
	s26 =	sand.u32 $0x70, s12;
	[tilespmem:v7+s23+$0x0] =	vst.idx.msk $0xffff, v8  }
0x18d: {  	s20 =	simm.s32 $0x500;
	s24 =	sand.u32 $0x7, s14;
	s9 =	sor.u32 s26, s21;
	v7 =	vor.u32 s17, v0;
	v8 =	vld [tilespmem:s4+$0x200]  }
0x18e: {  	s11 =	simm.s32 $0x9;
	s25 =	sor.u32 s1, s3;
	[tilespmem:v3+s23+$0x0] =	vst.idx.msk $0xffff, v4;
	v4 =	vor.u32 s20, v0;
	s12 =	sshll.u32 s24, $0x4;
	v3 =	vld [tilespmem:s9+$0x0]  }
0x18f: {  	v9 =	vor.u32 s11, v0;
	s13 =	simm.s32 $0x10B;
	v10 =	vld [tilespmem:s8+$0x0];
	s14 =	sadd.s32 $0x110, s12;
	s15 =	simm.s32 $0x40;
	[tilespmem:v2+s23+$0x0] =	vst.idx.msk $0xffff, v1  }
0x190: {  	s18 =	simm.s32 $0x306;
	[tilespmem:v6+s23+$0x0] =	vst.idx.msk $0xffff, v5;
	s16 =	sor.u32 $0x300, s14;
	s17 =	sand.u32 $0x60, s15;
	v2 =	vor.u32 s13, v0;
	v1 =	vld [tilespmem:s25+$0x0]  }
0x191: {  	s19 =	simm.s32 $0x400;
	v6 =	vor.u32 s18, v0;
	v5 =	vld [tilespmem:s16+$0x8000];
	s2 =	sor.u32 s17, s21  }
0x192: {  	s20 =	simm.s32 $0x205;
	[tilespmem:v7+s23+$0x0] =	vst.idx.msk $0xffff, v8;
	v7 =	vor.u32 s19, v0;
	v8 =	vld [tilespmem:s2+$0x0]  }
0x193: {  	v11 =	vor.u32 s20, v0;
	s10 =	sor.u32 s7, s10;
	s24 =	simm.s32 $0x501;
	[tilespmem:v4+s23+$0x0] =	vst.idx.msk $0xffff, v3;
	v12 =	vld [tilespmem:s4+$0x280]  }
0x194: {  	s12 =	sor.u32 $0xC200, s5;
	[tilespmem:v9+s23+$0x0] =	vst.idx.msk $0xffff, v10;
	s21 =	simm.s32 $0xA;
	v4 =	vor.u32 s24, v0;
	v3 =	vld [tilespmem:s9+$0x80];
	s25 =	simm.s32 $0x1  }
0x195: {  	s11 =	sor.u32 s1, s12;
	v10 =	vld [tilespmem:s10+$0x0];
	v9 =	vor.u32 s21, v0;
	s13 =	simm.s32 $0x10C;
	s8 =	sand.u32 $0x3, s25;
	[tilespmem:v2+s23+$0x0] =	vst.idx.msk $0xffff, v1  }
0x196: {  	s18 =	simm.s32 $0x307;
	s16 =	sor.u32 $0x380, s14;
	[tilespmem:v6+s23+$0x0] =	vst.idx.msk $0xffff, v5;
	s15 =	sshll.u32 s8, $0x5;
	v2 =	vor.u32 s13, v0;
	v1 =	vld [tilespmem:s11+$0x0]  }
0x197: {  	v6 =	vor.u32 s18, v0;
	v5 =	vld [tilespmem:s16+$0x8000];
	s19 =	simm.s32 $0x401;
	s14 =	sadd.s32 $0x100, s15;
	[tilespmem:v7+s23+$0x0] =	vst.idx.msk $0xffff, v8  }
0x198: {  	s29 =	simm.s32 $0xF;
	s21 =	simm.s32 $0x206;
	s15 =	sor.u32 $0x300, s14;
	v7 =	vor.u32 s19, v0;
	[tilespmem:v11+s23+$0x0] =	vst.idx.msk $0xffff, v12;
	v8 =	vld [tilespmem:s2+$0x80]  }
0x199: {  	s20 =	simm.s32 $0xB;
	s6 =	simm.s32 $0x20A;
	s24 =	simm.s32 $0x502;
	[tilespmem:v4+s23+$0x0] =	vst.idx.msk $0xffff, v3;
	v11 =	vor.u32 s21, v0;
	v12 =	vld [tilespmem:s15+$0x8000]  }
0x19a: {  	v16 =	vor.u32 s6, v0;
	s6 =	simm.s32 $0x600;
	s25 =	sor.u32 s7, s3;
	s3 =	sor.u32 $0xC280, s5;
	[tilespmem:v9+s23+$0x0] =	vst.idx.msk $0xffff, v10;
	v4 =	vor.u32 s24, v0;
	v3 =	vld [tilespmem:s9+$0x100]  }
0x19b: {  	v9 =	vor.u32 s20, v0;
	s13 =	simm.s32 $0x10D;
	s11 =	sor.u32 s1, s3;
	s19 =	sor.u32 $0xC000, s30;
	[tilespmem:v2+s23+$0x0] =	vst.idx.msk $0xffff, v1;
	v1 =	vld [tilespmem:s25+$0x0]  }
0x19c: {  	s12 =	sor.u32 s7, s12;
	s24 =	simm.s32 $0x308;
	[tilespmem:v6+s23+$0x0] =	vst.idx.msk $0xffff, v5;
	v10 =	vor.u32 s13, v0;
	s15 =	sor.u32 s31, s19;
	v2 =	vld [tilespmem:s11+$0x0]  }
0x19d: {  	s10 =	simm.s32 $0xE;
	s18 =	simm.s32 $0x30F;
	v6 =	vor.u32 s24, v0;
	s21 =	simm.s32 $0x402;
	v5 =	vld [tilespmem:s15+$0x0];
	[tilespmem:v7+s23+$0x0] =	vst.idx.msk $0xffff, v8  }
0x19e: {  	s16 =	simm.s32 $0xC;
	s20 =	simm.s32 $0x207;
	s14 =	sor.u32 $0x380, s14;
	v7 =	vor.u32 s21, v0;
	[tilespmem:v11+s23+$0x0] =	vst.idx.msk $0xffff, v12;
	v8 =	vld [tilespmem:s2+$0x100]  }
0x19f: {  	s4 =	simm.s32 $0x10F;
	s8 =	simm.s32 $0xD;
	s13 =	simm.s32 $0x503;
	[tilespmem:v4+s23+$0x0] =	vst.idx.msk $0xffff, v3;
	v11 =	vor.u32 s20, v0;
	v12 =	vld [tilespmem:s14+$0x8000]  }
0x1a0: {  	v4 =	vor.u32 s13, v0;
	s13 =	simm.s32 $0x10E;
	v3 =	vld [tilespmem:s9+$0x180];
	s25 =	simm.s32 $0x2;
	s21 =	sor.u32 $0xC300, s5;
	[tilespmem:v9+s23+$0x0] =	vst.idx.msk $0xffff, v1  }
0x1a1: {  	s20 =	sand.u32 $0x3, s25;
	s24 =	sor.u32 s1, s21;
	s25 =	sor.u32 $0xC080, s30;
	v1 =	vor.u32 s16, v0;
	[tilespmem:v10+s23+$0x0] =	vst.idx.msk $0xffff, v2;
	v2 =	vld [tilespmem:s12+$0x0]  }
0x1a2: {  	[tilespmem:v6+s23+$0x0] =	vst.idx.msk $0xffff, v5;
	s12 =	sshll.u32 s20, $0x5;
	v10 =	vor.u32 s13, v0;
	s20 =	sor.u32 s31, s25;
	v9 =	vld [tilespmem:s24+$0x0];
	s24 =	simm.s32 $0x309  }
0x1a3: {  	s19 =	sor.u32 s0, s19;
	s5 =	sor.u32 $0xC380, s5;
	s13 =	simm.s32 $0x403;
	v5 =	vld [tilespmem:s20+$0x0];
	[tilespmem:v7+s23+$0x0] =	vst.idx.msk $0xffff, v8;
	v6 =	vor.u32 s24, v0  }
0x1a4: {  	s15 =	simm.s32 $0x208;
	s11 =	simm.s32 $0x209;
	s1 =	sor.u32 s1, s5;
	v7 =	vor.u32 s13, v0;
	[tilespmem:v11+s23+$0x0] =	vst.idx.msk $0xffff, v12;
	v8 =	vld [tilespmem:s2+$0x180]  }
0x1a5: {  	[tilespmem:v4+s23+$0x0] =	vst.idx.msk $0xffff, v3;
	s20 =	simm.s32 $0x404;
	s12 =	sadd.s32 $0x200, s12;
	v11 =	vor.u32 s15, v0;
	s24 =	simm.s32 $0x504;
	v12 =	vld [tilespmem:s19+$0x0]  }
0x1a6: {  	v3 =	vld [tilespmem:s9+$0x200];
	s13 =	sor.u32 $0xC100, s30;
	s14 =	sor.u32 $0x300, s12;
	s15 =	sor.u32 s7, s3;
	v4 =	vor.u32 s24, v0;
	[tilespmem:v1+s23+$0x0] =	vst.idx.msk $0xffff, v2  }
0x1a7: {  	s12 =	sor.u32 $0x380, s12;
	s3 =	sor.u32 s7, s5;
	s5 =	simm.s32 $0x70;
	v1 =	vor.u32 s8, v0;
	[tilespmem:v10+s23+$0x0] =	vst.idx.msk $0xffff, v9;
	v2 =	vld [tilespmem:s15+$0x0]  }
0x1a8: {  	s19 =	sor.u32 s7, s21;
	s21 =	sor.u32 s0, s25;
	s8 =	simm.s32 $0x3;
	[tilespmem:v6+s23+$0x0] =	vst.idx.msk $0xffff, v5  }
0x1a9: {  	s24 =	sor.u32 s31, s13;
	s25 =	simm.s32 $0x30A;
	s16 =	sand.u32 $0x3, s8;
	v9 =	vld [tilespmem:s1+$0x0];
	[tilespmem:v7+s23+$0x0] =	vst.idx.msk $0xffff, v8  }
0x1aa: {  	s15 =	sor.u32 s0, s13;
	s8 =	simm.s32 $0x300;
	v10 =	vor.u32 s11, v0;
	s11 =	simm.s32 $0x505;
	v6 =	vor.u32 s25, v0;
	v5 =	vld [tilespmem:s24+$0x0];
	[tilespmem:v11+s23+$0x0] =	vst.idx.msk $0xffff, v12  }
0x1ab: {  	s16 =	sshll.u32 s16, $0x5;
	v7 =	vor.u32 s20, v0;
	s1 =	simm.s32 $0x4;
	s13 =	sand.u32 $0x3C00, s8;
	v8 =	vld [tilespmem:s2+$0x200];
	[tilespmem:v4+s23+$0x0] =	vst.idx.msk $0xffff, v3  }
0x1ac: {  	s20 =	sand.u32 $0x70, s5;
	s24 =	sor.u32 $0x8000, s13;
	v4 =	vor.u32 s11, v0;
	s11 =	simm.s32 $0x60;
	v11 =	vld [tilespmem:s21+$0x0];
	[tilespmem:v1+s23+$0x0] =	vst.idx.msk $0xffff, v2  }
0x1ad: {  	v3 =	vld [tilespmem:s9+$0x280];
	s9 =	simm.s32 $0x700;
	s7 =	sor.u32 s20, s24;
	[dreg:$0x3] =	wrdreg s20  }
0x1ae: {  	s21 =	sand.u32 $0x7, s1;
	s28 =	sand.u32 $0x60, s11;
	v2 =	vor.u32 s4, v0;
	s4 =	sor.u32 $0xC180, s30;
	v12 =	vld [tilespmem:s19+$0x0]  }
0x1af: {  	s25 =	sshll.u32 s21, $0x4;
	v13 =	vor.u32 s9, v0;
	s21 =	simm.s32 $0x30B;
	s20 =	sor.u32 s31, s4;
	v14 =	vld [tilespmem:s7+$0x0];
	[tilespmem:v6+s23+$0x0] =	vst.idx.msk $0xffff, v5  }
0x1b0: {  	s11 =	simm.s32 $0x20E;
	v1 =	vor.u32 s29, v0;
	s29 =	simm.s32 $0x50F;
	s4 =	sor.u32 s0, s4;
	v6 =	vor.u32 s21, v0;
	[tilespmem:v7+s23+$0x0] =	vst.idx.msk $0xffff, v8;
	v5 =	vld [tilespmem:s20+$0x0]  }
0x1b1: {  	s19 =	sadd.s32 $0x210, s25;
	v7 =	vor.u32 s10, v0;
	s10 =	simm.s32 $0x20D;
	s25 =	simm.s32 $0x405;
	v8 =	vld [tilespmem:s2+$0x280];
	[tilespmem:v10+s23+$0x0] =	vst.idx.msk $0xffff, v11  }
0x1b2: {  	s21 =	simm.s32 $0x20C;
	v10 =	vor.u32 s25, v0;
	[tilespmem:v4+s23+$0x0] =	vst.idx.msk $0xffff, v3;
	s9 =	sor.u32 $0x300, s19;
	s25 =	simm.s32 $0x506;
	v4 =	vor.u32 s10, v0;
	v15 =	vld [tilespmem:s15+$0x0]  }
0x1b3: {  	s20 =	simm.s32 $0x20B;
	s2 =	sor.u32 $0xC200, s30;
	v3 =	vor.u32 s11, v0;
	v11 =	vld [tilespmem:s9+$0x8000];
	v17 =	vor.u32 s25, v0;
	s9 =	sor.u32 s28, s24;
	[tilespmem:v2+s23+$0x0] =	vst.idx.msk $0xffff, v9  }
0x1b4: {  	s11 =	simm.s32 $0x40A;
	s10 =	simm.s32 $0x507;
	v18 =	vor.u32 s20, v0;
	s20 =	simm.s32 $0x701;
	v9 =	vor.u32 s6, v0;
	v19 =	vld [tilespmem:s9+$0x0];
	[tilespmem:v13+s23+$0x0] =	vst.idx.msk $0xffff, v14  }
0x1b5: {  	v28 =	vor.u32 s21, v0;
	s15 =	simm.s32 $0x20F;
	s21 =	sor.u32 s31, s2;
	s25 =	simm.s32 $0x30C;
	v14 =	vor.u32 s20, v0;
	v20 =	vld [tilespmem:s7+$0x80];
	[tilespmem:v6+s23+$0x0] =	vst.idx.msk $0xffff, v5  }
0x1b6: {  	s24 =	simm.s32 $0x406;
	v24 =	vor.u32 s10, v0;
	s10 =	simm.s32 $0x210;
	s2 =	sor.u32 s0, s2;
	v21 =	vor.u32 s25, v0;
	[tilespmem:v7+s23+$0x0] =	vst.idx.msk $0xffff, v12;
	v5 =	vld [tilespmem:s21+$0x0]  }
0x1b7: {  	s6 =	sor.u32 $0x380, s19;
	s19 =	simm.s32 $0x407;
	s25 =	simm.s32 $0x409;
	v2 =	vor.u32 s15, v0;
	v6 =	vld [tilespmem:s3+$0x0];
	[tilespmem:v10+s23+$0x0] =	vst.idx.msk $0xffff, v8  }
0x1b8: {  	s15 =	simm.s32 $0x40B;
	v22 =	vor.u32 s19, v0;
	s19 =	simm.s32 $0x40F;
	s20 =	simm.s32 $0x408;
	v7 =	vor.u32 s24, v0;
	v23 =	vld [tilespmem:s14+$0x8000];
	[tilespmem:v17+s23+$0x0] =	vst.idx.msk $0xffff, v11  }
0x1b9: {  	s24 =	simm.s32 $0x40E;
	v12 =	vor.u32 s25, v0;
	v17 =	vld [tilespmem:s6+$0x8000];
	s6 =	sadd.s32 $0x300, s16;
	[tilespmem:v9+s23+$0x0] =	vst.idx.msk $0xffff, v19;
	s16 =	simm.s32 $0x601  }
0x1ba: {  	s25 =	simm.s32 $0x702;
	v13 =	vor.u32 s20, v0;
	s3 =	sor.u32 $0xC280, s30;
	s20 =	simm.s32 $0x30D;
	v19 =	vor.u32 s16, v0;
	v25 =	vld [tilespmem:s9+$0x80];
	[tilespmem:v14+s23+$0x0] =	vst.idx.msk $0xffff, v20  }
0x1bb: {  	v10 =	vor.u32 s15, v0;
	s15 =	simm.s32 $0x602;
	s21 =	simm.s32 $0x40C;
	s16 =	sor.u32 s31, s3;
	v14 =	vor.u32 s25, v0;
	v20 =	vld [tilespmem:s7+$0x100];
	[tilespmem:v21+s23+$0x0] =	vst.idx.msk $0xffff, v5  }
0x1bc: {  	s14 =	simm.s32 $0x40D;
	v11 =	vor.u32 s11, v0;
	s11 =	simm.s32 $0x70F;
	v26 =	vor.u32 s20, v0;
	[tilespmem:v16+s23+$0x0] =	vst.idx.msk $0xffff, v15;
	s20 =	sor.u32 $0xC000, s22;
	v21 =	vld [tilespmem:s16+$0x0]  }
0x1bd: {  	v9 =	vor.u32 s21, v0;
	v8 =	vor.u32 s14, v0;
	v15 =	vld [tilespmem:s4+$0x0];
	s4 =	simm.s32 $0x603;
	s14 =	simm.s32 $0x604;
	s21 =	sor.u32 $0x380, s6;
	[tilespmem:v7+s23+$0x0] =	vst.idx.msk $0xffff, v23  }
0x1be: {  	s25 =	simm.s32 $0x508;
	v7 =	vor.u32 s24, v0;
	v5 =	vor.u32 s19, v0;
	s19 =	sor.u32 $0x300, s6;
	s24 =	sor.u32 s26, s20;
	v16 =	vld [tilespmem:s12+$0x8000];
	[tilespmem:v24+s23+$0x0] =	vst.idx.msk $0xffff, v17  }
0x1bf: {  	v29 =	vor.u32 s25, v0;
	v23 =	vor.u32 s14, v0;
	s25 =	simm.s32 $0x703;
	s20 =	sor.u32 s17, s20;
	s6 =	sor.u32 $0xC080, s22;
	v27 =	vld [tilespmem:s24+$0x0];
	[tilespmem:v19+s23+$0x0] =	vst.idx.msk $0xffff, v25  }
0x1c0: {  	s16 =	simm.s32 $0x6;
	v17 =	vor.u32 s15, v0;
	s15 =	sor.u32 $0xC300, s30;
	v33 =	vor.u32 s25, v0;
	s24 =	simm.s32 $0x605;
	v31 =	vld [tilespmem:s9+$0x100];
	[tilespmem:v14+s23+$0x0] =	vst.idx.msk $0xffff, v20  }
0x1c1: {  	v25 =	vor.u32 s4, v0;
	s4 =	simm.s32 $0x607;
	s14 =	sor.u32 s31, s15;
	v20 =	vor.u32 s24, v0;
	s24 =	simm.s32 $0x30E;
	v34 =	vld [tilespmem:s7+$0x180];
	[tilespmem:v26+s23+$0x0] =	vst.idx.msk $0xffff, v21  }
0x1c2: {  	s12 =	simm.s32 $0x606;
	[tilespmem:v18+s23+$0x0] =	vst.idx.msk $0xffff, v15;
	s25 =	simm.s32 $0x608;
	v19 =	vor.u32 s4, v0;
	s4 =	simm.s32 $0x60F;
	v36 =	vor.u32 s24, v0;
	v35 =	vld [tilespmem:s14+$0x0]  }
0x1c3: {  	v37 =	vld [tilespmem:s2+$0x0];
	s2 =	sor.u32 s0, s15;
	v18 =	vor.u32 s4, v0;
	v21 =	vor.u32 s12, v0;
	s12 =	simm.s32 $0x609;
	s24 =	smov.u32 s22;
	[tilespmem:v22+s23+$0x0] =	vst.idx.msk $0xffff, v16  }
0x1c4: {  	v26 =	vor.u32 s25, v0;
	s25 =	simm.s32 $0x60B;
	s22 =	sor.u32 s26, s6;
	s14 =	simm.s32 $0x60A;
	v24 =	vor.u32 s12, v0;
	v30 =	vld [tilespmem:s20+$0x0];
	[tilespmem:v29+s23+$0x0] =	vst.idx.msk $0xffff, v27  }
0x1c5: {  	s15 =	simm.s32 $0x509;
	s20 =	simm.s32 $0x60D;
	v15 =	vor.u32 s25, v0;
	s25 =	simm.s32 $0x60E;
	v16 =	vor.u32 s14, v0;
	v29 =	vld [tilespmem:s22+$0x0];
	[tilespmem:v17+s23+$0x0] =	vst.idx.msk $0xffff, v31  }
0x1c6: {  	s14 =	simm.s32 $0x60C;
	v22 =	vor.u32 s20, v0;
	v17 =	vor.u32 s25, v0;
	s20 =	sor.u32 $0xC380, s30;
	s25 =	simm.s32 $0x704;
	v32 =	vld [tilespmem:s9+$0x180];
	[tilespmem:v33+s23+$0x0] =	vst.idx.msk $0xffff, v34  }
0x1c7: {  	v31 =	vor.u32 s15, v0;
	v14 =	vor.u32 s14, v0;
	s14 =	sor.u32 s0, s3;
	s30 =	sor.u32 s0, s20;
	s22 =	sor.u32 s31, s20;
	v33 =	vld [tilespmem:s7+$0x200];
	[tilespmem:v36+s23+$0x0] =	vst.idx.msk $0xffff, v35  }
0x1c8: {  	[tilespmem:v28+s23+$0x0] =	vst.idx.msk $0xffff, v37;
	v28 =	vor.u32 s18, v0;
	s3 =	sor.u32 s17, s6;
	s31 =	simm.s32 $0x4;
	s0 =	simm.s32 $0x70F;
	v34 =	vor.u32 s25, v0;
	v27 =	vld [tilespmem:s22+$0x0]  }
.LBB2_8:
0x1c9: {  	_ =	sdelay $0x1  }
0x1ca: {  	[dreg:$0x6] =	wrdreg s21;
	s4 =	sand.u32 $0x3, s31;
	s12 =	sor.u32 $0xC100, s24;
	[tilespmem:v13+s23+$0x0] =	vst.idx.msk $0xffff, v30  }
0x1cb: {  	s18 =	smov.u32 s26;
	s26 =	sadd.s32 $0xFFFFFFFB, s29;
	s11 =	sadd.s32 $0x200, s11;
	[tilespmem:v31+s23+$0x0] =	vst.idx.msk $0xffff, v29;
	v30 =	vld [tilespmem:s14+$0x0]  }
0x1cc: {  	s15 =	rddreg [dreg:$0x3];
	s6 =	sor.u32 s17, s12;
	s12 =	sor.u32 s18, s12;
	v13 =	vmov v26;
	v26 =	vld [tilespmem:s3+$0x0];
	[tilespmem:v25+s23+$0x0] =	vst.idx.msk $0xffff, v32  }
0x1cd: {  	s5 =	sadd.s32 $0x20, s5;
	s8 =	sadd.s32 $0x100, s8;
	s1 =	sadd.s32 $0x2, s1;
	v29 =	vor.u32 s26, v0;
	v25 =	vld [tilespmem:s12+$0x0];
	[tilespmem:v34+s23+$0x0] =	vst.idx.msk $0xffff, v33  }
0x1ce: {  	s22 =	sadd.s32 $0xFFFFFFF6, s0;
	s25 =	smov.u32 s15;
	s12 =	sand.u32 $0x3C00, s8;
	v31 =	vld [tilespmem:s9+$0x200];
	[tilespmem:v28+s23+$0x0] =	vst.idx.msk $0xffff, v27  }
0x1cf: {  	s20 =	sadd.s32 $0xFFFFFFF1, s11;
	s26 =	sand.u32 $0x70, s5;
	s15 =	sor.u32 $0x8000, s12;
	v28 =	vor.u32 s22, v0;
	v27 =	vld [tilespmem:s7+$0x280]  }
0x1d0: {  	s3 =	sshll.u32 s4, $0x5;
	s4 =	sor.u32 $0xC180, s24;
	s7 =	sor.u32 s26, s15;
	[tilespmem:v4+s23+$0x0] =	vst.idx.msk $0xffff, v30  }
0x1d1: {  	s10 =	sadd.s32 $0x100, s10;
	s14 =	sand.u32 $0x7, s1;
	s21 =	sor.u32 s18, s4;
	[tilespmem:v12+s23+$0x0] =	vst.idx.msk $0xffff, v26;
	v12 =	vmov v24;
	v24 =	vld [tilespmem:s7+$0x0];
	v26 =	vor.u32 s20, v0  }
0x1d2: {  	s22 =	smov.u32 s13;
	s13 =	sshll.u32 s14, $0x4;
	v4 =	vmov v8;
	v8 =	vmov v22;
	[tilespmem:v29+s23+$0x0] =	vst.idx.msk $0xffff, v25;
	s20 =	sadd.s32 $0xFFFFFFFC, s29;
	v22 =	vld [tilespmem:s2+$0x0]  }
0x1d3: {  	[dreg:$0x3] =	wrdreg s26;
	s26 =	sadd.s32 $0xFFFFFFF0, s5;
	s13 =	sadd.s32 s13, s10;
	[tilespmem:v23+s23+$0x0] =	vst.idx.msk $0xffff, v31;
	v23 =	vld [tilespmem:s21+$0x0];
	v29 =	vor.u32 s20, v0  }
0x1d4: {  	s14 =	sor.u32 $0x300, s13;
	s2 =	sand.u32 $0x60, s26;
	s26 =	sadd.s32 $0xFFFFFEF1, s11;
	[tilespmem:v28+s23+$0x0] =	vst.idx.msk $0xffff, v27;
	v30 =	vld [tilespmem:s9+$0x280]  }
0x1d5: {  	s20 =	sadd.s32 $0xFFFFFEF2, s11;
	[tilespmem:v1+s23+$0x0] =	vst.idx.msk $0xffff, v6;
	v1 =	vmovc v2;
	v2 =	vmov v5;
	v5 =	vmov v18;
	s9 =	sor.u32 s2, s15;
	v18 =	vor.u32 s26, v0;
	s15 =	sadd.s32 $0xFFFFFFF7, s0;
	v28 =	vld [tilespmem:s14+$0x8000]  }
0x1d6: {  	s26 =	sadd.s32 $0xFFFFFEF4, s11;
	v56 =	vor.u32 s20, v0;
	s20 =	sadd.s32 $0xFFFFFFF2, s11;
	v27 =	vld [tilespmem:s6+$0x0];
	v31 =	vor.u32 s15, v0;
	[tilespmem:v26+s23+$0x0] =	vst.idx.msk $0xffff, v24  }
0x1d7: {  	s21 =	sadd.s32 $0xFFFFFEF3, s11;
	s15 =	sor.u32 $0xC200, s24;
	v25 =	vor.u32 s26, v0;
	s26 =	sadd.s32 $0xFFFFFEF6, s11;
	v58 =	vor.u32 s20, v0;
	[tilespmem:v3+s23+$0x0] =	vst.idx.msk $0xffff, v22;
	v22 =	vld [tilespmem:s7+$0x80]  }
0x1d8: {  	v57 =	vor.u32 s21, v0;
	s21 =	sadd.s32 $0xFFFFFFFD, s29;
	s14 =	sor.u32 s18, s15;
	v24 =	vor.u32 s26, v0;
	s26 =	simm.s32 $0x18000;
	v3 =	vmovc v7;
	v7 =	vmov v17;
	[tilespmem:v29+s23+$0x0] =	vst.idx.msk $0xffff, v23;
	v17 =	vld [tilespmem:s9+$0x0]  }
0x1d9: {  	v35 =	vor.u32 s21, v0;
	v29 =	vld [tilespmem:s14+$0x0];
	[tilespmem:v20+s26+$0x0] =	vst.idx.msk $0xffff, v30  }
0x1da: {  	s3 =	sadd.s32 s3, s8;
	s20 =	sadd.s32 $0xFFFFFEF7, s11;
	s23 =	sadd.s32 $0xFFFFFEF8, s11;
	v6 =	vld [tilespmem:s30+$0x0]  }
0x1db: {  	s13 =	sor.u32 $0x380, s13;
	s21 =	sadd.s32 $0xFFFFFEF9, s11;
	v36 =	vor.u32 s20, v0;
	v37 =	vor.u32 s23, v0;
	s23 =	sadd.s32 $0xFFFFFEFA, s11;
	v30 =	vld [tilespmem:s19+$0x8000];
	[tilespmem:v31+s26+$0x0] =	vst.idx.msk $0xffff, v28  }
0x1dc: {  	s20 =	sadd.s32 $0xFFFFFFF8, s0;
	v26 =	vor.u32 s21, v0;
	s21 =	sadd.s32 $0xFFFFFEFB, s11;
	v20 =	vmov v24;
	v24 =	vor.u32 s23, v0;
	s23 =	sadd.s32 $0xFFFFFEFC, s11;
	v28 =	vld [tilespmem:s13+$0x8000];
	[tilespmem:v58+s26+$0x0] =	vst.idx.msk $0xffff, v22  }
0x1dd: {  	v31 =	vor.u32 s20, v0;
	s13 =	sor.u32 s17, s4;
	v39 =	vor.u32 s23, v0;
	s4 =	sor.u32 s17, s15;
	s23 =	sadd.s32 $0xFFFFFEFD, s11;
	[tilespmem:v18+s26+$0x0] =	vst.idx.msk $0xffff, v17;
	v34 =	vld [tilespmem:s7+$0x100]  }
0x1de: {  	s15 =	sor.u32 $0xC280, s24;
	v59 =	vor.u32 s23, v0;
	s23 =	sadd.s32 $0xFFFFFEFF, s11;
	v17 =	vor.u32 s21, v0;
	s21 =	sadd.s32 $0xFFFFFFF3, s11;
	[tilespmem:v35+s26+$0x0] =	vst.idx.msk $0xffff, v29;
	v38 =	vld [tilespmem:s9+$0x80]  }
0x1df: {  	s20 =	sor.u32 s18, s15;
	v40 =	vor.u32 s21, v0;
	s21 =	sadd.s32 $0xFFFFFFFE, s29;
	[tilespmem:v11+s26+$0x0] =	vst.idx.msk $0xffff, v27;
	v11 =	vmovc v16;
	v16 =	vmov v17;
	v17 =	vor.u32 s23, v0;
	s23 =	simm.s32 $0x18000  }
0x1e0: {  	s6 =	sadd.s32 $0xFFFFFEF5, s11;
	s14 =	sor.u32 s17, s15;
	v27 =	vld [tilespmem:s20+$0x0];
	s20 =	sadd.s32 $0xFFFFFF00, s11;
	v29 =	vor.u32 s21, v0;
	[tilespmem:v21+s23+$0x0] =	vst.idx.msk $0xffff, v30  }
0x1e1: {  	s21 =	sor.u32 $0xC000, s22;
	v30 =	vld [tilespmem:s13+$0x0];
	s13 =	smov.u32 s17;
	s17 =	rddreg [dreg:$0x6]  }
0x1e2: {  	v23 =	vor.u32 s6, v0;
	s6 =	sor.u32 $0x300, s3;
	v18 =	vor.u32 s20, v0;
	[tilespmem:v31+s23+$0x0] =	vst.idx.msk $0xffff, v28;
	s20 =	sor.u32 s25, s21;
	v60 =	vld [tilespmem:s17+$0x8000]  }
0x1e3: {  	s19 =	sadd.s32 $0xFFFFFEFE, s11;
	s15 =	sor.u32 s28, s21;
	s21 =	sadd.s32 $0xFFFFFFF9, s0;
	v28 =	vld [tilespmem:s20+$0x0];
	[tilespmem:v56+s23+$0x0] =	vst.idx.msk $0xffff, v38  }
0x1e4: {  	v22 =	vor.u32 s19, v0;
	s19 =	smov.u32 s6;
	s6 =	sadd.s32 $0xFFFFFFF4, s11;
	v31 =	vor.u32 s21, v0;
	[tilespmem:v40+s23+$0x0] =	vst.idx.msk $0xffff, v34;
	v32 =	vld [tilespmem:s9+$0x100]  }
0x1e5: {  	s17 =	smov.u32 s28;
	s28 =	smov.u32 s2;
	s20 =	sor.u32 $0xC300, s24;
	v34 =	vld [tilespmem:s7+$0x180];
	[tilespmem:v29+s23+$0x0] =	vst.idx.msk $0xffff, v27  }
0x1e6: {  	v61 =	vor.u32 s6, v0;
	s2 =	sor.u32 s13, s20;
	s6 =	sor.u32 s18, s20;
	s20 =	sadd.s32 $0xFFFFFFFF, s29;
	[tilespmem:v10+s23+$0x0] =	vst.idx.msk $0xffff, v30  }
0x1e7: {  	s16 =	sadd.s32 $0x2, s16;
	s3 =	sor.u32 $0x380, s3;
	v62 =	vor.u32 s20, v0;
	v27 =	vld [tilespmem:s6+$0x0];
	[tilespmem:v19+s23+$0x0] =	vst.idx.msk $0xffff, v60  }
0x1e8: {  	p1 =	slt.u32 s16, $0x7E;
	v21 =	vmov v36;
	s21 =	smov.u32 s3;
	s20 =	sor.u32 $0xC080, s22;
	v36 =	vld [tilespmem:s4+$0x0]  }
.Ltmp8:
0x1e9: {  	s3 =	sor.u32 s17, s20;
	s20 =	sor.u32 s25, s20;
	[tilespmem:v31+s23+$0x0] =	vst.idx.msk $0xffff, v28;
	v30 =	vld [tilespmem:s15+$0x0];
	(pc) =	sbr.rel @p1 .LBB2_8-.Ltmp8, $4  }
0x1ea: {  	s31 =	sadd.s32 $0x1, s31;
	s26 =	smov.u32 s25;
	v29 =	vld [tilespmem:s20+$0x0];
	[tilespmem:v57+s23+$0x0] =	vst.idx.msk $0xffff, v32  }
0x1eb: {  	s25 =	sadd.s32 $0xFFFFFFFA, s0;
	v28 =	vor.u32 s29, v0;
	s29 =	smov.u32 s0;
	s20 =	sor.u32 $0xC380, s24;
	[tilespmem:v61+s23+$0x0] =	vst.idx.msk $0xffff, v34;
	v32 =	vld [tilespmem:s9+$0x180]  }
0x1ec: {  	v10 =	vmov v15;
	v31 =	vor.u32 s25, v0;
	s0 =	smov.u32 s11;
	s15 =	sadd.s32 $0xFFFFFFF5, s11;
	s25 =	sor.u32 s18, s20;
	v33 =	vld [tilespmem:s7+$0x200];
	[tilespmem:v62+s23+$0x0] =	vst.idx.msk $0xffff, v27  }
0x1ed: {  	v15 =	vmovc v39;
	v19 =	vmovc v37;
	s24 =	smov.u32 s22;
	s30 =	sor.u32 s13, s20;
	s13 =	smov.u32 s12;
	v34 =	vor.u32 s15, v0;
	v27 =	vld [tilespmem:s25+$0x0];
	[tilespmem:v9+s23+$0x0] =	vst.idx.msk $0xffff, v36;
	v9 =	vmov v14;
	v14 =	vmov v59  }
0x1ee: {  	_ =	sdelay $0x3  }
0x1ef: {  	[tilespmem:v25+s23+$0x0] =	vst.idx.msk $0xffff, v32  }
0x1f0: {  	v25 =	vld [tilespmem:s9+$0x200];
	_ =	sdelay $0x1  }
0x1f1: {  	s4 =	sadd.s32 $0xFFFFFFF6, s0;
	[tilespmem:v34+s23+$0x0] =	vst.idx.msk $0xffff, v33  }
0x1f2: {  	v52 =	vor.u32 s4, v0;
	v51 =	vld [tilespmem:s7+$0x280]  }
0x1f3: {  	s1 =	sadd.s32 $0x2, s1  }
0x1f4: {  	s1 =	sand.u32 $0x7, s1;
	[tilespmem:v23+s23+$0x0] =	vst.idx.msk $0xffff, v25  }
0x1f5: {  	s16 =	sadd.s32 $0x100, s10;
	s1 =	sshll.u32 s1, $0x4;
	v23 =	vld [tilespmem:s9+$0x280]  }
0x1f6: {  	s1 =	sadd.s32 s1, s16  }
0x1f7: {  	s5 =	sadd.s32 $0xFFFFFFF7, s0;
	s4 =	sor.u32 $0x300, s1;
	[tilespmem:v52+s23+$0x0] =	vst.idx.msk $0xffff, v51  }
0x1f8: {  	v54 =	vor.u32 s5, v0;
	v53 =	vld [tilespmem:s4+$0x8000];
	_ =	sdelay $0x1  }
0x1f9: {  	[tilespmem:v20+s23+$0x0] =	vst.idx.msk $0xffff, v23  }
0x1fa: {  	v20 =	vld [tilespmem:s19+$0x8000];
	_ =	sdelay $0x1  }
0x1fb: {  	s18 =	sadd.s32 $0xFFFFFFF8, s0;
	s1 =	sor.u32 $0x380, s1;
	[tilespmem:v54+s23+$0x0] =	vst.idx.msk $0xffff, v53  }
0x1fc: {  	v56 =	vor.u32 s18, v0;
	v55 =	vld [tilespmem:s1+$0x8000];
	_ =	sdelay $0x1  }
0x1fd: {  	[tilespmem:v21+s23+$0x0] =	vst.idx.msk $0xffff, v20  }
0x1fe: {  	v20 =	vld [tilespmem:s21+$0x8000];
	_ =	sdelay $0x1  }
0x1ff: {  	[tilespmem:v56+s23+$0x0] =	vst.idx.msk $0xffff, v55  }
0x200: {  	s19 =	sor.u32 $0xC000, s13;
	s6 =	rddreg [dreg:$0x3]  }
0x201: {  	s21 =	sadd.s32 $0xFFFFFFF9, s0;
	s20 =	sor.u32 s6, s19  }
0x202: {  	s1 =	sor.u32 s28, s19;
	v58 =	vor.u32 s21, v0;
	v57 =	vld [tilespmem:s20+$0x0];
	[tilespmem:v19+s23+$0x0] =	vst.idx.msk $0xffff, v20  }
0x203: {  	v19 =	vld [tilespmem:s1+$0x0];
	_ =	sdelay $0x2  }
0x204: {  	s22 =	sor.u32 $0xC080, s13;
	[tilespmem:v13+s23+$0x0] =	vst.idx.msk $0xffff, v30  }
0x205: {  	s31 =	sadd.s32 $0xFFFFFFFA, s0;
	s25 =	sor.u32 s6, s22;
	v61 =	vld [tilespmem:s3+$0x0];
	[tilespmem:v58+s23+$0x0] =	vst.idx.msk $0xffff, v57  }
0x206: {  	v60 =	vor.u32 s31, v0;
	s1 =	sor.u32 s28, s22;
	v59 =	vld [tilespmem:s25+$0x0];
	[tilespmem:v26+s23+$0x0] =	vst.idx.msk $0xffff, v19  }
0x207: {  	v19 =	vld [tilespmem:s1+$0x0]  }
0x208: {  	s5 =	sor.u32 $0xC100, s24  }
0x209: {  	s8 =	sadd.s32 $0xFFFFFFFB, s29;
	s7 =	sor.u32 s26, s5;
	[tilespmem:v31+s23+$0x0] =	vst.idx.msk $0xffff, v29  }
0x20a: {  	s9 =	sor.u32 $0xC100, s13;
	v29 =	vor.u32 s8, v0;
	v62 =	vld [tilespmem:s7+$0x0];
	s3 =	sor.u32 s17, s5;
	[tilespmem:v12+s23+$0x0] =	vst.idx.msk $0xffff, v61  }
0x20b: {  	s11 =	sadd.s32 $0xFFFFFFFB, s0;
	s10 =	sor.u32 s6, s9;
	v32 =	vld [tilespmem:s3+$0x0];
	[tilespmem:v60+s23+$0x0] =	vst.idx.msk $0xffff, v59  }
0x20c: {  	v31 =	vor.u32 s11, v0;
	s1 =	sor.u32 s28, s9;
	v30 =	vld [tilespmem:s10+$0x0];
	[tilespmem:v24+s23+$0x0] =	vst.idx.msk $0xffff, v19  }
0x20d: {  	v19 =	vld [tilespmem:s1+$0x0]  }
0x20e: {  	s12 =	sor.u32 $0xC180, s24  }
0x20f: {  	s15 =	sor.u32 s26, s12;
	s16 =	sadd.s32 $0xFFFFFFFC, s29;
	[tilespmem:v29+s23+$0x0] =	vst.idx.msk $0xffff, v62  }
0x210: {  	s18 =	sor.u32 $0xC180, s13;
	v34 =	vor.u32 s16, v0;
	v33 =	vld [tilespmem:s15+$0x0];
	s3 =	sor.u32 s17, s12;
	[tilespmem:v11+s23+$0x0] =	vst.idx.msk $0xffff, v32  }
0x211: {  	s19 =	sor.u32 s6, s18;
	s20 =	sadd.s32 $0xFFFFFFFC, s0;
	v37 =	vld [tilespmem:s3+$0x0];
	[tilespmem:v31+s23+$0x0] =	vst.idx.msk $0xffff, v30  }
0x212: {  	v36 =	vor.u32 s20, v0;
	s1 =	sor.u32 s28, s18;
	v35 =	vld [tilespmem:s19+$0x0];
	[tilespmem:v16+s23+$0x0] =	vst.idx.msk $0xffff, v19  }
0x213: {  	v16 =	vld [tilespmem:s1+$0x0]  }
0x214: {  	s21 =	sor.u32 $0xC200, s24  }
0x215: {  	s22 =	sor.u32 s26, s21;
	s25 =	sadd.s32 $0xFFFFFFFD, s29;
	[tilespmem:v34+s23+$0x0] =	vst.idx.msk $0xffff, v33  }
0x216: {  	s31 =	sor.u32 $0xC200, s13;
	v39 =	vor.u32 s25, v0;
	v38 =	vld [tilespmem:s22+$0x0];
	s3 =	sor.u32 s17, s21;
	[tilespmem:v10+s23+$0x0] =	vst.idx.msk $0xffff, v37  }
0x217: {  	s5 =	sor.u32 s6, s31;
	s7 =	sadd.s32 $0xFFFFFFFD, s0;
	v42 =	vld [tilespmem:s3+$0x0];
	[tilespmem:v36+s23+$0x0] =	vst.idx.msk $0xffff, v35  }
0x218: {  	v41 =	vor.u32 s7, v0;
	s1 =	sor.u32 s28, s31;
	v40 =	vld [tilespmem:s5+$0x0];
	[tilespmem:v15+s23+$0x0] =	vst.idx.msk $0xffff, v16  }
0x219: {  	v43 =	vld [tilespmem:s1+$0x0]  }
0x21a: {  	s8 =	sor.u32 $0xC280, s24  }
0x21b: {  	v46 =	vld [tilespmem:s14+$0x0];
	s9 =	sor.u32 s26, s8;
	s10 =	sadd.s32 $0xFFFFFFFE, s29;
	[tilespmem:v39+s23+$0x0] =	vst.idx.msk $0xffff, v38  }
0x21c: {  	s11 =	sor.u32 $0xC280, s13;
	v45 =	vor.u32 s10, v0;
	v44 =	vld [tilespmem:s9+$0x0];
	s3 =	sor.u32 s17, s8;
	[tilespmem:v9+s23+$0x0] =	vst.idx.msk $0xffff, v42  }
0x21d: {  	s14 =	sadd.s32 $0xFFFFFFFE, s0;
	s12 =	sor.u32 s6, s11;
	v49 =	vld [tilespmem:s3+$0x0];
	[tilespmem:v41+s23+$0x0] =	vst.idx.msk $0xffff, v40  }
0x21e: {  	v48 =	vor.u32 s14, v0;
	s1 =	sor.u32 s28, s11;
	v47 =	vld [tilespmem:s12+$0x0];
	[tilespmem:v14+s23+$0x0] =	vst.idx.msk $0xffff, v43  }
0x21f: {  	v50 =	vld [tilespmem:s1+$0x0]  }
0x220: {  	[tilespmem:v4+s23+$0x0] =	vst.idx.msk $0xffff, v46;
	s15 =	sor.u32 $0xC300, s24  }
0x221: {  	v53 =	vld [tilespmem:s2+$0x0];
	s16 =	sor.u32 s26, s15;
	s18 =	sadd.s32 $0xFFFFFFFF, s29;
	[tilespmem:v45+s23+$0x0] =	vst.idx.msk $0xffff, v44  }
0x222: {  	v52 =	vor.u32 s18, v0;
	s19 =	sor.u32 $0xC300, s13;
	v51 =	vld [tilespmem:s16+$0x0];
	s3 =	sor.u32 s17, s15;
	[tilespmem:v8+s23+$0x0] =	vst.idx.msk $0xffff, v49  }
0x223: {  	s21 =	sadd.s32 $0xFFFFFFFF, s0;
	s20 =	sor.u32 s6, s19;
	v56 =	vld [tilespmem:s3+$0x0];
	[tilespmem:v48+s23+$0x0] =	vst.idx.msk $0xffff, v47  }
0x224: {  	v55 =	vor.u32 s21, v0;
	s1 =	sor.u32 s28, s19;
	v54 =	vld [tilespmem:s20+$0x0];
	[tilespmem:v22+s23+$0x0] =	vst.idx.msk $0xffff, v50  }
0x225: {  	[tilespmem:v28+s23+$0x0] =	vst.idx.msk $0xffff, v27;
	v57 =	vld [tilespmem:s1+$0x0]  }
0x226: {  	[tilespmem:v3+s23+$0x0] =	vst.idx.msk $0xffff, v53;
	s22 =	sor.u32 $0xC380, s24  }
0x227: {  	v59 =	vld [tilespmem:s30+$0x0];
	s24 =	sor.u32 s26, s22;
	[tilespmem:v52+s23+$0x0] =	vst.idx.msk $0xffff, v51  }
0x228: {  	v58 =	vor.u32 s29, v0;
	s25 =	sor.u32 $0xC380, s13;
	s2 =	sor.u32 s17, s22;
	v3 =	vld [tilespmem:s24+$0x0];
	[tilespmem:v7+s23+$0x0] =	vst.idx.msk $0xffff, v56  }
0x229: {  	s26 =	sor.u32 s6, s25;
	v62 =	vld [tilespmem:s2+$0x0];
	[tilespmem:v55+s23+$0x0] =	vst.idx.msk $0xffff, v54  }
0x22a: {  	v61 =	vor.u32 s0, v0;
	s28 =	sor.u32 s28, s25;
	v60 =	vld [tilespmem:s26+$0x0];
	[tilespmem:v17+s23+$0x0] =	vst.idx.msk $0xffff, v57  }
0x22b: {  	[tilespmem:v1+s23+$0x0] =	vst.idx.msk $0xffff, v6;
	v1 =	vld [tilespmem:s28+$0x0]  }
0x22c: {  	[tilespmem:v2+s23+$0x0] =	vst.idx.msk $0xffff, v59  }
0x22d: {  	[tilespmem:v58+s23+$0x0] =	vst.idx.msk $0xffff, v3  }
0x22e: {  	[tilespmem:v5+s23+$0x0] =	vst.idx.msk $0xffff, v62  }
0x22f: {  	[tilespmem:v61+s23+$0x0] =	vst.idx.msk $0xffff, v60  }
.Ltmp9:
0x230: {  	s29 =	rddreg [dreg:$0x10];
	[tilespmem:v18+s23+$0x0] =	vst.idx.msk $0xffff, v1;
	(pc) =	sbr.rel .LBB2_10-.Ltmp9, $4  }
0x231: {  	s30 =	rddreg [dreg:$0x8]  }
0x232: {  	s31 =	simm.s32 $0x0;
	s0 =	sshll.u32 s29, $0xC;
	s6 =	rddreg [dreg:$0x7]  }
0x233: {  	s15 =	simm.s32 $0x10000;
	s4 =	rddreg [dreg:$0xf];
	s0 =	sadd.s32 s30, s0  }
0x234: {  	[hbm4b:s0+s31] =	stream.linear.scatter [tilespmem:s23], [sflag:$0x4], $0x8000, $0x38;
	v63 =	vld [tilespmem:$0x0]  }
.LBB2_11:
0x235: {  	s0 =	simm.s32 $0x3  }
0x236: {  	_ =	swait.ge [sflag:s0], $0x8000  }
.Ltmp10:
0x237: {  	[sflag:s0] =	ssyncset.done $0x0;
	(pc) =	sbr.rel @p0 .LBB2_15-.Ltmp10, $4  }
0x238: {  	s31 =	simm.s32 $0x4;
	[sflag:s0] =	ssyncadd.s32 $0xFFFF8000  }
0x239: {  	_ =	swait.ge [sflag:s31], $0x8000  }
0x23a: {  	[sflag:s31] =	ssyncset.done $0x0  }
0x23b: {  	s1 =	rddreg [dreg:$0xe];
	[sflag:s31] =	ssyncadd.s32 $0xFFFF8000  }
0x23c: {  	s3 =	simm.s32 $0x0;
	s0 =	rddreg [dreg:$0xb]  }
0x23d: {  	[tilespmem:s3], [sflag:$0x5] =	stream.linear.gather [hbm4b:s0+s3], $0x3400, $0x38;
	v63 =	vld [tilespmem:$0x0]  }
0x23e: {  	s1 =	simm.s32 $0x4000;
	s14 =	simm.s32 $0x5;
	s0 =	sadd.s32 $0xFDE80, s0  }
0x23f: {  	[tilespmem:s1], [sflag:$0x5] =	stream.linear.gather [hbm4b:s0+s3], $0x3400, $0x38;
	v63 =	vld [tilespmem:$0x0]  }
0x240: {  	s16 =	simm.s32 $0x0;
	_ =	swait.ge [sflag:s14], $0x6800  }
0x241: {  	s5 =	sand.u32 $0x60, s16;
	s7 =	sand.u32 $0x3C00, s3;
	[sflag:s14] =	ssyncset.done $0x0  }
0x242: {  	s17 =	simm.s32 $0x0;
	s2 =	sor.u32 s5, s7;
	[sflag:s14] =	ssyncadd.s32 $0xFFFF9800  }
0x243: {  	v2 =	vor.u32 s17, v0;
	v1 =	vld [tilespmem:s2+$0x0];
	_ =	sdelay $0x4  }
0x244: {  	s18 =	simm.s32 $0x1;
	[tilespmem:v2+s15+$0x0] =	vst.idx.msk $0xffff, v1  }
0x245: {  	v2 =	vor.u32 s18, v0;
	v1 =	vld [tilespmem:s2+$0x80]  }
0x246: {  	s19 =	simm.s32 $0x10  }
0x247: {  	s1 =	sand.u32 $0x70, s19  }
0x248: {  	s20 =	simm.s32 $0x100;
	s6 =	sor.u32 s1, s7  }
0x249: {  	v3 =	vor.u32 s20, v0;
	v4 =	vld [tilespmem:s6+$0x0]  }
0x24a: {  	s21 =	simm.s32 $0x2;
	[tilespmem:v2+s15+$0x0] =	vst.idx.msk $0xffff, v1  }
0x24b: {  	v2 =	vor.u32 s21, v0;
	v1 =	vld [tilespmem:s2+$0x100];
	_ =	sdelay $0x2  }
0x24c: {  	s22 =	simm.s32 $0x101;
	[tilespmem:v3+s15+$0x0] =	vst.idx.msk $0xffff, v4  }
0x24d: {  	v3 =	vor.u32 s22, v0;
	v4 =	vld [tilespmem:s6+$0x80]  }
0x24e: {  	s23 =	simm.s32 $0x3;
	[tilespmem:v2+s15+$0x0] =	vst.idx.msk $0xffff, v1  }
0x24f: {  	v2 =	vor.u32 s23, v0;
	v1 =	vld [tilespmem:s2+$0x180];
	_ =	sdelay $0x2  }
0x250: {  	s24 =	simm.s32 $0x102;
	[tilespmem:v3+s15+$0x0] =	vst.idx.msk $0xffff, v4  }
0x251: {  	v3 =	vor.u32 s24, v0;
	v4 =	vld [tilespmem:s6+$0x100]  }
0x252: {  	s25 =	simm.s32 $0x4;
	[tilespmem:v2+s15+$0x0] =	vst.idx.msk $0xffff, v1  }
0x253: {  	v2 =	vor.u32 s25, v0;
	v1 =	vld [tilespmem:s2+$0x200];
	_ =	sdelay $0x2  }
0x254: {  	s26 =	simm.s32 $0x103;
	[tilespmem:v3+s15+$0x0] =	vst.idx.msk $0xffff, v4  }
0x255: {  	s4 =	simm.s32 $0x100;
	s8 =	simm.s32 $0x20;
	v3 =	vor.u32 s26, v0;
	v4 =	vld [tilespmem:s6+$0x180]  }
0x256: {  	s9 =	simm.s32 $0x5;
	s11 =	sand.u32 $0x3C00, s4;
	s0 =	sand.u32 $0x60, s8;
	[tilespmem:v2+s15+$0x0] =	vst.idx.msk $0xffff, v1  }
0x257: {  	s29 =	simm.s32 $0x200;
	v2 =	vor.u32 s9, v0;
	v1 =	vld [tilespmem:s2+$0x280];
	s2 =	sor.u32 s0, s11  }
0x258: {  	v6 =	vor.u32 s29, v0;
	v5 =	vld [tilespmem:s2+$0x0]  }
0x259: {  	s30 =	sand.u32 $0x3, s3  }
0x25a: {  	s31 =	simm.s32 $0x104;
	s4 =	sshll.u32 s30, $0x5;
	[tilespmem:v3+s15+$0x0] =	vst.idx.msk $0xffff, v4  }
0x25b: {  	s10 =	sadd.s32 $0x0, s4;
	v3 =	vor.u32 s31, v0;
	v4 =	vld [tilespmem:s6+$0x200]  }
0x25c: {  	s4 =	sor.u32 $0x300, s10;
	s9 =	simm.s32 $0x6;
	[tilespmem:v2+s15+$0x0] =	vst.idx.msk $0xffff, v1  }
0x25d: {  	s12 =	simm.s32 $0x30;
	s13 =	simm.s32 $0x201;
	v2 =	vor.u32 s9, v0;
	v1 =	vld [tilespmem:s4+$0x0];
	[tilespmem:v6+s15+$0x0] =	vst.idx.msk $0xffff, v5  }
0x25e: {  	s9 =	sand.u32 $0x70, s12;
	v6 =	vor.u32 s13, v0;
	v5 =	vld [tilespmem:s2+$0x80]  }
0x25f: {  	s14 =	simm.s32 $0x300;
	s4 =	sor.u32 s9, s11  }
0x260: {  	s16 =	simm.s32 $0x105;
	v7 =	vor.u32 s14, v0;
	[tilespmem:v3+s15+$0x0] =	vst.idx.msk $0xffff, v4;
	v8 =	vld [tilespmem:s4+$0x0]  }
0x261: {  	v3 =	vor.u32 s16, v0;
	v4 =	vld [tilespmem:s6+$0x280]  }
0x262: {  	s17 =	sor.u32 $0x380, s10;
	s18 =	simm.s32 $0x7;
	[tilespmem:v2+s15+$0x0] =	vst.idx.msk $0xffff, v1  }
0x263: {  	s19 =	simm.s32 $0x202;
	s3 =	sand.u32 $0x7, s3;
	v2 =	vor.u32 s18, v0;
	v1 =	vld [tilespmem:s17+$0x0];
	[tilespmem:v6+s15+$0x0] =	vst.idx.msk $0xffff, v5  }
0x264: {  	s3 =	sshll.u32 s3, $0x4;
	v6 =	vor.u32 s19, v0;
	v5 =	vld [tilespmem:s2+$0x100]  }
0x265: {  	s20 =	simm.s32 $0x301;
	s3 =	sadd.s32 $0x10, s3;
	[tilespmem:v7+s15+$0x0] =	vst.idx.msk $0xffff, v8  }
0x266: {  	s22 =	sor.u32 $0x300, s3;
	s21 =	simm.s32 $0x106;
	[tilespmem:v3+s15+$0x0] =	vst.idx.msk $0xffff, v4;
	v7 =	vor.u32 s20, v0;
	v8 =	vld [tilespmem:s4+$0x80]  }
0x267: {  	s23 =	sor.u32 $0x4000, s7;
	v3 =	vor.u32 s21, v0;
	v4 =	vld [tilespmem:s22+$0x0]  }
0x268: {  	s24 =	sor.u32 s5, s23;
	s25 =	simm.s32 $0x8;
	[tilespmem:v2+s15+$0x0] =	vst.idx.msk $0xffff, v1  }
0x269: {  	s26 =	simm.s32 $0x203;
	v2 =	vor.u32 s25, v0;
	v1 =	vld [tilespmem:s24+$0x0];
	[tilespmem:v6+s15+$0x0] =	vst.idx.msk $0xffff, v5  }
0x26a: {  	v6 =	vor.u32 s26, v0;
	v5 =	vld [tilespmem:s2+$0x180]  }
0x26b: {  	s29 =	simm.s32 $0x302;
	[tilespmem:v7+s15+$0x0] =	vst.idx.msk $0xffff, v8  }
0x26c: {  	s30 =	simm.s32 $0x107;
	s3 =	sor.u32 $0x380, s3;
	[tilespmem:v3+s15+$0x0] =	vst.idx.msk $0xffff, v4;
	v7 =	vor.u32 s29, v0;
	v8 =	vld [tilespmem:s4+$0x100]  }
0x26d: {  	s31 =	sor.u32 $0x4080, s7;
	v3 =	vor.u32 s30, v0;
	v4 =	vld [tilespmem:s3+$0x0]  }
0x26e: {  	s14 =	simm.s32 $0x9;
	s13 =	sor.u32 s5, s31;
	[tilespmem:v2+s15+$0x0] =	vst.idx.msk $0xffff, v1  }
0x26f: {  	s16 =	simm.s32 $0x204;
	v2 =	vor.u32 s14, v0;
	v1 =	vld [tilespmem:s13+$0x0];
	[tilespmem:v6+s15+$0x0] =	vst.idx.msk $0xffff, v5  }
0x270: {  	v6 =	vor.u32 s16, v0;
	v5 =	vld [tilespmem:s2+$0x200]  }
0x271: {  	s17 =	simm.s32 $0x303;
	[tilespmem:v7+s15+$0x0] =	vst.idx.msk $0xffff, v8  }
0x272: {  	s18 =	simm.s32 $0x108;
	s19 =	sor.u32 s1, s23;
	[tilespmem:v3+s15+$0x0] =	vst.idx.msk $0xffff, v4;
	v7 =	vor.u32 s17, v0;
	v8 =	vld [tilespmem:s4+$0x180]  }
0x273: {  	s10 =	sor.u32 $0x4100, s7;
	v3 =	vor.u32 s18, v0;
	v4 =	vld [tilespmem:s19+$0x0]  }
0x274: {  	s21 =	simm.s32 $0xA;
	s20 =	sor.u32 s5, s10;
	[tilespmem:v2+s15+$0x0] =	vst.idx.msk $0xffff, v1  }
0x275: {  	s12 =	simm.s32 $0x304;
	s22 =	simm.s32 $0x205;
	s23 =	sor.u32 s1, s31;
	v2 =	vor.u32 s21, v0;
	v1 =	vld [tilespmem:s20+$0x0];
	[tilespmem:v6+s15+$0x0] =	vst.idx.msk $0xffff, v5  }
0x276: {  	s3 =	sor.u32 $0x4180, s7;
	s31 =	simm.s32 $0xB;
	s25 =	simm.s32 $0x1;
	v6 =	vor.u32 s22, v0;
	v5 =	vld [tilespmem:s2+$0x280]  }
0x277: {  	s24 =	simm.s32 $0x200;
	s14 =	simm.s32 $0x40;
	s13 =	simm.s32 $0x109;
	[tilespmem:v7+s15+$0x0] =	vst.idx.msk $0xffff, v8  }
0x278: {  	[tilespmem:v3+s15+$0x0] =	vst.idx.msk $0xffff, v4;
	s20 =	sand.u32 $0x60, s14;
	s22 =	sand.u32 $0x3C00, s24;
	v7 =	vor.u32 s12, v0;
	v8 =	vld [tilespmem:s4+$0x200];
	s2 =	sand.u32 $0x3, s25  }
0x279: {  	s26 =	simm.s32 $0x400;
	v10 =	vld [tilespmem:s23+$0x0];
	v9 =	vor.u32 s13, v0;
	s12 =	sor.u32 s20, s22;
	s2 =	sshll.u32 s2, $0x5  }
0x27a: {  	s30 =	sor.u32 s5, s3;
	s29 =	simm.s32 $0x50;
	v4 =	vor.u32 s26, v0;
	v3 =	vld [tilespmem:s12+$0x0];
	s13 =	sadd.s32 $0x100, s2;
	[tilespmem:v2+s15+$0x0] =	vst.idx.msk $0xffff, v1  }
0x27b: {  	s17 =	simm.s32 $0x206;
	s21 =	sand.u32 $0x70, s29;
	s16 =	sor.u32 $0x300, s13;
	v2 =	vor.u32 s31, v0;
	v1 =	vld [tilespmem:s30+$0x0];
	[tilespmem:v6+s15+$0x0] =	vst.idx.msk $0xffff, v5  }
0x27c: {  	s18 =	simm.s32 $0x500;
	s2 =	sor.u32 s21, s22;
	v6 =	vor.u32 s17, v0;
	v5 =	vld [tilespmem:s16+$0x0]  }
0x27d: {  	s19 =	simm.s32 $0x305;
	[tilespmem:v7+s15+$0x0] =	vst.idx.msk $0xffff, v8;
	v7 =	vor.u32 s18, v0;
	v8 =	vld [tilespmem:s2+$0x0]  }
0x27e: {  	s10 =	sor.u32 s1, s10;
	v11 =	vor.u32 s19, v0;
	s23 =	simm.s32 $0x10A;
	s24 =	simm.s32 $0x401;
	[tilespmem:v9+s15+$0x0] =	vst.idx.msk $0xffff, v10;
	v12 =	vld [tilespmem:s4+$0x280]  }
0x27f: {  	v9 =	vor.u32 s23, v0;
	s25 =	simm.s32 $0x2;
	v10 =	vld [tilespmem:s10+$0x0];
	s31 =	simm.s32 $0x10000;
	[tilespmem:v4+s15+$0x0] =	vst.idx.msk $0xffff, v3;
	s15 =	sor.u32 $0x4200, s7  }
0x280: {  	s26 =	sand.u32 $0x7, s25;
	s30 =	simm.s32 $0xC;
	v4 =	vor.u32 s24, v0;
	v3 =	vld [tilespmem:s12+$0x80];
	s29 =	sor.u32 s5, s15;
	[tilespmem:v2+s31+$0x0] =	vst.idx.msk $0xffff, v1  }
0x281: {  	s10 =	sor.u32 $0x380, s13;
	s13 =	simm.s32 $0x207;
	s4 =	sshll.u32 s26, $0x4;
	v2 =	vor.u32 s30, v0;
	v1 =	vld [tilespmem:s29+$0x0];
	[tilespmem:v6+s31+$0x0] =	vst.idx.msk $0xffff, v5  }
0x282: {  	s14 =	simm.s32 $0x501;
	s4 =	sadd.s32 $0x110, s4;
	[tilespmem:v7+s31+$0x0] =	vst.idx.msk $0xffff, v8;
	v6 =	vor.u32 s13, v0;
	v5 =	vld [tilespmem:s10+$0x0]  }
0x283: {  	s16 =	simm.s32 $0x306;
	s17 =	sor.u32 $0x300, s4;
	v7 =	vor.u32 s14, v0;
	[tilespmem:v11+s31+$0x0] =	vst.idx.msk $0xffff, v12;
	v8 =	vld [tilespmem:s2+$0x80]  }
0x284: {  	s3 =	sor.u32 s1, s3;
	s19 =	simm.s32 $0x10B;
	[tilespmem:v9+s31+$0x0] =	vst.idx.msk $0xffff, v10;
	v11 =	vor.u32 s16, v0;
	v12 =	vld [tilespmem:s17+$0x0]  }
0x285: {  	s6 =	sor.u32 $0x4280, s7;
	s18 =	simm.s32 $0x402;
	v9 =	vor.u32 s19, v0;
	v10 =	vld [tilespmem:s3+$0x0];
	[tilespmem:v4+s31+$0x0] =	vst.idx.msk $0xffff, v3  }
0x286: {  	s23 =	sor.u32 s5, s6;
	s24 =	simm.s32 $0xD;
	v4 =	vor.u32 s18, v0;
	s10 =	sor.u32 $0x4000, s11;
	v3 =	vld [tilespmem:s12+$0x100];
	[tilespmem:v2+s31+$0x0] =	vst.idx.msk $0xffff, v1  }
0x287: {  	s26 =	simm.s32 $0x208;
	s25 =	sor.u32 s0, s10;
	v2 =	vor.u32 s24, v0;
	v1 =	vld [tilespmem:s23+$0x0];
	[tilespmem:v6+s31+$0x0] =	vst.idx.msk $0xffff, v5  }
0x288: {  	s29 =	simm.s32 $0x502;
	[tilespmem:v7+s31+$0x0] =	vst.idx.msk $0xffff, v8;
	v6 =	vor.u32 s26, v0;
	v5 =	vld [tilespmem:s25+$0x0]  }
0x289: {  	s4 =	sor.u32 $0x380, s4;
	s30 =	simm.s32 $0x307;
	v7 =	vor.u32 s29, v0;
	[tilespmem:v11+s31+$0x0] =	vst.idx.msk $0xffff, v12;
	v8 =	vld [tilespmem:s2+$0x100]  }
0x28a: {  	s8 =	simm.s32 $0x10C;
	s16 =	sor.u32 s1, s15;
	[tilespmem:v9+s31+$0x0] =	vst.idx.msk $0xffff, v10;
	v11 =	vor.u32 s30, v0;
	v12 =	vld [tilespmem:s4+$0x0]  }
0x28b: {  	s13 =	sor.u32 $0x4300, s7;
	v9 =	vor.u32 s8, v0;
	v10 =	vld [tilespmem:s16+$0x0];
	[tilespmem:v4+s31+$0x0] =	vst.idx.msk $0xffff, v3;
	s4 =	simm.s32 $0x403  }
0x28c: {  	s8 =	sor.u32 $0x4080, s11;
	s17 =	sor.u32 s5, s13;
	s18 =	simm.s32 $0xE;
	v3 =	vld [tilespmem:s12+$0x180];
	v4 =	vor.u32 s4, v0;
	[tilespmem:v2+s31+$0x0] =	vst.idx.msk $0xffff, v1  }
0x28d: {  	s16 =	simm.s32 $0x209;
	s25 =	sor.u32 s0, s8;
	v2 =	vor.u32 s18, v0;
	v1 =	vld [tilespmem:s17+$0x0];
	[tilespmem:v6+s31+$0x0] =	vst.idx.msk $0xffff, v5  }
0x28e: {  	[tilespmem:v7+s31+$0x0] =	vst.idx.msk $0xffff, v8;
	s17 =	simm.s32 $0x503;
	v6 =	vor.u32 s16, v0;
	v5 =	vld [tilespmem:s25+$0x0]  }
0x28f: {  	s10 =	sor.u32 s9, s10;
	s26 =	simm.s32 $0x308;
	[tilespmem:v11+s31+$0x0] =	vst.idx.msk $0xffff, v12;
	v8 =	vld [tilespmem:s2+$0x180];
	v7 =	vor.u32 s17, v0  }
0x290: {  	s6 =	sor.u32 s1, s6;
	s19 =	simm.s32 $0x10D;
	[tilespmem:v9+s31+$0x0] =	vst.idx.msk $0xffff, v10;
	v11 =	vor.u32 s26, v0;
	v12 =	vld [tilespmem:s10+$0x0]  }
0x291: {  	s3 =	simm.s32 $0x30A;
	s7 =	sor.u32 $0x4380, s7;
	s29 =	simm.s32 $0x404;
	v9 =	vor.u32 s19, v0;
	v10 =	vld [tilespmem:s6+$0x0];
	[tilespmem:v4+s31+$0x0] =	vst.idx.msk $0xffff, v3  }
0x292: {  	s5 =	sor.u32 s5, s7;
	s30 =	simm.s32 $0xF;
	s26 =	sor.u32 $0x4100, s11;
	v4 =	vor.u32 s29, v0;
	v3 =	vld [tilespmem:s12+$0x200];
	[tilespmem:v2+s31+$0x0] =	vst.idx.msk $0xffff, v1  }
0x293: {  	s14 =	simm.s32 $0x10F;
	s15 =	simm.s32 $0x20A;
	s10 =	sor.u32 s0, s26;
	v2 =	vor.u32 s30, v0;
	v1 =	vld [tilespmem:s5+$0x0];
	[tilespmem:v6+s31+$0x0] =	vst.idx.msk $0xffff, v5  }
0x294: {  	s13 =	sor.u32 s1, s13;
	s24 =	simm.s32 $0x10E;
	s16 =	simm.s32 $0x504;
	[tilespmem:v7+s31+$0x0] =	vst.idx.msk $0xffff, v8;
	v6 =	vor.u32 s15, v0;
	v5 =	vld [tilespmem:s10+$0x0]  }
0x295: {  	s23 =	simm.s32 $0x309;
	s19 =	simm.s32 $0x30D;
	s8 =	sor.u32 s9, s8;
	v7 =	vor.u32 s16, v0;
	[tilespmem:v11+s31+$0x0] =	vst.idx.msk $0xffff, v12;
	v8 =	vld [tilespmem:s2+$0x200]  }
0x296: {  	[tilespmem:v9+s31+$0x0] =	vst.idx.msk $0xffff, v10;
	v9 =	vor.u32 s24, v0;
	s24 =	simm.s32 $0x20B;
	s25 =	simm.s32 $0x405;
	s29 =	simm.s32 $0x600;
	v11 =	vor.u32 s23, v0;
	v12 =	vld [tilespmem:s8+$0x0]  }
0x297: {  	v10 =	vld [tilespmem:s13+$0x0];
	s13 =	sor.u32 $0x4180, s11;
	s23 =	simm.s32 $0x60;
	[tilespmem:v4+s31+$0x0] =	vst.idx.msk $0xffff, v3;
	s10 =	simm.s32 $0x300  }
0x298: {  	s5 =	sor.u32 s1, s7;
	s23 =	sand.u32 $0x60, s23;
	v4 =	vor.u32 s25, v0;
	s28 =	sand.u32 $0x3C00, s10;
	v3 =	vld [tilespmem:s12+$0x280];
	[tilespmem:v2+s31+$0x0] =	vst.idx.msk $0xffff, v1  }
0x299: {  	s1 =	simm.s32 $0x70;
	s8 =	simm.s32 $0x2;
	s7 =	sor.u32 s23, s28;
	[tilespmem:v6+s31+$0x0] =	vst.idx.msk $0xffff, v5  }
0x29a: {  	s16 =	sor.u32 s0, s13;
	s25 =	simm.s32 $0x505;
	s30 =	sand.u32 $0x3, s8;
	v1 =	vld [tilespmem:s7+$0x0];
	v2 =	vor.u32 s29, v0;
	[tilespmem:v7+s31+$0x0] =	vst.idx.msk $0xffff, v8  }
0x29b: {  	s12 =	sshll.u32 s30, $0x5;
	s30 =	simm.s32 $0x700;
	s29 =	sand.u32 $0x70, s1;
	v6 =	vor.u32 s24, v0;
	[tilespmem:v11+s31+$0x0] =	vst.idx.msk $0xffff, v12;
	v5 =	vld [tilespmem:s16+$0x0]  }
0x29c: {  	v7 =	vor.u32 s25, v0;
	s25 =	smov.u32 s28;
	v8 =	vld [tilespmem:s2+$0x280];
	[dreg:$0x5] =	wrdreg s29;
	s16 =	sor.u32 s29, s28  }
0x29d: {  	v11 =	vor.u32 s30, v0;
	s24 =	simm.s32 $0x4;
	s30 =	sor.u32 s9, s26;
	s2 =	sadd.s32 $0x200, s12;
	v12 =	vld [tilespmem:s16+$0x0];
	[tilespmem:v4+s31+$0x0] =	vst.idx.msk $0xffff, v3  }
0x29e: {  	s28 =	simm.s32 $0x406;
	s12 =	sand.u32 $0x7, s24;
	s29 =	sor.u32 $0x300, s2;
	[tilespmem:v9+s31+$0x0] =	vst.idx.msk $0xffff, v10;
	v9 =	vor.u32 s3, v0;
	v10 =	vld [tilespmem:s30+$0x0]  }
0x29f: {  	s15 =	sor.u32 $0x4200, s11;
	v4 =	vor.u32 s28, v0;
	s24 =	sshll.u32 s12, $0x4;
	v3 =	vld [tilespmem:s29+$0x0];
	s29 =	simm.s32 $0x601;
	[tilespmem:v2+s31+$0x0] =	vst.idx.msk $0xffff, v1  }
0x2a0: {  	s30 =	sor.u32 s0, s15;
	s28 =	simm.s32 $0x20C;
	s3 =	sadd.s32 $0x210, s24;
	v13 =	vor.u32 s29, v0;
	v14 =	vld [tilespmem:s7+$0x80];
	[tilespmem:v6+s31+$0x0] =	vst.idx.msk $0xffff, v5  }
0x2a1: {  	s6 =	simm.s32 $0x30E;
	v6 =	vor.u32 s28, v0;
	[tilespmem:v7+s31+$0x0] =	vst.idx.msk $0xffff, v8;
	s28 =	sor.u32 $0x300, s3;
	v5 =	vld [tilespmem:s30+$0x0];
	s30 =	simm.s32 $0x506  }
0x2a2: {  	s4 =	simm.s32 $0x30F;
	s18 =	simm.s32 $0x30C;
	v8 =	vld [tilespmem:s28+$0x0];
	[tilespmem:v11+s31+$0x0] =	vst.idx.msk $0xffff, v12;
	s28 =	simm.s32 $0x701;
	v7 =	vor.u32 s30, v0  }
0x2a3: {  	v16 =	vor.u32 s18, v0;
	s18 =	sor.u32 $0x4280, s11;
	s17 =	simm.s32 $0x30B;
	s24 =	sor.u32 s9, s13;
	[tilespmem:v9+s31+$0x0] =	vst.idx.msk $0xffff, v10;
	v11 =	vor.u32 s28, v0;
	v12 =	vld [tilespmem:s16+$0x80]  }
0x2a4: {  	v31 =	vor.u32 s19, v0;
	s19 =	sor.u32 s0, s18;
	s2 =	sor.u32 $0x380, s2;
	[tilespmem:v4+s31+$0x0] =	vst.idx.msk $0xffff, v3;
	s28 =	simm.s32 $0x407;
	v17 =	vld [tilespmem:s24+$0x0]  }
0x2a5: {  	s26 =	simm.s32 $0x50F;
	s12 =	simm.s32 $0x50D;
	s13 =	simm.s32 $0x507;
	v4 =	vld [tilespmem:s2+$0x0];
	v15 =	vor.u32 s28, v0;
	[tilespmem:v13+s31+$0x0] =	vst.idx.msk $0xffff, v14  }
0x2a6: {  	v1 =	vor.u32 s14, v0;
	s14 =	simm.s32 $0x508;
	s29 =	simm.s32 $0x509;
	v9 =	vor.u32 s17, v0;
	s17 =	simm.s32 $0x602;
	v14 =	vld [tilespmem:s7+$0x100];
	[tilespmem:v6+s31+$0x0] =	vst.idx.msk $0xffff, v5  }
0x2a7: {  	v2 =	vor.u32 s4, v0;
	s4 =	simm.s32 $0x50B;
	s3 =	sor.u32 $0x380, s3;
	s24 =	simm.s32 $0x20D;
	v13 =	vor.u32 s17, v0;
	v18 =	vld [tilespmem:s19+$0x0];
	[tilespmem:v7+s31+$0x0] =	vst.idx.msk $0xffff, v8  }
0x2a8: {  	s30 =	simm.s32 $0x50C;
	v19 =	vor.u32 s24, v0;
	[tilespmem:v11+s31+$0x0] =	vst.idx.msk $0xffff, v12;
	v20 =	vld [tilespmem:s3+$0x0];
	s3 =	sor.u32 s9, s15;
	s15 =	simm.s32 $0x702  }
0x2a9: {  	v3 =	vor.u32 s6, v0;
	s2 =	simm.s32 $0x50A;
	s24 =	simm.s32 $0x408;
	v8 =	vor.u32 s14, v0;
	s14 =	sor.u32 $0x4000, s22;
	v22 =	vld [tilespmem:s16+$0x100];
	v12 =	vor.u32 s15, v0  }
0x2aa: {  	s6 =	simm.s32 $0x50E;
	v10 =	vor.u32 s2, v0;
	v23 =	vor.u32 s24, v0;
	s24 =	simm.s32 $0x20E;
	v7 =	vor.u32 s13, v0;
	[tilespmem:v15+s31+$0x0] =	vst.idx.msk $0xffff, v4;
	s19 =	sor.u32 s20, s14  }
0x2ab: {  	s28 =	simm.s32 $0x70F;
	s17 =	simm.s32 $0x6;
	v26 =	vor.u32 s24, v0;
	s24 =	simm.s32 $0x409;
	v6 =	vor.u32 s30, v0;
	[tilespmem:v9+s31+$0x0] =	vst.idx.msk $0xffff, v17;
	v15 =	vld [tilespmem:s19+$0x0]  }
0x2ac: {  	v5 =	vor.u32 s12, v0;
	v11 =	vor.u32 s29, v0;
	s29 =	simm.s32 $0x603;
	v24 =	vld [tilespmem:s3+$0x0];
	s3 =	sor.u32 s21, s14;
	s14 =	sor.u32 $0x4300, s11;
	[tilespmem:v13+s31+$0x0] =	vst.idx.msk $0xffff, v14  }
0x2ad: {  	s2 =	simm.s32 $0x704;
	s12 =	simm.s32 $0x709;
	v33 =	vor.u32 s24, v0;
	v13 =	vor.u32 s29, v0;
	s30 =	sor.u32 s0, s14;
	v14 =	vld [tilespmem:s7+$0x180];
	[tilespmem:v19+s31+$0x0] =	vst.idx.msk $0xffff, v18  }
0x2ae: {  	s24 =	simm.s32 $0x20F;
	s13 =	simm.s32 $0x703;
	v9 =	vor.u32 s4, v0;
	s4 =	simm.s32 $0x707;
	v4 =	vor.u32 s6, v0;
	v25 =	vld [tilespmem:s30+$0x0];
	[tilespmem:v12+s31+$0x0] =	vst.idx.msk $0xffff, v22  }
0x2af: {  	s6 =	simm.s32 $0x708;
	v27 =	vor.u32 s13, v0;
	s13 =	simm.s32 $0x70B;
	v17 =	vor.u32 s4, v0;
	s4 =	simm.s32 $0x70D;
	[tilespmem:v7+s31+$0x0] =	vst.idx.msk $0xffff, v20;
	v30 =	vld [tilespmem:s16+$0x180]  }
0x2b0: {  	s15 =	simm.s32 $0x705;
	s19 =	simm.s32 $0x706;
	s30 =	sor.u32 $0x4080, s22;
	v29 =	vld [tilespmem:s3+$0x0];
	[tilespmem:v23+s31+$0x0] =	vst.idx.msk $0xffff, v15  }
0x2b1: {  	v21 =	vor.u32 s2, v0;
	s29 =	simm.s32 $0x70A;
	s2 =	sor.u32 s9, s14;
	v18 =	vor.u32 s19, v0;
	s19 =	sor.u32 s20, s30;
	[tilespmem:v16+s31+$0x0] =	vst.idx.msk $0xffff, v24  }
0x2b2: {  	v19 =	vor.u32 s15, v0;
	s15 =	simm.s32 $0x70C;
	s3 =	sor.u32 s9, s18;
	s18 =	simm.s32 $0x6;
	v32 =	vld [tilespmem:s19+$0x0];
	[tilespmem:v13+s31+$0x0] =	vst.idx.msk $0xffff, v14  }
0x2b3: {  	v22 =	vor.u32 s12, v0;
	s12 =	sor.u32 $0x4380, s11;
	v34 =	vld [tilespmem:s3+$0x0];
	s19 =	simm.s32 $0x604;
	v13 =	vor.u32 s15, v0;
	s15 =	simm.s32 $0x10000;
	[tilespmem:v26+s31+$0x0] =	vst.idx.msk $0xffff, v25  }
0x2b4: {  	s14 =	simm.s32 $0x70E;
	s11 =	sor.u32 s0, s12;
	v14 =	vor.u32 s13, v0;
	s13 =	sand.u32 $0x7, s18;
	v28 =	vld [tilespmem:s7+$0x200];
	[tilespmem:v27+s15+$0x0] =	vst.idx.msk $0xffff, v30;
	v30 =	vor.u32 s19, v0  }
0x2b5: {  	v20 =	vor.u32 s29, v0;
	s29 =	sor.u32 $0x4100, s22;
	s30 =	sor.u32 s21, s30;
	v24 =	vor.u32 s24, v0;
	s3 =	sshll.u32 s13, $0x4;
	v23 =	vld [tilespmem:s11+$0x0];
	[tilespmem:v8+s15+$0x0] =	vst.idx.msk $0xffff, v29  }
0x2b6: {  	v7 =	vor.u32 s26, v0;
	v16 =	vor.u32 s6, v0;
	s0 =	sor.u32 s9, s12;
	s9 =	simm.s32 $0x310;
	s12 =	sadd.s32 $0x310, s3;
	v25 =	vld [tilespmem:s30+$0x0]  }
0x2b7: {  	v12 =	vor.u32 s4, v0;
	v15 =	vor.u32 s14, v0;
	s31 =	simm.s32 $0x40A;
	s3 =	sor.u32 s21, s29;
	[tilespmem:v33+s15+$0x0] =	vst.idx.msk $0xffff, v32;
	s30 =	sor.u32 s20, s29;
	v29 =	vld [tilespmem:s16+$0x200]  }
0x2b8: {  	v8 =	vor.u32 s28, v0;
	s4 =	sor.u32 $0x300, s12;
	s11 =	simm.s32 $0x90F;
	v27 =	vor.u32 s31, v0;
	[tilespmem:v31+s15+$0x0] =	vst.idx.msk $0xffff, v34;
	s19 =	simm.s32 $0x300;
	v26 =	vld [tilespmem:s30+$0x0]  }
.LBB2_13:
0x2b9: {  	[tilespmem:v30+s15+$0x0] =	vst.idx.msk $0xffff, v28  }
0x2ba: {  	s1 =	sadd.s32 $0x20, s1;
	v28 =	vld [tilespmem:s2+$0x0];
	[tilespmem:v24+s15+$0x0] =	vst.idx.msk $0xffff, v23  }
0x2bb: {  	s10 =	sadd.s32 $0x100, s10;
	s6 =	sadd.s32 $0xFFFFFEF6, s28;
	s31 =	sadd.s32 $0xFFFFFFF0, s1;
	v23 =	vld [tilespmem:s5+$0x0];
	[tilespmem:v11+s15+$0x0] =	vst.idx.msk $0xffff, v25  }
0x2bc: {  	s8 =	sadd.s32 $0x1, s8;
	s2 =	sand.u32 $0x3C00, s10;
	v30 =	vor.u32 s6, v0;
	s14 =	sand.u32 $0x60, s31;
	v24 =	vld [tilespmem:s7+$0x280];
	[tilespmem:v21+s15+$0x0] =	vst.idx.msk $0xffff, v29  }
0x2bd: {  	s13 =	sadd.s32 $0xFFFFFEF1, s11;
	s6 =	sor.u32 $0x4180, s22;
	s7 =	sor.u32 s14, s2;
	v21 =	vld [tilespmem:s3+$0x0]  }
0x2be: {  	s24 =	simm.s32 $0x10000;
	s30 =	sadd.s32 $0xFFFFFEFC, s26;
	v11 =	vmov v22;
	v25 =	vor.u32 s13, v0;
	v22 =	vld [tilespmem:s7+$0x0];
	[tilespmem:v27+s15+$0x0] =	vst.idx.msk $0xffff, v26;
	s15 =	sor.u32 s20, s6  }
0x2bf: {  	s13 =	sand.u32 $0x3, s8;
	s5 =	sand.u32 $0x70, s1;
	v27 =	vor.u32 s30, v0;
	v26 =	vld [tilespmem:s15+$0x0];
	[tilespmem:v3+s24+$0x0] =	vst.idx.msk $0xffff, v28  }
0x2c0: {  	s29 =	sadd.s32 $0xFFFFFFF1, s11;
	s3 =	sshll.u32 s13, $0x5;
	v28 =	vld [tilespmem:s16+$0x280];
	s16 =	sor.u32 s5, s2;
	[tilespmem:v1+s24+$0x0] =	vst.idx.msk $0xffff, v23  }
0x2c1: {  	s31 =	sadd.s32 $0xFFFFFFF2, s11;
	s3 =	sadd.s32 s3, s19;
	v3 =	vmov v4;
	v4 =	vmov v15;
	v15 =	vor.u32 s29, v0;
	v23 =	vld [tilespmem:s16+$0x0];
	[tilespmem:v30+s24+$0x0] =	vst.idx.msk $0xffff, v24  }
0x2c2: {  	v31 =	vor.u32 s11, v0;
	v29 =	vor.u32 s31, v0;
	s31 =	sadd.s32 $0xFFFFFEF7, s28;
	s19 =	sor.u32 $0x300, s3;
	[tilespmem:v10+s24+$0x0] =	vst.idx.msk $0xffff, v21  }
0x2c3: {  	s15 =	sadd.s32 $0xFFFFFFF3, s11;
	v1 =	vmovc v2;
	v2 =	vmovc v7;
	v7 =	vmov v8;
	v8 =	vmov v31;
	v31 =	vor.u32 s31, v0;
	v30 =	vld [tilespmem:s19+$0x0];
	[tilespmem:v25+s24+$0x0] =	vst.idx.msk $0xffff, v22  }
0x2c4: {  	s29 =	sadd.s32 $0xFFFFFFF5, s11;
	s31 =	sadd.s32 $0xFFFFFEF2, s11;
	s19 =	sor.u32 $0x4200, s22;
	v32 =	vld [tilespmem:s7+$0x80];
	[tilespmem:v27+s24+$0x0] =	vst.idx.msk $0xffff, v26  }
0x2c5: {  	v24 =	vor.u32 s15, v0;
	v33 =	vor.u32 s31, v0;
	v21 =	vor.u32 s29, v0;
	s29 =	sadd.s32 $0xFFFFFEFD, s26;
	s15 =	sor.u32 s20, s19;
	[tilespmem:v19+s24+$0x0] =	vst.idx.msk $0xffff, v28  }
0x2c6: {  	s13 =	sadd.s32 $0xFFFFFFF4, s11;
	s30 =	sadd.s32 $0xFFFFFFF6, s11;
	v27 =	vld [tilespmem:s15+$0x0];
	v28 =	vor.u32 s29, v0;
	[tilespmem:v15+s24+$0x0] =	vst.idx.msk $0xffff, v23  }
0x2c7: {  	s3 =	sor.u32 $0x380, s3;
	s31 =	sadd.s32 $0xFFFFFFF8, s11;
	v10 =	vmov v20;
	v20 =	vor.u32 s30, v0;
	s30 =	sadd.s32 $0xFFFFFFF7, s11;
	v25 =	vor.u32 s13, v0;
	v23 =	vld [tilespmem:s4+$0x0]  }
0x2c8: {  	v34 =	vor.u32 s30, v0;
	s13 =	sadd.s32 $0xFFFFFFF9, s11;
	s30 =	sadd.s32 $0xFFFFFFFA, s11;
	v26 =	vor.u32 s31, v0;
	s31 =	sadd.s32 $0xFFFFFFFB, s11;
	v36 =	vld [tilespmem:s16+$0x80];
	[tilespmem:v31+s24+$0x0] =	vst.idx.msk $0xffff, v30  }
0x2c9: {  	v35 =	vor.u32 s13, v0;
	v22 =	vor.u32 s30, v0;
	s29 =	sor.u32 s21, s19;
	s19 =	sadd.s32 $0xFFFFFEF8, s28;
	s4 =	sor.u32 s21, s6;
	v31 =	vld [tilespmem:s3+$0x0]  }
0x2ca: {  	s30 =	sadd.s32 $0xFFFFFFFC, s11;
	s13 =	sadd.s32 $0xFFFFFEF3, s11;
	v19 =	vmov v20;
	v20 =	vor.u32 s31, v0;
	s15 =	sadd.s32 $0xFFFFFFFD, s11;
	v38 =	vor.u32 s19, v0;
	v58 =	vld [tilespmem:s4+$0x0];
	[tilespmem:v33+s24+$0x0] =	vst.idx.msk $0xffff, v32  }
0x2cb: {  	v37 =	vor.u32 s30, v0;
	s30 =	sadd.s32 $0xFFFFFFFE, s11;
	s31 =	sadd.s32 $0xFFFFFFFF, s11;
	v30 =	vor.u32 s15, v0;
	s15 =	sor.u32 $0x4280, s22;
	v39 =	vld [tilespmem:s7+$0x100];
	[tilespmem:v28+s24+$0x0] =	vst.idx.msk $0xffff, v27  }
0x2cc: {  	v40 =	vor.u32 s13, v0;
	v57 =	vor.u32 s30, v0;
	v15 =	vor.u32 s31, v0;
	s31 =	sadd.s32 $0xFFFFFEFE, s26;
	s30 =	sor.u32 s20, s15;
	[tilespmem:v18+s24+$0x0] =	vst.idx.msk $0xffff, v23  }
0x2cd: {  	s12 =	sor.u32 $0x380, s12;
	s6 =	smov.u32 s25;
	v27 =	vor.u32 s31, v0;
	v23 =	vld [tilespmem:s30+$0x0];
	[tilespmem:v29+s24+$0x0] =	vst.idx.msk $0xffff, v36  }
0x2ce: {  	s25 =	smov.u32 s2;
	s2 =	sor.u32 $0x4000, s6;
	v28 =	vld [tilespmem:s12+$0x0]  }
0x2cf: {  	s13 =	rddreg [dreg:$0x5];
	s30 =	sor.u32 s23, s2;
	[tilespmem:v38+s24+$0x0] =	vst.idx.msk $0xffff, v31;
	v29 =	vld [tilespmem:s16+$0x100]  }
0x2d0: {  	s3 =	sor.u32 s21, s15;
	s4 =	smov.u32 s21;
	s31 =	sadd.s32 $0xFFFFFEF9, s28;
	v31 =	vld [tilespmem:s30+$0x0];
	[tilespmem:v9+s24+$0x0] =	vst.idx.msk $0xffff, v58  }
0x2d1: {  	s15 =	smov.u32 s5;
	s5 =	smov.u32 s0;
	s0 =	smov.u32 s26;
	v59 =	vor.u32 s31, v0;
	[tilespmem:v40+s24+$0x0] =	vst.idx.msk $0xffff, v39;
	v33 =	vld [tilespmem:s29+$0x0]  }
0x2d2: {  	[dreg:$0x5] =	wrdreg s15;
	s15 =	sor.u32 $0x4300, s22;
	s12 =	sadd.s32 $0xFFFFFEF4, s11;
	v60 =	vld [tilespmem:s7+$0x180];
	[tilespmem:v27+s24+$0x0] =	vst.idx.msk $0xffff, v23  }
0x2d3: {  	s21 =	smov.u32 s13;
	s31 =	sadd.s32 $0xFFFFFEFF, s0;
	s30 =	sor.u32 s20, s15;
	v61 =	vor.u32 s12, v0;
	[tilespmem:v17+s24+$0x0] =	vst.idx.msk $0xffff, v28  }
0x2d4: {  	s17 =	sadd.s32 $0x2, s17;
	s13 =	sor.u32 s21, s2;
	v27 =	vor.u32 s31, v0;
	v23 =	vld [tilespmem:s30+$0x0];
	[tilespmem:v24+s24+$0x0] =	vst.idx.msk $0xffff, v29  }
0x2d5: {  	s18 =	sadd.s32 $0x2, s18;
	s9 =	sadd.s32 $0x100, s9;
	s29 =	sor.u32 $0x4080, s6;
	v24 =	vld [tilespmem:s13+$0x0]  }
0x2d6: {  	p1 =	slt.u32 s17, $0x66;
	s26 =	smov.u32 s28;
	s30 =	sor.u32 s23, s29;
	v17 =	vmov v26;
	[tilespmem:v59+s24+$0x0] =	vst.idx.msk $0xffff, v31;
	v26 =	vld [tilespmem:s16+$0x180]  }
0x2d7: {  	s19 =	smov.u32 s10;
	s28 =	smov.u32 s11;
	s31 =	sadd.s32 $0xFFFFFEFA, s26;
	v31 =	vld [tilespmem:s30+$0x0];
	[tilespmem:v6+s24+$0x0] =	vst.idx.msk $0xffff, v33  }
0x2d8: {  	s2 =	sor.u32 s4, s15;
	s15 =	simm.s32 $0x10000;
	s12 =	sand.u32 $0x7, s18;
	v62 =	vor.u32 s31, v0;
	[tilespmem:v61+s24+$0x0] =	vst.idx.msk $0xffff, v60;
	v33 =	vld [tilespmem:s3+$0x0]  }
0x2d9: {  	s29 =	sor.u32 s21, s29;
	s31 =	sor.u32 $0x4380, s22;
	s22 =	sshll.u32 s12, $0x4;
	v28 =	vld [tilespmem:s7+$0x200];
	[tilespmem:v27+s24+$0x0] =	vst.idx.msk $0xffff, v23  }
.Ltmp11:
0x2da: {  	s12 =	sadd.s32 s22, s9;
	s13 =	sor.u32 s20, s31;
	[tilespmem:v16+s15+$0x0] =	vst.idx.msk $0xffff, v24;
	(pc) =	sbr.rel @p1 .LBB2_13-.Ltmp11, $4  }
0x2db: {  	s22 =	smov.u32 s6;
	s30 =	sadd.s32 $0xFFFFFEF5, s11;
	s20 =	sadd.s32 $0xFFFFFF00, s0;
	v23 =	vld [tilespmem:s13+$0x0];
	[tilespmem:v25+s15+$0x0] =	vst.idx.msk $0xffff, v26  }
0x2dc: {  	s11 =	sadd.s32 $0x200, s11;
	s24 =	sor.u32 $0x4100, s6;
	v24 =	vor.u32 s20, v0;
	s20 =	smov.u32 s23;
	v25 =	vld [tilespmem:s29+$0x0]  }
0x2dd: {  	v18 =	vmovc v34;
	v9 =	vmovc v14;
	v6 =	vmov v13;
	v13 =	vmov v30;
	v30 =	vor.u32 s30, v0;
	s0 =	sor.u32 s4, s31;
	s31 =	sadd.s32 $0xFFFFFEFB, s26;
	[tilespmem:v62+s15+$0x0] =	vst.idx.msk $0xffff, v31;
	s30 =	sor.u32 s20, s24;
	v29 =	vld [tilespmem:s16+$0x200]  }
0x2de: {  	v14 =	vmovc v37;
	s4 =	sor.u32 $0x300, s12;
	v27 =	vor.u32 s31, v0;
	s3 =	sor.u32 s21, s24;
	v16 =	vmovc v35;
	s23 =	smov.u32 s14;
	v26 =	vld [tilespmem:s30+$0x0];
	[tilespmem:v5+s15+$0x0] =	vst.idx.msk $0xffff, v33;
	v5 =	vmov v12;
	v12 =	vmov v57  }
.Ltmp12:
0x2df: {  	_ = 	snop;
	(pc) =	sbr.rel .LBB2_14-.Ltmp12, $1  }
0x2e0: {  	_ =	sdelay $0x3  }
.LBB2_16:
0x2e1: {  	_ =	sfence.sel $0x180000  }
0x2e2: {  	[bflag:$0x0] =	sbarrier.arrive $0xFFFF  }
0x2e3: {  	_ =	strace $0x90000047  }
0x2e4: {  	s0 =	stileid.u32;
	[bflag:$0x2] =	sbarrier.arrive $0xFFFF  }
0x2e5: {  	p0 =	sne.s32 s0, $0x0;
	s0 =	rddreg [dreg:$0x2]  }
0x2e6: {  	s0 =	sadd.s32 @!p0 $0x100000, s0  }
0x2e7: {  	[sflag:s0] =	ssyncadd.tile.s32 @!p0 $0x1;
	_ =	shalt  }
.Lfunc_end2:
_tile_overlayer_lowered:
.L_overlay_start_2:
0x2e8: {  	(tag) =	ssettag $0x2  }
0x2e9: {  	s0 =	rddreg [dreg:$0x0];
	s2 =	stileid.u32  }
0x2ea: {  	s1 =	rddreg [dreg:$0x1];
	p0 =	sne.s32 s2, $0x0  }
0x2eb: {  	s3 =	rddreg [dreg:$0x2];
	[bflag:$0x3] =	sbarrier.arrive $0xFFFF;
	s2 =	simm.s32 @!p0 $0x1C05  }
0x2ec: {  	[timem:s3], [sflag:s2] =	dma.local @!p0 [hbm:s0], s1  }
0x2ed: {  	s0 =	simm.s32 @!p0 $0x5  }
0x2ee: {  	_ =	swait.ge @!p0 [sflag:s0], s1  }
0x2ef: {  	s1 =	ssub.s32 @!p0 $0x0, s1;
	[sflag:s0] =	ssyncset.done @!p0 $0x0  }
0x2f0: {  	[sflag:s0] =	ssyncadd.s32 @!p0 s1  }
0x2f1: {  	[bflag:$0x3] =	sbarrier.arrive $0xFFFF  }
0x2f2: {  	_ =	shalt  }

</sc_bundles>
